<compile_context>
chip_gen: v7x
topology: tpu7x:2x2x1
jax: 0.10.2.dev20260603
libtpu: 0.0.44.dev20260713+nightly
codegen_flags: <defaults>
</compile_context>

<pallas_src>
import functools
import jax
import jax.numpy as jnp
from jax import lax
from jax.experimental import pallas as pl
from jax.experimental.pallas import tpu as pltpu
from jax.experimental.pallas import tpu_sc as plsc

_NS = 16
_NC = 2
_K = 80
_BR = 2000


def _pad_cols(w, width):
    return jnp.pad(w, ((0, 0), (0, width - w.shape[1])))


def _pad_rows(w, height):
    return jnp.pad(w, ((0, height - w.shape[0]), (0, 0)))



def _tc_pre(h0, wpre, n, hp):
    din = h0.shape[1]
    r = n // _BR

    def body(h_ref, w_ref, t_ref):
        t_ref[...] = jnp.dot(h_ref[...], w_ref[0],
                             preferred_element_type=jnp.float32)

    return pl.pallas_call(
        body,
        grid=(r, _NC),
        in_specs=[
            pl.BlockSpec((_BR, din), lambda i, c: (i, 0)),
            pl.BlockSpec((1, din, hp), lambda i, c: (c, 0, 0)),
        ],
        out_specs=pl.BlockSpec((_BR, hp), lambda i, c: (c * r + i, 0)),
        out_shape=jax.ShapeDtypeStruct((2 * n, hp), jnp.float32),
    )(h0, wpre)


def _tc_mid(h, s2, e2, wmb0, wmb1, waa, wab0, wab1, ba2, wnext, n, hp, hpe, emb):
    dh = h.shape[1]
    r = n // _BR

    def body(h_ref, s0_ref, s1_ref, e0_ref, e1_ref, wmb0_ref, wmb1_ref,
             waa_ref, wab0_ref, wab1_ref, ba_ref, wn_ref, hout_ref, tout_ref):
        ea = e0_ref[...] + e1_ref[...]
        inv = 1.0 / jnp.maximum(ea[:, 0:1], 1.0)
        hn0 = (s0_ref[...] + jnp.dot(ea, wmb0_ref[...],
                                     preferred_element_type=jnp.float32)) * inv
        hn1 = (s1_ref[...] + jnp.dot(ea, wmb1_ref[...],
                                     preferred_element_type=jnp.float32)) * inv
        hnew = jnp.maximum(
            jnp.dot(h_ref[...], waa_ref[...],
                    preferred_element_type=jnp.float32)
            + jnp.dot(hn0, wab0_ref[...], preferred_element_type=jnp.float32)
            + jnp.dot(hn1, wab1_ref[...], preferred_element_type=jnp.float32)
            + ba_ref[...], 0.0)
        hout_ref[...] = hnew
        tout_ref[...] = jnp.dot(hnew, wn_ref[0],
                                preferred_element_type=jnp.float32)

    full = lambda shape: pl.BlockSpec(shape, lambda i, c: tuple(0 for _ in shape))
    return pl.pallas_call(
        body,
        grid=(r, _NC),
        in_specs=[
            pl.BlockSpec((_BR, dh), lambda i, c: (i, 0)),
            pl.BlockSpec((_BR, hp), lambda i, c: (i, 0)),
            pl.BlockSpec((_BR, hp), lambda i, c: (r + i, 0)),
            pl.BlockSpec((_BR, hpe), lambda i, c: (i, 0)),
            pl.BlockSpec((_BR, hpe), lambda i, c: (r + i, 0)),
            full((hpe, hp)),
            full((hpe, hp)),
            full((dh, emb)),
            full((hp, emb)),
            full((hp, emb)),
            full((1, emb)),
            pl.BlockSpec((1, emb, hp), lambda i, c: (c, 0, 0)),
        ],
        out_specs=[
            pl.BlockSpec((_BR, emb), lambda i, c: (i, 0)),
            pl.BlockSpec((_BR, hp), lambda i, c: (c * r + i, 0)),
        ],
        out_shape=[
            jax.ShapeDtypeStruct((n, emb), jnp.float32),
            jax.ShapeDtypeStruct((2 * n, hp), jnp.float32),
        ],
    )(h, s2, s2, e2, e2, wmb0, wmb1, waa, wab0, wab1, ba2, wnext)


def _tc_final(h, s2, e2, wmb0, wmb1, waa, wab0, wab1, ba2, wp_pad, bp_pad,
              n, hp, hpe, emb):
    dh = h.shape[1]
    r = n // _BR

    def body(h_ref, s0_ref, s1_ref, e0_ref, e1_ref, wmb0_ref, wmb1_ref,
             waa_ref, wab0_ref, wab1_ref, ba_ref, wp_ref, bp_ref, ab_ref):
        ea = e0_ref[...] + e1_ref[...]
        inv = 1.0 / jnp.maximum(ea[:, 0:1], 1.0)
        hn0 = (s0_ref[...] + jnp.dot(ea, wmb0_ref[...],
                                     preferred_element_type=jnp.float32)) * inv
        hn1 = (s1_ref[...] + jnp.dot(ea, wmb1_ref[...],
                                     preferred_element_type=jnp.float32)) * inv
        hnew = jnp.maximum(
            jnp.dot(h_ref[...], waa_ref[...],
                    preferred_element_type=jnp.float32)
            + jnp.dot(hn0, wab0_ref[...], preferred_element_type=jnp.float32)
            + jnp.dot(hn1, wab1_ref[...], preferred_element_type=jnp.float32)
            + ba_ref[...], 0.0)
        ab_ref[...] = jnp.dot(hnew, wp_ref[...],
                              preferred_element_type=jnp.float32) + bp_ref[...]

    full = lambda shape: pl.BlockSpec(shape, lambda i: tuple(0 for _ in shape))
    return pl.pallas_call(
        body,
        grid=(r,),
        in_specs=[
            pl.BlockSpec((_BR, dh), lambda i: (i, 0)),
            pl.BlockSpec((_BR, hp), lambda i: (i, 0)),
            pl.BlockSpec((_BR, hp), lambda i: (r + i, 0)),
            pl.BlockSpec((_BR, hpe), lambda i: (i, 0)),
            pl.BlockSpec((_BR, hpe), lambda i: (r + i, 0)),
            full((hpe, hp)),
            full((hpe, hp)),
            full((dh, emb)),
            full((hp, emb)),
            full((hp, emb)),
            full((1, emb)),
            full((emb, 128)),
            full((1, 128)),
        ],
        out_specs=pl.BlockSpec((_BR, 128), lambda i: (i, 0)),
        out_shape=jax.ShapeDtypeStruct((n, 128), jnp.float32),
    )(h, s2, s2, e2, e2, wmb0, wmb1, waa, wab0, wab1, ba2, wp_pad, bp_pad)



def _sc_scatter(tbl, srcr, dstr, zer, n, hp, nchunks):
    mesh = plsc.VectorSubcoreMesh(core_axis_name="c", subcore_axis_name="s")
    npr = (n // _NS) // 8 * 8
    tail = n - _NS * npr

    @functools.partial(
        pl.kernel,
        out_type=jax.ShapeDtypeStruct((2 * n, hp), jnp.float32),
        mesh=mesh,
        compiler_params=pltpu.CompilerParams(use_tc_tiling_on_sc=False, needs_layout_passes=False),
        scratch_types=[
            pltpu.VMEM((nchunks, _K), jnp.int32),
            pltpu.VMEM((nchunks, _K), jnp.int32),
            pltpu.VMEM((_K, hp), jnp.float32),
            pltpu.VMEM((_K, hp), jnp.float32),
            pltpu.VMEM((_K, hp), jnp.float32),
            pltpu.VMEM((_K, hp), jnp.float32),
            pltpu.VMEM((_K, hp), jnp.float32),
            pltpu.VMEM((_K, hp), jnp.float32),
            pltpu.VMEM_SHARED((n, hp), jnp.float32),
        ] + [pltpu.SemaphoreType.DMA] * 12,
    )
    def body(tbl_ref, src_ref, dst_ref, zer_ref, out_ref,
             src_v, dst_v, r0, r1, r2, r3, r4, r5, acc,
             g0, g1, g2, g3, g4, g5, s0, s1, s2, s3, s4, s5):
        rows = (r0, r1, r2, r3, r4, r5)
        gsem = (g0, g1, g2, g3, g4, g5)
        ssem = (s0, s1, s2, s3, s4, s5)
        c = lax.axis_index("c")
        s = lax.axis_index("s")
        pltpu.sync_copy(src_ref.at[c, s], src_v)
        pltpu.sync_copy(dst_ref.at[s], dst_v)
        pltpu.sync_copy(zer_ref.at[pl.ds(s * npr, npr)],
                        acc.at[pl.ds(s * npr, npr)])
        if tail:
            @pl.when(s == 0)
            def _():
                pltpu.sync_copy(zer_ref.at[pl.ds(_NS * npr, tail)],
                                acc.at[pl.ds(_NS * npr, tail)])
        plsc.subcore_barrier()

        def g_issue(j, buf, sem):
            pltpu.async_copy(tbl_ref.at[src_v.at[j]], buf, sem)

        def g_wait(j, buf, sem):
            pltpu.make_async_copy(tbl_ref.at[src_v.at[j]], buf, sem).wait()

        def s_issue(j, buf, sem):
            pltpu.async_copy(buf, acc.at[dst_v.at[j]], sem, add=True)

        def s_wait(j, buf, sem):
            pltpu.make_async_copy(buf, acc.at[dst_v.at[j]], sem).wait()

        nb = len(rows)
        nq = nchunks // nb
        for b in range(nb):
            g_issue(b, rows[b], gsem[b])

        def ring(t, carry):
            for b in range(nb):
                g_wait(nb * t + b, rows[b], gsem[b])
                s_issue(nb * t + b, rows[b], ssem[b])

            @pl.when(t < nq - 1)
            def _():
                for b in range(nb):
                    s_wait(nb * t + b, rows[b], ssem[b])
                    g_issue(nb * t + nb + b, rows[b], gsem[b])
            return carry

        lax.fori_loop(0, nq, ring, 0)
        for b in range(nb):
            s_wait(nb * (nq - 1) + b, rows[b], ssem[b])
        for j in range(nb * nq, nchunks):
            g_issue(j, rows[0], gsem[0])
            g_wait(j, rows[0], gsem[0])
            s_issue(j, rows[0], ssem[0])
            s_wait(j, rows[0], ssem[0])
        plsc.subcore_barrier()
        pltpu.sync_copy(acc.at[pl.ds(s * npr, npr)],
                        out_ref.at[pl.ds(c * n + s * npr, npr)])
        if tail:
            @pl.when(s == 0)
            def _():
                pltpu.sync_copy(acc.at[pl.ds(_NS * npr, tail)],
                                out_ref.at[pl.ds(c * n + _NS * npr, tail)])

    return body(tbl, srcr, dstr, zer)


def _sc_esum(ef_aug, dstr2, zer, n, hp, nchunks):
    mesh = plsc.VectorSubcoreMesh(core_axis_name="c", subcore_axis_name="s")
    npr = (n // _NS) // 8 * 8
    tail = n - _NS * npr
    ept = nchunks * _K

    @functools.partial(
        pl.kernel,
        out_type=jax.ShapeDtypeStruct((2 * n, hp), jnp.float32),
        mesh=mesh,
        compiler_params=pltpu.CompilerParams(use_tc_tiling_on_sc=True, needs_layout_passes=False),
        scratch_types=[
            pltpu.VMEM((nchunks, _K), jnp.int32),
            pltpu.VMEM((_K, hp), jnp.float32),
            pltpu.VMEM((_K, hp), jnp.float32),
            pltpu.VMEM((_K, hp), jnp.float32),
            pltpu.VMEM_SHARED((n, hp), jnp.float32),
        ] + [pltpu.SemaphoreType.DMA] * 6,
    )
    def body(ef_ref, dst_ref, zer_ref, out_ref, dst_v,
             r0, r1, r2, acc, g0, g1, g2, s0, s1, s2):
        rows = (r0, r1, r2)
        gsem = (g0, g1, g2)
        ssem = (s0, s1, s2)
        c = lax.axis_index("c")
        s = lax.axis_index("s")
        base = (c * _NS + s) * ept
        pltpu.sync_copy(dst_ref.at[c, s], dst_v)
        pltpu.sync_copy(zer_ref.at[pl.ds(s * npr, npr)],
                        acc.at[pl.ds(s * npr, npr)])
        if tail:
            @pl.when(s == 0)
            def _():
                pltpu.sync_copy(zer_ref.at[pl.ds(_NS * npr, tail)],
                                acc.at[pl.ds(_NS * npr, tail)])
        plsc.subcore_barrier()

        def g_issue(j, buf, sem):
            pltpu.async_copy(ef_ref.at[pl.ds(base + j * _K, _K)], buf, sem)

        def g_wait(j, buf, sem):
            pltpu.make_async_copy(ef_ref.at[pl.ds(base + j * _K, _K)],
                                  buf, sem).wait()

        def s_issue(j, buf, sem):
            pltpu.async_copy(buf, acc.at[dst_v.at[j]], sem, add=True)

        def s_wait(j, buf, sem):
            pltpu.make_async_copy(buf, acc.at[dst_v.at[j]], sem).wait()

        nb = len(rows)
        nq = nchunks // nb
        for b in range(nb):
            g_issue(b, rows[b], gsem[b])

        def ring(t, carry):
            for b in range(nb):
                g_wait(nb * t + b, rows[b], gsem[b])
                s_issue(nb * t + b, rows[b], ssem[b])

            @pl.when(t < nq - 1)
            def _():
                for b in range(nb):
                    s_wait(nb * t + b, rows[b], ssem[b])
                    g_issue(nb * t + nb + b, rows[b], gsem[b])
            return carry

        lax.fori_loop(0, nq, ring, 0)
        for b in range(nb):
            s_wait(nb * (nq - 1) + b, rows[b], ssem[b])
        for j in range(nb * nq, nchunks):
            g_issue(j, rows[0], gsem[0])
            g_wait(j, rows[0], gsem[0])
            s_issue(j, rows[0], ssem[0])
            s_wait(j, rows[0], ssem[0])
        plsc.subcore_barrier()
        pltpu.sync_copy(acc.at[pl.ds(s * npr, npr)],
                        out_ref.at[pl.ds(c * n + s * npr, npr)])
        if tail:
            @pl.when(s == 0)
            def _():
                pltpu.sync_copy(acc.at[pl.ds(_NS * npr, tail)],
                                out_ref.at[pl.ds(c * n + _NS * npr, tail)])

    return body(ef_aug, dstr2, zer)


def _sc_final(ab4, src, dst, n, e):
    mesh = plsc.VectorSubcoreMesh(core_axis_name="c", subcore_axis_name="s")
    ept = e // (_NC * _NS)

    @functools.partial(
        pl.kernel,
        out_type=[jax.ShapeDtypeStruct((e,), jnp.float32),
                  jax.ShapeDtypeStruct((e,), jnp.float32)],
        mesh=mesh,
        compiler_params=pltpu.CompilerParams(use_tc_tiling_on_sc=False, needs_layout_passes=False),
        scratch_types=[
            pltpu.VMEM((4 * n,), jnp.float32),
            pltpu.VMEM((ept,), jnp.int32),
            pltpu.VMEM((ept,), jnp.int32),
            pltpu.VMEM((ept,), jnp.float32),
            pltpu.VMEM((ept,), jnp.float32),
        ],
    )
    def body(ab_ref, src_ref, dst_ref, out0_ref, out1_ref,
             ab_v, src_v, dst_v, out0_v, out1_v):
        c = lax.axis_index("c")
        s = lax.axis_index("s")
        w = c * _NS + s
        pltpu.sync_copy(ab_ref, ab_v)
        pltpu.sync_copy(src_ref.at[pl.ds(w * ept, ept)], src_v)
        pltpu.sync_copy(dst_ref.at[pl.ds(w * ept, ept)], dst_v)

        def step(i, carry):
            s16 = src_v[pl.ds(i * 16, 16)] * 4
            d16 = dst_v[pl.ds(i * 16, 16)] * 4
            a0 = plsc.load_gather(ab_v, [s16])
            a1 = plsc.load_gather(ab_v, [s16 + 1])
            b0 = plsc.load_gather(ab_v, [d16 + 2])
            b1 = plsc.load_gather(ab_v, [d16 + 3])
            out0_v[pl.ds(i * 16, 16)] = a0 + b0
            out1_v[pl.ds(i * 16, 16)] = a1 + b1
            return carry

        lax.fori_loop(0, ept // 16, step, 0)
        pltpu.sync_copy(out0_v, out0_ref.at[pl.ds(w * ept, ept)])
        pltpu.sync_copy(out1_v, out1_ref.at[pl.ds(w * ept, ept)])

    return body(ab4, src, dst)



def kernel(nfeats, efeats, edge_index, Wm1, bm1, Wa1, ba1, Wm2, bm2, Wa2,
           ba2, Wm3, bm3, Wa3, ba3, Wp, bp):
    n = nfeats.shape[0]
    e = efeats.shape[0]
    din = nfeats.shape[2]
    edim = efeats.shape[2]
    emb = Wm1.shape[1]
    half = emb // 2
    hp = 80
    hpe = 80
    ncls = Wp.shape[1]

    src = edge_index[0]
    dst = edge_index[1]
    h0 = nfeats[:, 0, :]

    def msg_weights(Wm, bm):
        dh = Wm.shape[0] - edim
        aug = jnp.concatenate(
            [bm[None, :], Wm[dh:], jnp.zeros((hpe - 1 - edim, emb))], axis=0)
        return (_pad_cols(aug[:, :half], hp), _pad_cols(aug[:, half:], hp))

    def apply_weights(Wa, dh):
        waa = Wa[:dh]
        wab0 = _pad_rows(Wa[dh:dh + half], hp)
        wab1 = _pad_rows(Wa[dh + half:], hp)
        return waa, wab0, wab1

    def gather_table_w(Wm, dh):
        wa = Wm[:dh]
        return jnp.stack([_pad_cols(wa[:, :half], hp),
                          _pad_cols(wa[:, half:], hp)])

    wmb0_1, wmb1_1 = msg_weights(Wm1, bm1)
    wmb0_2, wmb1_2 = msg_weights(Wm2, bm2)
    wmb0_3, wmb1_3 = msg_weights(Wm3, bm3)
    waa1, wab0_1, wab1_1 = apply_weights(Wa1, din)
    waa2, wab0_2, wab1_2 = apply_weights(Wa2, emb)
    waa3, wab0_3, wab1_3 = apply_weights(Wa3, emb)
    wpre = gather_table_w(Wm1, din)
    wnext2 = gather_table_w(Wm2, emb)
    wnext3 = gather_table_w(Wm3, emb)
    wp_pad = _pad_cols(jnp.concatenate([Wp[:emb], Wp[emb:]], axis=1), 128)
    bp_pad = _pad_cols(bp[None, :], 128)

    eps = e // _NS
    cs = eps // _K
    ept = e // (_NC * _NS)
    ce = ept // _K
    srcr = (src.reshape(_NS, cs, _K)[None]
            + (jnp.arange(_NC, dtype=jnp.int32) * n)[:, None, None, None])
    dstr = dst.reshape(_NS, cs, _K)
    dstr2 = dst.reshape(_NC, _NS, ce, _K)
    zer = jnp.zeros((n, hp), jnp.float32)

    t1 = _tc_pre(h0, wpre, n, hp)
    s1 = _sc_scatter(t1, srcr, dstr, zer, n, hp, cs)

    ef_aug = jnp.concatenate(
        [jnp.ones((e, 1), jnp.float32), efeats[:, 0, :],
         jnp.zeros((e, hpe - 1 - edim), jnp.float32)], axis=1)
    zer2 = jnp.zeros((n, hpe), jnp.float32)
    esum2 = _sc_esum(ef_aug, dstr2, zer2, n, hpe, ce)
    h1, t2 = _tc_mid(h0, s1, esum2, wmb0_1, wmb1_1, waa1, wab0_1, wab1_1,
                     ba1[None, :], wnext2, n, hp, hpe, emb)
    s2 = _sc_scatter(t2, srcr, dstr, zer, n, hp, cs)
    h2, t3 = _tc_mid(h1, s2, esum2, wmb0_2, wmb1_2, waa2, wab0_2, wab1_2,
                     ba2[None, :], wnext3, n, hp, hpe, emb)
    s3 = _sc_scatter(t3, srcr, dstr, zer, n, hp, cs)
    ab = _tc_final(h2, s3, esum2, wmb0_3, wmb1_3, waa3, wab0_3, wab1_3,
                   ba3[None, :], wp_pad, bp_pad, n, hp, hpe, emb)

    ab4 = ab[:, :2 * ncls].reshape(2 * ncls * n)
    c0, c1 = _sc_final(ab4, src, dst, n, e)
    return jnp.stack([c0, c1], axis=1)

# --- scband reference (transcript-rebuilt; emitter-appended) ---
"""Pipeline reference for scband-model-49091476194090 (READ-ONLY COPY).

The authoritative reference and input builder live on the scoring server;
editing this copy changes nothing except your own understanding.
"""

import jax, jax.numpy as jnp
import numpy as np

N = 10000
E = 320000
NDIM_IN = 76
EDIM = 76
EMB = 152
NCLASSES = 2


def _lin(k, fin, fout):
    kw, kb = jax.random.split(k)
    s = 1.0 / np.sqrt(fin)
    W = jax.random.uniform(kw, (fin, fout), minval=-s, maxval=s, dtype=jnp.float32)
    b = jax.random.uniform(kb, (fout,), minval=-s, maxval=s, dtype=jnp.float32)
    return W, b


def setup_inputs(seed: int = 0):
    key = jax.random.key(seed)
    ks = jax.random.split(key, 12)
    nfeats = jax.random.normal(ks[0], (N, 1, NDIM_IN), dtype=jnp.float32)
    efeats = jax.random.normal(ks[1], (E, 1, EDIM), dtype=jnp.float32)
    edge_index = jax.random.randint(ks[2], (2, E), 0, N, dtype=jnp.int32)
    Wm1, bm1 = _lin(ks[3], NDIM_IN + EDIM, EMB)
    Wa1, ba1 = _lin(ks[4], NDIM_IN + EMB, EMB)
    Wm2, bm2 = _lin(ks[5], EMB + EDIM, EMB)
    Wa2, ba2 = _lin(ks[6], EMB + EMB, EMB)
    Wm3, bm3 = _lin(ks[7], EMB + EDIM, EMB)
    Wa3, ba3 = _lin(ks[8], EMB + EMB, EMB)
    Wp, bp = _lin(ks[9], 2 * EMB, NCLASSES)
    return {
        'nfeats': nfeats, 'efeats': efeats, 'edge_index': edge_index,
        'Wm1': Wm1, 'bm1': bm1, 'Wa1': Wa1, 'ba1': ba1,
        'Wm2': Wm2, 'bm2': bm2, 'Wa2': Wa2, 'ba2': ba2,
        'Wm3': Wm3, 'bm3': bm3, 'Wa3': Wa3, 'ba3': ba3,
        'Wp': Wp, 'bp': bp,
    }


def reference(nfeats, efeats, edge_index, Wm1, bm1, Wa1, ba1, Wm2, bm2, Wa2, ba2, Wm3, bm3, Wa3, ba3, Wp, bp):
    src = edge_index[0]
    dst = edge_index[1]

    def layer(h, Wm, bm, Wa, ba):
        # message: m = W_msg(cat(src_h, e_h)) over edges, shape [E,1,EMB]
        x = jnp.concatenate([h[src], efeats], axis=2)
        m = x @ Wm + bm
        # mean aggregation at dst nodes (DGL fn.mean -> 0 for isolated nodes)
        summ = jax.ops.segment_sum(m, dst, num_segments=N)
        deg = jax.ops.segment_sum(jnp.ones((E,), dtype=m.dtype), dst, num_segments=N)
        h_neigh = summ / jnp.maximum(deg, 1.0)[:, None, None]
        # apply: relu(W_apply(cat(h, h_neigh)))
        return jax.nn.relu(jnp.concatenate([h, h_neigh], axis=2) @ Wa + ba)

    h = layer(nfeats, Wm1, bm1, Wa1, ba1)
    # dropout is identity at inference
    h = layer(h, Wm2, bm2, Wa2, ba2)
    h = layer(h, Wm3, bm3, Wa3, ba3)
    h = h.sum(axis=1)  # [N, EMB]
    # MLPPredictor edge scores
    v = jnp.concatenate([h[src], h[dst]], axis=1)  # [E, 2*EMB]
    score = v @ Wp + bp  # [E, NCLASSES]
    return score

if __name__ == "__main__":
    import jax
    _d = setup_inputs()
    print(jax.jit(kernel)(*tuple(_d.values())))

</pallas_src>

<mosaic_0001>
#map = affine_map<(d0, d1) -> (0, 0)>
#map1 = affine_map<(d0, d1) -> (0, 0, 0, 0)>
#map2 = affine_map<(d0, d1) -> (0, 0, 0)>
module attributes {stable_mosaic.version = 14 : i64} {
  func.func @body(%arg0: i32, %arg1: i32, %arg2: memref<20000x80xf32, #tpu.memory_space<hbm>>, %arg3: memref<2x16x250x80xi32, #tpu.memory_space<hbm>>, %arg4: memref<16x250x80xi32, #tpu.memory_space<hbm>>, %arg5: memref<10000x80xf32, #tpu.memory_space<hbm>>, %arg6: memref<20000x80xf32, #tpu.memory_space<hbm>>, %arg7: memref<250x80xi32, #tpu.memory_space<vmem>>, %arg8: memref<250x80xi32, #tpu.memory_space<vmem>>, %arg9: memref<80x80xf32, #tpu.memory_space<vmem>>, %arg10: memref<80x80xf32, #tpu.memory_space<vmem>>, %arg11: memref<80x80xf32, #tpu.memory_space<vmem>>, %arg12: memref<80x80xf32, #tpu.memory_space<vmem>>, %arg13: memref<80x80xf32, #tpu.memory_space<vmem>>, %arg14: memref<80x80xf32, #tpu.memory_space<vmem>>, %arg15: memref<10000x80xf32, #tpu.memory_space<vmem_shared>>, %arg16: memref<!tpu.dma_semaphore, #tpu.memory_space<semaphore_mem>>, %arg17: memref<!tpu.dma_semaphore, #tpu.memory_space<semaphore_mem>>, %arg18: memref<!tpu.dma_semaphore, #tpu.memory_space<semaphore_mem>>, %arg19: memref<!tpu.dma_semaphore, #tpu.memory_space<semaphore_mem>>, %arg20: memref<!tpu.dma_semaphore, #tpu.memory_space<semaphore_mem>>, %arg21: memref<!tpu.dma_semaphore, #tpu.memory_space<semaphore_mem>>, %arg22: memref<!tpu.dma_semaphore, #tpu.memory_space<semaphore_mem>>, %arg23: memref<!tpu.dma_semaphore, #tpu.memory_space<semaphore_mem>>, %arg24: memref<!tpu.dma_semaphore, #tpu.memory_space<semaphore_mem>>, %arg25: memref<!tpu.dma_semaphore, #tpu.memory_space<semaphore_mem>>, %arg26: memref<!tpu.dma_semaphore, #tpu.memory_space<semaphore_mem>>, %arg27: memref<!tpu.dma_semaphore, #tpu.memory_space<semaphore_mem>>) attributes {dimension_semantics = [#tpu.dimension_semantics<core_parallel>, #tpu.dimension_semantics<subcore_parallel>], iteration_bounds = array<i64: 2, 16>, scalar_prefetch = 0 : i64, scratch_operands = 21 : i64, tpu.core_type = #tpu.core_type<sc_vector_subcore>, window_params = [{transform_indices = #map}, {transform_indices = #map1}, {transform_indices = #map2}, {transform_indices = #map}, {transform_indices = #map}]} {
    "tpu.region"() ({
      %run_scoped3A = tpu.sem_alloc : memref<!tpu.dma_semaphore, #tpu.memory_space<semaphore_mem>>
      %dma_start3A_216 = arith.constant 0 : i32
      %dma_start3A_217 = arith.constant 0 : i32
      %dma_start3A_218 = tpu.memref_slice %arg3[%arg0, %arg1, %dma_start3A_216, %dma_start3A_217] : memref<2x16x250x80xi32, #tpu.memory_space<hbm>> -> memref<1x1x250x80xi32, #tpu.memory_space<hbm>>
      %dma_start3A_219 = tpu.memref_squeeze %dma_start3A_218 : memref<1x1x250x80xi32, #tpu.memory_space<hbm>> -> memref<250x80xi32, #tpu.memory_space<hbm>>
      %dma_start3A_220 = arith.constant 0 : i32
      %dma_start3A_221 = arith.constant 0 : i32
      %dma_start3A_222 = tpu.memref_slice %arg3[%arg0, %arg1, %dma_start3A_220, %dma_start3A_221] : memref<2x16x250x80xi32, #tpu.memory_space<hbm>> -> memref<1x1x250x80xi32, #tpu.memory_space<hbm>>
      %dma_start3A_223 = tpu.memref_squeeze %dma_start3A_222 : memref<1x1x250x80xi32, #tpu.memory_space<hbm>> -> memref<250x80xi32, #tpu.memory_space<hbm>>
      tpu.enqueue_dma source(%dma_start3A_223 : memref<250x80xi32, #tpu.memory_space<hbm>>) target(%arg7 : memref<250x80xi32, #tpu.memory_space<vmem>>) target_semaphore(%run_scoped3A : memref<!tpu.dma_semaphore, #tpu.memory_space<semaphore_mem>>)
      %dma_wait3A_224 = arith.constant 0 : i32
      %dma_wait3A_225 = arith.constant 0 : i32
      %dma_wait3A_226 = tpu.memref_slice %arg3[%arg0, %arg1, %dma_wait3A_224, %dma_wait3A_225] : memref<2x16x250x80xi32, #tpu.memory_space<hbm>> -> memref<1x1x250x80xi32, #tpu.memory_space<hbm>>
      %dma_wait3A_227 = tpu.memref_squeeze %dma_wait3A_226 : memref<1x1x250x80xi32, #tpu.memory_space<hbm>> -> memref<250x80xi32, #tpu.memory_space<hbm>>
      %dma_wait3A_228 = arith.constant 0 : i32
      %dma_wait3A_229 = arith.constant 0 : i32
      %dma_wait3A_230 = tpu.memref_slice %arg3[%arg0, %arg1, %dma_wait3A_228, %dma_wait3A_229] : memref<2x16x250x80xi32, #tpu.memory_space<hbm>> -> memref<1x1x250x80xi32, #tpu.memory_space<hbm>>
      %dma_wait3A_231 = tpu.memref_squeeze %dma_wait3A_230 : memref<1x1x250x80xi32, #tpu.memory_space<hbm>> -> memref<250x80xi32, #tpu.memory_space<hbm>>
      tpu.wait_dma2 semaphore(%run_scoped3A : memref<!tpu.dma_semaphore, #tpu.memory_space<semaphore_mem>>) src(%dma_wait3A_231 : memref<250x80xi32, #tpu.memory_space<hbm>>) dst(%arg7 : memref<250x80xi32, #tpu.memory_space<vmem>>)
      tpu.yield
    }) : () -> ()
    "tpu.region"() ({
      %run_scoped3A = tpu.sem_alloc : memref<!tpu.dma_semaphore, #tpu.memory_space<semaphore_mem>>
      %dma_start3A_216 = arith.constant 0 : i32
      %dma_start3A_217 = arith.constant 0 : i32
      %dma_start3A_218 = tpu.memref_slice %arg4[%arg1, %dma_start3A_216, %dma_start3A_217] : memref<16x250x80xi32, #tpu.memory_space<hbm>> -> memref<1x250x80xi32, #tpu.memory_space<hbm>>
      %dma_start3A_219 = tpu.memref_squeeze %dma_start3A_218 : memref<1x250x80xi32, #tpu.memory_space<hbm>> -> memref<250x80xi32, #tpu.memory_space<hbm>>
      %dma_start3A_220 = arith.constant 0 : i32
      %dma_start3A_221 = arith.constant 0 : i32
      %dma_start3A_222 = tpu.memref_slice %arg4[%arg1, %dma_start3A_220, %dma_start3A_221] : memref<16x250x80xi32, #tpu.memory_space<hbm>> -> memref<1x250x80xi32, #tpu.memory_space<hbm>>
      %dma_start3A_223 = tpu.memref_squeeze %dma_start3A_222 : memref<1x250x80xi32, #tpu.memory_space<hbm>> -> memref<250x80xi32, #tpu.memory_space<hbm>>
      tpu.enqueue_dma source(%dma_start3A_223 : memref<250x80xi32, #tpu.memory_space<hbm>>) target(%arg8 : memref<250x80xi32, #tpu.memory_space<vmem>>) target_semaphore(%run_scoped3A : memref<!tpu.dma_semaphore, #tpu.memory_space<semaphore_mem>>)
      %dma_wait3A_224 = arith.constant 0 : i32
      %dma_wait3A_225 = arith.constant 0 : i32
      %dma_wait3A_226 = tpu.memref_slice %arg4[%arg1, %dma_wait3A_224, %dma_wait3A_225] : memref<16x250x80xi32, #tpu.memory_space<hbm>> -> memref<1x250x80xi32, #tpu.memory_space<hbm>>
      %dma_wait3A_227 = tpu.memref_squeeze %dma_wait3A_226 : memref<1x250x80xi32, #tpu.memory_space<hbm>> -> memref<250x80xi32, #tpu.memory_space<hbm>>
      %dma_wait3A_228 = arith.constant 0 : i32
      %dma_wait3A_229 = arith.constant 0 : i32
      %dma_wait3A_230 = tpu.memref_slice %arg4[%arg1, %dma_wait3A_228, %dma_wait3A_229] : memref<16x250x80xi32, #tpu.memory_space<hbm>> -> memref<1x250x80xi32, #tpu.memory_space<hbm>>
      %dma_wait3A_231 = tpu.memref_squeeze %dma_wait3A_230 : memref<1x250x80xi32, #tpu.memory_space<hbm>> -> memref<250x80xi32, #tpu.memory_space<hbm>>
      tpu.wait_dma2 semaphore(%run_scoped3A : memref<!tpu.dma_semaphore, #tpu.memory_space<semaphore_mem>>) src(%dma_wait3A_231 : memref<250x80xi32, #tpu.memory_space<hbm>>) dst(%arg8 : memref<250x80xi32, #tpu.memory_space<vmem>>)
      tpu.yield
    }) : () -> ()
    %mul3A = arith.constant 624 : i32
    %mul3A_0 = arith.muli %arg1, %mul3A : i32
    %mul3A_1 = arith.constant 624 : i32
    %mul3A_2 = arith.muli %arg1, %mul3A_1 : i32
    "tpu.region"() ({
      %run_scoped3A = tpu.sem_alloc : memref<!tpu.dma_semaphore, #tpu.memory_space<semaphore_mem>>
      %dma_start3A_216 = arith.constant 0 : i32
      %dma_start3A_217 = tpu.memref_slice %arg15[%mul3A_2, %dma_start3A_216] : memref<10000x80xf32, #tpu.memory_space<vmem_shared>> -> memref<624x80xf32, #tpu.memory_space<vmem_shared>>
      %dma_start3A_218 = arith.constant 0 : i32
      %dma_start3A_219 = tpu.memref_slice %arg5[%mul3A_0, %dma_start3A_218] : memref<10000x80xf32, #tpu.memory_space<hbm>> -> memref<624x80xf32, #tpu.memory_space<hbm>>
      tpu.enqueue_dma source(%dma_start3A_219 : memref<624x80xf32, #tpu.memory_space<hbm>>) target(%dma_start3A_217 : memref<624x80xf32, #tpu.memory_space<vmem_shared>>) target_semaphore(%run_scoped3A : memref<!tpu.dma_semaphore, #tpu.memory_space<semaphore_mem>>)
      %dma_wait3A_220 = arith.constant 0 : i32
      %dma_wait3A_221 = tpu.memref_slice %arg15[%mul3A_2, %dma_wait3A_220] : memref<10000x80xf32, #tpu.memory_space<vmem_shared>> -> memref<624x80xf32, #tpu.memory_space<vmem_shared>>
      %dma_wait3A_222 = arith.constant 0 : i32
      %dma_wait3A_223 = tpu.memref_slice %arg5[%mul3A_0, %dma_wait3A_222] : memref<10000x80xf32, #tpu.memory_space<hbm>> -> memref<624x80xf32, #tpu.memory_space<hbm>>
      tpu.wait_dma2 semaphore(%run_scoped3A : memref<!tpu.dma_semaphore, #tpu.memory_space<semaphore_mem>>) src(%dma_wait3A_223 : memref<624x80xf32, #tpu.memory_space<hbm>>) dst(%dma_wait3A_221 : memref<624x80xf32, #tpu.memory_space<vmem_shared>>)
      tpu.yield
    }) : () -> ()
    %eq3A = arith.constant 0 : i32
    %eq3A_3 = arith.cmpi eq, %arg1, %eq3A : i32
    %convert_element_type3A = arith.extui %eq3A_3 : i1 to i32
    %cond3A = arith.constant 0 : i32
    %cond3A_4 = arith.cmpi ne, %convert_element_type3A, %cond3A : i32
    scf.if %cond3A_4 {
      "tpu.region"() ({
        %run_scoped3A = tpu.sem_alloc : memref<!tpu.dma_semaphore, #tpu.memory_space<semaphore_mem>>
        %dma_start3A_216 = arith.constant 9984 : i32
        %dma_start3A_217 = arith.constant 0 : i32
        %dma_start3A_218 = tpu.memref_slice %arg15[%dma_start3A_216, %dma_start3A_217] : memref<10000x80xf32, #tpu.memory_space<vmem_shared>> -> memref<16x80xf32, #tpu.memory_space<vmem_shared>>
        %dma_start3A_219 = arith.constant 9984 : i32
        %dma_start3A_220 = arith.constant 0 : i32
        %dma_start3A_221 = tpu.memref_slice %arg5[%dma_start3A_219, %dma_start3A_220] : memref<10000x80xf32, #tpu.memory_space<hbm>> -> memref<16x80xf32, #tpu.memory_space<hbm>>
        tpu.enqueue_dma source(%dma_start3A_221 : memref<16x80xf32, #tpu.memory_space<hbm>>) target(%dma_start3A_218 : memref<16x80xf32, #tpu.memory_space<vmem_shared>>) target_semaphore(%run_scoped3A : memref<!tpu.dma_semaphore, #tpu.memory_space<semaphore_mem>>)
        %dma_wait3A_222 = arith.constant 9984 : i32
        %dma_wait3A_223 = arith.constant 0 : i32
        %dma_wait3A_224 = tpu.memref_slice %arg15[%dma_wait3A_222, %dma_wait3A_223] : memref<10000x80xf32, #tpu.memory_space<vmem_shared>> -> memref<16x80xf32, #tpu.memory_space<vmem_shared>>
        %dma_wait3A_225 = arith.constant 9984 : i32
        %dma_wait3A_226 = arith.constant 0 : i32
        %dma_wait3A_227 = tpu.memref_slice %arg5[%dma_wait3A_225, %dma_wait3A_226] : memref<10000x80xf32, #tpu.memory_space<hbm>> -> memref<16x80xf32, #tpu.memory_space<hbm>>
        tpu.wait_dma2 semaphore(%run_scoped3A : memref<!tpu.dma_semaphore, #tpu.memory_space<semaphore_mem>>) src(%dma_wait3A_227 : memref<16x80xf32, #tpu.memory_space<hbm>>) dst(%dma_wait3A_224 : memref<16x80xf32, #tpu.memory_space<vmem_shared>>)
        tpu.yield
      }) : () -> ()
    } else {
    }
    %barrier3A = arith.constant 0 : index
    tpu.barrier barrier_id(%barrier3A)
    %dma_start3A = arith.constant 0 : i32
    %dma_start3A_5 = arith.constant 0 : i32
    %dma_start3A_6 = tpu.memref_slice %arg7[%dma_start3A, %dma_start3A_5] : memref<250x80xi32, #tpu.memory_space<vmem>> -> memref<1x80xi32, #tpu.memory_space<vmem>>
    %dma_start3A_7 = tpu.memref_squeeze %dma_start3A_6 : memref<1x80xi32, #tpu.memory_space<vmem>> -> memref<80xi32, #tpu.memory_space<vmem>>
    %dma_start3A_8 = arith.constant 0 : i32
    %dma_start3A_9 = arith.constant 0 : i32
    %dma_start3A_10 = tpu.memref_slice %arg2[%dma_start3A_8, %dma_start3A_9] : memref<20000x80xf32, #tpu.memory_space<hbm>> -> memref<20000x80xf32, #tpu.memory_space<hbm>>
    tpu.enqueue_indirect_dma source(%dma_start3A_10 : memref<20000x80xf32, #tpu.memory_space<hbm>>) target(%arg9 : memref<80x80xf32, #tpu.memory_space<vmem>>) offsets(%dma_start3A_7 : memref<80xi32, #tpu.memory_space<vmem>>) semaphore(%arg16 : memref<!tpu.dma_semaphore, #tpu.memory_space<semaphore_mem>>)
    %dma_start3A_11 = arith.constant 1 : i32
    %dma_start3A_12 = arith.constant 0 : i32
    %dma_start3A_13 = tpu.memref_slice %arg7[%dma_start3A_11, %dma_start3A_12] : memref<250x80xi32, #tpu.memory_space<vmem>> -> memref<1x80xi32, #tpu.memory_space<vmem>>
    %dma_start3A_14 = tpu.memref_squeeze %dma_start3A_13 : memref<1x80xi32, #tpu.memory_space<vmem>> -> memref<80xi32, #tpu.memory_space<vmem>>
    %dma_start3A_15 = arith.constant 0 : i32
    %dma_start3A_16 = arith.constant 0 : i32
    %dma_start3A_17 = tpu.memref_slice %arg2[%dma_start3A_15, %dma_start3A_16] : memref<20000x80xf32, #tpu.memory_space<hbm>> -> memref<20000x80xf32, #tpu.memory_space<hbm>>
    tpu.enqueue_indirect_dma source(%dma_start3A_17 : memref<20000x80xf32, #tpu.memory_space<hbm>>) target(%arg10 : memref<80x80xf32, #tpu.memory_space<vmem>>) offsets(%dma_start3A_14 : memref<80xi32, #tpu.memory_space<vmem>>) semaphore(%arg17 : memref<!tpu.dma_semaphore, #tpu.memory_space<semaphore_mem>>)
    %dma_start3A_18 = arith.constant 2 : i32
    %dma_start3A_19 = arith.constant 0 : i32
    %dma_start3A_20 = tpu.memref_slice %arg7[%dma_start3A_18, %dma_start3A_19] : memref<250x80xi32, #tpu.memory_space<vmem>> -> memref<1x80xi32, #tpu.memory_space<vmem>>
    %dma_start3A_21 = tpu.memref_squeeze %dma_start3A_20 : memref<1x80xi32, #tpu.memory_space<vmem>> -> memref<80xi32, #tpu.memory_space<vmem>>
    %dma_start3A_22 = arith.constant 0 : i32
    %dma_start3A_23 = arith.constant 0 : i32
    %dma_start3A_24 = tpu.memref_slice %arg2[%dma_start3A_22, %dma_start3A_23] : memref<20000x80xf32, #tpu.memory_space<hbm>> -> memref<20000x80xf32, #tpu.memory_space<hbm>>
    tpu.enqueue_indirect_dma source(%dma_start3A_24 : memref<20000x80xf32, #tpu.memory_space<hbm>>) target(%arg11 : memref<80x80xf32, #tpu.memory_space<vmem>>) offsets(%dma_start3A_21 : memref<80xi32, #tpu.memory_space<vmem>>) semaphore(%arg18 : memref<!tpu.dma_semaphore, #tpu.memory_space<semaphore_mem>>)
    %dma_start3A_25 = arith.constant 3 : i32
    %dma_start3A_26 = arith.constant 0 : i32
    %dma_start3A_27 = tpu.memref_slice %arg7[%dma_start3A_25, %dma_start3A_26] : memref<250x80xi32, #tpu.memory_space<vmem>> -> memref<1x80xi32, #tpu.memory_space<vmem>>
    %dma_start3A_28 = tpu.memref_squeeze %dma_start3A_27 : memref<1x80xi32, #tpu.memory_space<vmem>> -> memref<80xi32, #tpu.memory_space<vmem>>
    %dma_start3A_29 = arith.constant 0 : i32
    %dma_start3A_30 = arith.constant 0 : i32
    %dma_start3A_31 = tpu.memref_slice %arg2[%dma_start3A_29, %dma_start3A_30] : memref<20000x80xf32, #tpu.memory_space<hbm>> -> memref<20000x80xf32, #tpu.memory_space<hbm>>
    tpu.enqueue_indirect_dma source(%dma_start3A_31 : memref<20000x80xf32, #tpu.memory_space<hbm>>) target(%arg12 : memref<80x80xf32, #tpu.memory_space<vmem>>) offsets(%dma_start3A_28 : memref<80xi32, #tpu.memory_space<vmem>>) semaphore(%arg19 : memref<!tpu.dma_semaphore, #tpu.memory_space<semaphore_mem>>)
    %dma_start3A_32 = arith.constant 4 : i32
    %dma_start3A_33 = arith.constant 0 : i32
    %dma_start3A_34 = tpu.memref_slice %arg7[%dma_start3A_32, %dma_start3A_33] : memref<250x80xi32, #tpu.memory_space<vmem>> -> memref<1x80xi32, #tpu.memory_space<vmem>>
    %dma_start3A_35 = tpu.memref_squeeze %dma_start3A_34 : memref<1x80xi32, #tpu.memory_space<vmem>> -> memref<80xi32, #tpu.memory_space<vmem>>
    %dma_start3A_36 = arith.constant 0 : i32
    %dma_start3A_37 = arith.constant 0 : i32
    %dma_start3A_38 = tpu.memref_slice %arg2[%dma_start3A_36, %dma_start3A_37] : memref<20000x80xf32, #tpu.memory_space<hbm>> -> memref<20000x80xf32, #tpu.memory_space<hbm>>
    tpu.enqueue_indirect_dma source(%dma_start3A_38 : memref<20000x80xf32, #tpu.memory_space<hbm>>) target(%arg13 : memref<80x80xf32, #tpu.memory_space<vmem>>) offsets(%dma_start3A_35 : memref<80xi32, #tpu.memory_space<vmem>>) semaphore(%arg20 : memref<!tpu.dma_semaphore, #tpu.memory_space<semaphore_mem>>)
    %dma_start3A_39 = arith.constant 5 : i32
    %dma_start3A_40 = arith.constant 0 : i32
    %dma_start3A_41 = tpu.memref_slice %arg7[%dma_start3A_39, %dma_start3A_40] : memref<250x80xi32, #tpu.memory_space<vmem>> -> memref<1x80xi32, #tpu.memory_space<vmem>>
    %dma_start3A_42 = tpu.memref_squeeze %dma_start3A_41 : memref<1x80xi32, #tpu.memory_space<vmem>> -> memref<80xi32, #tpu.memory_space<vmem>>
    %dma_start3A_43 = arith.constant 0 : i32
    %dma_start3A_44 = arith.constant 0 : i32
    %dma_start3A_45 = tpu.memref_slice %arg2[%dma_start3A_43, %dma_start3A_44] : memref<20000x80xf32, #tpu.memory_space<hbm>> -> memref<20000x80xf32, #tpu.memory_space<hbm>>
    tpu.enqueue_indirect_dma source(%dma_start3A_45 : memref<20000x80xf32, #tpu.memory_space<hbm>>) target(%arg14 : memref<80x80xf32, #tpu.memory_space<vmem>>) offsets(%dma_start3A_42 : memref<80xi32, #tpu.memory_space<vmem>>) semaphore(%arg21 : memref<!tpu.dma_semaphore, #tpu.memory_space<semaphore_mem>>)
    %scan3A = arith.constant 0 : i32
    %scan3A_46 = arith.constant 0 : i32
    %scan3A_47 = arith.constant 41 : i32
    %scan3A_48 = arith.addi %scan3A_46, %scan3A_47 : i32
    %scan3A_49 = arith.constant 1 : i32
    scf.for %scan3A_216 = %scan3A_46 to %scan3A_48 step %scan3A_49  : i32 {
      %mul3A_217 = arith.constant 6 : i32
      %mul3A_218 = arith.muli %mul3A_217, %scan3A_216 : i32
      %add3A_219 = arith.constant 0 : i32
      %add3A_220 = arith.addi %mul3A_218, %add3A_219 : i32
      %dma_wait3A_221 = arith.constant 0 : i32
      %dma_wait3A_222 = tpu.memref_slice %arg7[%add3A_220, %dma_wait3A_221] : memref<250x80xi32, #tpu.memory_space<vmem>> -> memref<1x80xi32, #tpu.memory_space<vmem>>
      %dma_wait3A_223 = tpu.memref_squeeze %dma_wait3A_222 : memref<1x80xi32, #tpu.memory_space<vmem>> -> memref<80xi32, #tpu.memory_space<vmem>>
      %dma_wait3A_224 = arith.constant 0 : i32
      %dma_wait3A_225 = arith.constant 0 : i32
      %dma_wait3A_226 = tpu.memref_slice %arg2[%dma_wait3A_224, %dma_wait3A_225] : memref<20000x80xf32, #tpu.memory_space<hbm>> -> memref<20000x80xf32, #tpu.memory_space<hbm>>
      tpu.wait_indirect_dma semaphore(%arg16 : memref<!tpu.dma_semaphore, #tpu.memory_space<semaphore_mem>>) src(%dma_wait3A_226 : memref<20000x80xf32, #tpu.memory_space<hbm>>) dst(%arg9 : memref<80x80xf32, #tpu.memory_space<vmem>>)
      %mul3A_227 = arith.constant 6 : i32
      %mul3A_228 = arith.muli %mul3A_227, %scan3A_216 : i32
      %add3A_229 = arith.constant 0 : i32
      %add3A_230 = arith.addi %mul3A_228, %add3A_229 : i32
      %dma_start3A_231 = arith.constant 0 : i32
      %dma_start3A_232 = tpu.memref_slice %arg8[%add3A_230, %dma_start3A_231] : memref<250x80xi32, #tpu.memory_space<vmem>> -> memref<1x80xi32, #tpu.memory_space<vmem>>
      %dma_start3A_233 = tpu.memref_squeeze %dma_start3A_232 : memref<1x80xi32, #tpu.memory_space<vmem>> -> memref<80xi32, #tpu.memory_space<vmem>>
      %dma_start3A_234 = arith.constant 0 : i32
      %dma_start3A_235 = arith.constant 0 : i32
      %dma_start3A_236 = tpu.memref_slice %arg15[%dma_start3A_234, %dma_start3A_235] : memref<10000x80xf32, #tpu.memory_space<vmem_shared>> -> memref<10000x80xf32, #tpu.memory_space<vmem_shared>>
      tpu.enqueue_indirect_dma source(%arg9 : memref<80x80xf32, #tpu.memory_space<vmem>>) target(%dma_start3A_236 : memref<10000x80xf32, #tpu.memory_space<vmem_shared>>) offsets(%dma_start3A_233 : memref<80xi32, #tpu.memory_space<vmem>>) semaphore(%arg22 : memref<!tpu.dma_semaphore, #tpu.memory_space<semaphore_mem>>) {add = true}
      %mul3A_237 = arith.constant 6 : i32
      %mul3A_238 = arith.muli %mul3A_237, %scan3A_216 : i32
      %add3A_239 = arith.constant 1 : i32
      %add3A_240 = arith.addi %mul3A_238, %add3A_239 : i32
      %dma_wait3A_241 = arith.constant 0 : i32
      %dma_wait3A_242 = tpu.memref_slice %arg7[%add3A_240, %dma_wait3A_241] : memref<250x80xi32, #tpu.memory_space<vmem>> -> memref<1x80xi32, #tpu.memory_space<vmem>>
      %dma_wait3A_243 = tpu.memref_squeeze %dma_wait3A_242 : memref<1x80xi32, #tpu.memory_space<vmem>> -> memref<80xi32, #tpu.memory_space<vmem>>
      %dma_wait3A_244 = arith.constant 0 : i32
      %dma_wait3A_245 = arith.constant 0 : i32
      %dma_wait3A_246 = tpu.memref_slice %arg2[%dma_wait3A_244, %dma_wait3A_245] : memref<20000x80xf32, #tpu.memory_space<hbm>> -> memref<20000x80xf32, #tpu.memory_space<hbm>>
      tpu.wait_indirect_dma semaphore(%arg17 : memref<!tpu.dma_semaphore, #tpu.memory_space<semaphore_mem>>) src(%dma_wait3A_246 : memref<20000x80xf32, #tpu.memory_space<hbm>>) dst(%arg10 : memref<80x80xf32, #tpu.memory_space<vmem>>)
      %mul3A_247 = arith.constant 6 : i32
      %mul3A_248 = arith.muli %mul3A_247, %scan3A_216 : i32
      %add3A_249 = arith.constant 1 : i32
      %add3A_250 = arith.addi %mul3A_248, %add3A_249 : i32
      %dma_start3A_251 = arith.constant 0 : i32
      %dma_start3A_252 = tpu.memref_slice %arg8[%add3A_250, %dma_start3A_251] : memref<250x80xi32, #tpu.memory_space<vmem>> -> memref<1x80xi32, #tpu.memory_space<vmem>>
      %dma_start3A_253 = tpu.memref_squeeze %dma_start3A_252 : memref<1x80xi32, #tpu.memory_space<vmem>> -> memref<80xi32, #tpu.memory_space<vmem>>
      %dma_start3A_254 = arith.constant 0 : i32
      %dma_start3A_255 = arith.constant 0 : i32
      %dma_start3A_256 = tpu.memref_slice %arg15[%dma_start3A_254, %dma_start3A_255] : memref<10000x80xf32, #tpu.memory_space<vmem_shared>> -> memref<10000x80xf32, #tpu.memory_space<vmem_shared>>
      tpu.enqueue_indirect_dma source(%arg10 : memref<80x80xf32, #tpu.memory_space<vmem>>) target(%dma_start3A_256 : memref<10000x80xf32, #tpu.memory_space<vmem_shared>>) offsets(%dma_start3A_253 : memref<80xi32, #tpu.memory_space<vmem>>) semaphore(%arg23 : memref<!tpu.dma_semaphore, #tpu.memory_space<semaphore_mem>>) {add = true}
      %mul3A_257 = arith.constant 6 : i32
      %mul3A_258 = arith.muli %mul3A_257, %scan3A_216 : i32
      %add3A_259 = arith.constant 2 : i32
      %add3A_260 = arith.addi %mul3A_258, %add3A_259 : i32
      %dma_wait3A_261 = arith.constant 0 : i32
      %dma_wait3A_262 = tpu.memref_slice %arg7[%add3A_260, %dma_wait3A_261] : memref<250x80xi32, #tpu.memory_space<vmem>> -> memref<1x80xi32, #tpu.memory_space<vmem>>
      %dma_wait3A_263 = tpu.memref_squeeze %dma_wait3A_262 : memref<1x80xi32, #tpu.memory_space<vmem>> -> memref<80xi32, #tpu.memory_space<vmem>>
      %dma_wait3A_264 = arith.constant 0 : i32
      %dma_wait3A_265 = arith.constant 0 : i32
      %dma_wait3A_266 = tpu.memref_slice %arg2[%dma_wait3A_264, %dma_wait3A_265] : memref<20000x80xf32, #tpu.memory_space<hbm>> -> memref<20000x80xf32, #tpu.memory_space<hbm>>
      tpu.wait_indirect_dma semaphore(%arg18 : memref<!tpu.dma_semaphore, #tpu.memory_space<semaphore_mem>>) src(%dma_wait3A_266 : memref<20000x80xf32, #tpu.memory_space<hbm>>) dst(%arg11 : memref<80x80xf32, #tpu.memory_space<vmem>>)
      %mul3A_267 = arith.constant 6 : i32
      %mul3A_268 = arith.muli %mul3A_267, %scan3A_216 : i32
      %add3A_269 = arith.constant 2 : i32
      %add3A_270 = arith.addi %mul3A_268, %add3A_269 : i32
      %dma_start3A_271 = arith.constant 0 : i32
      %dma_start3A_272 = tpu.memref_slice %arg8[%add3A_270, %dma_start3A_271] : memref<250x80xi32, #tpu.memory_space<vmem>> -> memref<1x80xi32, #tpu.memory_space<vmem>>
      %dma_start3A_273 = tpu.memref_squeeze %dma_start3A_272 : memref<1x80xi32, #tpu.memory_space<vmem>> -> memref<80xi32, #tpu.memory_space<vmem>>
      %dma_start3A_274 = arith.constant 0 : i32
      %dma_start3A_275 = arith.constant 0 : i32
      %dma_start3A_276 = tpu.memref_slice %arg15[%dma_start3A_274, %dma_start3A_275] : memref<10000x80xf32, #tpu.memory_space<vmem_shared>> -> memref<10000x80xf32, #tpu.memory_space<vmem_shared>>
      tpu.enqueue_indirect_dma source(%arg11 : memref<80x80xf32, #tpu.memory_space<vmem>>) target(%dma_start3A_276 : memref<10000x80xf32, #tpu.memory_space<vmem_shared>>) offsets(%dma_start3A_273 : memref<80xi32, #tpu.memory_space<vmem>>) semaphore(%arg24 : memref<!tpu.dma_semaphore, #tpu.memory_space<semaphore_mem>>) {add = true}
      %mul3A_277 = arith.constant 6 : i32
      %mul3A_278 = arith.muli %mul3A_277, %scan3A_216 : i32
      %add3A_279 = arith.constant 3 : i32
      %add3A_280 = arith.addi %mul3A_278, %add3A_279 : i32
      %dma_wait3A_281 = arith.constant 0 : i32
      %dma_wait3A_282 = tpu.memref_slice %arg7[%add3A_280, %dma_wait3A_281] : memref<250x80xi32, #tpu.memory_space<vmem>> -> memref<1x80xi32, #tpu.memory_space<vmem>>
      %dma_wait3A_283 = tpu.memref_squeeze %dma_wait3A_282 : memref<1x80xi32, #tpu.memory_space<vmem>> -> memref<80xi32, #tpu.memory_space<vmem>>
      %dma_wait3A_284 = arith.constant 0 : i32
      %dma_wait3A_285 = arith.constant 0 : i32
      %dma_wait3A_286 = tpu.memref_slice %arg2[%dma_wait3A_284, %dma_wait3A_285] : memref<20000x80xf32, #tpu.memory_space<hbm>> -> memref<20000x80xf32, #tpu.memory_space<hbm>>
      tpu.wait_indirect_dma semaphore(%arg19 : memref<!tpu.dma_semaphore, #tpu.memory_space<semaphore_mem>>) src(%dma_wait3A_286 : memref<20000x80xf32, #tpu.memory_space<hbm>>) dst(%arg12 : memref<80x80xf32, #tpu.memory_space<vmem>>)
      %mul3A_287 = arith.constant 6 : i32
      %mul3A_288 = arith.muli %mul3A_287, %scan3A_216 : i32
      %add3A_289 = arith.constant 3 : i32
      %add3A_290 = arith.addi %mul3A_288, %add3A_289 : i32
      %dma_start3A_291 = arith.constant 0 : i32
      %dma_start3A_292 = tpu.memref_slice %arg8[%add3A_290, %dma_start3A_291] : memref<250x80xi32, #tpu.memory_space<vmem>> -> memref<1x80xi32, #tpu.memory_space<vmem>>
      %dma_start3A_293 = tpu.memref_squeeze %dma_start3A_292 : memref<1x80xi32, #tpu.memory_space<vmem>> -> memref<80xi32, #tpu.memory_space<vmem>>
      %dma_start3A_294 = arith.constant 0 : i32
      %dma_start3A_295 = arith.constant 0 : i32
      %dma_start3A_296 = tpu.memref_slice %arg15[%dma_start3A_294, %dma_start3A_295] : memref<10000x80xf32, #tpu.memory_space<vmem_shared>> -> memref<10000x80xf32, #tpu.memory_space<vmem_shared>>
      tpu.enqueue_indirect_dma source(%arg12 : memref<80x80xf32, #tpu.memory_space<vmem>>) target(%dma_start3A_296 : memref<10000x80xf32, #tpu.memory_space<vmem_shared>>) offsets(%dma_start3A_293 : memref<80xi32, #tpu.memory_space<vmem>>) semaphore(%arg25 : memref<!tpu.dma_semaphore, #tpu.memory_space<semaphore_mem>>) {add = true}
      %mul3A_297 = arith.constant 6 : i32
      %mul3A_298 = arith.muli %mul3A_297, %scan3A_216 : i32
      %add3A_299 = arith.constant 4 : i32
      %add3A_300 = arith.addi %mul3A_298, %add3A_299 : i32
      %dma_wait3A_301 = arith.constant 0 : i32
      %dma_wait3A_302 = tpu.memref_slice %arg7[%add3A_300, %dma_wait3A_301] : memref<250x80xi32, #tpu.memory_space<vmem>> -> memref<1x80xi32, #tpu.memory_space<vmem>>
      %dma_wait3A_303 = tpu.memref_squeeze %dma_wait3A_302 : memref<1x80xi32, #tpu.memory_space<vmem>> -> memref<80xi32, #tpu.memory_space<vmem>>
      %dma_wait3A_304 = arith.constant 0 : i32
      %dma_wait3A_305 = arith.constant 0 : i32
      %dma_wait3A_306 = tpu.memref_slice %arg2[%dma_wait3A_304, %dma_wait3A_305] : memref<20000x80xf32, #tpu.memory_space<hbm>> -> memref<20000x80xf32, #tpu.memory_space<hbm>>
      tpu.wait_indirect_dma semaphore(%arg20 : memref<!tpu.dma_semaphore, #tpu.memory_space<semaphore_mem>>) src(%dma_wait3A_306 : memref<20000x80xf32, #tpu.memory_space<hbm>>) dst(%arg13 : memref<80x80xf32, #tpu.memory_space<vmem>>)
      %mul3A_307 = arith.constant 6 : i32
      %mul3A_308 = arith.muli %mul3A_307, %scan3A_216 : i32
      %add3A_309 = arith.constant 4 : i32
      %add3A_310 = arith.addi %mul3A_308, %add3A_309 : i32
      %dma_start3A_311 = arith.constant 0 : i32
      %dma_start3A_312 = tpu.memref_slice %arg8[%add3A_310, %dma_start3A_311] : memref<250x80xi32, #tpu.memory_space<vmem>> -> memref<1x80xi32, #tpu.memory_space<vmem>>
      %dma_start3A_313 = tpu.memref_squeeze %dma_start3A_312 : memref<1x80xi32, #tpu.memory_space<vmem>> -> memref<80xi32, #tpu.memory_space<vmem>>
      %dma_start3A_314 = arith.constant 0 : i32
      %dma_start3A_315 = arith.constant 0 : i32
      %dma_start3A_316 = tpu.memref_slice %arg15[%dma_start3A_314, %dma_start3A_315] : memref<10000x80xf32, #tpu.memory_space<vmem_shared>> -> memref<10000x80xf32, #tpu.memory_space<vmem_shared>>
      tpu.enqueue_indirect_dma source(%arg13 : memref<80x80xf32, #tpu.memory_space<vmem>>) target(%dma_start3A_316 : memref<10000x80xf32, #tpu.memory_space<vmem_shared>>) offsets(%dma_start3A_313 : memref<80xi32, #tpu.memory_space<vmem>>) semaphore(%arg26 : memref<!tpu.dma_semaphore, #tpu.memory_space<semaphore_mem>>) {add = true}
      %mul3A_317 = arith.constant 6 : i32
      %mul3A_318 = arith.muli %mul3A_317, %scan3A_216 : i32
      %add3A_319 = arith.constant 5 : i32
      %add3A_320 = arith.addi %mul3A_318, %add3A_319 : i32
      %dma_wait3A_321 = arith.constant 0 : i32
      %dma_wait3A_322 = tpu.memref_slice %arg7[%add3A_320, %dma_wait3A_321] : memref<250x80xi32, #tpu.memory_space<vmem>> -> memref<1x80xi32, #tpu.memory_space<vmem>>
      %dma_wait3A_323 = tpu.memref_squeeze %dma_wait3A_322 : memref<1x80xi32, #tpu.memory_space<vmem>> -> memref<80xi32, #tpu.memory_space<vmem>>
      %dma_wait3A_324 = arith.constant 0 : i32
      %dma_wait3A_325 = arith.constant 0 : i32
      %dma_wait3A_326 = tpu.memref_slice %arg2[%dma_wait3A_324, %dma_wait3A_325] : memref<20000x80xf32, #tpu.memory_space<hbm>> -> memref<20000x80xf32, #tpu.memory_space<hbm>>
      tpu.wait_indirect_dma semaphore(%arg21 : memref<!tpu.dma_semaphore, #tpu.memory_space<semaphore_mem>>) src(%dma_wait3A_326 : memref<20000x80xf32, #tpu.memory_space<hbm>>) dst(%arg14 : memref<80x80xf32, #tpu.memory_space<vmem>>)
      %mul3A_327 = arith.constant 6 : i32
      %mul3A_328 = arith.muli %mul3A_327, %scan3A_216 : i32
      %add3A_329 = arith.constant 5 : i32
      %add3A_330 = arith.addi %mul3A_328, %add3A_329 : i32
      %dma_start3A_331 = arith.constant 0 : i32
      %dma_start3A_332 = tpu.memref_slice %arg8[%add3A_330, %dma_start3A_331] : memref<250x80xi32, #tpu.memory_space<vmem>> -> memref<1x80xi32, #tpu.memory_space<vmem>>
      %dma_start3A_333 = tpu.memref_squeeze %dma_start3A_332 : memref<1x80xi32, #tpu.memory_space<vmem>> -> memref<80xi32, #tpu.memory_space<vmem>>
      %dma_start3A_334 = arith.constant 0 : i32
      %dma_start3A_335 = arith.constant 0 : i32
      %dma_start3A_336 = tpu.memref_slice %arg15[%dma_start3A_334, %dma_start3A_335] : memref<10000x80xf32, #tpu.memory_space<vmem_shared>> -> memref<10000x80xf32, #tpu.memory_space<vmem_shared>>
      tpu.enqueue_indirect_dma source(%arg14 : memref<80x80xf32, #tpu.memory_space<vmem>>) target(%dma_start3A_336 : memref<10000x80xf32, #tpu.memory_space<vmem_shared>>) offsets(%dma_start3A_333 : memref<80xi32, #tpu.memory_space<vmem>>) semaphore(%arg27 : memref<!tpu.dma_semaphore, #tpu.memory_space<semaphore_mem>>) {add = true}
      %lt3A = arith.constant 40 : i32
      %lt3A_337 = arith.cmpi slt, %scan3A_216, %lt3A : i32
      %convert_element_type3A_338 = arith.extui %lt3A_337 : i1 to i32
      %cond3A_339 = arith.constant 0 : i32
      %cond3A_340 = arith.cmpi ne, %convert_element_type3A_338, %cond3A_339 : i32
      scf.if %cond3A_340 {
        %mul3A_341 = arith.constant 6 : i32
        %mul3A_342 = arith.muli %mul3A_341, %scan3A_216 : i32
        %add3A_343 = arith.constant 0 : i32
        %add3A_344 = arith.addi %mul3A_342, %add3A_343 : i32
        %dma_wait3A_345 = arith.constant 0 : i32
        %dma_wait3A_346 = tpu.memref_slice %arg8[%add3A_344, %dma_wait3A_345] : memref<250x80xi32, #tpu.memory_space<vmem>> -> memref<1x80xi32, #tpu.memory_space<vmem>>
        %dma_wait3A_347 = tpu.memref_squeeze %dma_wait3A_346 : memref<1x80xi32, #tpu.memory_space<vmem>> -> memref<80xi32, #tpu.memory_space<vmem>>
        %dma_wait3A_348 = arith.constant 0 : i32
        %dma_wait3A_349 = arith.constant 0 : i32
        %dma_wait3A_350 = tpu.memref_slice %arg15[%dma_wait3A_348, %dma_wait3A_349] : memref<10000x80xf32, #tpu.memory_space<vmem_shared>> -> memref<10000x80xf32, #tpu.memory_space<vmem_shared>>
        tpu.wait_indirect_dma semaphore(%arg22 : memref<!tpu.dma_semaphore, #tpu.memory_space<semaphore_mem>>) src(%arg9 : memref<80x80xf32, #tpu.memory_space<vmem>>) dst(%dma_wait3A_350 : memref<10000x80xf32, #tpu.memory_space<vmem_shared>>)
        %mul3A_351 = arith.constant 6 : i32
        %mul3A_352 = arith.muli %mul3A_351, %scan3A_216 : i32
        %add3A_353 = arith.constant 6 : i32
        %add3A_354 = arith.addi %mul3A_352, %add3A_353 : i32
        %add3A_355 = arith.constant 0 : i32
        %add3A_356 = arith.addi %add3A_354, %add3A_355 : i32
        %dma_start3A_357 = arith.constant 0 : i32
        %dma_start3A_358 = tpu.memref_slice %arg7[%add3A_356, %dma_start3A_357] : memref<250x80xi32, #tpu.memory_space<vmem>> -> memref<1x80xi32, #tpu.memory_space<vmem>>
        %dma_start3A_359 = tpu.memref_squeeze %dma_start3A_358 : memref<1x80xi32, #tpu.memory_space<vmem>> -> memref<80xi32, #tpu.memory_space<vmem>>
        %dma_start3A_360 = arith.constant 0 : i32
        %dma_start3A_361 = arith.constant 0 : i32
        %dma_start3A_362 = tpu.memref_slice %arg2[%dma_start3A_360, %dma_start3A_361] : memref<20000x80xf32, #tpu.memory_space<hbm>> -> memref<20000x80xf32, #tpu.memory_space<hbm>>
        tpu.enqueue_indirect_dma source(%dma_start3A_362 : memref<20000x80xf32, #tpu.memory_space<hbm>>) target(%arg9 : memref<80x80xf32, #tpu.memory_space<vmem>>) offsets(%dma_start3A_359 : memref<80xi32, #tpu.memory_space<vmem>>) semaphore(%arg16 : memref<!tpu.dma_semaphore, #tpu.memory_space<semaphore_mem>>)
        %mul3A_363 = arith.constant 6 : i32
        %mul3A_364 = arith.muli %mul3A_363, %scan3A_216 : i32
        %add3A_365 = arith.constant 1 : i32
        %add3A_366 = arith.addi %mul3A_364, %add3A_365 : i32
        %dma_wait3A_367 = arith.constant 0 : i32
        %dma_wait3A_368 = tpu.memref_slice %arg8[%add3A_366, %dma_wait3A_367] : memref<250x80xi32, #tpu.memory_space<vmem>> -> memref<1x80xi32, #tpu.memory_space<vmem>>
        %dma_wait3A_369 = tpu.memref_squeeze %dma_wait3A_368 : memref<1x80xi32, #tpu.memory_space<vmem>> -> memref<80xi32, #tpu.memory_space<vmem>>
        %dma_wait3A_370 = arith.constant 0 : i32
        %dma_wait3A_371 = arith.constant 0 : i32
        %dma_wait3A_372 = tpu.memref_slice %arg15[%dma_wait3A_370, %dma_wait3A_371] : memref<10000x80xf32, #tpu.memory_space<vmem_shared>> -> memref<10000x80xf32, #tpu.memory_space<vmem_shared>>
        tpu.wait_indirect_dma semaphore(%arg23 : memref<!tpu.dma_semaphore, #tpu.memory_space<semaphore_mem>>) src(%arg10 : memref<80x80xf32, #tpu.memory_space<vmem>>) dst(%dma_wait3A_372 : memref<10000x80xf32, #tpu.memory_space<vmem_shared>>)
        %mul3A_373 = arith.constant 6 : i32
        %mul3A_374 = arith.muli %mul3A_373, %scan3A_216 : i32
        %add3A_375 = arith.constant 6 : i32
        %add3A_376 = arith.addi %mul3A_374, %add3A_375 : i32
        %add3A_377 = arith.constant 1 : i32
        %add3A_378 = arith.addi %add3A_376, %add3A_377 : i32
        %dma_start3A_379 = arith.constant 0 : i32
        %dma_start3A_380 = tpu.memref_slice %arg7[%add3A_378, %dma_start3A_379] : memref<250x80xi32, #tpu.memory_space<vmem>> -> memref<1x80xi32, #tpu.memory_space<vmem>>
        %dma_start3A_381 = tpu.memref_squeeze %dma_start3A_380 : memref<1x80xi32, #tpu.memory_space<vmem>> -> memref<80xi32, #tpu.memory_space<vmem>>
        %dma_start3A_382 = arith.constant 0 : i32
        %dma_start3A_383 = arith.constant 0 : i32
        %dma_start3A_384 = tpu.memref_slice %arg2[%dma_start3A_382, %dma_start3A_383] : memref<20000x80xf32, #tpu.memory_space<hbm>> -> memref<20000x80xf32, #tpu.memory_space<hbm>>
        tpu.enqueue_indirect_dma source(%dma_start3A_384 : memref<20000x80xf32, #tpu.memory_space<hbm>>) target(%arg10 : memref<80x80xf32, #tpu.memory_space<vmem>>) offsets(%dma_start3A_381 : memref<80xi32, #tpu.memory_space<vmem>>) semaphore(%arg17 : memref<!tpu.dma_semaphore, #tpu.memory_space<semaphore_mem>>)
        %mul3A_385 = arith.constant 6 : i32
        %mul3A_386 = arith.muli %mul3A_385, %scan3A_216 : i32
        %add3A_387 = arith.constant 2 : i32
        %add3A_388 = arith.addi %mul3A_386, %add3A_387 : i32
        %dma_wait3A_389 = arith.constant 0 : i32
        %dma_wait3A_390 = tpu.memref_slice %arg8[%add3A_388, %dma_wait3A_389] : memref<250x80xi32, #tpu.memory_space<vmem>> -> memref<1x80xi32, #tpu.memory_space<vmem>>
        %dma_wait3A_391 = tpu.memref_squeeze %dma_wait3A_390 : memref<1x80xi32, #tpu.memory_space<vmem>> -> memref<80xi32, #tpu.memory_space<vmem>>
        %dma_wait3A_392 = arith.constant 0 : i32
        %dma_wait3A_393 = arith.constant 0 : i32
        %dma_wait3A_394 = tpu.memref_slice %arg15[%dma_wait3A_392, %dma_wait3A_393] : memref<10000x80xf32, #tpu.memory_space<vmem_shared>> -> memref<10000x80xf32, #tpu.memory_space<vmem_shared>>
        tpu.wait_indirect_dma semaphore(%arg24 : memref<!tpu.dma_semaphore, #tpu.memory_space<semaphore_mem>>) src(%arg11 : memref<80x80xf32, #tpu.memory_space<vmem>>) dst(%dma_wait3A_394 : memref<10000x80xf32, #tpu.memory_space<vmem_shared>>)
        %mul3A_395 = arith.constant 6 : i32
        %mul3A_396 = arith.muli %mul3A_395, %scan3A_216 : i32
        %add3A_397 = arith.constant 6 : i32
        %add3A_398 = arith.addi %mul3A_396, %add3A_397 : i32
        %add3A_399 = arith.constant 2 : i32
        %add3A_400 = arith.addi %add3A_398, %add3A_399 : i32
        %dma_start3A_401 = arith.constant 0 : i32
        %dma_start3A_402 = tpu.memref_slice %arg7[%add3A_400, %dma_start3A_401] : memref<250x80xi32, #tpu.memory_space<vmem>> -> memref<1x80xi32, #tpu.memory_space<vmem>>
        %dma_start3A_403 = tpu.memref_squeeze %dma_start3A_402 : memref<1x80xi32, #tpu.memory_space<vmem>> -> memref<80xi32, #tpu.memory_space<vmem>>
        %dma_start3A_404 = arith.constant 0 : i32
        %dma_start3A_405 = arith.constant 0 : i32
        %dma_start3A_406 = tpu.memref_slice %arg2[%dma_start3A_404, %dma_start3A_405] : memref<20000x80xf32, #tpu.memory_space<hbm>> -> memref<20000x80xf32, #tpu.memory_space<hbm>>
        tpu.enqueue_indirect_dma source(%dma_start3A_406 : memref<20000x80xf32, #tpu.memory_space<hbm>>) target(%arg11 : memref<80x80xf32, #tpu.memory_space<vmem>>) offsets(%dma_start3A_403 : memref<80xi32, #tpu.memory_space<vmem>>) semaphore(%arg18 : memref<!tpu.dma_semaphore, #tpu.memory_space<semaphore_mem>>)
        %mul3A_407 = arith.constant 6 : i32
        %mul3A_408 = arith.muli %mul3A_407, %scan3A_216 : i32
        %add3A_409 = arith.constant 3 : i32
        %add3A_410 = arith.addi %mul3A_408, %add3A_409 : i32
        %dma_wait3A_411 = arith.constant 0 : i32
        %dma_wait3A_412 = tpu.memref_slice %arg8[%add3A_410, %dma_wait3A_411] : memref<250x80xi32, #tpu.memory_space<vmem>> -> memref<1x80xi32, #tpu.memory_space<vmem>>
        %dma_wait3A_413 = tpu.memref_squeeze %dma_wait3A_412 : memref<1x80xi32, #tpu.memory_space<vmem>> -> memref<80xi32, #tpu.memory_space<vmem>>
        %dma_wait3A_414 = arith.constant 0 : i32
        %dma_wait3A_415 = arith.constant 0 : i32
        %dma_wait3A_416 = tpu.memref_slice %arg15[%dma_wait3A_414, %dma_wait3A_415] : memref<10000x80xf32, #tpu.memory_space<vmem_shared>> -> memref<10000x80xf32, #tpu.memory_space<vmem_shared>>
        tpu.wait_indirect_dma semaphore(%arg25 : memref<!tpu.dma_semaphore, #tpu.memory_space<semaphore_mem>>) src(%arg12 : memref<80x80xf32, #tpu.memory_space<vmem>>) dst(%dma_wait3A_416 : memref<10000x80xf32, #tpu.memory_space<vmem_shared>>)
        %mul3A_417 = arith.constant 6 : i32
        %mul3A_418 = arith.muli %mul3A_417, %scan3A_216 : i32
        %add3A_419 = arith.constant 6 : i32
        %add3A_420 = arith.addi %mul3A_418, %add3A_419 : i32
        %add3A_421 = arith.constant 3 : i32
        %add3A_422 = arith.addi %add3A_420, %add3A_421 : i32
        %dma_start3A_423 = arith.constant 0 : i32
        %dma_start3A_424 = tpu.memref_slice %arg7[%add3A_422, %dma_start3A_423] : memref<250x80xi32, #tpu.memory_space<vmem>> -> memref<1x80xi32, #tpu.memory_space<vmem>>
        %dma_start3A_425 = tpu.memref_squeeze %dma_start3A_424 : memref<1x80xi32, #tpu.memory_space<vmem>> -> memref<80xi32, #tpu.memory_space<vmem>>
        %dma_start3A_426 = arith.constant 0 : i32
        %dma_start3A_427 = arith.constant 0 : i32
        %dma_start3A_428 = tpu.memref_slice %arg2[%dma_start3A_426, %dma_start3A_427] : memref<20000x80xf32, #tpu.memory_space<hbm>> -> memref<20000x80xf32, #tpu.memory_space<hbm>>
        tpu.enqueue_indirect_dma source(%dma_start3A_428 : memref<20000x80xf32, #tpu.memory_space<hbm>>) target(%arg12 : memref<80x80xf32, #tpu.memory_space<vmem>>) offsets(%dma_start3A_425 : memref<80xi32, #tpu.memory_space<vmem>>) semaphore(%arg19 : memref<!tpu.dma_semaphore, #tpu.memory_space<semaphore_mem>>)
        %mul3A_429 = arith.constant 6 : i32
        %mul3A_430 = arith.muli %mul3A_429, %scan3A_216 : i32
        %add3A_431 = arith.constant 4 : i32
        %add3A_432 = arith.addi %mul3A_430, %add3A_431 : i32
        %dma_wait3A_433 = arith.constant 0 : i32
        %dma_wait3A_434 = tpu.memref_slice %arg8[%add3A_432, %dma_wait3A_433] : memref<250x80xi32, #tpu.memory_space<vmem>> -> memref<1x80xi32, #tpu.memory_space<vmem>>
        %dma_wait3A_435 = tpu.memref_squeeze %dma_wait3A_434 : memref<1x80xi32, #tpu.memory_space<vmem>> -> memref<80xi32, #tpu.memory_space<vmem>>
        %dma_wait3A_436 = arith.constant 0 : i32
        %dma_wait3A_437 = arith.constant 0 : i32
        %dma_wait3A_438 = tpu.memref_slice %arg15[%dma_wait3A_436, %dma_wait3A_437] : memref<10000x80xf32, #tpu.memory_space<vmem_shared>> -> memref<10000x80xf32, #tpu.memory_space<vmem_shared>>
        tpu.wait_indirect_dma semaphore(%arg26 : memref<!tpu.dma_semaphore, #tpu.memory_space<semaphore_mem>>) src(%arg13 : memref<80x80xf32, #tpu.memory_space<vmem>>) dst(%dma_wait3A_438 : memref<10000x80xf32, #tpu.memory_space<vmem_shared>>)
        %mul3A_439 = arith.constant 6 : i32
        %mul3A_440 = arith.muli %mul3A_439, %scan3A_216 : i32
        %add3A_441 = arith.constant 6 : i32
        %add3A_442 = arith.addi %mul3A_440, %add3A_441 : i32
        %add3A_443 = arith.constant 4 : i32
        %add3A_444 = arith.addi %add3A_442, %add3A_443 : i32
        %dma_start3A_445 = arith.constant 0 : i32
        %dma_start3A_446 = tpu.memref_slice %arg7[%add3A_444, %dma_start3A_445] : memref<250x80xi32, #tpu.memory_space<vmem>> -> memref<1x80xi32, #tpu.memory_space<vmem>>
        %dma_start3A_447 = tpu.memref_squeeze %dma_start3A_446 : memref<1x80xi32, #tpu.memory_space<vmem>> -> memref<80xi32, #tpu.memory_space<vmem>>
        %dma_start3A_448 = arith.constant 0 : i32
        %dma_start3A_449 = arith.constant 0 : i32
        %dma_start3A_450 = tpu.memref_slice %arg2[%dma_start3A_448, %dma_start3A_449] : memref<20000x80xf32, #tpu.memory_space<hbm>> -> memref<20000x80xf32, #tpu.memory_space<hbm>>
        tpu.enqueue_indirect_dma source(%dma_start3A_450 : memref<20000x80xf32, #tpu.memory_space<hbm>>) target(%arg13 : memref<80x80xf32, #tpu.memory_space<vmem>>) offsets(%dma_start3A_447 : memref<80xi32, #tpu.memory_space<vmem>>) semaphore(%arg20 : memref<!tpu.dma_semaphore, #tpu.memory_space<semaphore_mem>>)
        %mul3A_451 = arith.constant 6 : i32
        %mul3A_452 = arith.muli %mul3A_451, %scan3A_216 : i32
        %add3A_453 = arith.constant 5 : i32
        %add3A_454 = arith.addi %mul3A_452, %add3A_453 : i32
        %dma_wait3A_455 = arith.constant 0 : i32
        %dma_wait3A_456 = tpu.memref_slice %arg8[%add3A_454, %dma_wait3A_455] : memref<250x80xi32, #tpu.memory_space<vmem>> -> memref<1x80xi32, #tpu.memory_space<vmem>>
        %dma_wait3A_457 = tpu.memref_squeeze %dma_wait3A_456 : memref<1x80xi32, #tpu.memory_space<vmem>> -> memref<80xi32, #tpu.memory_space<vmem>>
        %dma_wait3A_458 = arith.constant 0 : i32
        %dma_wait3A_459 = arith.constant 0 : i32
        %dma_wait3A_460 = tpu.memref_slice %arg15[%dma_wait3A_458, %dma_wait3A_459] : memref<10000x80xf32, #tpu.memory_space<vmem_shared>> -> memref<10000x80xf32, #tpu.memory_space<vmem_shared>>
        tpu.wait_indirect_dma semaphore(%arg27 : memref<!tpu.dma_semaphore, #tpu.memory_space<semaphore_mem>>) src(%arg14 : memref<80x80xf32, #tpu.memory_space<vmem>>) dst(%dma_wait3A_460 : memref<10000x80xf32, #tpu.memory_space<vmem_shared>>)
        %mul3A_461 = arith.constant 6 : i32
        %mul3A_462 = arith.muli %mul3A_461, %scan3A_216 : i32
        %add3A_463 = arith.constant 6 : i32
        %add3A_464 = arith.addi %mul3A_462, %add3A_463 : i32
        %add3A_465 = arith.constant 5 : i32
        %add3A_466 = arith.addi %add3A_464, %add3A_465 : i32
        %dma_start3A_467 = arith.constant 0 : i32
        %dma_start3A_468 = tpu.memref_slice %arg7[%add3A_466, %dma_start3A_467] : memref<250x80xi32, #tpu.memory_space<vmem>> -> memref<1x80xi32, #tpu.memory_space<vmem>>
        %dma_start3A_469 = tpu.memref_squeeze %dma_start3A_468 : memref<1x80xi32, #tpu.memory_space<vmem>> -> memref<80xi32, #tpu.memory_space<vmem>>
        %dma_start3A_470 = arith.constant 0 : i32
        %dma_start3A_471 = arith.constant 0 : i32
        %dma_start3A_472 = tpu.memref_slice %arg2[%dma_start3A_470, %dma_start3A_471] : memref<20000x80xf32, #tpu.memory_space<hbm>> -> memref<20000x80xf32, #tpu.memory_space<hbm>>
        tpu.enqueue_indirect_dma source(%dma_start3A_472 : memref<20000x80xf32, #tpu.memory_space<hbm>>) target(%arg14 : memref<80x80xf32, #tpu.memory_space<vmem>>) offsets(%dma_start3A_469 : memref<80xi32, #tpu.memory_space<vmem>>) semaphore(%arg21 : memref<!tpu.dma_semaphore, #tpu.memory_space<semaphore_mem>>)
      } else {
      }
    }
    %scan3A_50 = arith.constant 41 : i32
    %dma_wait3A = arith.constant 240 : i32
    %dma_wait3A_51 = arith.constant 0 : i32
    %dma_wait3A_52 = tpu.memref_slice %arg8[%dma_wait3A, %dma_wait3A_51] : memref<250x80xi32, #tpu.memory_space<vmem>> -> memref<1x80xi32, #tpu.memory_space<vmem>>
    %dma_wait3A_53 = tpu.memref_squeeze %dma_wait3A_52 : memref<1x80xi32, #tpu.memory_space<vmem>> -> memref<80xi32, #tpu.memory_space<vmem>>
    %dma_wait3A_54 = arith.constant 0 : i32
    %dma_wait3A_55 = arith.constant 0 : i32
    %dma_wait3A_56 = tpu.memref_slice %arg15[%dma_wait3A_54, %dma_wait3A_55] : memref<10000x80xf32, #tpu.memory_space<vmem_shared>> -> memref<10000x80xf32, #tpu.memory_space<vmem_shared>>
    tpu.wait_indirect_dma semaphore(%arg22 : memref<!tpu.dma_semaphore, #tpu.memory_space<semaphore_mem>>) src(%arg9 : memref<80x80xf32, #tpu.memory_space<vmem>>) dst(%dma_wait3A_56 : memref<10000x80xf32, #tpu.memory_space<vmem_shared>>)
    %dma_wait3A_57 = arith.constant 241 : i32
    %dma_wait3A_58 = arith.constant 0 : i32
    %dma_wait3A_59 = tpu.memref_slice %arg8[%dma_wait3A_57, %dma_wait3A_58] : memref<250x80xi32, #tpu.memory_space<vmem>> -> memref<1x80xi32, #tpu.memory_space<vmem>>
    %dma_wait3A_60 = tpu.memref_squeeze %dma_wait3A_59 : memref<1x80xi32, #tpu.memory_space<vmem>> -> memref<80xi32, #tpu.memory_space<vmem>>
    %dma_wait3A_61 = arith.constant 0 : i32
    %dma_wait3A_62 = arith.constant 0 : i32
    %dma_wait3A_63 = tpu.memref_slice %arg15[%dma_wait3A_61, %dma_wait3A_62] : memref<10000x80xf32, #tpu.memory_space<vmem_shared>> -> memref<10000x80xf32, #tpu.memory_space<vmem_shared>>
    tpu.wait_indirect_dma semaphore(%arg23 : memref<!tpu.dma_semaphore, #tpu.memory_space<semaphore_mem>>) src(%arg10 : memref<80x80xf32, #tpu.memory_space<vmem>>) dst(%dma_wait3A_63 : memref<10000x80xf32, #tpu.memory_space<vmem_shared>>)
    %dma_wait3A_64 = arith.constant 242 : i32
    %dma_wait3A_65 = arith.constant 0 : i32
    %dma_wait3A_66 = tpu.memref_slice %arg8[%dma_wait3A_64, %dma_wait3A_65] : memref<250x80xi32, #tpu.memory_space<vmem>> -> memref<1x80xi32, #tpu.memory_space<vmem>>
    %dma_wait3A_67 = tpu.memref_squeeze %dma_wait3A_66 : memref<1x80xi32, #tpu.memory_space<vmem>> -> memref<80xi32, #tpu.memory_space<vmem>>
    %dma_wait3A_68 = arith.constant 0 : i32
    %dma_wait3A_69 = arith.constant 0 : i32
    %dma_wait3A_70 = tpu.memref_slice %arg15[%dma_wait3A_68, %dma_wait3A_69] : memref<10000x80xf32, #tpu.memory_space<vmem_shared>> -> memref<10000x80xf32, #tpu.memory_space<vmem_shared>>
    tpu.wait_indirect_dma semaphore(%arg24 : memref<!tpu.dma_semaphore, #tpu.memory_space<semaphore_mem>>) src(%arg11 : memref<80x80xf32, #tpu.memory_space<vmem>>) dst(%dma_wait3A_70 : memref<10000x80xf32, #tpu.memory_space<vmem_shared>>)
    %dma_wait3A_71 = arith.constant 243 : i32
    %dma_wait3A_72 = arith.constant 0 : i32
    %dma_wait3A_73 = tpu.memref_slice %arg8[%dma_wait3A_71, %dma_wait3A_72] : memref<250x80xi32, #tpu.memory_space<vmem>> -> memref<1x80xi32, #tpu.memory_space<vmem>>
    %dma_wait3A_74 = tpu.memref_squeeze %dma_wait3A_73 : memref<1x80xi32, #tpu.memory_space<vmem>> -> memref<80xi32, #tpu.memory_space<vmem>>
    %dma_wait3A_75 = arith.constant 0 : i32
    %dma_wait3A_76 = arith.constant 0 : i32
    %dma_wait3A_77 = tpu.memref_slice %arg15[%dma_wait3A_75, %dma_wait3A_76] : memref<10000x80xf32, #tpu.memory_space<vmem_shared>> -> memref<10000x80xf32, #tpu.memory_space<vmem_shared>>
    tpu.wait_indirect_dma semaphore(%arg25 : memref<!tpu.dma_semaphore, #tpu.memory_space<semaphore_mem>>) src(%arg12 : memref<80x80xf32, #tpu.memory_space<vmem>>) dst(%dma_wait3A_77 : memref<10000x80xf32, #tpu.memory_space<vmem_shared>>)
    %dma_wait3A_78 = arith.constant 244 : i32
    %dma_wait3A_79 = arith.constant 0 : i32
    %dma_wait3A_80 = tpu.memref_slice %arg8[%dma_wait3A_78, %dma_wait3A_79] : memref<250x80xi32, #tpu.memory_space<vmem>> -> memref<1x80xi32, #tpu.memory_space<vmem>>
    %dma_wait3A_81 = tpu.memref_squeeze %dma_wait3A_80 : memref<1x80xi32, #tpu.memory_space<vmem>> -> memref<80xi32, #tpu.memory_space<vmem>>
    %dma_wait3A_82 = arith.constant 0 : i32
    %dma_wait3A_83 = arith.constant 0 : i32
    %dma_wait3A_84 = tpu.memref_slice %arg15[%dma_wait3A_82, %dma_wait3A_83] : memref<10000x80xf32, #tpu.memory_space<vmem_shared>> -> memref<10000x80xf32, #tpu.memory_space<vmem_shared>>
    tpu.wait_indirect_dma semaphore(%arg26 : memref<!tpu.dma_semaphore, #tpu.memory_space<semaphore_mem>>) src(%arg13 : memref<80x80xf32, #tpu.memory_space<vmem>>) dst(%dma_wait3A_84 : memref<10000x80xf32, #tpu.memory_space<vmem_shared>>)
    %dma_wait3A_85 = arith.constant 245 : i32
    %dma_wait3A_86 = arith.constant 0 : i32
    %dma_wait3A_87 = tpu.memref_slice %arg8[%dma_wait3A_85, %dma_wait3A_86] : memref<250x80xi32, #tpu.memory_space<vmem>> -> memref<1x80xi32, #tpu.memory_space<vmem>>
    %dma_wait3A_88 = tpu.memref_squeeze %dma_wait3A_87 : memref<1x80xi32, #tpu.memory_space<vmem>> -> memref<80xi32, #tpu.memory_space<vmem>>
    %dma_wait3A_89 = arith.constant 0 : i32
    %dma_wait3A_90 = arith.constant 0 : i32
    %dma_wait3A_91 = tpu.memref_slice %arg15[%dma_wait3A_89, %dma_wait3A_90] : memref<10000x80xf32, #tpu.memory_space<vmem_shared>> -> memref<10000x80xf32, #tpu.memory_space<vmem_shared>>
    tpu.wait_indirect_dma semaphore(%arg27 : memref<!tpu.dma_semaphore, #tpu.memory_space<semaphore_mem>>) src(%arg14 : memref<80x80xf32, #tpu.memory_space<vmem>>) dst(%dma_wait3A_91 : memref<10000x80xf32, #tpu.memory_space<vmem_shared>>)
    %dma_start3A_92 = arith.constant 246 : i32
    %dma_start3A_93 = arith.constant 0 : i32
    %dma_start3A_94 = tpu.memref_slice %arg7[%dma_start3A_92, %dma_start3A_93] : memref<250x80xi32, #tpu.memory_space<vmem>> -> memref<1x80xi32, #tpu.memory_space<vmem>>
    %dma_start3A_95 = tpu.memref_squeeze %dma_start3A_94 : memref<1x80xi32, #tpu.memory_space<vmem>> -> memref<80xi32, #tpu.memory_space<vmem>>
    %dma_start3A_96 = arith.constant 0 : i32
    %dma_start3A_97 = arith.constant 0 : i32
    %dma_start3A_98 = tpu.memref_slice %arg2[%dma_start3A_96, %dma_start3A_97] : memref<20000x80xf32, #tpu.memory_space<hbm>> -> memref<20000x80xf32, #tpu.memory_space<hbm>>
    tpu.enqueue_indirect_dma source(%dma_start3A_98 : memref<20000x80xf32, #tpu.memory_space<hbm>>) target(%arg9 : memref<80x80xf32, #tpu.memory_space<vmem>>) offsets(%dma_start3A_95 : memref<80xi32, #tpu.memory_space<vmem>>) semaphore(%arg16 : memref<!tpu.dma_semaphore, #tpu.memory_space<semaphore_mem>>)
    %dma_wait3A_99 = arith.constant 246 : i32
    %dma_wait3A_100 = arith.constant 0 : i32
    %dma_wait3A_101 = tpu.memref_slice %arg7[%dma_wait3A_99, %dma_wait3A_100] : memref<250x80xi32, #tpu.memory_space<vmem>> -> memref<1x80xi32, #tpu.memory_space<vmem>>
    %dma_wait3A_102 = tpu.memref_squeeze %dma_wait3A_101 : memref<1x80xi32, #tpu.memory_space<vmem>> -> memref<80xi32, #tpu.memory_space<vmem>>
    %dma_wait3A_103 = arith.constant 0 : i32
    %dma_wait3A_104 = arith.constant 0 : i32
    %dma_wait3A_105 = tpu.memref_slice %arg2[%dma_wait3A_103, %dma_wait3A_104] : memref<20000x80xf32, #tpu.memory_space<hbm>> -> memref<20000x80xf32, #tpu.memory_space<hbm>>
    tpu.wait_indirect_dma semaphore(%arg16 : memref<!tpu.dma_semaphore, #tpu.memory_space<semaphore_mem>>) src(%dma_wait3A_105 : memref<20000x80xf32, #tpu.memory_space<hbm>>) dst(%arg9 : memref<80x80xf32, #tpu.memory_space<vmem>>)
    %dma_start3A_106 = arith.constant 246 : i32
    %dma_start3A_107 = arith.constant 0 : i32
    %dma_start3A_108 = tpu.memref_slice %arg8[%dma_start3A_106, %dma_start3A_107] : memref<250x80xi32, #tpu.memory_space<vmem>> -> memref<1x80xi32, #tpu.memory_space<vmem>>
    %dma_start3A_109 = tpu.memref_squeeze %dma_start3A_108 : memref<1x80xi32, #tpu.memory_space<vmem>> -> memref<80xi32, #tpu.memory_space<vmem>>
    %dma_start3A_110 = arith.constant 0 : i32
    %dma_start3A_111 = arith.constant 0 : i32
    %dma_start3A_112 = tpu.memref_slice %arg15[%dma_start3A_110, %dma_start3A_111] : memref<10000x80xf32, #tpu.memory_space<vmem_shared>> -> memref<10000x80xf32, #tpu.memory_space<vmem_shared>>
    tpu.enqueue_indirect_dma source(%arg9 : memref<80x80xf32, #tpu.memory_space<vmem>>) target(%dma_start3A_112 : memref<10000x80xf32, #tpu.memory_space<vmem_shared>>) offsets(%dma_start3A_109 : memref<80xi32, #tpu.memory_space<vmem>>) semaphore(%arg22 : memref<!tpu.dma_semaphore, #tpu.memory_space<semaphore_mem>>) {add = true}
    %dma_wait3A_113 = arith.constant 246 : i32
    %dma_wait3A_114 = arith.constant 0 : i32
    %dma_wait3A_115 = tpu.memref_slice %arg8[%dma_wait3A_113, %dma_wait3A_114] : memref<250x80xi32, #tpu.memory_space<vmem>> -> memref<1x80xi32, #tpu.memory_space<vmem>>
    %dma_wait3A_116 = tpu.memref_squeeze %dma_wait3A_115 : memref<1x80xi32, #tpu.memory_space<vmem>> -> memref<80xi32, #tpu.memory_space<vmem>>
    %dma_wait3A_117 = arith.constant 0 : i32
    %dma_wait3A_118 = arith.constant 0 : i32
    %dma_wait3A_119 = tpu.memref_slice %arg15[%dma_wait3A_117, %dma_wait3A_118] : memref<10000x80xf32, #tpu.memory_space<vmem_shared>> -> memref<10000x80xf32, #tpu.memory_space<vmem_shared>>
    tpu.wait_indirect_dma semaphore(%arg22 : memref<!tpu.dma_semaphore, #tpu.memory_space<semaphore_mem>>) src(%arg9 : memref<80x80xf32, #tpu.memory_space<vmem>>) dst(%dma_wait3A_119 : memref<10000x80xf32, #tpu.memory_space<vmem_shared>>)
    %dma_start3A_120 = arith.constant 247 : i32
    %dma_start3A_121 = arith.constant 0 : i32
    %dma_start3A_122 = tpu.memref_slice %arg7[%dma_start3A_120, %dma_start3A_121] : memref<250x80xi32, #tpu.memory_space<vmem>> -> memref<1x80xi32, #tpu.memory_space<vmem>>
    %dma_start3A_123 = tpu.memref_squeeze %dma_start3A_122 : memref<1x80xi32, #tpu.memory_space<vmem>> -> memref<80xi32, #tpu.memory_space<vmem>>
    %dma_start3A_124 = arith.constant 0 : i32
    %dma_start3A_125 = arith.constant 0 : i32
    %dma_start3A_126 = tpu.memref_slice %arg2[%dma_start3A_124, %dma_start3A_125] : memref<20000x80xf32, #tpu.memory_space<hbm>> -> memref<20000x80xf32, #tpu.memory_space<hbm>>
    tpu.enqueue_indirect_dma source(%dma_start3A_126 : memref<20000x80xf32, #tpu.memory_space<hbm>>) target(%arg9 : memref<80x80xf32, #tpu.memory_space<vmem>>) offsets(%dma_start3A_123 : memref<80xi32, #tpu.memory_space<vmem>>) semaphore(%arg16 : memref<!tpu.dma_semaphore, #tpu.memory_space<semaphore_mem>>)
    %dma_wait3A_127 = arith.constant 247 : i32
    %dma_wait3A_128 = arith.constant 0 : i32
    %dma_wait3A_129 = tpu.memref_slice %arg7[%dma_wait3A_127, %dma_wait3A_128] : memref<250x80xi32, #tpu.memory_space<vmem>> -> memref<1x80xi32, #tpu.memory_space<vmem>>
    %dma_wait3A_130 = tpu.memref_squeeze %dma_wait3A_129 : memref<1x80xi32, #tpu.memory_space<vmem>> -> memref<80xi32, #tpu.memory_space<vmem>>
    %dma_wait3A_131 = arith.constant 0 : i32
    %dma_wait3A_132 = arith.constant 0 : i32
    %dma_wait3A_133 = tpu.memref_slice %arg2[%dma_wait3A_131, %dma_wait3A_132] : memref<20000x80xf32, #tpu.memory_space<hbm>> -> memref<20000x80xf32, #tpu.memory_space<hbm>>
    tpu.wait_indirect_dma semaphore(%arg16 : memref<!tpu.dma_semaphore, #tpu.memory_space<semaphore_mem>>) src(%dma_wait3A_133 : memref<20000x80xf32, #tpu.memory_space<hbm>>) dst(%arg9 : memref<80x80xf32, #tpu.memory_space<vmem>>)
    %dma_start3A_134 = arith.constant 247 : i32
    %dma_start3A_135 = arith.constant 0 : i32
    %dma_start3A_136 = tpu.memref_slice %arg8[%dma_start3A_134, %dma_start3A_135] : memref<250x80xi32, #tpu.memory_space<vmem>> -> memref<1x80xi32, #tpu.memory_space<vmem>>
    %dma_start3A_137 = tpu.memref_squeeze %dma_start3A_136 : memref<1x80xi32, #tpu.memory_space<vmem>> -> memref<80xi32, #tpu.memory_space<vmem>>
    %dma_start3A_138 = arith.constant 0 : i32
    %dma_start3A_139 = arith.constant 0 : i32
    %dma_start3A_140 = tpu.memref_slice %arg15[%dma_start3A_138, %dma_start3A_139] : memref<10000x80xf32, #tpu.memory_space<vmem_shared>> -> memref<10000x80xf32, #tpu.memory_space<vmem_shared>>
    tpu.enqueue_indirect_dma source(%arg9 : memref<80x80xf32, #tpu.memory_space<vmem>>) target(%dma_start3A_140 : memref<10000x80xf32, #tpu.memory_space<vmem_shared>>) offsets(%dma_start3A_137 : memref<80xi32, #tpu.memory_space<vmem>>) semaphore(%arg22 : memref<!tpu.dma_semaphore, #tpu.memory_space<semaphore_mem>>) {add = true}
    %dma_wait3A_141 = arith.constant 247 : i32
    %dma_wait3A_142 = arith.constant 0 : i32
    %dma_wait3A_143 = tpu.memref_slice %arg8[%dma_wait3A_141, %dma_wait3A_142] : memref<250x80xi32, #tpu.memory_space<vmem>> -> memref<1x80xi32, #tpu.memory_space<vmem>>
    %dma_wait3A_144 = tpu.memref_squeeze %dma_wait3A_143 : memref<1x80xi32, #tpu.memory_space<vmem>> -> memref<80xi32, #tpu.memory_space<vmem>>
    %dma_wait3A_145 = arith.constant 0 : i32
    %dma_wait3A_146 = arith.constant 0 : i32
    %dma_wait3A_147 = tpu.memref_slice %arg15[%dma_wait3A_145, %dma_wait3A_146] : memref<10000x80xf32, #tpu.memory_space<vmem_shared>> -> memref<10000x80xf32, #tpu.memory_space<vmem_shared>>
    tpu.wait_indirect_dma semaphore(%arg22 : memref<!tpu.dma_semaphore, #tpu.memory_space<semaphore_mem>>) src(%arg9 : memref<80x80xf32, #tpu.memory_space<vmem>>) dst(%dma_wait3A_147 : memref<10000x80xf32, #tpu.memory_space<vmem_shared>>)
    %dma_start3A_148 = arith.constant 248 : i32
    %dma_start3A_149 = arith.constant 0 : i32
    %dma_start3A_150 = tpu.memref_slice %arg7[%dma_start3A_148, %dma_start3A_149] : memref<250x80xi32, #tpu.memory_space<vmem>> -> memref<1x80xi32, #tpu.memory_space<vmem>>
    %dma_start3A_151 = tpu.memref_squeeze %dma_start3A_150 : memref<1x80xi32, #tpu.memory_space<vmem>> -> memref<80xi32, #tpu.memory_space<vmem>>
    %dma_start3A_152 = arith.constant 0 : i32
    %dma_start3A_153 = arith.constant 0 : i32
    %dma_start3A_154 = tpu.memref_slice %arg2[%dma_start3A_152, %dma_start3A_153] : memref<20000x80xf32, #tpu.memory_space<hbm>> -> memref<20000x80xf32, #tpu.memory_space<hbm>>
    tpu.enqueue_indirect_dma source(%dma_start3A_154 : memref<20000x80xf32, #tpu.memory_space<hbm>>) target(%arg9 : memref<80x80xf32, #tpu.memory_space<vmem>>) offsets(%dma_start3A_151 : memref<80xi32, #tpu.memory_space<vmem>>) semaphore(%arg16 : memref<!tpu.dma_semaphore, #tpu.memory_space<semaphore_mem>>)
    %dma_wait3A_155 = arith.constant 248 : i32
    %dma_wait3A_156 = arith.constant 0 : i32
    %dma_wait3A_157 = tpu.memref_slice %arg7[%dma_wait3A_155, %dma_wait3A_156] : memref<250x80xi32, #tpu.memory_space<vmem>> -> memref<1x80xi32, #tpu.memory_space<vmem>>
    %dma_wait3A_158 = tpu.memref_squeeze %dma_wait3A_157 : memref<1x80xi32, #tpu.memory_space<vmem>> -> memref<80xi32, #tpu.memory_space<vmem>>
    %dma_wait3A_159 = arith.constant 0 : i32
    %dma_wait3A_160 = arith.constant 0 : i32
    %dma_wait3A_161 = tpu.memref_slice %arg2[%dma_wait3A_159, %dma_wait3A_160] : memref<20000x80xf32, #tpu.memory_space<hbm>> -> memref<20000x80xf32, #tpu.memory_space<hbm>>
    tpu.wait_indirect_dma semaphore(%arg16 : memref<!tpu.dma_semaphore, #tpu.memory_space<semaphore_mem>>) src(%dma_wait3A_161 : memref<20000x80xf32, #tpu.memory_space<hbm>>) dst(%arg9 : memref<80x80xf32, #tpu.memory_space<vmem>>)
    %dma_start3A_162 = arith.constant 248 : i32
    %dma_start3A_163 = arith.constant 0 : i32
    %dma_start3A_164 = tpu.memref_slice %arg8[%dma_start3A_162, %dma_start3A_163] : memref<250x80xi32, #tpu.memory_space<vmem>> -> memref<1x80xi32, #tpu.memory_space<vmem>>
    %dma_start3A_165 = tpu.memref_squeeze %dma_start3A_164 : memref<1x80xi32, #tpu.memory_space<vmem>> -> memref<80xi32, #tpu.memory_space<vmem>>
    %dma_start3A_166 = arith.constant 0 : i32
    %dma_start3A_167 = arith.constant 0 : i32
    %dma_start3A_168 = tpu.memref_slice %arg15[%dma_start3A_166, %dma_start3A_167] : memref<10000x80xf32, #tpu.memory_space<vmem_shared>> -> memref<10000x80xf32, #tpu.memory_space<vmem_shared>>
    tpu.enqueue_indirect_dma source(%arg9 : memref<80x80xf32, #tpu.memory_space<vmem>>) target(%dma_start3A_168 : memref<10000x80xf32, #tpu.memory_space<vmem_shared>>) offsets(%dma_start3A_165 : memref<80xi32, #tpu.memory_space<vmem>>) semaphore(%arg22 : memref<!tpu.dma_semaphore, #tpu.memory_space<semaphore_mem>>) {add = true}
    %dma_wait3A_169 = arith.constant 248 : i32
    %dma_wait3A_170 = arith.constant 0 : i32
    %dma_wait3A_171 = tpu.memref_slice %arg8[%dma_wait3A_169, %dma_wait3A_170] : memref<250x80xi32, #tpu.memory_space<vmem>> -> memref<1x80xi32, #tpu.memory_space<vmem>>
    %dma_wait3A_172 = tpu.memref_squeeze %dma_wait3A_171 : memref<1x80xi32, #tpu.memory_space<vmem>> -> memref<80xi32, #tpu.memory_space<vmem>>
    %dma_wait3A_173 = arith.constant 0 : i32
    %dma_wait3A_174 = arith.constant 0 : i32
    %dma_wait3A_175 = tpu.memref_slice %arg15[%dma_wait3A_173, %dma_wait3A_174] : memref<10000x80xf32, #tpu.memory_space<vmem_shared>> -> memref<10000x80xf32, #tpu.memory_space<vmem_shared>>
    tpu.wait_indirect_dma semaphore(%arg22 : memref<!tpu.dma_semaphore, #tpu.memory_space<semaphore_mem>>) src(%arg9 : memref<80x80xf32, #tpu.memory_space<vmem>>) dst(%dma_wait3A_175 : memref<10000x80xf32, #tpu.memory_space<vmem_shared>>)
    %dma_start3A_176 = arith.constant 249 : i32
    %dma_start3A_177 = arith.constant 0 : i32
    %dma_start3A_178 = tpu.memref_slice %arg7[%dma_start3A_176, %dma_start3A_177] : memref<250x80xi32, #tpu.memory_space<vmem>> -> memref<1x80xi32, #tpu.memory_space<vmem>>
    %dma_start3A_179 = tpu.memref_squeeze %dma_start3A_178 : memref<1x80xi32, #tpu.memory_space<vmem>> -> memref<80xi32, #tpu.memory_space<vmem>>
    %dma_start3A_180 = arith.constant 0 : i32
    %dma_start3A_181 = arith.constant 0 : i32
    %dma_start3A_182 = tpu.memref_slice %arg2[%dma_start3A_180, %dma_start3A_181] : memref<20000x80xf32, #tpu.memory_space<hbm>> -> memref<20000x80xf32, #tpu.memory_space<hbm>>
    tpu.enqueue_indirect_dma source(%dma_start3A_182 : memref<20000x80xf32, #tpu.memory_space<hbm>>) target(%arg9 : memref<80x80xf32, #tpu.memory_space<vmem>>) offsets(%dma_start3A_179 : memref<80xi32, #tpu.memory_space<vmem>>) semaphore(%arg16 : memref<!tpu.dma_semaphore, #tpu.memory_space<semaphore_mem>>)
    %dma_wait3A_183 = arith.constant 249 : i32
    %dma_wait3A_184 = arith.constant 0 : i32
    %dma_wait3A_185 = tpu.memref_slice %arg7[%dma_wait3A_183, %dma_wait3A_184] : memref<250x80xi32, #tpu.memory_space<vmem>> -> memref<1x80xi32, #tpu.memory_space<vmem>>
    %dma_wait3A_186 = tpu.memref_squeeze %dma_wait3A_185 : memref<1x80xi32, #tpu.memory_space<vmem>> -> memref<80xi32, #tpu.memory_space<vmem>>
    %dma_wait3A_187 = arith.constant 0 : i32
    %dma_wait3A_188 = arith.constant 0 : i32
    %dma_wait3A_189 = tpu.memref_slice %arg2[%dma_wait3A_187, %dma_wait3A_188] : memref<20000x80xf32, #tpu.memory_space<hbm>> -> memref<20000x80xf32, #tpu.memory_space<hbm>>
    tpu.wait_indirect_dma semaphore(%arg16 : memref<!tpu.dma_semaphore, #tpu.memory_space<semaphore_mem>>) src(%dma_wait3A_189 : memref<20000x80xf32, #tpu.memory_space<hbm>>) dst(%arg9 : memref<80x80xf32, #tpu.memory_space<vmem>>)
    %dma_start3A_190 = arith.constant 249 : i32
    %dma_start3A_191 = arith.constant 0 : i32
    %dma_start3A_192 = tpu.memref_slice %arg8[%dma_start3A_190, %dma_start3A_191] : memref<250x80xi32, #tpu.memory_space<vmem>> -> memref<1x80xi32, #tpu.memory_space<vmem>>
    %dma_start3A_193 = tpu.memref_squeeze %dma_start3A_192 : memref<1x80xi32, #tpu.memory_space<vmem>> -> memref<80xi32, #tpu.memory_space<vmem>>
    %dma_start3A_194 = arith.constant 0 : i32
    %dma_start3A_195 = arith.constant 0 : i32
    %dma_start3A_196 = tpu.memref_slice %arg15[%dma_start3A_194, %dma_start3A_195] : memref<10000x80xf32, #tpu.memory_space<vmem_shared>> -> memref<10000x80xf32, #tpu.memory_space<vmem_shared>>
    tpu.enqueue_indirect_dma source(%arg9 : memref<80x80xf32, #tpu.memory_space<vmem>>) target(%dma_start3A_196 : memref<10000x80xf32, #tpu.memory_space<vmem_shared>>) offsets(%dma_start3A_193 : memref<80xi32, #tpu.memory_space<vmem>>) semaphore(%arg22 : memref<!tpu.dma_semaphore, #tpu.memory_space<semaphore_mem>>) {add = true}
    %dma_wait3A_197 = arith.constant 249 : i32
    %dma_wait3A_198 = arith.constant 0 : i32
    %dma_wait3A_199 = tpu.memref_slice %arg8[%dma_wait3A_197, %dma_wait3A_198] : memref<250x80xi32, #tpu.memory_space<vmem>> -> memref<1x80xi32, #tpu.memory_space<vmem>>
    %dma_wait3A_200 = tpu.memref_squeeze %dma_wait3A_199 : memref<1x80xi32, #tpu.memory_space<vmem>> -> memref<80xi32, #tpu.memory_space<vmem>>
    %dma_wait3A_201 = arith.constant 0 : i32
    %dma_wait3A_202 = arith.constant 0 : i32
    %dma_wait3A_203 = tpu.memref_slice %arg15[%dma_wait3A_201, %dma_wait3A_202] : memref<10000x80xf32, #tpu.memory_space<vmem_shared>> -> memref<10000x80xf32, #tpu.memory_space<vmem_shared>>
    tpu.wait_indirect_dma semaphore(%arg22 : memref<!tpu.dma_semaphore, #tpu.memory_space<semaphore_mem>>) src(%arg9 : memref<80x80xf32, #tpu.memory_space<vmem>>) dst(%dma_wait3A_203 : memref<10000x80xf32, #tpu.memory_space<vmem_shared>>)
    %barrier3A_204 = arith.constant 0 : index
    tpu.barrier barrier_id(%barrier3A_204)
    %mul3A_205 = arith.constant 624 : i32
    %mul3A_206 = arith.muli %arg1, %mul3A_205 : i32
    %mul3A_207 = arith.constant 10000 : i32
    %mul3A_208 = arith.muli %arg0, %mul3A_207 : i32
    %mul3A_209 = arith.constant 624 : i32
    %mul3A_210 = arith.muli %arg1, %mul3A_209 : i32
    %add3A = arith.addi %mul3A_208, %mul3A_210 : i32
    "tpu.region"() ({
      %run_scoped3A = tpu.sem_alloc : memref<!tpu.dma_semaphore, #tpu.memory_space<semaphore_mem>>
      %dma_start3A_216 = arith.constant 0 : i32
      %dma_start3A_217 = tpu.memref_slice %arg6[%add3A, %dma_start3A_216] : memref<20000x80xf32, #tpu.memory_space<hbm>> -> memref<624x80xf32, #tpu.memory_space<hbm>>
      %dma_start3A_218 = arith.constant 0 : i32
      %dma_start3A_219 = tpu.memref_slice %arg15[%mul3A_206, %dma_start3A_218] : memref<10000x80xf32, #tpu.memory_space<vmem_shared>> -> memref<624x80xf32, #tpu.memory_space<vmem_shared>>
      tpu.enqueue_dma source(%dma_start3A_219 : memref<624x80xf32, #tpu.memory_space<vmem_shared>>) target(%dma_start3A_217 : memref<624x80xf32, #tpu.memory_space<hbm>>) target_semaphore(%run_scoped3A : memref<!tpu.dma_semaphore, #tpu.memory_space<semaphore_mem>>)
      %dma_wait3A_220 = arith.constant 0 : i32
      %dma_wait3A_221 = tpu.memref_slice %arg6[%add3A, %dma_wait3A_220] : memref<20000x80xf32, #tpu.memory_space<hbm>> -> memref<624x80xf32, #tpu.memory_space<hbm>>
      %dma_wait3A_222 = arith.constant 0 : i32
      %dma_wait3A_223 = tpu.memref_slice %arg15[%mul3A_206, %dma_wait3A_222] : memref<10000x80xf32, #tpu.memory_space<vmem_shared>> -> memref<624x80xf32, #tpu.memory_space<vmem_shared>>
      tpu.wait_dma2 semaphore(%run_scoped3A : memref<!tpu.dma_semaphore, #tpu.memory_space<semaphore_mem>>) src(%dma_wait3A_223 : memref<624x80xf32, #tpu.memory_space<vmem_shared>>) dst(%dma_wait3A_221 : memref<624x80xf32, #tpu.memory_space<hbm>>)
      tpu.yield
    }) : () -> ()
    %eq3A_211 = arith.constant 0 : i32
    %eq3A_212 = arith.cmpi eq, %arg1, %eq3A_211 : i32
    %convert_element_type3A_213 = arith.extui %eq3A_212 : i1 to i32
    %cond3A_214 = arith.constant 0 : i32
    %cond3A_215 = arith.cmpi ne, %convert_element_type3A_213, %cond3A_214 : i32
    scf.if %cond3A_215 {
      %mul3A_216 = arith.constant 10000 : i32
      %mul3A_217 = arith.muli %arg0, %mul3A_216 : i32
      %add3A_218 = arith.constant 9984 : i32
      %add3A_219 = arith.addi %mul3A_217, %add3A_218 : i32
      "tpu.region"() ({
        %run_scoped3A = tpu.sem_alloc : memref<!tpu.dma_semaphore, #tpu.memory_space<semaphore_mem>>
        %dma_start3A_220 = arith.constant 0 : i32
        %dma_start3A_221 = tpu.memref_slice %arg6[%add3A_219, %dma_start3A_220] : memref<20000x80xf32, #tpu.memory_space<hbm>> -> memref<16x80xf32, #tpu.memory_space<hbm>>
        %dma_start3A_222 = arith.constant 9984 : i32
        %dma_start3A_223 = arith.constant 0 : i32
        %dma_start3A_224 = tpu.memref_slice %arg15[%dma_start3A_222, %dma_start3A_223] : memref<10000x80xf32, #tpu.memory_space<vmem_shared>> -> memref<16x80xf32, #tpu.memory_space<vmem_shared>>
        tpu.enqueue_dma source(%dma_start3A_224 : memref<16x80xf32, #tpu.memory_space<vmem_shared>>) target(%dma_start3A_221 : memref<16x80xf32, #tpu.memory_space<hbm>>) target_semaphore(%run_scoped3A : memref<!tpu.dma_semaphore, #tpu.memory_space<semaphore_mem>>)
        %dma_wait3A_225 = arith.constant 0 : i32
        %dma_wait3A_226 = tpu.memref_slice %arg6[%add3A_219, %dma_wait3A_225] : memref<20000x80xf32, #tpu.memory_space<hbm>> -> memref<16x80xf32, #tpu.memory_space<hbm>>
        %dma_wait3A_227 = arith.constant 9984 : i32
        %dma_wait3A_228 = arith.constant 0 : i32
        %dma_wait3A_229 = tpu.memref_slice %arg15[%dma_wait3A_227, %dma_wait3A_228] : memref<10000x80xf32, #tpu.memory_space<vmem_shared>> -> memref<16x80xf32, #tpu.memory_space<vmem_shared>>
        tpu.wait_dma2 semaphore(%run_scoped3A : memref<!tpu.dma_semaphore, #tpu.memory_space<semaphore_mem>>) src(%dma_wait3A_229 : memref<16x80xf32, #tpu.memory_space<vmem_shared>>) dst(%dma_wait3A_226 : memref<16x80xf32, #tpu.memory_space<hbm>>)
        tpu.yield
      }) : () -> ()
    } else {
    }
    return
  }
}

#map = affine_map<(d0, d1) -> (0, 0)>
#map1 = affine_map<(d0, d1) -> (0, 0, 0, 0)>
module attributes {stable_mosaic.version = 14 : i64} {
  func.func @body(%arg0: i32, %arg1: i32, %arg2: memref<320000x80xf32, #tpu.memory_space<hbm>>, %arg3: memref<2x16x125x80xi32, #tpu.memory_space<hbm>>, %arg4: memref<10000x80xf32, #tpu.memory_space<hbm>>, %arg5: memref<20000x80xf32, #tpu.memory_space<hbm>>, %arg6: memref<125x80xi32, #tpu.memory_space<vmem>>, %arg7: memref<80x80xf32, #tpu.memory_space<vmem>>, %arg8: memref<80x80xf32, #tpu.memory_space<vmem>>, %arg9: memref<80x80xf32, #tpu.memory_space<vmem>>, %arg10: memref<10000x80xf32, #tpu.memory_space<vmem_shared>>, %arg11: memref<!tpu.dma_semaphore, #tpu.memory_space<semaphore_mem>>, %arg12: memref<!tpu.dma_semaphore, #tpu.memory_space<semaphore_mem>>, %arg13: memref<!tpu.dma_semaphore, #tpu.memory_space<semaphore_mem>>, %arg14: memref<!tpu.dma_semaphore, #tpu.memory_space<semaphore_mem>>, %arg15: memref<!tpu.dma_semaphore, #tpu.memory_space<semaphore_mem>>, %arg16: memref<!tpu.dma_semaphore, #tpu.memory_space<semaphore_mem>>) attributes {dimension_semantics = [#tpu.dimension_semantics<core_parallel>, #tpu.dimension_semantics<subcore_parallel>], iteration_bounds = array<i64: 2, 16>, scalar_prefetch = 0 : i64, scratch_operands = 11 : i64, tpu.core_type = #tpu.core_type<sc_vector_subcore>, window_params = [{transform_indices = #map}, {transform_indices = #map1}, {transform_indices = #map}, {transform_indices = #map}]} {
    %mul3A = arith.constant 16 : i32
    %mul3A_0 = arith.muli %arg0, %mul3A : i32
    %add3A = arith.addi %mul3A_0, %arg1 : i32
    %mul3A_1 = arith.constant 10000 : i32
    %mul3A_2 = arith.muli %add3A, %mul3A_1 : i32
    "tpu.region"() ({
      %run_scoped3A = tpu.sem_alloc : memref<!tpu.dma_semaphore, #tpu.memory_space<semaphore_mem>>
      %dma_start3A_116 = arith.constant 0 : i32
      %dma_start3A_117 = arith.constant 0 : i32
      %dma_start3A_118 = tpu.memref_slice %arg3[%arg0, %arg1, %dma_start3A_116, %dma_start3A_117] : memref<2x16x125x80xi32, #tpu.memory_space<hbm>> -> memref<1x1x125x80xi32, #tpu.memory_space<hbm>>
      %dma_start3A_119 = tpu.memref_squeeze %dma_start3A_118 : memref<1x1x125x80xi32, #tpu.memory_space<hbm>> -> memref<125x80xi32, #tpu.memory_space<hbm>>
      %dma_start3A_120 = arith.constant 0 : i32
      %dma_start3A_121 = arith.constant 0 : i32
      %dma_start3A_122 = tpu.memref_slice %arg3[%arg0, %arg1, %dma_start3A_120, %dma_start3A_121] : memref<2x16x125x80xi32, #tpu.memory_space<hbm>> -> memref<1x1x125x80xi32, #tpu.memory_space<hbm>>
      %dma_start3A_123 = tpu.memref_squeeze %dma_start3A_122 : memref<1x1x125x80xi32, #tpu.memory_space<hbm>> -> memref<125x80xi32, #tpu.memory_space<hbm>>
      tpu.enqueue_dma source(%dma_start3A_123 : memref<125x80xi32, #tpu.memory_space<hbm>>) target(%arg6 : memref<125x80xi32, #tpu.memory_space<vmem>>) target_semaphore(%run_scoped3A : memref<!tpu.dma_semaphore, #tpu.memory_space<semaphore_mem>>)
      %dma_wait3A_124 = arith.constant 0 : i32
      %dma_wait3A_125 = arith.constant 0 : i32
      %dma_wait3A_126 = tpu.memref_slice %arg3[%arg0, %arg1, %dma_wait3A_124, %dma_wait3A_125] : memref<2x16x125x80xi32, #tpu.memory_space<hbm>> -> memref<1x1x125x80xi32, #tpu.memory_space<hbm>>
      %dma_wait3A_127 = tpu.memref_squeeze %dma_wait3A_126 : memref<1x1x125x80xi32, #tpu.memory_space<hbm>> -> memref<125x80xi32, #tpu.memory_space<hbm>>
      %dma_wait3A_128 = arith.constant 0 : i32
      %dma_wait3A_129 = arith.constant 0 : i32
      %dma_wait3A_130 = tpu.memref_slice %arg3[%arg0, %arg1, %dma_wait3A_128, %dma_wait3A_129] : memref<2x16x125x80xi32, #tpu.memory_space<hbm>> -> memref<1x1x125x80xi32, #tpu.memory_space<hbm>>
      %dma_wait3A_131 = tpu.memref_squeeze %dma_wait3A_130 : memref<1x1x125x80xi32, #tpu.memory_space<hbm>> -> memref<125x80xi32, #tpu.memory_space<hbm>>
      tpu.wait_dma2 semaphore(%run_scoped3A : memref<!tpu.dma_semaphore, #tpu.memory_space<semaphore_mem>>) src(%dma_wait3A_131 : memref<125x80xi32, #tpu.memory_space<hbm>>) dst(%arg6 : memref<125x80xi32, #tpu.memory_space<vmem>>)
      tpu.yield
    }) : () -> ()
    %mul3A_3 = arith.constant 624 : i32
    %mul3A_4 = arith.muli %arg1, %mul3A_3 : i32
    %mul3A_5 = arith.constant 624 : i32
    %mul3A_6 = arith.muli %arg1, %mul3A_5 : i32
    "tpu.region"() ({
      %run_scoped3A = tpu.sem_alloc : memref<!tpu.dma_semaphore, #tpu.memory_space<semaphore_mem>>
      %dma_start3A_116 = arith.constant 0 : i32
      %dma_start3A_117 = tpu.memref_slice %arg10[%mul3A_6, %dma_start3A_116] : memref<10000x80xf32, #tpu.memory_space<vmem_shared>> -> memref<624x80xf32, #tpu.memory_space<vmem_shared>>
      %dma_start3A_118 = arith.constant 0 : i32
      %dma_start3A_119 = tpu.memref_slice %arg4[%mul3A_4, %dma_start3A_118] : memref<10000x80xf32, #tpu.memory_space<hbm>> -> memref<624x80xf32, #tpu.memory_space<hbm>>
      tpu.enqueue_dma source(%dma_start3A_119 : memref<624x80xf32, #tpu.memory_space<hbm>>) target(%dma_start3A_117 : memref<624x80xf32, #tpu.memory_space<vmem_shared>>) target_semaphore(%run_scoped3A : memref<!tpu.dma_semaphore, #tpu.memory_space<semaphore_mem>>)
      %dma_wait3A_120 = arith.constant 0 : i32
      %dma_wait3A_121 = tpu.memref_slice %arg10[%mul3A_6, %dma_wait3A_120] : memref<10000x80xf32, #tpu.memory_space<vmem_shared>> -> memref<624x80xf32, #tpu.memory_space<vmem_shared>>
      %dma_wait3A_122 = arith.constant 0 : i32
      %dma_wait3A_123 = tpu.memref_slice %arg4[%mul3A_4, %dma_wait3A_122] : memref<10000x80xf32, #tpu.memory_space<hbm>> -> memref<624x80xf32, #tpu.memory_space<hbm>>
      tpu.wait_dma2 semaphore(%run_scoped3A : memref<!tpu.dma_semaphore, #tpu.memory_space<semaphore_mem>>) src(%dma_wait3A_123 : memref<624x80xf32, #tpu.memory_space<hbm>>) dst(%dma_wait3A_121 : memref<624x80xf32, #tpu.memory_space<vmem_shared>>)
      tpu.yield
    }) : () -> ()
    %eq3A = arith.constant 0 : i32
    %eq3A_7 = arith.cmpi eq, %arg1, %eq3A : i32
    %convert_element_type3A = arith.extui %eq3A_7 : i1 to i32
    %cond3A = arith.constant 0 : i32
    %cond3A_8 = arith.cmpi ne, %convert_element_type3A, %cond3A : i32
    scf.if %cond3A_8 {
      "tpu.region"() ({
        %run_scoped3A = tpu.sem_alloc : memref<!tpu.dma_semaphore, #tpu.memory_space<semaphore_mem>>
        %dma_start3A_116 = arith.constant 9984 : i32
        %dma_start3A_117 = arith.constant 0 : i32
        %dma_start3A_118 = tpu.memref_slice %arg10[%dma_start3A_116, %dma_start3A_117] : memref<10000x80xf32, #tpu.memory_space<vmem_shared>> -> memref<16x80xf32, #tpu.memory_space<vmem_shared>>
        %dma_start3A_119 = arith.constant 9984 : i32
        %dma_start3A_120 = arith.constant 0 : i32
        %dma_start3A_121 = tpu.memref_slice %arg4[%dma_start3A_119, %dma_start3A_120] : memref<10000x80xf32, #tpu.memory_space<hbm>> -> memref<16x80xf32, #tpu.memory_space<hbm>>
        tpu.enqueue_dma source(%dma_start3A_121 : memref<16x80xf32, #tpu.memory_space<hbm>>) target(%dma_start3A_118 : memref<16x80xf32, #tpu.memory_space<vmem_shared>>) target_semaphore(%run_scoped3A : memref<!tpu.dma_semaphore, #tpu.memory_space<semaphore_mem>>)
        %dma_wait3A_122 = arith.constant 9984 : i32
        %dma_wait3A_123 = arith.constant 0 : i32
        %dma_wait3A_124 = tpu.memref_slice %arg10[%dma_wait3A_122, %dma_wait3A_123] : memref<10000x80xf32, #tpu.memory_space<vmem_shared>> -> memref<16x80xf32, #tpu.memory_space<vmem_shared>>
        %dma_wait3A_125 = arith.constant 9984 : i32
        %dma_wait3A_126 = arith.constant 0 : i32
        %dma_wait3A_127 = tpu.memref_slice %arg4[%dma_wait3A_125, %dma_wait3A_126] : memref<10000x80xf32, #tpu.memory_space<hbm>> -> memref<16x80xf32, #tpu.memory_space<hbm>>
        tpu.wait_dma2 semaphore(%run_scoped3A : memref<!tpu.dma_semaphore, #tpu.memory_space<semaphore_mem>>) src(%dma_wait3A_127 : memref<16x80xf32, #tpu.memory_space<hbm>>) dst(%dma_wait3A_124 : memref<16x80xf32, #tpu.memory_space<vmem_shared>>)
        tpu.yield
      }) : () -> ()
    } else {
    }
    %barrier3A = arith.constant 0 : index
    tpu.barrier barrier_id(%barrier3A)
    %add3A_9 = arith.constant 0 : i32
    %add3A_10 = arith.addi %mul3A_2, %add3A_9 : i32
    %dma_start3A = arith.constant 0 : i32
    %dma_start3A_11 = tpu.memref_slice %arg2[%add3A_10, %dma_start3A] : memref<320000x80xf32, #tpu.memory_space<hbm>> -> memref<80x80xf32, #tpu.memory_space<hbm>>
    %dma_start3A_12 = arith.constant 0 : i32
    %dma_start3A_13 = tpu.memref_slice %arg2[%add3A_10, %dma_start3A_12] : memref<320000x80xf32, #tpu.memory_space<hbm>> -> memref<80x80xf32, #tpu.memory_space<hbm>>
    tpu.enqueue_dma source(%dma_start3A_13 : memref<80x80xf32, #tpu.memory_space<hbm>>) target(%arg7 : memref<80x80xf32, #tpu.memory_space<vmem>>) target_semaphore(%arg11 : memref<!tpu.dma_semaphore, #tpu.memory_space<semaphore_mem>>)
    %add3A_14 = arith.constant 80 : i32
    %add3A_15 = arith.addi %mul3A_2, %add3A_14 : i32
    %dma_start3A_16 = arith.constant 0 : i32
    %dma_start3A_17 = tpu.memref_slice %arg2[%add3A_15, %dma_start3A_16] : memref<320000x80xf32, #tpu.memory_space<hbm>> -> memref<80x80xf32, #tpu.memory_space<hbm>>
    %dma_start3A_18 = arith.constant 0 : i32
    %dma_start3A_19 = tpu.memref_slice %arg2[%add3A_15, %dma_start3A_18] : memref<320000x80xf32, #tpu.memory_space<hbm>> -> memref<80x80xf32, #tpu.memory_space<hbm>>
    tpu.enqueue_dma source(%dma_start3A_19 : memref<80x80xf32, #tpu.memory_space<hbm>>) target(%arg8 : memref<80x80xf32, #tpu.memory_space<vmem>>) target_semaphore(%arg12 : memref<!tpu.dma_semaphore, #tpu.memory_space<semaphore_mem>>)
    %add3A_20 = arith.constant 160 : i32
    %add3A_21 = arith.addi %mul3A_2, %add3A_20 : i32
    %dma_start3A_22 = arith.constant 0 : i32
    %dma_start3A_23 = tpu.memref_slice %arg2[%add3A_21, %dma_start3A_22] : memref<320000x80xf32, #tpu.memory_space<hbm>> -> memref<80x80xf32, #tpu.memory_space<hbm>>
    %dma_start3A_24 = arith.constant 0 : i32
    %dma_start3A_25 = tpu.memref_slice %arg2[%add3A_21, %dma_start3A_24] : memref<320000x80xf32, #tpu.memory_space<hbm>> -> memref<80x80xf32, #tpu.memory_space<hbm>>
    tpu.enqueue_dma source(%dma_start3A_25 : memref<80x80xf32, #tpu.memory_space<hbm>>) target(%arg9 : memref<80x80xf32, #tpu.memory_space<vmem>>) target_semaphore(%arg13 : memref<!tpu.dma_semaphore, #tpu.memory_space<semaphore_mem>>)
    %scan3A = arith.constant 0 : i32
    %scan3A_26 = arith.constant 0 : i32
    %scan3A_27 = arith.constant 41 : i32
    %scan3A_28 = arith.addi %scan3A_26, %scan3A_27 : i32
    %scan3A_29 = arith.constant 1 : i32
    scf.for %scan3A_116 = %scan3A_26 to %scan3A_28 step %scan3A_29  : i32 {
      %mul3A_117 = arith.constant 3 : i32
      %mul3A_118 = arith.muli %mul3A_117, %scan3A_116 : i32
      %add3A_119 = arith.constant 0 : i32
      %add3A_120 = arith.addi %mul3A_118, %add3A_119 : i32
      %mul3A_121 = arith.constant 80 : i32
      %mul3A_122 = arith.muli %add3A_120, %mul3A_121 : i32
      %add3A_123 = arith.addi %mul3A_2, %mul3A_122 : i32
      %dma_wait3A_124 = arith.constant 0 : i32
      %dma_wait3A_125 = tpu.memref_slice %arg2[%add3A_123, %dma_wait3A_124] : memref<320000x80xf32, #tpu.memory_space<hbm>> -> memref<80x80xf32, #tpu.memory_space<hbm>>
      %dma_wait3A_126 = arith.constant 0 : i32
      %dma_wait3A_127 = tpu.memref_slice %arg2[%add3A_123, %dma_wait3A_126] : memref<320000x80xf32, #tpu.memory_space<hbm>> -> memref<80x80xf32, #tpu.memory_space<hbm>>
      tpu.wait_dma2 semaphore(%arg11 : memref<!tpu.dma_semaphore, #tpu.memory_space<semaphore_mem>>) src(%dma_wait3A_127 : memref<80x80xf32, #tpu.memory_space<hbm>>) dst(%arg7 : memref<80x80xf32, #tpu.memory_space<vmem>>)
      %mul3A_128 = arith.constant 3 : i32
      %mul3A_129 = arith.muli %mul3A_128, %scan3A_116 : i32
      %add3A_130 = arith.constant 0 : i32
      %add3A_131 = arith.addi %mul3A_129, %add3A_130 : i32
      %dma_start3A_132 = arith.constant 0 : i32
      %dma_start3A_133 = tpu.memref_slice %arg6[%add3A_131, %dma_start3A_132] : memref<125x80xi32, #tpu.memory_space<vmem>> -> memref<1x80xi32, #tpu.memory_space<vmem>>
      %dma_start3A_134 = tpu.memref_squeeze %dma_start3A_133 : memref<1x80xi32, #tpu.memory_space<vmem>> -> memref<80xi32, #tpu.memory_space<vmem>>
      %dma_start3A_135 = arith.constant 0 : i32
      %dma_start3A_136 = arith.constant 0 : i32
      %dma_start3A_137 = tpu.memref_slice %arg10[%dma_start3A_135, %dma_start3A_136] : memref<10000x80xf32, #tpu.memory_space<vmem_shared>> -> memref<10000x80xf32, #tpu.memory_space<vmem_shared>>
      tpu.enqueue_indirect_dma source(%arg7 : memref<80x80xf32, #tpu.memory_space<vmem>>) target(%dma_start3A_137 : memref<10000x80xf32, #tpu.memory_space<vmem_shared>>) offsets(%dma_start3A_134 : memref<80xi32, #tpu.memory_space<vmem>>) semaphore(%arg14 : memref<!tpu.dma_semaphore, #tpu.memory_space<semaphore_mem>>) {add = true}
      %mul3A_138 = arith.constant 3 : i32
      %mul3A_139 = arith.muli %mul3A_138, %scan3A_116 : i32
      %add3A_140 = arith.constant 1 : i32
      %add3A_141 = arith.addi %mul3A_139, %add3A_140 : i32
      %mul3A_142 = arith.constant 80 : i32
      %mul3A_143 = arith.muli %add3A_141, %mul3A_142 : i32
      %add3A_144 = arith.addi %mul3A_2, %mul3A_143 : i32
      %dma_wait3A_145 = arith.constant 0 : i32
      %dma_wait3A_146 = tpu.memref_slice %arg2[%add3A_144, %dma_wait3A_145] : memref<320000x80xf32, #tpu.memory_space<hbm>> -> memref<80x80xf32, #tpu.memory_space<hbm>>
      %dma_wait3A_147 = arith.constant 0 : i32
      %dma_wait3A_148 = tpu.memref_slice %arg2[%add3A_144, %dma_wait3A_147] : memref<320000x80xf32, #tpu.memory_space<hbm>> -> memref<80x80xf32, #tpu.memory_space<hbm>>
      tpu.wait_dma2 semaphore(%arg12 : memref<!tpu.dma_semaphore, #tpu.memory_space<semaphore_mem>>) src(%dma_wait3A_148 : memref<80x80xf32, #tpu.memory_space<hbm>>) dst(%arg8 : memref<80x80xf32, #tpu.memory_space<vmem>>)
      %mul3A_149 = arith.constant 3 : i32
      %mul3A_150 = arith.muli %mul3A_149, %scan3A_116 : i32
      %add3A_151 = arith.constant 1 : i32
      %add3A_152 = arith.addi %mul3A_150, %add3A_151 : i32
      %dma_start3A_153 = arith.constant 0 : i32
      %dma_start3A_154 = tpu.memref_slice %arg6[%add3A_152, %dma_start3A_153] : memref<125x80xi32, #tpu.memory_space<vmem>> -> memref<1x80xi32, #tpu.memory_space<vmem>>
      %dma_start3A_155 = tpu.memref_squeeze %dma_start3A_154 : memref<1x80xi32, #tpu.memory_space<vmem>> -> memref<80xi32, #tpu.memory_space<vmem>>
      %dma_start3A_156 = arith.constant 0 : i32
      %dma_start3A_157 = arith.constant 0 : i32
      %dma_start3A_158 = tpu.memref_slice %arg10[%dma_start3A_156, %dma_start3A_157] : memref<10000x80xf32, #tpu.memory_space<vmem_shared>> -> memref<10000x80xf32, #tpu.memory_space<vmem_shared>>
      tpu.enqueue_indirect_dma source(%arg8 : memref<80x80xf32, #tpu.memory_space<vmem>>) target(%dma_start3A_158 : memref<10000x80xf32, #tpu.memory_space<vmem_shared>>) offsets(%dma_start3A_155 : memref<80xi32, #tpu.memory_space<vmem>>) semaphore(%arg15 : memref<!tpu.dma_semaphore, #tpu.memory_space<semaphore_mem>>) {add = true}
      %mul3A_159 = arith.constant 3 : i32
      %mul3A_160 = arith.muli %mul3A_159, %scan3A_116 : i32
      %add3A_161 = arith.constant 2 : i32
      %add3A_162 = arith.addi %mul3A_160, %add3A_161 : i32
      %mul3A_163 = arith.constant 80 : i32
      %mul3A_164 = arith.muli %add3A_162, %mul3A_163 : i32
      %add3A_165 = arith.addi %mul3A_2, %mul3A_164 : i32
      %dma_wait3A_166 = arith.constant 0 : i32
      %dma_wait3A_167 = tpu.memref_slice %arg2[%add3A_165, %dma_wait3A_166] : memref<320000x80xf32, #tpu.memory_space<hbm>> -> memref<80x80xf32, #tpu.memory_space<hbm>>
      %dma_wait3A_168 = arith.constant 0 : i32
      %dma_wait3A_169 = tpu.memref_slice %arg2[%add3A_165, %dma_wait3A_168] : memref<320000x80xf32, #tpu.memory_space<hbm>> -> memref<80x80xf32, #tpu.memory_space<hbm>>
      tpu.wait_dma2 semaphore(%arg13 : memref<!tpu.dma_semaphore, #tpu.memory_space<semaphore_mem>>) src(%dma_wait3A_169 : memref<80x80xf32, #tpu.memory_space<hbm>>) dst(%arg9 : memref<80x80xf32, #tpu.memory_space<vmem>>)
      %mul3A_170 = arith.constant 3 : i32
      %mul3A_171 = arith.muli %mul3A_170, %scan3A_116 : i32
      %add3A_172 = arith.constant 2 : i32
      %add3A_173 = arith.addi %mul3A_171, %add3A_172 : i32
      %dma_start3A_174 = arith.constant 0 : i32
      %dma_start3A_175 = tpu.memref_slice %arg6[%add3A_173, %dma_start3A_174] : memref<125x80xi32, #tpu.memory_space<vmem>> -> memref<1x80xi32, #tpu.memory_space<vmem>>
      %dma_start3A_176 = tpu.memref_squeeze %dma_start3A_175 : memref<1x80xi32, #tpu.memory_space<vmem>> -> memref<80xi32, #tpu.memory_space<vmem>>
      %dma_start3A_177 = arith.constant 0 : i32
      %dma_start3A_178 = arith.constant 0 : i32
      %dma_start3A_179 = tpu.memref_slice %arg10[%dma_start3A_177, %dma_start3A_178] : memref<10000x80xf32, #tpu.memory_space<vmem_shared>> -> memref<10000x80xf32, #tpu.memory_space<vmem_shared>>
      tpu.enqueue_indirect_dma source(%arg9 : memref<80x80xf32, #tpu.memory_space<vmem>>) target(%dma_start3A_179 : memref<10000x80xf32, #tpu.memory_space<vmem_shared>>) offsets(%dma_start3A_176 : memref<80xi32, #tpu.memory_space<vmem>>) semaphore(%arg16 : memref<!tpu.dma_semaphore, #tpu.memory_space<semaphore_mem>>) {add = true}
      %lt3A = arith.constant 40 : i32
      %lt3A_180 = arith.cmpi slt, %scan3A_116, %lt3A : i32
      %convert_element_type3A_181 = arith.extui %lt3A_180 : i1 to i32
      %cond3A_182 = arith.constant 0 : i32
      %cond3A_183 = arith.cmpi ne, %convert_element_type3A_181, %cond3A_182 : i32
      scf.if %cond3A_183 {
        %mul3A_184 = arith.constant 3 : i32
        %mul3A_185 = arith.muli %mul3A_184, %scan3A_116 : i32
        %add3A_186 = arith.constant 0 : i32
        %add3A_187 = arith.addi %mul3A_185, %add3A_186 : i32
        %dma_wait3A_188 = arith.constant 0 : i32
        %dma_wait3A_189 = tpu.memref_slice %arg6[%add3A_187, %dma_wait3A_188] : memref<125x80xi32, #tpu.memory_space<vmem>> -> memref<1x80xi32, #tpu.memory_space<vmem>>
        %dma_wait3A_190 = tpu.memref_squeeze %dma_wait3A_189 : memref<1x80xi32, #tpu.memory_space<vmem>> -> memref<80xi32, #tpu.memory_space<vmem>>
        %dma_wait3A_191 = arith.constant 0 : i32
        %dma_wait3A_192 = arith.constant 0 : i32
        %dma_wait3A_193 = tpu.memref_slice %arg10[%dma_wait3A_191, %dma_wait3A_192] : memref<10000x80xf32, #tpu.memory_space<vmem_shared>> -> memref<10000x80xf32, #tpu.memory_space<vmem_shared>>
        tpu.wait_indirect_dma semaphore(%arg14 : memref<!tpu.dma_semaphore, #tpu.memory_space<semaphore_mem>>) src(%arg7 : memref<80x80xf32, #tpu.memory_space<vmem>>) dst(%dma_wait3A_193 : memref<10000x80xf32, #tpu.memory_space<vmem_shared>>)
        %mul3A_194 = arith.constant 3 : i32
        %mul3A_195 = arith.muli %mul3A_194, %scan3A_116 : i32
        %add3A_196 = arith.constant 3 : i32
        %add3A_197 = arith.addi %mul3A_195, %add3A_196 : i32
        %add3A_198 = arith.constant 0 : i32
        %add3A_199 = arith.addi %add3A_197, %add3A_198 : i32
        %mul3A_200 = arith.constant 80 : i32
        %mul3A_201 = arith.muli %add3A_199, %mul3A_200 : i32
        %add3A_202 = arith.addi %mul3A_2, %mul3A_201 : i32
        %dma_start3A_203 = arith.constant 0 : i32
        %dma_start3A_204 = tpu.memref_slice %arg2[%add3A_202, %dma_start3A_203] : memref<320000x80xf32, #tpu.memory_space<hbm>> -> memref<80x80xf32, #tpu.memory_space<hbm>>
        %dma_start3A_205 = arith.constant 0 : i32
        %dma_start3A_206 = tpu.memref_slice %arg2[%add3A_202, %dma_start3A_205] : memref<320000x80xf32, #tpu.memory_space<hbm>> -> memref<80x80xf32, #tpu.memory_space<hbm>>
        tpu.enqueue_dma source(%dma_start3A_206 : memref<80x80xf32, #tpu.memory_space<hbm>>) target(%arg7 : memref<80x80xf32, #tpu.memory_space<vmem>>) target_semaphore(%arg11 : memref<!tpu.dma_semaphore, #tpu.memory_space<semaphore_mem>>)
        %mul3A_207 = arith.constant 3 : i32
        %mul3A_208 = arith.muli %mul3A_207, %scan3A_116 : i32
        %add3A_209 = arith.constant 1 : i32
        %add3A_210 = arith.addi %mul3A_208, %add3A_209 : i32
        %dma_wait3A_211 = arith.constant 0 : i32
        %dma_wait3A_212 = tpu.memref_slice %arg6[%add3A_210, %dma_wait3A_211] : memref<125x80xi32, #tpu.memory_space<vmem>> -> memref<1x80xi32, #tpu.memory_space<vmem>>
        %dma_wait3A_213 = tpu.memref_squeeze %dma_wait3A_212 : memref<1x80xi32, #tpu.memory_space<vmem>> -> memref<80xi32, #tpu.memory_space<vmem>>
        %dma_wait3A_214 = arith.constant 0 : i32
        %dma_wait3A_215 = arith.constant 0 : i32
        %dma_wait3A_216 = tpu.memref_slice %arg10[%dma_wait3A_214, %dma_wait3A_215] : memref<10000x80xf32, #tpu.memory_space<vmem_shared>> -> memref<10000x80xf32, #tpu.memory_space<vmem_shared>>
        tpu.wait_indirect_dma semaphore(%arg15 : memref<!tpu.dma_semaphore, #tpu.memory_space<semaphore_mem>>) src(%arg8 : memref<80x80xf32, #tpu.memory_space<vmem>>) dst(%dma_wait3A_216 : memref<10000x80xf32, #tpu.memory_space<vmem_shared>>)
        %mul3A_217 = arith.constant 3 : i32
        %mul3A_218 = arith.muli %mul3A_217, %scan3A_116 : i32
        %add3A_219 = arith.constant 3 : i32
        %add3A_220 = arith.addi %mul3A_218, %add3A_219 : i32
        %add3A_221 = arith.constant 1 : i32
        %add3A_222 = arith.addi %add3A_220, %add3A_221 : i32
        %mul3A_223 = arith.constant 80 : i32
        %mul3A_224 = arith.muli %add3A_222, %mul3A_223 : i32
        %add3A_225 = arith.addi %mul3A_2, %mul3A_224 : i32
        %dma_start3A_226 = arith.constant 0 : i32
        %dma_start3A_227 = tpu.memref_slice %arg2[%add3A_225, %dma_start3A_226] : memref<320000x80xf32, #tpu.memory_space<hbm>> -> memref<80x80xf32, #tpu.memory_space<hbm>>
        %dma_start3A_228 = arith.constant 0 : i32
        %dma_start3A_229 = tpu.memref_slice %arg2[%add3A_225, %dma_start3A_228] : memref<320000x80xf32, #tpu.memory_space<hbm>> -> memref<80x80xf32, #tpu.memory_space<hbm>>
        tpu.enqueue_dma source(%dma_start3A_229 : memref<80x80xf32, #tpu.memory_space<hbm>>) target(%arg8 : memref<80x80xf32, #tpu.memory_space<vmem>>) target_semaphore(%arg12 : memref<!tpu.dma_semaphore, #tpu.memory_space<semaphore_mem>>)
        %mul3A_230 = arith.constant 3 : i32
        %mul3A_231 = arith.muli %mul3A_230, %scan3A_116 : i32
        %add3A_232 = arith.constant 2 : i32
        %add3A_233 = arith.addi %mul3A_231, %add3A_232 : i32
        %dma_wait3A_234 = arith.constant 0 : i32
        %dma_wait3A_235 = tpu.memref_slice %arg6[%add3A_233, %dma_wait3A_234] : memref<125x80xi32, #tpu.memory_space<vmem>> -> memref<1x80xi32, #tpu.memory_space<vmem>>
        %dma_wait3A_236 = tpu.memref_squeeze %dma_wait3A_235 : memref<1x80xi32, #tpu.memory_space<vmem>> -> memref<80xi32, #tpu.memory_space<vmem>>
        %dma_wait3A_237 = arith.constant 0 : i32
        %dma_wait3A_238 = arith.constant 0 : i32
        %dma_wait3A_239 = tpu.memref_slice %arg10[%dma_wait3A_237, %dma_wait3A_238] : memref<10000x80xf32, #tpu.memory_space<vmem_shared>> -> memref<10000x80xf32, #tpu.memory_space<vmem_shared>>
        tpu.wait_indirect_dma semaphore(%arg16 : memref<!tpu.dma_semaphore, #tpu.memory_space<semaphore_mem>>) src(%arg9 : memref<80x80xf32, #tpu.memory_space<vmem>>) dst(%dma_wait3A_239 : memref<10000x80xf32, #tpu.memory_space<vmem_shared>>)
        %mul3A_240 = arith.constant 3 : i32
        %mul3A_241 = arith.muli %mul3A_240, %scan3A_116 : i32
        %add3A_242 = arith.constant 3 : i32
        %add3A_243 = arith.addi %mul3A_241, %add3A_242 : i32
        %add3A_244 = arith.constant 2 : i32
        %add3A_245 = arith.addi %add3A_243, %add3A_244 : i32
        %mul3A_246 = arith.constant 80 : i32
        %mul3A_247 = arith.muli %add3A_245, %mul3A_246 : i32
        %add3A_248 = arith.addi %mul3A_2, %mul3A_247 : i32
        %dma_start3A_249 = arith.constant 0 : i32
        %dma_start3A_250 = tpu.memref_slice %arg2[%add3A_248, %dma_start3A_249] : memref<320000x80xf32, #tpu.memory_space<hbm>> -> memref<80x80xf32, #tpu.memory_space<hbm>>
        %dma_start3A_251 = arith.constant 0 : i32
        %dma_start3A_252 = tpu.memref_slice %arg2[%add3A_248, %dma_start3A_251] : memref<320000x80xf32, #tpu.memory_space<hbm>> -> memref<80x80xf32, #tpu.memory_space<hbm>>
        tpu.enqueue_dma source(%dma_start3A_252 : memref<80x80xf32, #tpu.memory_space<hbm>>) target(%arg9 : memref<80x80xf32, #tpu.memory_space<vmem>>) target_semaphore(%arg13 : memref<!tpu.dma_semaphore, #tpu.memory_space<semaphore_mem>>)
      } else {
      }
    }
    %scan3A_30 = arith.constant 41 : i32
    %dma_wait3A = arith.constant 120 : i32
    %dma_wait3A_31 = arith.constant 0 : i32
    %dma_wait3A_32 = tpu.memref_slice %arg6[%dma_wait3A, %dma_wait3A_31] : memref<125x80xi32, #tpu.memory_space<vmem>> -> memref<1x80xi32, #tpu.memory_space<vmem>>
    %dma_wait3A_33 = tpu.memref_squeeze %dma_wait3A_32 : memref<1x80xi32, #tpu.memory_space<vmem>> -> memref<80xi32, #tpu.memory_space<vmem>>
    %dma_wait3A_34 = arith.constant 0 : i32
    %dma_wait3A_35 = arith.constant 0 : i32
    %dma_wait3A_36 = tpu.memref_slice %arg10[%dma_wait3A_34, %dma_wait3A_35] : memref<10000x80xf32, #tpu.memory_space<vmem_shared>> -> memref<10000x80xf32, #tpu.memory_space<vmem_shared>>
    tpu.wait_indirect_dma semaphore(%arg14 : memref<!tpu.dma_semaphore, #tpu.memory_space<semaphore_mem>>) src(%arg7 : memref<80x80xf32, #tpu.memory_space<vmem>>) dst(%dma_wait3A_36 : memref<10000x80xf32, #tpu.memory_space<vmem_shared>>)
    %dma_wait3A_37 = arith.constant 121 : i32
    %dma_wait3A_38 = arith.constant 0 : i32
    %dma_wait3A_39 = tpu.memref_slice %arg6[%dma_wait3A_37, %dma_wait3A_38] : memref<125x80xi32, #tpu.memory_space<vmem>> -> memref<1x80xi32, #tpu.memory_space<vmem>>
    %dma_wait3A_40 = tpu.memref_squeeze %dma_wait3A_39 : memref<1x80xi32, #tpu.memory_space<vmem>> -> memref<80xi32, #tpu.memory_space<vmem>>
    %dma_wait3A_41 = arith.constant 0 : i32
    %dma_wait3A_42 = arith.constant 0 : i32
    %dma_wait3A_43 = tpu.memref_slice %arg10[%dma_wait3A_41, %dma_wait3A_42] : memref<10000x80xf32, #tpu.memory_space<vmem_shared>> -> memref<10000x80xf32, #tpu.memory_space<vmem_shared>>
    tpu.wait_indirect_dma semaphore(%arg15 : memref<!tpu.dma_semaphore, #tpu.memory_space<semaphore_mem>>) src(%arg8 : memref<80x80xf32, #tpu.memory_space<vmem>>) dst(%dma_wait3A_43 : memref<10000x80xf32, #tpu.memory_space<vmem_shared>>)
    %dma_wait3A_44 = arith.constant 122 : i32
    %dma_wait3A_45 = arith.constant 0 : i32
    %dma_wait3A_46 = tpu.memref_slice %arg6[%dma_wait3A_44, %dma_wait3A_45] : memref<125x80xi32, #tpu.memory_space<vmem>> -> memref<1x80xi32, #tpu.memory_space<vmem>>
    %dma_wait3A_47 = tpu.memref_squeeze %dma_wait3A_46 : memref<1x80xi32, #tpu.memory_space<vmem>> -> memref<80xi32, #tpu.memory_space<vmem>>
    %dma_wait3A_48 = arith.constant 0 : i32
    %dma_wait3A_49 = arith.constant 0 : i32
    %dma_wait3A_50 = tpu.memref_slice %arg10[%dma_wait3A_48, %dma_wait3A_49] : memref<10000x80xf32, #tpu.memory_space<vmem_shared>> -> memref<10000x80xf32, #tpu.memory_space<vmem_shared>>
    tpu.wait_indirect_dma semaphore(%arg16 : memref<!tpu.dma_semaphore, #tpu.memory_space<semaphore_mem>>) src(%arg9 : memref<80x80xf32, #tpu.memory_space<vmem>>) dst(%dma_wait3A_50 : memref<10000x80xf32, #tpu.memory_space<vmem_shared>>)
    %add3A_51 = arith.constant 9840 : i32
    %add3A_52 = arith.addi %mul3A_2, %add3A_51 : i32
    %dma_start3A_53 = arith.constant 0 : i32
    %dma_start3A_54 = tpu.memref_slice %arg2[%add3A_52, %dma_start3A_53] : memref<320000x80xf32, #tpu.memory_space<hbm>> -> memref<80x80xf32, #tpu.memory_space<hbm>>
    %dma_start3A_55 = arith.constant 0 : i32
    %dma_start3A_56 = tpu.memref_slice %arg2[%add3A_52, %dma_start3A_55] : memref<320000x80xf32, #tpu.memory_space<hbm>> -> memref<80x80xf32, #tpu.memory_space<hbm>>
    tpu.enqueue_dma source(%dma_start3A_56 : memref<80x80xf32, #tpu.memory_space<hbm>>) target(%arg7 : memref<80x80xf32, #tpu.memory_space<vmem>>) target_semaphore(%arg11 : memref<!tpu.dma_semaphore, #tpu.memory_space<semaphore_mem>>)
    %add3A_57 = arith.constant 9840 : i32
    %add3A_58 = arith.addi %mul3A_2, %add3A_57 : i32
    %dma_wait3A_59 = arith.constant 0 : i32
    %dma_wait3A_60 = tpu.memref_slice %arg2[%add3A_58, %dma_wait3A_59] : memref<320000x80xf32, #tpu.memory_space<hbm>> -> memref<80x80xf32, #tpu.memory_space<hbm>>
    %dma_wait3A_61 = arith.constant 0 : i32
    %dma_wait3A_62 = tpu.memref_slice %arg2[%add3A_58, %dma_wait3A_61] : memref<320000x80xf32, #tpu.memory_space<hbm>> -> memref<80x80xf32, #tpu.memory_space<hbm>>
    tpu.wait_dma2 semaphore(%arg11 : memref<!tpu.dma_semaphore, #tpu.memory_space<semaphore_mem>>) src(%dma_wait3A_62 : memref<80x80xf32, #tpu.memory_space<hbm>>) dst(%arg7 : memref<80x80xf32, #tpu.memory_space<vmem>>)
    %dma_start3A_63 = arith.constant 123 : i32
    %dma_start3A_64 = arith.constant 0 : i32
    %dma_start3A_65 = tpu.memref_slice %arg6[%dma_start3A_63, %dma_start3A_64] : memref<125x80xi32, #tpu.memory_space<vmem>> -> memref<1x80xi32, #tpu.memory_space<vmem>>
    %dma_start3A_66 = tpu.memref_squeeze %dma_start3A_65 : memref<1x80xi32, #tpu.memory_space<vmem>> -> memref<80xi32, #tpu.memory_space<vmem>>
    %dma_start3A_67 = arith.constant 0 : i32
    %dma_start3A_68 = arith.constant 0 : i32
    %dma_start3A_69 = tpu.memref_slice %arg10[%dma_start3A_67, %dma_start3A_68] : memref<10000x80xf32, #tpu.memory_space<vmem_shared>> -> memref<10000x80xf32, #tpu.memory_space<vmem_shared>>
    tpu.enqueue_indirect_dma source(%arg7 : memref<80x80xf32, #tpu.memory_space<vmem>>) target(%dma_start3A_69 : memref<10000x80xf32, #tpu.memory_space<vmem_shared>>) offsets(%dma_start3A_66 : memref<80xi32, #tpu.memory_space<vmem>>) semaphore(%arg14 : memref<!tpu.dma_semaphore, #tpu.memory_space<semaphore_mem>>) {add = true}
    %dma_wait3A_70 = arith.constant 123 : i32
    %dma_wait3A_71 = arith.constant 0 : i32
    %dma_wait3A_72 = tpu.memref_slice %arg6[%dma_wait3A_70, %dma_wait3A_71] : memref<125x80xi32, #tpu.memory_space<vmem>> -> memref<1x80xi32, #tpu.memory_space<vmem>>
    %dma_wait3A_73 = tpu.memref_squeeze %dma_wait3A_72 : memref<1x80xi32, #tpu.memory_space<vmem>> -> memref<80xi32, #tpu.memory_space<vmem>>
    %dma_wait3A_74 = arith.constant 0 : i32
    %dma_wait3A_75 = arith.constant 0 : i32
    %dma_wait3A_76 = tpu.memref_slice %arg10[%dma_wait3A_74, %dma_wait3A_75] : memref<10000x80xf32, #tpu.memory_space<vmem_shared>> -> memref<10000x80xf32, #tpu.memory_space<vmem_shared>>
    tpu.wait_indirect_dma semaphore(%arg14 : memref<!tpu.dma_semaphore, #tpu.memory_space<semaphore_mem>>) src(%arg7 : memref<80x80xf32, #tpu.memory_space<vmem>>) dst(%dma_wait3A_76 : memref<10000x80xf32, #tpu.memory_space<vmem_shared>>)
    %add3A_77 = arith.constant 9920 : i32
    %add3A_78 = arith.addi %mul3A_2, %add3A_77 : i32
    %dma_start3A_79 = arith.constant 0 : i32
    %dma_start3A_80 = tpu.memref_slice %arg2[%add3A_78, %dma_start3A_79] : memref<320000x80xf32, #tpu.memory_space<hbm>> -> memref<80x80xf32, #tpu.memory_space<hbm>>
    %dma_start3A_81 = arith.constant 0 : i32
    %dma_start3A_82 = tpu.memref_slice %arg2[%add3A_78, %dma_start3A_81] : memref<320000x80xf32, #tpu.memory_space<hbm>> -> memref<80x80xf32, #tpu.memory_space<hbm>>
    tpu.enqueue_dma source(%dma_start3A_82 : memref<80x80xf32, #tpu.memory_space<hbm>>) target(%arg7 : memref<80x80xf32, #tpu.memory_space<vmem>>) target_semaphore(%arg11 : memref<!tpu.dma_semaphore, #tpu.memory_space<semaphore_mem>>)
    %add3A_83 = arith.constant 9920 : i32
    %add3A_84 = arith.addi %mul3A_2, %add3A_83 : i32
    %dma_wait3A_85 = arith.constant 0 : i32
    %dma_wait3A_86 = tpu.memref_slice %arg2[%add3A_84, %dma_wait3A_85] : memref<320000x80xf32, #tpu.memory_space<hbm>> -> memref<80x80xf32, #tpu.memory_space<hbm>>
    %dma_wait3A_87 = arith.constant 0 : i32
    %dma_wait3A_88 = tpu.memref_slice %arg2[%add3A_84, %dma_wait3A_87] : memref<320000x80xf32, #tpu.memory_space<hbm>> -> memref<80x80xf32, #tpu.memory_space<hbm>>
    tpu.wait_dma2 semaphore(%arg11 : memref<!tpu.dma_semaphore, #tpu.memory_space<semaphore_mem>>) src(%dma_wait3A_88 : memref<80x80xf32, #tpu.memory_space<hbm>>) dst(%arg7 : memref<80x80xf32, #tpu.memory_space<vmem>>)
    %dma_start3A_89 = arith.constant 124 : i32
    %dma_start3A_90 = arith.constant 0 : i32
    %dma_start3A_91 = tpu.memref_slice %arg6[%dma_start3A_89, %dma_start3A_90] : memref<125x80xi32, #tpu.memory_space<vmem>> -> memref<1x80xi32, #tpu.memory_space<vmem>>
    %dma_start3A_92 = tpu.memref_squeeze %dma_start3A_91 : memref<1x80xi32, #tpu.memory_space<vmem>> -> memref<80xi32, #tpu.memory_space<vmem>>
    %dma_start3A_93 = arith.constant 0 : i32
    %dma_start3A_94 = arith.constant 0 : i32
    %dma_start3A_95 = tpu.memref_slice %arg10[%dma_start3A_93, %dma_start3A_94] : memref<10000x80xf32, #tpu.memory_space<vmem_shared>> -> memref<10000x80xf32, #tpu.memory_space<vmem_shared>>
    tpu.enqueue_indirect_dma source(%arg7 : memref<80x80xf32, #tpu.memory_space<vmem>>) target(%dma_start3A_95 : memref<10000x80xf32, #tpu.memory_space<vmem_shared>>) offsets(%dma_start3A_92 : memref<80xi32, #tpu.memory_space<vmem>>) semaphore(%arg14 : memref<!tpu.dma_semaphore, #tpu.memory_space<semaphore_mem>>) {add = true}
    %dma_wait3A_96 = arith.constant 124 : i32
    %dma_wait3A_97 = arith.constant 0 : i32
    %dma_wait3A_98 = tpu.memref_slice %arg6[%dma_wait3A_96, %dma_wait3A_97] : memref<125x80xi32, #tpu.memory_space<vmem>> -> memref<1x80xi32, #tpu.memory_space<vmem>>
    %dma_wait3A_99 = tpu.memref_squeeze %dma_wait3A_98 : memref<1x80xi32, #tpu.memory_space<vmem>> -> memref<80xi32, #tpu.memory_space<vmem>>
    %dma_wait3A_100 = arith.constant 0 : i32
    %dma_wait3A_101 = arith.constant 0 : i32
    %dma_wait3A_102 = tpu.memref_slice %arg10[%dma_wait3A_100, %dma_wait3A_101] : memref<10000x80xf32, #tpu.memory_space<vmem_shared>> -> memref<10000x80xf32, #tpu.memory_space<vmem_shared>>
    tpu.wait_indirect_dma semaphore(%arg14 : memref<!tpu.dma_semaphore, #tpu.memory_space<semaphore_mem>>) src(%arg7 : memref<80x80xf32, #tpu.memory_space<vmem>>) dst(%dma_wait3A_102 : memref<10000x80xf32, #tpu.memory_space<vmem_shared>>)
    %barrier3A_103 = arith.constant 0 : index
    tpu.barrier barrier_id(%barrier3A_103)
    %mul3A_104 = arith.constant 624 : i32
    %mul3A_105 = arith.muli %arg1, %mul3A_104 : i32
    %mul3A_106 = arith.constant 10000 : i32
    %mul3A_107 = arith.muli %arg0, %mul3A_106 : i32
    %mul3A_108 = arith.constant 624 : i32
    %mul3A_109 = arith.muli %arg1, %mul3A_108 : i32
    %add3A_110 = arith.addi %mul3A_107, %mul3A_109 : i32
    "tpu.region"() ({
      %run_scoped3A = tpu.sem_alloc : memref<!tpu.dma_semaphore, #tpu.memory_space<semaphore_mem>>
      %dma_start3A_116 = arith.constant 0 : i32
      %dma_start3A_117 = tpu.memref_slice %arg5[%add3A_110, %dma_start3A_116] : memref<20000x80xf32, #tpu.memory_space<hbm>> -> memref<624x80xf32, #tpu.memory_space<hbm>>
      %dma_start3A_118 = arith.constant 0 : i32
      %dma_start3A_119 = tpu.memref_slice %arg10[%mul3A_105, %dma_start3A_118] : memref<10000x80xf32, #tpu.memory_space<vmem_shared>> -> memref<624x80xf32, #tpu.memory_space<vmem_shared>>
      tpu.enqueue_dma source(%dma_start3A_119 : memref<624x80xf32, #tpu.memory_space<vmem_shared>>) target(%dma_start3A_117 : memref<624x80xf32, #tpu.memory_space<hbm>>) target_semaphore(%run_scoped3A : memref<!tpu.dma_semaphore, #tpu.memory_space<semaphore_mem>>)
      %dma_wait3A_120 = arith.constant 0 : i32
      %dma_wait3A_121 = tpu.memref_slice %arg5[%add3A_110, %dma_wait3A_120] : memref<20000x80xf32, #tpu.memory_space<hbm>> -> memref<624x80xf32, #tpu.memory_space<hbm>>
      %dma_wait3A_122 = arith.constant 0 : i32
      %dma_wait3A_123 = tpu.memref_slice %arg10[%mul3A_105, %dma_wait3A_122] : memref<10000x80xf32, #tpu.memory_space<vmem_shared>> -> memref<624x80xf32, #tpu.memory_space<vmem_shared>>
      tpu.wait_dma2 semaphore(%run_scoped3A : memref<!tpu.dma_semaphore, #tpu.memory_space<semaphore_mem>>) src(%dma_wait3A_123 : memref<624x80xf32, #tpu.memory_space<vmem_shared>>) dst(%dma_wait3A_121 : memref<624x80xf32, #tpu.memory_space<hbm>>)
      tpu.yield
    }) : () -> ()
    %eq3A_111 = arith.constant 0 : i32
    %eq3A_112 = arith.cmpi eq, %arg1, %eq3A_111 : i32
    %convert_element_type3A_113 = arith.extui %eq3A_112 : i1 to i32
    %cond3A_114 = arith.constant 0 : i32
    %cond3A_115 = arith.cmpi ne, %convert_element_type3A_113, %cond3A_114 : i32
    scf.if %cond3A_115 {
      %mul3A_116 = arith.constant 10000 : i32
      %mul3A_117 = arith.muli %arg0, %mul3A_116 : i32
      %add3A_118 = arith.constant 9984 : i32
      %add3A_119 = arith.addi %mul3A_117, %add3A_118 : i32
      "tpu.region"() ({
        %run_scoped3A = tpu.sem_alloc : memref<!tpu.dma_semaphore, #tpu.memory_space<semaphore_mem>>
        %dma_start3A_120 = arith.constant 0 : i32
        %dma_start3A_121 = tpu.memref_slice %arg5[%add3A_119, %dma_start3A_120] : memref<20000x80xf32, #tpu.memory_space<hbm>> -> memref<16x80xf32, #tpu.memory_space<hbm>>
        %dma_start3A_122 = arith.constant 9984 : i32
        %dma_start3A_123 = arith.constant 0 : i32
        %dma_start3A_124 = tpu.memref_slice %arg10[%dma_start3A_122, %dma_start3A_123] : memref<10000x80xf32, #tpu.memory_space<vmem_shared>> -> memref<16x80xf32, #tpu.memory_space<vmem_shared>>
        tpu.enqueue_dma source(%dma_start3A_124 : memref<16x80xf32, #tpu.memory_space<vmem_shared>>) target(%dma_start3A_121 : memref<16x80xf32, #tpu.memory_space<hbm>>) target_semaphore(%run_scoped3A : memref<!tpu.dma_semaphore, #tpu.memory_space<semaphore_mem>>)
        %dma_wait3A_125 = arith.constant 0 : i32
        %dma_wait3A_126 = tpu.memref_slice %arg5[%add3A_119, %dma_wait3A_125] : memref<20000x80xf32, #tpu.memory_space<hbm>> -> memref<16x80xf32, #tpu.memory_space<hbm>>
        %dma_wait3A_127 = arith.constant 9984 : i32
        %dma_wait3A_128 = arith.constant 0 : i32
        %dma_wait3A_129 = tpu.memref_slice %arg10[%dma_wait3A_127, %dma_wait3A_128] : memref<10000x80xf32, #tpu.memory_space<vmem_shared>> -> memref<16x80xf32, #tpu.memory_space<vmem_shared>>
        tpu.wait_dma2 semaphore(%run_scoped3A : memref<!tpu.dma_semaphore, #tpu.memory_space<semaphore_mem>>) src(%dma_wait3A_129 : memref<16x80xf32, #tpu.memory_space<vmem_shared>>) dst(%dma_wait3A_126 : memref<16x80xf32, #tpu.memory_space<hbm>>)
        tpu.yield
      }) : () -> ()
    } else {
    }
    return
  }
}

#map = affine_map<(d0, d1) -> (0, 0)>
#map1 = affine_map<(d0, d1) -> (0, 0, 0, 0)>
#map2 = affine_map<(d0, d1) -> (0, 0, 0)>
module attributes {stable_mosaic.version = 14 : i64} {
  func.func @body(%arg0: i32, %arg1: i32, %arg2: memref<20000x80xf32, #tpu.memory_space<hbm>>, %arg3: memref<2x16x250x80xi32, #tpu.memory_space<hbm>>, %arg4: memref<16x250x80xi32, #tpu.memory_space<hbm>>, %arg5: memref<10000x80xf32, #tpu.memory_space<hbm>>, %arg6: memref<20000x80xf32, #tpu.memory_space<hbm>>, %arg7: memref<250x80xi32, #tpu.memory_space<vmem>>, %arg8: memref<250x80xi32, #tpu.memory_space<vmem>>, %arg9: memref<80x80xf32, #tpu.memory_space<vmem>>, %arg10: memref<80x80xf32, #tpu.memory_space<vmem>>, %arg11: memref<80x80xf32, #tpu.memory_space<vmem>>, %arg12: memref<80x80xf32, #tpu.memory_space<vmem>>, %arg13: memref<80x80xf32, #tpu.memory_space<vmem>>, %arg14: memref<80x80xf32, #tpu.memory_space<vmem>>, %arg15: memref<10000x80xf32, #tpu.memory_space<vmem_shared>>, %arg16: memref<!tpu.dma_semaphore, #tpu.memory_space<semaphore_mem>>, %arg17: memref<!tpu.dma_semaphore, #tpu.memory_space<semaphore_mem>>, %arg18: memref<!tpu.dma_semaphore, #tpu.memory_space<semaphore_mem>>, %arg19: memref<!tpu.dma_semaphore, #tpu.memory_space<semaphore_mem>>, %arg20: memref<!tpu.dma_semaphore, #tpu.memory_space<semaphore_mem>>, %arg21: memref<!tpu.dma_semaphore, #tpu.memory_space<semaphore_mem>>, %arg22: memref<!tpu.dma_semaphore, #tpu.memory_space<semaphore_mem>>, %arg23: memref<!tpu.dma_semaphore, #tpu.memory_space<semaphore_mem>>, %arg24: memref<!tpu.dma_semaphore, #tpu.memory_space<semaphore_mem>>, %arg25: memref<!tpu.dma_semaphore, #tpu.memory_space<semaphore_mem>>, %arg26: memref<!tpu.dma_semaphore, #tpu.memory_space<semaphore_mem>>, %arg27: memref<!tpu.dma_semaphore, #tpu.memory_space<semaphore_mem>>) attributes {dimension_semantics = [#tpu.dimension_semantics<core_parallel>, #tpu.dimension_semantics<subcore_parallel>], iteration_bounds = array<i64: 2, 16>, scalar_prefetch = 0 : i64, scratch_operands = 21 : i64, tpu.core_type = #tpu.core_type<sc_vector_subcore>, window_params = [{transform_indices = #map}, {transform_indices = #map1}, {transform_indices = #map2}, {transform_indices = #map}, {transform_indices = #map}]} {
    "tpu.region"() ({
      %run_scoped3A = tpu.sem_alloc : memref<!tpu.dma_semaphore, #tpu.memory_space<semaphore_mem>>
      %dma_start3A_216 = arith.constant 0 : i32
      %dma_start3A_217 = arith.constant 0 : i32
      %dma_start3A_218 = tpu.memref_slice %arg3[%arg0, %arg1, %dma_start3A_216, %dma_start3A_217] : memref<2x16x250x80xi32, #tpu.memory_space<hbm>> -> memref<1x1x250x80xi32, #tpu.memory_space<hbm>>
      %dma_start3A_219 = tpu.memref_squeeze %dma_start3A_218 : memref<1x1x250x80xi32, #tpu.memory_space<hbm>> -> memref<250x80xi32, #tpu.memory_space<hbm>>
      %dma_start3A_220 = arith.constant 0 : i32
      %dma_start3A_221 = arith.constant 0 : i32
      %dma_start3A_222 = tpu.memref_slice %arg3[%arg0, %arg1, %dma_start3A_220, %dma_start3A_221] : memref<2x16x250x80xi32, #tpu.memory_space<hbm>> -> memref<1x1x250x80xi32, #tpu.memory_space<hbm>>
      %dma_start3A_223 = tpu.memref_squeeze %dma_start3A_222 : memref<1x1x250x80xi32, #tpu.memory_space<hbm>> -> memref<250x80xi32, #tpu.memory_space<hbm>>
      tpu.enqueue_dma source(%dma_start3A_223 : memref<250x80xi32, #tpu.memory_space<hbm>>) target(%arg7 : memref<250x80xi32, #tpu.memory_space<vmem>>) target_semaphore(%run_scoped3A : memref<!tpu.dma_semaphore, #tpu.memory_space<semaphore_mem>>)
      %dma_wait3A_224 = arith.constant 0 : i32
      %dma_wait3A_225 = arith.constant 0 : i32
      %dma_wait3A_226 = tpu.memref_slice %arg3[%arg0, %arg1, %dma_wait3A_224, %dma_wait3A_225] : memref<2x16x250x80xi32, #tpu.memory_space<hbm>> -> memref<1x1x250x80xi32, #tpu.memory_space<hbm>>
      %dma_wait3A_227 = tpu.memref_squeeze %dma_wait3A_226 : memref<1x1x250x80xi32, #tpu.memory_space<hbm>> -> memref<250x80xi32, #tpu.memory_space<hbm>>
      %dma_wait3A_228 = arith.constant 0 : i32
      %dma_wait3A_229 = arith.constant 0 : i32
      %dma_wait3A_230 = tpu.memref_slice %arg3[%arg0, %arg1, %dma_wait3A_228, %dma_wait3A_229] : memref<2x16x250x80xi32, #tpu.memory_space<hbm>> -> memref<1x1x250x80xi32, #tpu.memory_space<hbm>>
      %dma_wait3A_231 = tpu.memref_squeeze %dma_wait3A_230 : memref<1x1x250x80xi32, #tpu.memory_space<hbm>> -> memref<250x80xi32, #tpu.memory_space<hbm>>
      tpu.wait_dma2 semaphore(%run_scoped3A : memref<!tpu.dma_semaphore, #tpu.memory_space<semaphore_mem>>) src(%dma_wait3A_231 : memref<250x80xi32, #tpu.memory_space<hbm>>) dst(%arg7 : memref<250x80xi32, #tpu.memory_space<vmem>>)
      tpu.yield
    }) : () -> ()
    "tpu.region"() ({
      %run_scoped3A = tpu.sem_alloc : memref<!tpu.dma_semaphore, #tpu.memory_space<semaphore_mem>>
      %dma_start3A_216 = arith.constant 0 : i32
      %dma_start3A_217 = arith.constant 0 : i32
      %dma_start3A_218 = tpu.memref_slice %arg4[%arg1, %dma_start3A_216, %dma_start3A_217] : memref<16x250x80xi32, #tpu.memory_space<hbm>> -> memref<1x250x80xi32, #tpu.memory_space<hbm>>
      %dma_start3A_219 = tpu.memref_squeeze %dma_start3A_218 : memref<1x250x80xi32, #tpu.memory_space<hbm>> -> memref<250x80xi32, #tpu.memory_space<hbm>>
      %dma_start3A_220 = arith.constant 0 : i32
      %dma_start3A_221 = arith.constant 0 : i32
      %dma_start3A_222 = tpu.memref_slice %arg4[%arg1, %dma_start3A_220, %dma_start3A_221] : memref<16x250x80xi32, #tpu.memory_space<hbm>> -> memref<1x250x80xi32, #tpu.memory_space<hbm>>
      %dma_start3A_223 = tpu.memref_squeeze %dma_start3A_222 : memref<1x250x80xi32, #tpu.memory_space<hbm>> -> memref<250x80xi32, #tpu.memory_space<hbm>>
      tpu.enqueue_dma source(%dma_start3A_223 : memref<250x80xi32, #tpu.memory_space<hbm>>) target(%arg8 : memref<250x80xi32, #tpu.memory_space<vmem>>) target_semaphore(%run_scoped3A : memref<!tpu.dma_semaphore, #tpu.memory_space<semaphore_mem>>)
      %dma_wait3A_224 = arith.constant 0 : i32
      %dma_wait3A_225 = arith.constant 0 : i32
      %dma_wait3A_226 = tpu.memref_slice %arg4[%arg1, %dma_wait3A_224, %dma_wait3A_225] : memref<16x250x80xi32, #tpu.memory_space<hbm>> -> memref<1x250x80xi32, #tpu.memory_space<hbm>>
      %dma_wait3A_227 = tpu.memref_squeeze %dma_wait3A_226 : memref<1x250x80xi32, #tpu.memory_space<hbm>> -> memref<250x80xi32, #tpu.memory_space<hbm>>
      %dma_wait3A_228 = arith.constant 0 : i32
      %dma_wait3A_229 = arith.constant 0 : i32
      %dma_wait3A_230 = tpu.memref_slice %arg4[%arg1, %dma_wait3A_228, %dma_wait3A_229] : memref<16x250x80xi32, #tpu.memory_space<hbm>> -> memref<1x250x80xi32, #tpu.memory_space<hbm>>
      %dma_wait3A_231 = tpu.memref_squeeze %dma_wait3A_230 : memref<1x250x80xi32, #tpu.memory_space<hbm>> -> memref<250x80xi32, #tpu.memory_space<hbm>>
      tpu.wait_dma2 semaphore(%run_scoped3A : memref<!tpu.dma_semaphore, #tpu.memory_space<semaphore_mem>>) src(%dma_wait3A_231 : memref<250x80xi32, #tpu.memory_space<hbm>>) dst(%arg8 : memref<250x80xi32, #tpu.memory_space<vmem>>)
      tpu.yield
    }) : () -> ()
    %mul3A = arith.constant 624 : i32
    %mul3A_0 = arith.muli %arg1, %mul3A : i32
    %mul3A_1 = arith.constant 624 : i32
    %mul3A_2 = arith.muli %arg1, %mul3A_1 : i32
    "tpu.region"() ({
      %run_scoped3A = tpu.sem_alloc : memref<!tpu.dma_semaphore, #tpu.memory_space<semaphore_mem>>
      %dma_start3A_216 = arith.constant 0 : i32
      %dma_start3A_217 = tpu.memref_slice %arg15[%mul3A_2, %dma_start3A_216] : memref<10000x80xf32, #tpu.memory_space<vmem_shared>> -> memref<624x80xf32, #tpu.memory_space<vmem_shared>>
      %dma_start3A_218 = arith.constant 0 : i32
      %dma_start3A_219 = tpu.memref_slice %arg5[%mul3A_0, %dma_start3A_218] : memref<10000x80xf32, #tpu.memory_space<hbm>> -> memref<624x80xf32, #tpu.memory_space<hbm>>
      tpu.enqueue_dma source(%dma_start3A_219 : memref<624x80xf32, #tpu.memory_space<hbm>>) target(%dma_start3A_217 : memref<624x80xf32, #tpu.memory_space<vmem_shared>>) target_semaphore(%run_scoped3A : memref<!tpu.dma_semaphore, #tpu.memory_space<semaphore_mem>>)
      %dma_wait3A_220 = arith.constant 0 : i32
      %dma_wait3A_221 = tpu.memref_slice %arg15[%mul3A_2, %dma_wait3A_220] : memref<10000x80xf32, #tpu.memory_space<vmem_shared>> -> memref<624x80xf32, #tpu.memory_space<vmem_shared>>
      %dma_wait3A_222 = arith.constant 0 : i32
      %dma_wait3A_223 = tpu.memref_slice %arg5[%mul3A_0, %dma_wait3A_222] : memref<10000x80xf32, #tpu.memory_space<hbm>> -> memref<624x80xf32, #tpu.memory_space<hbm>>
      tpu.wait_dma2 semaphore(%run_scoped3A : memref<!tpu.dma_semaphore, #tpu.memory_space<semaphore_mem>>) src(%dma_wait3A_223 : memref<624x80xf32, #tpu.memory_space<hbm>>) dst(%dma_wait3A_221 : memref<624x80xf32, #tpu.memory_space<vmem_shared>>)
      tpu.yield
    }) : () -> ()
    %eq3A = arith.constant 0 : i32
    %eq3A_3 = arith.cmpi eq, %arg1, %eq3A : i32
    %convert_element_type3A = arith.extui %eq3A_3 : i1 to i32
    %cond3A = arith.constant 0 : i32
    %cond3A_4 = arith.cmpi ne, %convert_element_type3A, %cond3A : i32
    scf.if %cond3A_4 {
      "tpu.region"() ({
        %run_scoped3A = tpu.sem_alloc : memref<!tpu.dma_semaphore, #tpu.memory_space<semaphore_mem>>
        %dma_start3A_216 = arith.constant 9984 : i32
        %dma_start3A_217 = arith.constant 0 : i32
        %dma_start3A_218 = tpu.memref_slice %arg15[%dma_start3A_216, %dma_start3A_217] : memref<10000x80xf32, #tpu.memory_space<vmem_shared>> -> memref<16x80xf32, #tpu.memory_space<vmem_shared>>
        %dma_start3A_219 = arith.constant 9984 : i32
        %dma_start3A_220 = arith.constant 0 : i32
        %dma_start3A_221 = tpu.memref_slice %arg5[%dma_start3A_219, %dma_start3A_220] : memref<10000x80xf32, #tpu.memory_space<hbm>> -> memref<16x80xf32, #tpu.memory_space<hbm>>
        tpu.enqueue_dma source(%dma_start3A_221 : memref<16x80xf32, #tpu.memory_space<hbm>>) target(%dma_start3A_218 : memref<16x80xf32, #tpu.memory_space<vmem_shared>>) target_semaphore(%run_scoped3A : memref<!tpu.dma_semaphore, #tpu.memory_space<semaphore_mem>>)
        %dma_wait3A_222 = arith.constant 9984 : i32
        %dma_wait3A_223 = arith.constant 0 : i32
        %dma_wait3A_224 = tpu.memref_slice %arg15[%dma_wait3A_222, %dma_wait3A_223] : memref<10000x80xf32, #tpu.memory_space<vmem_shared>> -> memref<16x80xf32, #tpu.memory_space<vmem_shared>>
        %dma_wait3A_225 = arith.constant 9984 : i32
        %dma_wait3A_226 = arith.constant 0 : i32
        %dma_wait3A_227 = tpu.memref_slice %arg5[%dma_wait3A_225, %dma_wait3A_226] : memref<10000x80xf32, #tpu.memory_space<hbm>> -> memref<16x80xf32, #tpu.memory_space<hbm>>
        tpu.wait_dma2 semaphore(%run_scoped3A : memref<!tpu.dma_semaphore, #tpu.memory_space<semaphore_mem>>) src(%dma_wait3A_227 : memref<16x80xf32, #tpu.memory_space<hbm>>) dst(%dma_wait3A_224 : memref<16x80xf32, #tpu.memory_space<vmem_shared>>)
        tpu.yield
      }) : () -> ()
    } else {
    }
    %barrier3A = arith.constant 0 : index
    tpu.barrier barrier_id(%barrier3A)
    %dma_start3A = arith.constant 0 : i32
    %dma_start3A_5 = arith.constant 0 : i32
    %dma_start3A_6 = tpu.memref_slice %arg7[%dma_start3A, %dma_start3A_5] : memref<250x80xi32, #tpu.memory_space<vmem>> -> memref<1x80xi32, #tpu.memory_space<vmem>>
    %dma_start3A_7 = tpu.memref_squeeze %dma_start3A_6 : memref<1x80xi32, #tpu.memory_space<vmem>> -> memref<80xi32, #tpu.memory_space<vmem>>
    %dma_start3A_8 = arith.constant 0 : i32
    %dma_start3A_9 = arith.constant 0 : i32
    %dma_start3A_10 = tpu.memref_slice %arg2[%dma_start3A_8, %dma_start3A_9] : memref<20000x80xf32, #tpu.memory_space<hbm>> -> memref<20000x80xf32, #tpu.memory_space<hbm>>
    tpu.enqueue_indirect_dma source(%dma_start3A_10 : memref<20000x80xf32, #tpu.memory_space<hbm>>) target(%arg9 : memref<80x80xf32, #tpu.memory_space<vmem>>) offsets(%dma_start3A_7 : memref<80xi32, #tpu.memory_space<vmem>>) semaphore(%arg16 : memref<!tpu.dma_semaphore, #tpu.memory_space<semaphore_mem>>)
    %dma_start3A_11 = arith.constant 1 : i32
    %dma_start3A_12 = arith.constant 0 : i32
    %dma_start3A_13 = tpu.memref_slice %arg7[%dma_start3A_11, %dma_start3A_12] : memref<250x80xi32, #tpu.memory_space<vmem>> -> memref<1x80xi32, #tpu.memory_space<vmem>>
    %dma_start3A_14 = tpu.memref_squeeze %dma_start3A_13 : memref<1x80xi32, #tpu.memory_space<vmem>> -> memref<80xi32, #tpu.memory_space<vmem>>
    %dma_start3A_15 = arith.constant 0 : i32
    %dma_start3A_16 = arith.constant 0 : i32
    %dma_start3A_17 = tpu.memref_slice %arg2[%dma_start3A_15, %dma_start3A_16] : memref<20000x80xf32, #tpu.memory_space<hbm>> -> memref<20000x80xf32, #tpu.memory_space<hbm>>
    tpu.enqueue_indirect_dma source(%dma_start3A_17 : memref<20000x80xf32, #tpu.memory_space<hbm>>) target(%arg10 : memref<80x80xf32, #tpu.memory_space<vmem>>) offsets(%dma_start3A_14 : memref<80xi32, #tpu.memory_space<vmem>>) semaphore(%arg17 : memref<!tpu.dma_semaphore, #tpu.memory_space<semaphore_mem>>)
    %dma_start3A_18 = arith.constant 2 : i32
    %dma_start3A_19 = arith.constant 0 : i32
    %dma_start3A_20 = tpu.memref_slice %arg7[%dma_start3A_18, %dma_start3A_19] : memref<250x80xi32, #tpu.memory_space<vmem>> -> memref<1x80xi32, #tpu.memory_space<vmem>>
    %dma_start3A_21 = tpu.memref_squeeze %dma_start3A_20 : memref<1x80xi32, #tpu.memory_space<vmem>> -> memref<80xi32, #tpu.memory_space<vmem>>
    %dma_start3A_22 = arith.constant 0 : i32
    %dma_start3A_23 = arith.constant 0 : i32
    %dma_start3A_24 = tpu.memref_slice %arg2[%dma_start3A_22, %dma_start3A_23] : memref<20000x80xf32, #tpu.memory_space<hbm>> -> memref<20000x80xf32, #tpu.memory_space<hbm>>
    tpu.enqueue_indirect_dma source(%dma_start3A_24 : memref<20000x80xf32, #tpu.memory_space<hbm>>) target(%arg11 : memref<80x80xf32, #tpu.memory_space<vmem>>) offsets(%dma_start3A_21 : memref<80xi32, #tpu.memory_space<vmem>>) semaphore(%arg18 : memref<!tpu.dma_semaphore, #tpu.memory_space<semaphore_mem>>)
    %dma_start3A_25 = arith.constant 3 : i32
    %dma_start3A_26 = arith.constant 0 : i32
    %dma_start3A_27 = tpu.memref_slice %arg7[%dma_start3A_25, %dma_start3A_26] : memref<250x80xi32, #tpu.memory_space<vmem>> -> memref<1x80xi32, #tpu.memory_space<vmem>>
    %dma_start3A_28 = tpu.memref_squeeze %dma_start3A_27 : memref<1x80xi32, #tpu.memory_space<vmem>> -> memref<80xi32, #tpu.memory_space<vmem>>
    %dma_start3A_29 = arith.constant 0 : i32
    %dma_start3A_30 = arith.constant 0 : i32
    %dma_start3A_31 = tpu.memref_slice %arg2[%dma_start3A_29, %dma_start3A_30] : memref<20000x80xf32, #tpu.memory_space<hbm>> -> memref<20000x80xf32, #tpu.memory_space<hbm>>
    tpu.enqueue_indirect_dma source(%dma_start3A_31 : memref<20000x80xf32, #tpu.memory_space<hbm>>) target(%arg12 : memref<80x80xf32, #tpu.memory_space<vmem>>) offsets(%dma_start3A_28 : memref<80xi32, #tpu.memory_space<vmem>>) semaphore(%arg19 : memref<!tpu.dma_semaphore, #tpu.memory_space<semaphore_mem>>)
    %dma_start3A_32 = arith.constant 4 : i32
    %dma_start3A_33 = arith.constant 0 : i32
    %dma_start3A_34 = tpu.memref_slice %arg7[%dma_start3A_32, %dma_start3A_33] : memref<250x80xi32, #tpu.memory_space<vmem>> -> memref<1x80xi32, #tpu.memory_space<vmem>>
    %dma_start3A_35 = tpu.memref_squeeze %dma_start3A_34 : memref<1x80xi32, #tpu.memory_space<vmem>> -> memref<80xi32, #tpu.memory_space<vmem>>
    %dma_start3A_36 = arith.constant 0 : i32
    %dma_start3A_37 = arith.constant 0 : i32
    %dma_start3A_38 = tpu.memref_slice %arg2[%dma_start3A_36, %dma_start3A_37] : memref<20000x80xf32, #tpu.memory_space<hbm>> -> memref<20000x80xf32, #tpu.memory_space<hbm>>
    tpu.enqueue_indirect_dma source(%dma_start3A_38 : memref<20000x80xf32, #tpu.memory_space<hbm>>) target(%arg13 : memref<80x80xf32, #tpu.memory_space<vmem>>) offsets(%dma_start3A_35 : memref<80xi32, #tpu.memory_space<vmem>>) semaphore(%arg20 : memref<!tpu.dma_semaphore, #tpu.memory_space<semaphore_mem>>)
    %dma_start3A_39 = arith.constant 5 : i32
    %dma_start3A_40 = arith.constant 0 : i32
    %dma_start3A_41 = tpu.memref_slice %arg7[%dma_start3A_39, %dma_start3A_40] : memref<250x80xi32, #tpu.memory_space<vmem>> -> memref<1x80xi32, #tpu.memory_space<vmem>>
    %dma_start3A_42 = tpu.memref_squeeze %dma_start3A_41 : memref<1x80xi32, #tpu.memory_space<vmem>> -> memref<80xi32, #tpu.memory_space<vmem>>
    %dma_start3A_43 = arith.constant 0 : i32
    %dma_start3A_44 = arith.constant 0 : i32
    %dma_start3A_45 = tpu.memref_slice %arg2[%dma_start3A_43, %dma_start3A_44] : memref<20000x80xf32, #tpu.memory_space<hbm>> -> memref<20000x80xf32, #tpu.memory_space<hbm>>
    tpu.enqueue_indirect_dma source(%dma_start3A_45 : memref<20000x80xf32, #tpu.memory_space<hbm>>) target(%arg14 : memref<80x80xf32, #tpu.memory_space<vmem>>) offsets(%dma_start3A_42 : memref<80xi32, #tpu.memory_space<vmem>>) semaphore(%arg21 : memref<!tpu.dma_semaphore, #tpu.memory_space<semaphore_mem>>)
    %scan3A = arith.constant 0 : i32
    %scan3A_46 = arith.constant 0 : i32
    %scan3A_47 = arith.constant 41 : i32
    %scan3A_48 = arith.addi %scan3A_46, %scan3A_47 : i32
    %scan3A_49 = arith.constant 1 : i32
    scf.for %scan3A_216 = %scan3A_46 to %scan3A_48 step %scan3A_49  : i32 {
      %mul3A_217 = arith.constant 6 : i32
      %mul3A_218 = arith.muli %mul3A_217, %scan3A_216 : i32
      %add3A_219 = arith.constant 0 : i32
      %add3A_220 = arith.addi %mul3A_218, %add3A_219 : i32
      %dma_wait3A_221 = arith.constant 0 : i32
      %dma_wait3A_222 = tpu.memref_slice %arg7[%add3A_220, %dma_wait3A_221] : memref<250x80xi32, #tpu.memory_space<vmem>> -> memref<1x80xi32, #tpu.memory_space<vmem>>
      %dma_wait3A_223 = tpu.memref_squeeze %dma_wait3A_222 : memref<1x80xi32, #tpu.memory_space<vmem>> -> memref<80xi32, #tpu.memory_space<vmem>>
      %dma_wait3A_224 = arith.constant 0 : i32
      %dma_wait3A_225 = arith.constant 0 : i32
      %dma_wait3A_226 = tpu.memref_slice %arg2[%dma_wait3A_224, %dma_wait3A_225] : memref<20000x80xf32, #tpu.memory_space<hbm>> -> memref<20000x80xf32, #tpu.memory_space<hbm>>
      tpu.wait_indirect_dma semaphore(%arg16 : memref<!tpu.dma_semaphore, #tpu.memory_space<semaphore_mem>>) src(%dma_wait3A_226 : memref<20000x80xf32, #tpu.memory_space<hbm>>) dst(%arg9 : memref<80x80xf32, #tpu.memory_space<vmem>>)
      %mul3A_227 = arith.constant 6 : i32
      %mul3A_228 = arith.muli %mul3A_227, %scan3A_216 : i32
      %add3A_229 = arith.constant 0 : i32
      %add3A_230 = arith.addi %mul3A_228, %add3A_229 : i32
      %dma_start3A_231 = arith.constant 0 : i32
      %dma_start3A_232 = tpu.memref_slice %arg8[%add3A_230, %dma_start3A_231] : memref<250x80xi32, #tpu.memory_space<vmem>> -> memref<1x80xi32, #tpu.memory_space<vmem>>
      %dma_start3A_233 = tpu.memref_squeeze %dma_start3A_232 : memref<1x80xi32, #tpu.memory_space<vmem>> -> memref<80xi32, #tpu.memory_space<vmem>>
      %dma_start3A_234 = arith.constant 0 : i32
      %dma_start3A_235 = arith.constant 0 : i32
      %dma_start3A_236 = tpu.memref_slice %arg15[%dma_start3A_234, %dma_start3A_235] : memref<10000x80xf32, #tpu.memory_space<vmem_shared>> -> memref<10000x80xf32, #tpu.memory_space<vmem_shared>>
      tpu.enqueue_indirect_dma source(%arg9 : memref<80x80xf32, #tpu.memory_space<vmem>>) target(%dma_start3A_236 : memref<10000x80xf32, #tpu.memory_space<vmem_shared>>) offsets(%dma_start3A_233 : memref<80xi32, #tpu.memory_space<vmem>>) semaphore(%arg22 : memref<!tpu.dma_semaphore, #tpu.memory_space<semaphore_mem>>) {add = true}
      %mul3A_237 = arith.constant 6 : i32
      %mul3A_238 = arith.muli %mul3A_237, %scan3A_216 : i32
      %add3A_239 = arith.constant 1 : i32
      %add3A_240 = arith.addi %mul3A_238, %add3A_239 : i32
      %dma_wait3A_241 = arith.constant 0 : i32
      %dma_wait3A_242 = tpu.memref_slice %arg7[%add3A_240, %dma_wait3A_241] : memref<250x80xi32, #tpu.memory_space<vmem>> -> memref<1x80xi32, #tpu.memory_space<vmem>>
      %dma_wait3A_243 = tpu.memref_squeeze %dma_wait3A_242 : memref<1x80xi32, #tpu.memory_space<vmem>> -> memref<80xi32, #tpu.memory_space<vmem>>
      %dma_wait3A_244 = arith.constant 0 : i32
      %dma_wait3A_245 = arith.constant 0 : i32
      %dma_wait3A_246 = tpu.memref_slice %arg2[%dma_wait3A_244, %dma_wait3A_245] : memref<20000x80xf32, #tpu.memory_space<hbm>> -> memref<20000x80xf32, #tpu.memory_space<hbm>>
      tpu.wait_indirect_dma semaphore(%arg17 : memref<!tpu.dma_semaphore, #tpu.memory_space<semaphore_mem>>) src(%dma_wait3A_246 : memref<20000x80xf32, #tpu.memory_space<hbm>>) dst(%arg10 : memref<80x80xf32, #tpu.memory_space<vmem>>)
      %mul3A_247 = arith.constant 6 : i32
      %mul3A_248 = arith.muli %mul3A_247, %scan3A_216 : i32
      %add3A_249 = arith.constant 1 : i32
      %add3A_250 = arith.addi %mul3A_248, %add3A_249 : i32
      %dma_start3A_251 = arith.constant 0 : i32
      %dma_start3A_252 = tpu.memref_slice %arg8[%add3A_250, %dma_start3A_251] : memref<250x80xi32, #tpu.memory_space<vmem>> -> memref<1x80xi32, #tpu.memory_space<vmem>>
      %dma_start3A_253 = tpu.memref_squeeze %dma_start3A_252 : memref<1x80xi32, #tpu.memory_space<vmem>> -> memref<80xi32, #tpu.memory_space<vmem>>
      %dma_start3A_254 = arith.constant 0 : i32
      %dma_start3A_255 = arith.constant 0 : i32
      %dma_start3A_256 = tpu.memref_slice %arg15[%dma_start3A_254, %dma_start3A_255] : memref<10000x80xf32, #tpu.memory_space<vmem_shared>> -> memref<10000x80xf32, #tpu.memory_space<vmem_shared>>
      tpu.enqueue_indirect_dma source(%arg10 : memref<80x80xf32, #tpu.memory_space<vmem>>) target(%dma_start3A_256 : memref<10000x80xf32, #tpu.memory_space<vmem_shared>>) offsets(%dma_start3A_253 : memref<80xi32, #tpu.memory_space<vmem>>) semaphore(%arg23 : memref<!tpu.dma_semaphore, #tpu.memory_space<semaphore_mem>>) {add = true}
      %mul3A_257 = arith.constant 6 : i32
      %mul3A_258 = arith.muli %mul3A_257, %scan3A_216 : i32
      %add3A_259 = arith.constant 2 : i32
      %add3A_260 = arith.addi %mul3A_258, %add3A_259 : i32
      %dma_wait3A_261 = arith.constant 0 : i32
      %dma_wait3A_262 = tpu.memref_slice %arg7[%add3A_260, %dma_wait3A_261] : memref<250x80xi32, #tpu.memory_space<vmem>> -> memref<1x80xi32, #tpu.memory_space<vmem>>
      %dma_wait3A_263 = tpu.memref_squeeze %dma_wait3A_262 : memref<1x80xi32, #tpu.memory_space<vmem>> -> memref<80xi32, #tpu.memory_space<vmem>>
      %dma_wait3A_264 = arith.constant 0 : i32
      %dma_wait3A_265 = arith.constant 0 : i32
      %dma_wait3A_266 = tpu.memref_slice %arg2[%dma_wait3A_264, %dma_wait3A_265] : memref<20000x80xf32, #tpu.memory_space<hbm>> -> memref<20000x80xf32, #tpu.memory_space<hbm>>
      tpu.wait_indirect_dma semaphore(%arg18 : memref<!tpu.dma_semaphore, #tpu.memory_space<semaphore_mem>>) src(%dma_wait3A_266 : memref<20000x80xf32, #tpu.memory_space<hbm>>) dst(%arg11 : memref<80x80xf32, #tpu.memory_space<vmem>>)
      %mul3A_267 = arith.constant 6 : i32
      %mul3A_268 = arith.muli %mul3A_267, %scan3A_216 : i32
      %add3A_269 = arith.constant 2 : i32
      %add3A_270 = arith.addi %mul3A_268, %add3A_269 : i32
      %dma_start3A_271 = arith.constant 0 : i32
      %dma_start3A_272 = tpu.memref_slice %arg8[%add3A_270, %dma_start3A_271] : memref<250x80xi32, #tpu.memory_space<vmem>> -> memref<1x80xi32, #tpu.memory_space<vmem>>
      %dma_start3A_273 = tpu.memref_squeeze %dma_start3A_272 : memref<1x80xi32, #tpu.memory_space<vmem>> -> memref<80xi32, #tpu.memory_space<vmem>>
      %dma_start3A_274 = arith.constant 0 : i32
      %dma_start3A_275 = arith.constant 0 : i32
      %dma_start3A_276 = tpu.memref_slice %arg15[%dma_start3A_274, %dma_start3A_275] : memref<10000x80xf32, #tpu.memory_space<vmem_shared>> -> memref<10000x80xf32, #tpu.memory_space<vmem_shared>>
      tpu.enqueue_indirect_dma source(%arg11 : memref<80x80xf32, #tpu.memory_space<vmem>>) target(%dma_start3A_276 : memref<10000x80xf32, #tpu.memory_space<vmem_shared>>) offsets(%dma_start3A_273 : memref<80xi32, #tpu.memory_space<vmem>>) semaphore(%arg24 : memref<!tpu.dma_semaphore, #tpu.memory_space<semaphore_mem>>) {add = true}
      %mul3A_277 = arith.constant 6 : i32
      %mul3A_278 = arith.muli %mul3A_277, %scan3A_216 : i32
      %add3A_279 = arith.constant 3 : i32
      %add3A_280 = arith.addi %mul3A_278, %add3A_279 : i32
      %dma_wait3A_281 = arith.constant 0 : i32
      %dma_wait3A_282 = tpu.memref_slice %arg7[%add3A_280, %dma_wait3A_281] : memref<250x80xi32, #tpu.memory_space<vmem>> -> memref<1x80xi32, #tpu.memory_space<vmem>>
      %dma_wait3A_283 = tpu.memref_squeeze %dma_wait3A_282 : memref<1x80xi32, #tpu.memory_space<vmem>> -> memref<80xi32, #tpu.memory_space<vmem>>
      %dma_wait3A_284 = arith.constant 0 : i32
      %dma_wait3A_285 = arith.constant 0 : i32
      %dma_wait3A_286 = tpu.memref_slice %arg2[%dma_wait3A_284, %dma_wait3A_285] : memref<20000x80xf32, #tpu.memory_space<hbm>> -> memref<20000x80xf32, #tpu.memory_space<hbm>>
      tpu.wait_indirect_dma semaphore(%arg19 : memref<!tpu.dma_semaphore, #tpu.memory_space<semaphore_mem>>) src(%dma_wait3A_286 : memref<20000x80xf32, #tpu.memory_space<hbm>>) dst(%arg12 : memref<80x80xf32, #tpu.memory_space<vmem>>)
      %mul3A_287 = arith.constant 6 : i32
      %mul3A_288 = arith.muli %mul3A_287, %scan3A_216 : i32
      %add3A_289 = arith.constant 3 : i32
      %add3A_290 = arith.addi %mul3A_288, %add3A_289 : i32
      %dma_start3A_291 = arith.constant 0 : i32
      %dma_start3A_292 = tpu.memref_slice %arg8[%add3A_290, %dma_start3A_291] : memref<250x80xi32, #tpu.memory_space<vmem>> -> memref<1x80xi32, #tpu.memory_space<vmem>>
      %dma_start3A_293 = tpu.memref_squeeze %dma_start3A_292 : memref<1x80xi32, #tpu.memory_space<vmem>> -> memref<80xi32, #tpu.memory_space<vmem>>
      %dma_start3A_294 = arith.constant 0 : i32
      %dma_start3A_295 = arith.constant 0 : i32
      %dma_start3A_296 = tpu.memref_slice %arg15[%dma_start3A_294, %dma_start3A_295] : memref<10000x80xf32, #tpu.memory_space<vmem_shared>> -> memref<10000x80xf32, #tpu.memory_space<vmem_shared>>
      tpu.enqueue_indirect_dma source(%arg12 : memref<80x80xf32, #tpu.memory_space<vmem>>) target(%dma_start3A_296 : memref<10000x80xf32, #tpu.memory_space<vmem_shared>>) offsets(%dma_start3A_293 : memref<80xi32, #tpu.memory_space<vmem>>) semaphore(%arg25 : memref<!tpu.dma_semaphore, #tpu.memory_space<semaphore_mem>>) {add = true}
      %mul3A_297 = arith.constant 6 : i32
      %mul3A_298 = arith.muli %mul3A_297, %scan3A_216 : i32
      %add3A_299 = arith.constant 4 : i32
      %add3A_300 = arith.addi %mul3A_298, %add3A_299 : i32
      %dma_wait3A_301 = arith.constant 0 : i32
      %dma_wait3A_302 = tpu.memref_slice %arg7[%add3A_300, %dma_wait3A_301] : memref<250x80xi32, #tpu.memory_space<vmem>> -> memref<1x80xi32, #tpu.memory_space<vmem>>
      %dma_wait3A_303 = tpu.memref_squeeze %dma_wait3A_302 : memref<1x80xi32, #tpu.memory_space<vmem>> -> memref<80xi32, #tpu.memory_space<vmem>>
      %dma_wait3A_304 = arith.constant 0 : i32
      %dma_wait3A_305 = arith.constant 0 : i32
      %dma_wait3A_306 = tpu.memref_slice %arg2[%dma_wait3A_304, %dma_wait3A_305] : memref<20000x80xf32, #tpu.memory_space<hbm>> -> memref<20000x80xf32, #tpu.memory_space<hbm>>
      tpu.wait_indirect_dma semaphore(%arg20 : memref<!tpu.dma_semaphore, #tpu.memory_space<semaphore_mem>>) src(%dma_wait3A_306 : memref<20000x80xf32, #tpu.memory_space<hbm>>) dst(%arg13 : memref<80x80xf32, #tpu.memory_space<vmem>>)
      %mul3A_307 = arith.constant 6 : i32
      %mul3A_308 = arith.muli %mul3A_307, %scan3A_216 : i32
      %add3A_309 = arith.constant 4 : i32
      %add3A_310 = arith.addi %mul3A_308, %add3A_309 : i32
      %dma_start3A_311 = arith.constant 0 : i32
      %dma_start3A_312 = tpu.memref_slice %arg8[%add3A_310, %dma_start3A_311] : memref<250x80xi32, #tpu.memory_space<vmem>> -> memref<1x80xi32, #tpu.memory_space<vmem>>
      %dma_start3A_313 = tpu.memref_squeeze %dma_start3A_312 : memref<1x80xi32, #tpu.memory_space<vmem>> -> memref<80xi32, #tpu.memory_space<vmem>>
      %dma_start3A_314 = arith.constant 0 : i32
      %dma_start3A_315 = arith.constant 0 : i32
      %dma_start3A_316 = tpu.memref_slice %arg15[%dma_start3A_314, %dma_start3A_315] : memref<10000x80xf32, #tpu.memory_space<vmem_shared>> -> memref<10000x80xf32, #tpu.memory_space<vmem_shared>>
      tpu.enqueue_indirect_dma source(%arg13 : memref<80x80xf32, #tpu.memory_space<vmem>>) target(%dma_start3A_316 : memref<10000x80xf32, #tpu.memory_space<vmem_shared>>) offsets(%dma_start3A_313 : memref<80xi32, #tpu.memory_space<vmem>>) semaphore(%arg26 : memref<!tpu.dma_semaphore, #tpu.memory_space<semaphore_mem>>) {add = true}
      %mul3A_317 = arith.constant 6 : i32
      %mul3A_318 = arith.muli %mul3A_317, %scan3A_216 : i32
      %add3A_319 = arith.constant 5 : i32
      %add3A_320 = arith.addi %mul3A_318, %add3A_319 : i32
      %dma_wait3A_321 = arith.constant 0 : i32
      %dma_wait3A_322 = tpu.memref_slice %arg7[%add3A_320, %dma_wait3A_321] : memref<250x80xi32, #tpu.memory_space<vmem>> -> memref<1x80xi32, #tpu.memory_space<vmem>>
      %dma_wait3A_323 = tpu.memref_squeeze %dma_wait3A_322 : memref<1x80xi32, #tpu.memory_space<vmem>> -> memref<80xi32, #tpu.memory_space<vmem>>
      %dma_wait3A_324 = arith.constant 0 : i32
      %dma_wait3A_325 = arith.constant 0 : i32
      %dma_wait3A_326 = tpu.memref_slice %arg2[%dma_wait3A_324, %dma_wait3A_325] : memref<20000x80xf32, #tpu.memory_space<hbm>> -> memref<20000x80xf32, #tpu.memory_space<hbm>>
      tpu.wait_indirect_dma semaphore(%arg21 : memref<!tpu.dma_semaphore, #tpu.memory_space<semaphore_mem>>) src(%dma_wait3A_326 : memref<20000x80xf32, #tpu.memory_space<hbm>>) dst(%arg14 : memref<80x80xf32, #tpu.memory_space<vmem>>)
      %mul3A_327 = arith.constant 6 : i32
      %mul3A_328 = arith.muli %mul3A_327, %scan3A_216 : i32
      %add3A_329 = arith.constant 5 : i32
      %add3A_330 = arith.addi %mul3A_328, %add3A_329 : i32
      %dma_start3A_331 = arith.constant 0 : i32
      %dma_start3A_332 = tpu.memref_slice %arg8[%add3A_330, %dma_start3A_331] : memref<250x80xi32, #tpu.memory_space<vmem>> -> memref<1x80xi32, #tpu.memory_space<vmem>>
      %dma_start3A_333 = tpu.memref_squeeze %dma_start3A_332 : memref<1x80xi32, #tpu.memory_space<vmem>> -> memref<80xi32, #tpu.memory_space<vmem>>
      %dma_start3A_334 = arith.constant 0 : i32
      %dma_start3A_335 = arith.constant 0 : i32
      %dma_start3A_336 = tpu.memref_slice %arg15[%dma_start3A_334, %dma_start3A_335] : memref<10000x80xf32, #tpu.memory_space<vmem_shared>> -> memref<10000x80xf32, #tpu.memory_space<vmem_shared>>
      tpu.enqueue_indirect_dma source(%arg14 : memref<80x80xf32, #tpu.memory_space<vmem>>) target(%dma_start3A_336 : memref<10000x80xf32, #tpu.memory_space<vmem_shared>>) offsets(%dma_start3A_333 : memref<80xi32, #tpu.memory_space<vmem>>) semaphore(%arg27 : memref<!tpu.dma_semaphore, #tpu.memory_space<semaphore_mem>>) {add = true}
      %lt3A = arith.constant 40 : i32
      %lt3A_337 = arith.cmpi slt, %scan3A_216, %lt3A : i32
      %convert_element_type3A_338 = arith.extui %lt3A_337 : i1 to i32
      %cond3A_339 = arith.constant 0 : i32
      %cond3A_340 = arith.cmpi ne, %convert_element_type3A_338, %cond3A_339 : i32
      scf.if %cond3A_340 {
        %mul3A_341 = arith.constant 6 : i32
        %mul3A_342 = arith.muli %mul3A_341, %scan3A_216 : i32
        %add3A_343 = arith.constant 0 : i32
        %add3A_344 = arith.addi %mul3A_342, %add3A_343 : i32
        %dma_wait3A_345 = arith.constant 0 : i32
        %dma_wait3A_346 = tpu.memref_slice %arg8[%add3A_344, %dma_wait3A_345] : memref<250x80xi32, #tpu.memory_space<vmem>> -> memref<1x80xi32, #tpu.memory_space<vmem>>
        %dma_wait3A_347 = tpu.memref_squeeze %dma_wait3A_346 : memref<1x80xi32, #tpu.memory_space<vmem>> -> memref<80xi32, #tpu.memory_space<vmem>>
        %dma_wait3A_348 = arith.constant 0 : i32
        %dma_wait3A_349 = arith.constant 0 : i32
        %dma_wait3A_350 = tpu.memref_slice %arg15[%dma_wait3A_348, %dma_wait3A_349] : memref<10000x80xf32, #tpu.memory_space<vmem_shared>> -> memref<10000x80xf32, #tpu.memory_space<vmem_shared>>
        tpu.wait_indirect_dma semaphore(%arg22 : memref<!tpu.dma_semaphore, #tpu.memory_space<semaphore_mem>>) src(%arg9 : memref<80x80xf32, #tpu.memory_space<vmem>>) dst(%dma_wait3A_350 : memref<10000x80xf32, #tpu.memory_space<vmem_shared>>)
        %mul3A_351 = arith.constant 6 : i32
        %mul3A_352 = arith.muli %mul3A_351, %scan3A_216 : i32
        %add3A_353 = arith.constant 6 : i32
        %add3A_354 = arith.addi %mul3A_352, %add3A_353 : i32
        %add3A_355 = arith.constant 0 : i32
        %add3A_356 = arith.addi %add3A_354, %add3A_355 : i32
        %dma_start3A_357 = arith.constant 0 : i32
        %dma_start3A_358 = tpu.memref_slice %arg7[%add3A_356, %dma_start3A_357] : memref<250x80xi32, #tpu.memory_space<vmem>> -> memref<1x80xi32, #tpu.memory_space<vmem>>
        %dma_start3A_359 = tpu.memref_squeeze %dma_start3A_358 : memref<1x80xi32, #tpu.memory_space<vmem>> -> memref<80xi32, #tpu.memory_space<vmem>>
        %dma_start3A_360 = arith.constant 0 : i32
        %dma_start3A_361 = arith.constant 0 : i32
        %dma_start3A_362 = tpu.memref_slice %arg2[%dma_start3A_360, %dma_start3A_361] : memref<20000x80xf32, #tpu.memory_space<hbm>> -> memref<20000x80xf32, #tpu.memory_space<hbm>>
        tpu.enqueue_indirect_dma source(%dma_start3A_362 : memref<20000x80xf32, #tpu.memory_space<hbm>>) target(%arg9 : memref<80x80xf32, #tpu.memory_space<vmem>>) offsets(%dma_start3A_359 : memref<80xi32, #tpu.memory_space<vmem>>) semaphore(%arg16 : memref<!tpu.dma_semaphore, #tpu.memory_space<semaphore_mem>>)
        %mul3A_363 = arith.constant 6 : i32
        %mul3A_364 = arith.muli %mul3A_363, %scan3A_216 : i32
        %add3A_365 = arith.constant 1 : i32
        %add3A_366 = arith.addi %mul3A_364, %add3A_365 : i32
        %dma_wait3A_367 = arith.constant 0 : i32
        %dma_wait3A_368 = tpu.memref_slice %arg8[%add3A_366, %dma_wait3A_367] : memref<250x80xi32, #tpu.memory_space<vmem>> -> memref<1x80xi32, #tpu.memory_space<vmem>>
        %dma_wait3A_369 = tpu.memref_squeeze %dma_wait3A_368 : memref<1x80xi32, #tpu.memory_space<vmem>> -> memref<80xi32, #tpu.memory_space<vmem>>
        %dma_wait3A_370 = arith.constant 0 : i32
        %dma_wait3A_371 = arith.constant 0 : i32
        %dma_wait3A_372 = tpu.memref_slice %arg15[%dma_wait3A_370, %dma_wait3A_371] : memref<10000x80xf32, #tpu.memory_space<vmem_shared>> -> memref<10000x80xf32, #tpu.memory_space<vmem_shared>>
        tpu.wait_indirect_dma semaphore(%arg23 : memref<!tpu.dma_semaphore, #tpu.memory_space<semaphore_mem>>) src(%arg10 : memref<80x80xf32, #tpu.memory_space<vmem>>) dst(%dma_wait3A_372 : memref<10000x80xf32, #tpu.memory_space<vmem_shared>>)
        %mul3A_373 = arith.constant 6 : i32
        %mul3A_374 = arith.muli %mul3A_373, %scan3A_216 : i32
        %add3A_375 = arith.constant 6 : i32
        %add3A_376 = arith.addi %mul3A_374, %add3A_375 : i32
        %add3A_377 = arith.constant 1 : i32
        %add3A_378 = arith.addi %add3A_376, %add3A_377 : i32
        %dma_start3A_379 = arith.constant 0 : i32
        %dma_start3A_380 = tpu.memref_slice %arg7[%add3A_378, %dma_start3A_379] : memref<250x80xi32, #tpu.memory_space<vmem>> -> memref<1x80xi32, #tpu.memory_space<vmem>>
        %dma_start3A_381 = tpu.memref_squeeze %dma_start3A_380 : memref<1x80xi32, #tpu.memory_space<vmem>> -> memref<80xi32, #tpu.memory_space<vmem>>
        %dma_start3A_382 = arith.constant 0 : i32
        %dma_start3A_383 = arith.constant 0 : i32
        %dma_start3A_384 = tpu.memref_slice %arg2[%dma_start3A_382, %dma_start3A_383] : memref<20000x80xf32, #tpu.memory_space<hbm>> -> memref<20000x80xf32, #tpu.memory_space<hbm>>
        tpu.enqueue_indirect_dma source(%dma_start3A_384 : memref<20000x80xf32, #tpu.memory_space<hbm>>) target(%arg10 : memref<80x80xf32, #tpu.memory_space<vmem>>) offsets(%dma_start3A_381 : memref<80xi32, #tpu.memory_space<vmem>>) semaphore(%arg17 : memref<!tpu.dma_semaphore, #tpu.memory_space<semaphore_mem>>)
        %mul3A_385 = arith.constant 6 : i32
        %mul3A_386 = arith.muli %mul3A_385, %scan3A_216 : i32
        %add3A_387 = arith.constant 2 : i32
        %add3A_388 = arith.addi %mul3A_386, %add3A_387 : i32
        %dma_wait3A_389 = arith.constant 0 : i32
        %dma_wait3A_390 = tpu.memref_slice %arg8[%add3A_388, %dma_wait3A_389] : memref<250x80xi32, #tpu.memory_space<vmem>> -> memref<1x80xi32, #tpu.memory_space<vmem>>
        %dma_wait3A_391 = tpu.memref_squeeze %dma_wait3A_390 : memref<1x80xi32, #tpu.memory_space<vmem>> -> memref<80xi32, #tpu.memory_space<vmem>>
        %dma_wait3A_392 = arith.constant 0 : i32
        %dma_wait3A_393 = arith.constant 0 : i32
        %dma_wait3A_394 = tpu.memref_slice %arg15[%dma_wait3A_392, %dma_wait3A_393] : memref<10000x80xf32, #tpu.memory_space<vmem_shared>> -> memref<10000x80xf32, #tpu.memory_space<vmem_shared>>
        tpu.wait_indirect_dma semaphore(%arg24 : memref<!tpu.dma_semaphore, #tpu.memory_space<semaphore_mem>>) src(%arg11 : memref<80x80xf32, #tpu.memory_space<vmem>>) dst(%dma_wait3A_394 : memref<10000x80xf32, #tpu.memory_space<vmem_shared>>)
        %mul3A_395 = arith.constant 6 : i32
        %mul3A_396 = arith.muli %mul3A_395, %scan3A_216 : i32
        %add3A_397 = arith.constant 6 : i32
        %add3A_398 = arith.addi %mul3A_396, %add3A_397 : i32
        %add3A_399 = arith.constant 2 : i32
        %add3A_400 = arith.addi %add3A_398, %add3A_399 : i32
        %dma_start3A_401 = arith.constant 0 : i32
        %dma_start3A_402 = tpu.memref_slice %arg7[%add3A_400, %dma_start3A_401] : memref<250x80xi32, #tpu.memory_space<vmem>> -> memref<1x80xi32, #tpu.memory_space<vmem>>
        %dma_start3A_403 = tpu.memref_squeeze %dma_start3A_402 : memref<1x80xi32, #tpu.memory_space<vmem>> -> memref<80xi32, #tpu.memory_space<vmem>>
        %dma_start3A_404 = arith.constant 0 : i32
        %dma_start3A_405 = arith.constant 0 : i32
        %dma_start3A_406 = tpu.memref_slice %arg2[%dma_start3A_404, %dma_start3A_405] : memref<20000x80xf32, #tpu.memory_space<hbm>> -> memref<20000x80xf32, #tpu.memory_space<hbm>>
        tpu.enqueue_indirect_dma source(%dma_start3A_406 : memref<20000x80xf32, #tpu.memory_space<hbm>>) target(%arg11 : memref<80x80xf32, #tpu.memory_space<vmem>>) offsets(%dma_start3A_403 : memref<80xi32, #tpu.memory_space<vmem>>) semaphore(%arg18 : memref<!tpu.dma_semaphore, #tpu.memory_space<semaphore_mem>>)
        %mul3A_407 = arith.constant 6 : i32
        %mul3A_408 = arith.muli %mul3A_407, %scan3A_216 : i32
        %add3A_409 = arith.constant 3 : i32
        %add3A_410 = arith.addi %mul3A_408, %add3A_409 : i32
        %dma_wait3A_411 = arith.constant 0 : i32
        %dma_wait3A_412 = tpu.memref_slice %arg8[%add3A_410, %dma_wait3A_411] : memref<250x80xi32, #tpu.memory_space<vmem>> -> memref<1x80xi32, #tpu.memory_space<vmem>>
        %dma_wait3A_413 = tpu.memref_squeeze %dma_wait3A_412 : memref<1x80xi32, #tpu.memory_space<vmem>> -> memref<80xi32, #tpu.memory_space<vmem>>
        %dma_wait3A_414 = arith.constant 0 : i32
        %dma_wait3A_415 = arith.constant 0 : i32
        %dma_wait3A_416 = tpu.memref_slice %arg15[%dma_wait3A_414, %dma_wait3A_415] : memref<10000x80xf32, #tpu.memory_space<vmem_shared>> -> memref<10000x80xf32, #tpu.memory_space<vmem_shared>>
        tpu.wait_indirect_dma semaphore(%arg25 : memref<!tpu.dma_semaphore, #tpu.memory_space<semaphore_mem>>) src(%arg12 : memref<80x80xf32, #tpu.memory_space<vmem>>) dst(%dma_wait3A_416 : memref<10000x80xf32, #tpu.memory_space<vmem_shared>>)
        %mul3A_417 = arith.constant 6 : i32
        %mul3A_418 = arith.muli %mul3A_417, %scan3A_216 : i32
        %add3A_419 = arith.constant 6 : i32
        %add3A_420 = arith.addi %mul3A_418, %add3A_419 : i32
        %add3A_421 = arith.constant 3 : i32
        %add3A_422 = arith.addi %add3A_420, %add3A_421 : i32
        %dma_start3A_423 = arith.constant 0 : i32
        %dma_start3A_424 = tpu.memref_slice %arg7[%add3A_422, %dma_start3A_423] : memref<250x80xi32, #tpu.memory_space<vmem>> -> memref<1x80xi32, #tpu.memory_space<vmem>>
        %dma_start3A_425 = tpu.memref_squeeze %dma_start3A_424 : memref<1x80xi32, #tpu.memory_space<vmem>> -> memref<80xi32, #tpu.memory_space<vmem>>
        %dma_start3A_426 = arith.constant 0 : i32
        %dma_start3A_427 = arith.constant 0 : i32
        %dma_start3A_428 = tpu.memref_slice %arg2[%dma_start3A_426, %dma_start3A_427] : memref<20000x80xf32, #tpu.memory_space<hbm>> -> memref<20000x80xf32, #tpu.memory_space<hbm>>
        tpu.enqueue_indirect_dma source(%dma_start3A_428 : memref<20000x80xf32, #tpu.memory_space<hbm>>) target(%arg12 : memref<80x80xf32, #tpu.memory_space<vmem>>) offsets(%dma_start3A_425 : memref<80xi32, #tpu.memory_space<vmem>>) semaphore(%arg19 : memref<!tpu.dma_semaphore, #tpu.memory_space<semaphore_mem>>)
        %mul3A_429 = arith.constant 6 : i32
        %mul3A_430 = arith.muli %mul3A_429, %scan3A_216 : i32
        %add3A_431 = arith.constant 4 : i32
        %add3A_432 = arith.addi %mul3A_430, %add3A_431 : i32
        %dma_wait3A_433 = arith.constant 0 : i32
        %dma_wait3A_434 = tpu.memref_slice %arg8[%add3A_432, %dma_wait3A_433] : memref<250x80xi32, #tpu.memory_space<vmem>> -> memref<1x80xi32, #tpu.memory_space<vmem>>
        %dma_wait3A_435 = tpu.memref_squeeze %dma_wait3A_434 : memref<1x80xi32, #tpu.memory_space<vmem>> -> memref<80xi32, #tpu.memory_space<vmem>>
        %dma_wait3A_436 = arith.constant 0 : i32
        %dma_wait3A_437 = arith.constant 0 : i32
        %dma_wait3A_438 = tpu.memref_slice %arg15[%dma_wait3A_436, %dma_wait3A_437] : memref<10000x80xf32, #tpu.memory_space<vmem_shared>> -> memref<10000x80xf32, #tpu.memory_space<vmem_shared>>
        tpu.wait_indirect_dma semaphore(%arg26 : memref<!tpu.dma_semaphore, #tpu.memory_space<semaphore_mem>>) src(%arg13 : memref<80x80xf32, #tpu.memory_space<vmem>>) dst(%dma_wait3A_438 : memref<10000x80xf32, #tpu.memory_space<vmem_shared>>)
        %mul3A_439 = arith.constant 6 : i32
        %mul3A_440 = arith.muli %mul3A_439, %scan3A_216 : i32
        %add3A_441 = arith.constant 6 : i32
        %add3A_442 = arith.addi %mul3A_440, %add3A_441 : i32
        %add3A_443 = arith.constant 4 : i32
        %add3A_444 = arith.addi %add3A_442, %add3A_443 : i32
        %dma_start3A_445 = arith.constant 0 : i32
        %dma_start3A_446 = tpu.memref_slice %arg7[%add3A_444, %dma_start3A_445] : memref<250x80xi32, #tpu.memory_space<vmem>> -> memref<1x80xi32, #tpu.memory_space<vmem>>
        %dma_start3A_447 = tpu.memref_squeeze %dma_start3A_446 : memref<1x80xi32, #tpu.memory_space<vmem>> -> memref<80xi32, #tpu.memory_space<vmem>>
        %dma_start3A_448 = arith.constant 0 : i32
        %dma_start3A_449 = arith.constant 0 : i32
        %dma_start3A_450 = tpu.memref_slice %arg2[%dma_start3A_448, %dma_start3A_449] : memref<20000x80xf32, #tpu.memory_space<hbm>> -> memref<20000x80xf32, #tpu.memory_space<hbm>>
        tpu.enqueue_indirect_dma source(%dma_start3A_450 : memref<20000x80xf32, #tpu.memory_space<hbm>>) target(%arg13 : memref<80x80xf32, #tpu.memory_space<vmem>>) offsets(%dma_start3A_447 : memref<80xi32, #tpu.memory_space<vmem>>) semaphore(%arg20 : memref<!tpu.dma_semaphore, #tpu.memory_space<semaphore_mem>>)
        %mul3A_451 = arith.constant 6 : i32
        %mul3A_452 = arith.muli %mul3A_451, %scan3A_216 : i32
        %add3A_453 = arith.constant 5 : i32
        %add3A_454 = arith.addi %mul3A_452, %add3A_453 : i32
        %dma_wait3A_455 = arith.constant 0 : i32
        %dma_wait3A_456 = tpu.memref_slice %arg8[%add3A_454, %dma_wait3A_455] : memref<250x80xi32, #tpu.memory_space<vmem>> -> memref<1x80xi32, #tpu.memory_space<vmem>>
        %dma_wait3A_457 = tpu.memref_squeeze %dma_wait3A_456 : memref<1x80xi32, #tpu.memory_space<vmem>> -> memref<80xi32, #tpu.memory_space<vmem>>
        %dma_wait3A_458 = arith.constant 0 : i32
        %dma_wait3A_459 = arith.constant 0 : i32
        %dma_wait3A_460 = tpu.memref_slice %arg15[%dma_wait3A_458, %dma_wait3A_459] : memref<10000x80xf32, #tpu.memory_space<vmem_shared>> -> memref<10000x80xf32, #tpu.memory_space<vmem_shared>>
        tpu.wait_indirect_dma semaphore(%arg27 : memref<!tpu.dma_semaphore, #tpu.memory_space<semaphore_mem>>) src(%arg14 : memref<80x80xf32, #tpu.memory_space<vmem>>) dst(%dma_wait3A_460 : memref<10000x80xf32, #tpu.memory_space<vmem_shared>>)
        %mul3A_461 = arith.constant 6 : i32
        %mul3A_462 = arith.muli %mul3A_461, %scan3A_216 : i32
        %add3A_463 = arith.constant 6 : i32
        %add3A_464 = arith.addi %mul3A_462, %add3A_463 : i32
        %add3A_465 = arith.constant 5 : i32
        %add3A_466 = arith.addi %add3A_464, %add3A_465 : i32
        %dma_start3A_467 = arith.constant 0 : i32
        %dma_start3A_468 = tpu.memref_slice %arg7[%add3A_466, %dma_start3A_467] : memref<250x80xi32, #tpu.memory_space<vmem>> -> memref<1x80xi32, #tpu.memory_space<vmem>>
        %dma_start3A_469 = tpu.memref_squeeze %dma_start3A_468 : memref<1x80xi32, #tpu.memory_space<vmem>> -> memref<80xi32, #tpu.memory_space<vmem>>
        %dma_start3A_470 = arith.constant 0 : i32
        %dma_start3A_471 = arith.constant 0 : i32
        %dma_start3A_472 = tpu.memref_slice %arg2[%dma_start3A_470, %dma_start3A_471] : memref<20000x80xf32, #tpu.memory_space<hbm>> -> memref<20000x80xf32, #tpu.memory_space<hbm>>
        tpu.enqueue_indirect_dma source(%dma_start3A_472 : memref<20000x80xf32, #tpu.memory_space<hbm>>) target(%arg14 : memref<80x80xf32, #tpu.memory_space<vmem>>) offsets(%dma_start3A_469 : memref<80xi32, #tpu.memory_space<vmem>>) semaphore(%arg21 : memref<!tpu.dma_semaphore, #tpu.memory_space<semaphore_mem>>)
      } else {
      }
    }
    %scan3A_50 = arith.constant 41 : i32
    %dma_wait3A = arith.constant 240 : i32
    %dma_wait3A_51 = arith.constant 0 : i32
    %dma_wait3A_52 = tpu.memref_slice %arg8[%dma_wait3A, %dma_wait3A_51] : memref<250x80xi32, #tpu.memory_space<vmem>> -> memref<1x80xi32, #tpu.memory_space<vmem>>
    %dma_wait3A_53 = tpu.memref_squeeze %dma_wait3A_52 : memref<1x80xi32, #tpu.memory_space<vmem>> -> memref<80xi32, #tpu.memory_space<vmem>>
    %dma_wait3A_54 = arith.constant 0 : i32
    %dma_wait3A_55 = arith.constant 0 : i32
    %dma_wait3A_56 = tpu.memref_slice %arg15[%dma_wait3A_54, %dma_wait3A_55] : memref<10000x80xf32, #tpu.memory_space<vmem_shared>> -> memref<10000x80xf32, #tpu.memory_space<vmem_shared>>
    tpu.wait_indirect_dma semaphore(%arg22 : memref<!tpu.dma_semaphore, #tpu.memory_space<semaphore_mem>>) src(%arg9 : memref<80x80xf32, #tpu.memory_space<vmem>>) dst(%dma_wait3A_56 : memref<10000x80xf32, #tpu.memory_space<vmem_shared>>)
    %dma_wait3A_57 = arith.constant 241 : i32
    %dma_wait3A_58 = arith.constant 0 : i32
    %dma_wait3A_59 = tpu.memref_slice %arg8[%dma_wait3A_57, %dma_wait3A_58] : memref<250x80xi32, #tpu.memory_space<vmem>> -> memref<1x80xi32, #tpu.memory_space<vmem>>
    %dma_wait3A_60 = tpu.memref_squeeze %dma_wait3A_59 : memref<1x80xi32, #tpu.memory_space<vmem>> -> memref<80xi32, #tpu.memory_space<vmem>>
    %dma_wait3A_61 = arith.constant 0 : i32
    %dma_wait3A_62 = arith.constant 0 : i32
    %dma_wait3A_63 = tpu.memref_slice %arg15[%dma_wait3A_61, %dma_wait3A_62] : memref<10000x80xf32, #tpu.memory_space<vmem_shared>> -> memref<10000x80xf32, #tpu.memory_space<vmem_shared>>
    tpu.wait_indirect_dma semaphore(%arg23 : memref<!tpu.dma_semaphore, #tpu.memory_space<semaphore_mem>>) src(%arg10 : memref<80x80xf32, #tpu.memory_space<vmem>>) dst(%dma_wait3A_63 : memref<10000x80xf32, #tpu.memory_space<vmem_shared>>)
    %dma_wait3A_64 = arith.constant 242 : i32
    %dma_wait3A_65 = arith.constant 0 : i32
    %dma_wait3A_66 = tpu.memref_slice %arg8[%dma_wait3A_64, %dma_wait3A_65] : memref<250x80xi32, #tpu.memory_space<vmem>> -> memref<1x80xi32, #tpu.memory_space<vmem>>
    %dma_wait3A_67 = tpu.memref_squeeze %dma_wait3A_66 : memref<1x80xi32, #tpu.memory_space<vmem>> -> memref<80xi32, #tpu.memory_space<vmem>>
    %dma_wait3A_68 = arith.constant 0 : i32
    %dma_wait3A_69 = arith.constant 0 : i32
    %dma_wait3A_70 = tpu.memref_slice %arg15[%dma_wait3A_68, %dma_wait3A_69] : memref<10000x80xf32, #tpu.memory_space<vmem_shared>> -> memref<10000x80xf32, #tpu.memory_space<vmem_shared>>
    tpu.wait_indirect_dma semaphore(%arg24 : memref<!tpu.dma_semaphore, #tpu.memory_space<semaphore_mem>>) src(%arg11 : memref<80x80xf32, #tpu.memory_space<vmem>>) dst(%dma_wait3A_70 : memref<10000x80xf32, #tpu.memory_space<vmem_shared>>)
    %dma_wait3A_71 = arith.constant 243 : i32
    %dma_wait3A_72 = arith.constant 0 : i32
    %dma_wait3A_73 = tpu.memref_slice %arg8[%dma_wait3A_71, %dma_wait3A_72] : memref<250x80xi32, #tpu.memory_space<vmem>> -> memref<1x80xi32, #tpu.memory_space<vmem>>
    %dma_wait3A_74 = tpu.memref_squeeze %dma_wait3A_73 : memref<1x80xi32, #tpu.memory_space<vmem>> -> memref<80xi32, #tpu.memory_space<vmem>>
    %dma_wait3A_75 = arith.constant 0 : i32
    %dma_wait3A_76 = arith.constant 0 : i32
    %dma_wait3A_77 = tpu.memref_slice %arg15[%dma_wait3A_75, %dma_wait3A_76] : memref<10000x80xf32, #tpu.memory_space<vmem_shared>> -> memref<10000x80xf32, #tpu.memory_space<vmem_shared>>
    tpu.wait_indirect_dma semaphore(%arg25 : memref<!tpu.dma_semaphore, #tpu.memory_space<semaphore_mem>>) src(%arg12 : memref<80x80xf32, #tpu.memory_space<vmem>>) dst(%dma_wait3A_77 : memref<10000x80xf32, #tpu.memory_space<vmem_shared>>)
    %dma_wait3A_78 = arith.constant 244 : i32
    %dma_wait3A_79 = arith.constant 0 : i32
    %dma_wait3A_80 = tpu.memref_slice %arg8[%dma_wait3A_78, %dma_wait3A_79] : memref<250x80xi32, #tpu.memory_space<vmem>> -> memref<1x80xi32, #tpu.memory_space<vmem>>
    %dma_wait3A_81 = tpu.memref_squeeze %dma_wait3A_80 : memref<1x80xi32, #tpu.memory_space<vmem>> -> memref<80xi32, #tpu.memory_space<vmem>>
    %dma_wait3A_82 = arith.constant 0 : i32
    %dma_wait3A_83 = arith.constant 0 : i32
    %dma_wait3A_84 = tpu.memref_slice %arg15[%dma_wait3A_82, %dma_wait3A_83] : memref<10000x80xf32, #tpu.memory_space<vmem_shared>> -> memref<10000x80xf32, #tpu.memory_space<vmem_shared>>
    tpu.wait_indirect_dma semaphore(%arg26 : memref<!tpu.dma_semaphore, #tpu.memory_space<semaphore_mem>>) src(%arg13 : memref<80x80xf32, #tpu.memory_space<vmem>>) dst(%dma_wait3A_84 : memref<10000x80xf32, #tpu.memory_space<vmem_shared>>)
    %dma_wait3A_85 = arith.constant 245 : i32
    %dma_wait3A_86 = arith.constant 0 : i32
    %dma_wait3A_87 = tpu.memref_slice %arg8[%dma_wait3A_85, %dma_wait3A_86] : memref<250x80xi32, #tpu.memory_space<vmem>> -> memref<1x80xi32, #tpu.memory_space<vmem>>
    %dma_wait3A_88 = tpu.memref_squeeze %dma_wait3A_87 : memref<1x80xi32, #tpu.memory_space<vmem>> -> memref<80xi32, #tpu.memory_space<vmem>>
    %dma_wait3A_89 = arith.constant 0 : i32
    %dma_wait3A_90 = arith.constant 0 : i32
    %dma_wait3A_91 = tpu.memref_slice %arg15[%dma_wait3A_89, %dma_wait3A_90] : memref<10000x80xf32, #tpu.memory_space<vmem_shared>> -> memref<10000x80xf32, #tpu.memory_space<vmem_shared>>
    tpu.wait_indirect_dma semaphore(%arg27 : memref<!tpu.dma_semaphore, #tpu.memory_space<semaphore_mem>>) src(%arg14 : memref<80x80xf32, #tpu.memory_space<vmem>>) dst(%dma_wait3A_91 : memref<10000x80xf32, #tpu.memory_space<vmem_shared>>)
    %dma_start3A_92 = arith.constant 246 : i32
    %dma_start3A_93 = arith.constant 0 : i32
    %dma_start3A_94 = tpu.memref_slice %arg7[%dma_start3A_92, %dma_start3A_93] : memref<250x80xi32, #tpu.memory_space<vmem>> -> memref<1x80xi32, #tpu.memory_space<vmem>>
    %dma_start3A_95 = tpu.memref_squeeze %dma_start3A_94 : memref<1x80xi32, #tpu.memory_space<vmem>> -> memref<80xi32, #tpu.memory_space<vmem>>
    %dma_start3A_96 = arith.constant 0 : i32
    %dma_start3A_97 = arith.constant 0 : i32
    %dma_start3A_98 = tpu.memref_slice %arg2[%dma_start3A_96, %dma_start3A_97] : memref<20000x80xf32, #tpu.memory_space<hbm>> -> memref<20000x80xf32, #tpu.memory_space<hbm>>
    tpu.enqueue_indirect_dma source(%dma_start3A_98 : memref<20000x80xf32, #tpu.memory_space<hbm>>) target(%arg9 : memref<80x80xf32, #tpu.memory_space<vmem>>) offsets(%dma_start3A_95 : memref<80xi32, #tpu.memory_space<vmem>>) semaphore(%arg16 : memref<!tpu.dma_semaphore, #tpu.memory_space<semaphore_mem>>)
    %dma_wait3A_99 = arith.constant 246 : i32
    %dma_wait3A_100 = arith.constant 0 : i32
    %dma_wait3A_101 = tpu.memref_slice %arg7[%dma_wait3A_99, %dma_wait3A_100] : memref<250x80xi32, #tpu.memory_space<vmem>> -> memref<1x80xi32, #tpu.memory_space<vmem>>
    %dma_wait3A_102 = tpu.memref_squeeze %dma_wait3A_101 : memref<1x80xi32, #tpu.memory_space<vmem>> -> memref<80xi32, #tpu.memory_space<vmem>>
    %dma_wait3A_103 = arith.constant 0 : i32
    %dma_wait3A_104 = arith.constant 0 : i32
    %dma_wait3A_105 = tpu.memref_slice %arg2[%dma_wait3A_103, %dma_wait3A_104] : memref<20000x80xf32, #tpu.memory_space<hbm>> -> memref<20000x80xf32, #tpu.memory_space<hbm>>
    tpu.wait_indirect_dma semaphore(%arg16 : memref<!tpu.dma_semaphore, #tpu.memory_space<semaphore_mem>>) src(%dma_wait3A_105 : memref<20000x80xf32, #tpu.memory_space<hbm>>) dst(%arg9 : memref<80x80xf32, #tpu.memory_space<vmem>>)
    %dma_start3A_106 = arith.constant 246 : i32
    %dma_start3A_107 = arith.constant 0 : i32
    %dma_start3A_108 = tpu.memref_slice %arg8[%dma_start3A_106, %dma_start3A_107] : memref<250x80xi32, #tpu.memory_space<vmem>> -> memref<1x80xi32, #tpu.memory_space<vmem>>
    %dma_start3A_109 = tpu.memref_squeeze %dma_start3A_108 : memref<1x80xi32, #tpu.memory_space<vmem>> -> memref<80xi32, #tpu.memory_space<vmem>>
    %dma_start3A_110 = arith.constant 0 : i32
    %dma_start3A_111 = arith.constant 0 : i32
    %dma_start3A_112 = tpu.memref_slice %arg15[%dma_start3A_110, %dma_start3A_111] : memref<10000x80xf32, #tpu.memory_space<vmem_shared>> -> memref<10000x80xf32, #tpu.memory_space<vmem_shared>>
    tpu.enqueue_indirect_dma source(%arg9 : memref<80x80xf32, #tpu.memory_space<vmem>>) target(%dma_start3A_112 : memref<10000x80xf32, #tpu.memory_space<vmem_shared>>) offsets(%dma_start3A_109 : memref<80xi32, #tpu.memory_space<vmem>>) semaphore(%arg22 : memref<!tpu.dma_semaphore, #tpu.memory_space<semaphore_mem>>) {add = true}
    %dma_wait3A_113 = arith.constant 246 : i32
    %dma_wait3A_114 = arith.constant 0 : i32
    %dma_wait3A_115 = tpu.memref_slice %arg8[%dma_wait3A_113, %dma_wait3A_114] : memref<250x80xi32, #tpu.memory_space<vmem>> -> memref<1x80xi32, #tpu.memory_space<vmem>>
    %dma_wait3A_116 = tpu.memref_squeeze %dma_wait3A_115 : memref<1x80xi32, #tpu.memory_space<vmem>> -> memref<80xi32, #tpu.memory_space<vmem>>
    %dma_wait3A_117 = arith.constant 0 : i32
    %dma_wait3A_118 = arith.constant 0 : i32
    %dma_wait3A_119 = tpu.memref_slice %arg15[%dma_wait3A_117, %dma_wait3A_118] : memref<10000x80xf32, #tpu.memory_space<vmem_shared>> -> memref<10000x80xf32, #tpu.memory_space<vmem_shared>>
    tpu.wait_indirect_dma semaphore(%arg22 : memref<!tpu.dma_semaphore, #tpu.memory_space<semaphore_mem>>) src(%arg9 : memref<80x80xf32, #tpu.memory_space<vmem>>) dst(%dma_wait3A_119 : memref<10000x80xf32, #tpu.memory_space<vmem_shared>>)
    %dma_start3A_120 = arith.constant 247 : i32
    %dma_start3A_121 = arith.constant 0 : i32
    %dma_start3A_122 = tpu.memref_slice %arg7[%dma_start3A_120, %dma_start3A_121] : memref<250x80xi32, #tpu.memory_space<vmem>> -> memref<1x80xi32, #tpu.memory_space<vmem>>
    %dma_start3A_123 = tpu.memref_squeeze %dma_start3A_122 : memref<1x80xi32, #tpu.memory_space<vmem>> -> memref<80xi32, #tpu.memory_space<vmem>>
    %dma_start3A_124 = arith.constant 0 : i32
    %dma_start3A_125 = arith.constant 0 : i32
    %dma_start3A_126 = tpu.memref_slice %arg2[%dma_start3A_124, %dma_start3A_125] : memref<20000x80xf32, #tpu.memory_space<hbm>> -> memref<20000x80xf32, #tpu.memory_space<hbm>>
    tpu.enqueue_indirect_dma source(%dma_start3A_126 : memref<20000x80xf32, #tpu.memory_space<hbm>>) target(%arg9 : memref<80x80xf32, #tpu.memory_space<vmem>>) offsets(%dma_start3A_123 : memref<80xi32, #tpu.memory_space<vmem>>) semaphore(%arg16 : memref<!tpu.dma_semaphore, #tpu.memory_space<semaphore_mem>>)
    %dma_wait3A_127 = arith.constant 247 : i32
    %dma_wait3A_128 = arith.constant 0 : i32
    %dma_wait3A_129 = tpu.memref_slice %arg7[%dma_wait3A_127, %dma_wait3A_128] : memref<250x80xi32, #tpu.memory_space<vmem>> -> memref<1x80xi32, #tpu.memory_space<vmem>>
    %dma_wait3A_130 = tpu.memref_squeeze %dma_wait3A_129 : memref<1x80xi32, #tpu.memory_space<vmem>> -> memref<80xi32, #tpu.memory_space<vmem>>
    %dma_wait3A_131 = arith.constant 0 : i32
    %dma_wait3A_132 = arith.constant 0 : i32
    %dma_wait3A_133 = tpu.memref_slice %arg2[%dma_wait3A_131, %dma_wait3A_132] : memref<20000x80xf32, #tpu.memory_space<hbm>> -> memref<20000x80xf32, #tpu.memory_space<hbm>>
    tpu.wait_indirect_dma semaphore(%arg16 : memref<!tpu.dma_semaphore, #tpu.memory_space<semaphore_mem>>) src(%dma_wait3A_133 : memref<20000x80xf32, #tpu.memory_space<hbm>>) dst(%arg9 : memref<80x80xf32, #tpu.memory_space<vmem>>)
    %dma_start3A_134 = arith.constant 247 : i32
    %dma_start3A_135 = arith.constant 0 : i32
    %dma_start3A_136 = tpu.memref_slice %arg8[%dma_start3A_134, %dma_start3A_135] : memref<250x80xi32, #tpu.memory_space<vmem>> -> memref<1x80xi32, #tpu.memory_space<vmem>>
    %dma_start3A_137 = tpu.memref_squeeze %dma_start3A_136 : memref<1x80xi32, #tpu.memory_space<vmem>> -> memref<80xi32, #tpu.memory_space<vmem>>
    %dma_start3A_138 = arith.constant 0 : i32
    %dma_start3A_139 = arith.constant 0 : i32
    %dma_start3A_140 = tpu.memref_slice %arg15[%dma_start3A_138, %dma_start3A_139] : memref<10000x80xf32, #tpu.memory_space<vmem_shared>> -> memref<10000x80xf32, #tpu.memory_space<vmem_shared>>
    tpu.enqueue_indirect_dma source(%arg9 : memref<80x80xf32, #tpu.memory_space<vmem>>) target(%dma_start3A_140 : memref<10000x80xf32, #tpu.memory_space<vmem_shared>>) offsets(%dma_start3A_137 : memref<80xi32, #tpu.memory_space<vmem>>) semaphore(%arg22 : memref<!tpu.dma_semaphore, #tpu.memory_space<semaphore_mem>>) {add = true}
    %dma_wait3A_141 = arith.constant 247 : i32
    %dma_wait3A_142 = arith.constant 0 : i32
    %dma_wait3A_143 = tpu.memref_slice %arg8[%dma_wait3A_141, %dma_wait3A_142] : memref<250x80xi32, #tpu.memory_space<vmem>> -> memref<1x80xi32, #tpu.memory_space<vmem>>
    %dma_wait3A_144 = tpu.memref_squeeze %dma_wait3A_143 : memref<1x80xi32, #tpu.memory_space<vmem>> -> memref<80xi32, #tpu.memory_space<vmem>>
    %dma_wait3A_145 = arith.constant 0 : i32
    %dma_wait3A_146 = arith.constant 0 : i32
    %dma_wait3A_147 = tpu.memref_slice %arg15[%dma_wait3A_145, %dma_wait3A_146] : memref<10000x80xf32, #tpu.memory_space<vmem_shared>> -> memref<10000x80xf32, #tpu.memory_space<vmem_shared>>
    tpu.wait_indirect_dma semaphore(%arg22 : memref<!tpu.dma_semaphore, #tpu.memory_space<semaphore_mem>>) src(%arg9 : memref<80x80xf32, #tpu.memory_space<vmem>>) dst(%dma_wait3A_147 : memref<10000x80xf32, #tpu.memory_space<vmem_shared>>)
    %dma_start3A_148 = arith.constant 248 : i32
    %dma_start3A_149 = arith.constant 0 : i32
    %dma_start3A_150 = tpu.memref_slice %arg7[%dma_start3A_148, %dma_start3A_149] : memref<250x80xi32, #tpu.memory_space<vmem>> -> memref<1x80xi32, #tpu.memory_space<vmem>>
    %dma_start3A_151 = tpu.memref_squeeze %dma_start3A_150 : memref<1x80xi32, #tpu.memory_space<vmem>> -> memref<80xi32, #tpu.memory_space<vmem>>
    %dma_start3A_152 = arith.constant 0 : i32
    %dma_start3A_153 = arith.constant 0 : i32
    %dma_start3A_154 = tpu.memref_slice %arg2[%dma_start3A_152, %dma_start3A_153] : memref<20000x80xf32, #tpu.memory_space<hbm>> -> memref<20000x80xf32, #tpu.memory_space<hbm>>
    tpu.enqueue_indirect_dma source(%dma_start3A_154 : memref<20000x80xf32, #tpu.memory_space<hbm>>) target(%arg9 : memref<80x80xf32, #tpu.memory_space<vmem>>) offsets(%dma_start3A_151 : memref<80xi32, #tpu.memory_space<vmem>>) semaphore(%arg16 : memref<!tpu.dma_semaphore, #tpu.memory_space<semaphore_mem>>)
    %dma_wait3A_155 = arith.constant 248 : i32
    %dma_wait3A_156 = arith.constant 0 : i32
    %dma_wait3A_157 = tpu.memref_slice %arg7[%dma_wait3A_155, %dma_wait3A_156] : memref<250x80xi32, #tpu.memory_space<vmem>> -> memref<1x80xi32, #tpu.memory_space<vmem>>
    %dma_wait3A_158 = tpu.memref_squeeze %dma_wait3A_157 : memref<1x80xi32, #tpu.memory_space<vmem>> -> memref<80xi32, #tpu.memory_space<vmem>>
    %dma_wait3A_159 = arith.constant 0 : i32
    %dma_wait3A_160 = arith.constant 0 : i32
    %dma_wait3A_161 = tpu.memref_slice %arg2[%dma_wait3A_159, %dma_wait3A_160] : memref<20000x80xf32, #tpu.memory_space<hbm>> -> memref<20000x80xf32, #tpu.memory_space<hbm>>
    tpu.wait_indirect_dma semaphore(%arg16 : memref<!tpu.dma_semaphore, #tpu.memory_space<semaphore_mem>>) src(%dma_wait3A_161 : memref<20000x80xf32, #tpu.memory_space<hbm>>) dst(%arg9 : memref<80x80xf32, #tpu.memory_space<vmem>>)
    %dma_start3A_162 = arith.constant 248 : i32
    %dma_start3A_163 = arith.constant 0 : i32
    %dma_start3A_164 = tpu.memref_slice %arg8[%dma_start3A_162, %dma_start3A_163] : memref<250x80xi32, #tpu.memory_space<vmem>> -> memref<1x80xi32, #tpu.memory_space<vmem>>
    %dma_start3A_165 = tpu.memref_squeeze %dma_start3A_164 : memref<1x80xi32, #tpu.memory_space<vmem>> -> memref<80xi32, #tpu.memory_space<vmem>>
    %dma_start3A_166 = arith.constant 0 : i32
    %dma_start3A_167 = arith.constant 0 : i32
    %dma_start3A_168 = tpu.memref_slice %arg15[%dma_start3A_166, %dma_start3A_167] : memref<10000x80xf32, #tpu.memory_space<vmem_shared>> -> memref<10000x80xf32, #tpu.memory_space<vmem_shared>>
    tpu.enqueue_indirect_dma source(%arg9 : memref<80x80xf32, #tpu.memory_space<vmem>>) target(%dma_start3A_168 : memref<10000x80xf32, #tpu.memory_space<vmem_shared>>) offsets(%dma_start3A_165 : memref<80xi32, #tpu.memory_space<vmem>>) semaphore(%arg22 : memref<!tpu.dma_semaphore, #tpu.memory_space<semaphore_mem>>) {add = true}
    %dma_wait3A_169 = arith.constant 248 : i32
    %dma_wait3A_170 = arith.constant 0 : i32
    %dma_wait3A_171 = tpu.memref_slice %arg8[%dma_wait3A_169, %dma_wait3A_170] : memref<250x80xi32, #tpu.memory_space<vmem>> -> memref<1x80xi32, #tpu.memory_space<vmem>>
    %dma_wait3A_172 = tpu.memref_squeeze %dma_wait3A_171 : memref<1x80xi32, #tpu.memory_space<vmem>> -> memref<80xi32, #tpu.memory_space<vmem>>
    %dma_wait3A_173 = arith.constant 0 : i32
    %dma_wait3A_174 = arith.constant 0 : i32
    %dma_wait3A_175 = tpu.memref_slice %arg15[%dma_wait3A_173, %dma_wait3A_174] : memref<10000x80xf32, #tpu.memory_space<vmem_shared>> -> memref<10000x80xf32, #tpu.memory_space<vmem_shared>>
    tpu.wait_indirect_dma semaphore(%arg22 : memref<!tpu.dma_semaphore, #tpu.memory_space<semaphore_mem>>) src(%arg9 : memref<80x80xf32, #tpu.memory_space<vmem>>) dst(%dma_wait3A_175 : memref<10000x80xf32, #tpu.memory_space<vmem_shared>>)
    %dma_start3A_176 = arith.constant 249 : i32
    %dma_start3A_177 = arith.constant 0 : i32
    %dma_start3A_178 = tpu.memref_slice %arg7[%dma_start3A_176, %dma_start3A_177] : memref<250x80xi32, #tpu.memory_space<vmem>> -> memref<1x80xi32, #tpu.memory_space<vmem>>
    %dma_start3A_179 = tpu.memref_squeeze %dma_start3A_178 : memref<1x80xi32, #tpu.memory_space<vmem>> -> memref<80xi32, #tpu.memory_space<vmem>>
    %dma_start3A_180 = arith.constant 0 : i32
    %dma_start3A_181 = arith.constant 0 : i32
    %dma_start3A_182 = tpu.memref_slice %arg2[%dma_start3A_180, %dma_start3A_181] : memref<20000x80xf32, #tpu.memory_space<hbm>> -> memref<20000x80xf32, #tpu.memory_space<hbm>>
    tpu.enqueue_indirect_dma source(%dma_start3A_182 : memref<20000x80xf32, #tpu.memory_space<hbm>>) target(%arg9 : memref<80x80xf32, #tpu.memory_space<vmem>>) offsets(%dma_start3A_179 : memref<80xi32, #tpu.memory_space<vmem>>) semaphore(%arg16 : memref<!tpu.dma_semaphore, #tpu.memory_space<semaphore_mem>>)
    %dma_wait3A_183 = arith.constant 249 : i32
    %dma_wait3A_184 = arith.constant 0 : i32
    %dma_wait3A_185 = tpu.memref_slice %arg7[%dma_wait3A_183, %dma_wait3A_184] : memref<250x80xi32, #tpu.memory_space<vmem>> -> memref<1x80xi32, #tpu.memory_space<vmem>>
    %dma_wait3A_186 = tpu.memref_squeeze %dma_wait3A_185 : memref<1x80xi32, #tpu.memory_space<vmem>> -> memref<80xi32, #tpu.memory_space<vmem>>
    %dma_wait3A_187 = arith.constant 0 : i32
    %dma_wait3A_188 = arith.constant 0 : i32
    %dma_wait3A_189 = tpu.memref_slice %arg2[%dma_wait3A_187, %dma_wait3A_188] : memref<20000x80xf32, #tpu.memory_space<hbm>> -> memref<20000x80xf32, #tpu.memory_space<hbm>>
    tpu.wait_indirect_dma semaphore(%arg16 : memref<!tpu.dma_semaphore, #tpu.memory_space<semaphore_mem>>) src(%dma_wait3A_189 : memref<20000x80xf32, #tpu.memory_space<hbm>>) dst(%arg9 : memref<80x80xf32, #tpu.memory_space<vmem>>)
    %dma_start3A_190 = arith.constant 249 : i32
    %dma_start3A_191 = arith.constant 0 : i32
    %dma_start3A_192 = tpu.memref_slice %arg8[%dma_start3A_190, %dma_start3A_191] : memref<250x80xi32, #tpu.memory_space<vmem>> -> memref<1x80xi32, #tpu.memory_space<vmem>>
    %dma_start3A_193 = tpu.memref_squeeze %dma_start3A_192 : memref<1x80xi32, #tpu.memory_space<vmem>> -> memref<80xi32, #tpu.memory_space<vmem>>
    %dma_start3A_194 = arith.constant 0 : i32
    %dma_start3A_195 = arith.constant 0 : i32
    %dma_start3A_196 = tpu.memref_slice %arg15[%dma_start3A_194, %dma_start3A_195] : memref<10000x80xf32, #tpu.memory_space<vmem_shared>> -> memref<10000x80xf32, #tpu.memory_space<vmem_shared>>
    tpu.enqueue_indirect_dma source(%arg9 : memref<80x80xf32, #tpu.memory_space<vmem>>) target(%dma_start3A_196 : memref<10000x80xf32, #tpu.memory_space<vmem_shared>>) offsets(%dma_start3A_193 : memref<80xi32, #tpu.memory_space<vmem>>) semaphore(%arg22 : memref<!tpu.dma_semaphore, #tpu.memory_space<semaphore_mem>>) {add = true}
    %dma_wait3A_197 = arith.constant 249 : i32
    %dma_wait3A_198 = arith.constant 0 : i32
    %dma_wait3A_199 = tpu.memref_slice %arg8[%dma_wait3A_197, %dma_wait3A_198] : memref<250x80xi32, #tpu.memory_space<vmem>> -> memref<1x80xi32, #tpu.memory_space<vmem>>
    %dma_wait3A_200 = tpu.memref_squeeze %dma_wait3A_199 : memref<1x80xi32, #tpu.memory_space<vmem>> -> memref<80xi32, #tpu.memory_space<vmem>>
    %dma_wait3A_201 = arith.constant 0 : i32
    %dma_wait3A_202 = arith.constant 0 : i32
    %dma_wait3A_203 = tpu.memref_slice %arg15[%dma_wait3A_201, %dma_wait3A_202] : memref<10000x80xf32, #tpu.memory_space<vmem_shared>> -> memref<10000x80xf32, #tpu.memory_space<vmem_shared>>
    tpu.wait_indirect_dma semaphore(%arg22 : memref<!tpu.dma_semaphore, #tpu.memory_space<semaphore_mem>>) src(%arg9 : memref<80x80xf32, #tpu.memory_space<vmem>>) dst(%dma_wait3A_203 : memref<10000x80xf32, #tpu.memory_space<vmem_shared>>)
    %barrier3A_204 = arith.constant 0 : index
    tpu.barrier barrier_id(%barrier3A_204)
    %mul3A_205 = arith.constant 624 : i32
    %mul3A_206 = arith.muli %arg1, %mul3A_205 : i32
    %mul3A_207 = arith.constant 10000 : i32
    %mul3A_208 = arith.muli %arg0, %mul3A_207 : i32
    %mul3A_209 = arith.constant 624 : i32
    %mul3A_210 = arith.muli %arg1, %mul3A_209 : i32
    %add3A = arith.addi %mul3A_208, %mul3A_210 : i32
    "tpu.region"() ({
      %run_scoped3A = tpu.sem_alloc : memref<!tpu.dma_semaphore, #tpu.memory_space<semaphore_mem>>
      %dma_start3A_216 = arith.constant 0 : i32
      %dma_start3A_217 = tpu.memref_slice %arg6[%add3A, %dma_start3A_216] : memref<20000x80xf32, #tpu.memory_space<hbm>> -> memref<624x80xf32, #tpu.memory_space<hbm>>
      %dma_start3A_218 = arith.constant 0 : i32
      %dma_start3A_219 = tpu.memref_slice %arg15[%mul3A_206, %dma_start3A_218] : memref<10000x80xf32, #tpu.memory_space<vmem_shared>> -> memref<624x80xf32, #tpu.memory_space<vmem_shared>>
      tpu.enqueue_dma source(%dma_start3A_219 : memref<624x80xf32, #tpu.memory_space<vmem_shared>>) target(%dma_start3A_217 : memref<624x80xf32, #tpu.memory_space<hbm>>) target_semaphore(%run_scoped3A : memref<!tpu.dma_semaphore, #tpu.memory_space<semaphore_mem>>)
      %dma_wait3A_220 = arith.constant 0 : i32
      %dma_wait3A_221 = tpu.memref_slice %arg6[%add3A, %dma_wait3A_220] : memref<20000x80xf32, #tpu.memory_space<hbm>> -> memref<624x80xf32, #tpu.memory_space<hbm>>
      %dma_wait3A_222 = arith.constant 0 : i32
      %dma_wait3A_223 = tpu.memref_slice %arg15[%mul3A_206, %dma_wait3A_222] : memref<10000x80xf32, #tpu.memory_space<vmem_shared>> -> memref<624x80xf32, #tpu.memory_space<vmem_shared>>
      tpu.wait_dma2 semaphore(%run_scoped3A : memref<!tpu.dma_semaphore, #tpu.memory_space<semaphore_mem>>) src(%dma_wait3A_223 : memref<624x80xf32, #tpu.memory_space<vmem_shared>>) dst(%dma_wait3A_221 : memref<624x80xf32, #tpu.memory_space<hbm>>)
      tpu.yield
    }) : () -> ()
    %eq3A_211 = arith.constant 0 : i32
    %eq3A_212 = arith.cmpi eq, %arg1, %eq3A_211 : i32
    %convert_element_type3A_213 = arith.extui %eq3A_212 : i1 to i32
    %cond3A_214 = arith.constant 0 : i32
    %cond3A_215 = arith.cmpi ne, %convert_element_type3A_213, %cond3A_214 : i32
    scf.if %cond3A_215 {
      %mul3A_216 = arith.constant 10000 : i32
      %mul3A_217 = arith.muli %arg0, %mul3A_216 : i32
      %add3A_218 = arith.constant 9984 : i32
      %add3A_219 = arith.addi %mul3A_217, %add3A_218 : i32
      "tpu.region"() ({
        %run_scoped3A = tpu.sem_alloc : memref<!tpu.dma_semaphore, #tpu.memory_space<semaphore_mem>>
        %dma_start3A_220 = arith.constant 0 : i32
        %dma_start3A_221 = tpu.memref_slice %arg6[%add3A_219, %dma_start3A_220] : memref<20000x80xf32, #tpu.memory_space<hbm>> -> memref<16x80xf32, #tpu.memory_space<hbm>>
        %dma_start3A_222 = arith.constant 9984 : i32
        %dma_start3A_223 = arith.constant 0 : i32
        %dma_start3A_224 = tpu.memref_slice %arg15[%dma_start3A_222, %dma_start3A_223] : memref<10000x80xf32, #tpu.memory_space<vmem_shared>> -> memref<16x80xf32, #tpu.memory_space<vmem_shared>>
        tpu.enqueue_dma source(%dma_start3A_224 : memref<16x80xf32, #tpu.memory_space<vmem_shared>>) target(%dma_start3A_221 : memref<16x80xf32, #tpu.memory_space<hbm>>) target_semaphore(%run_scoped3A : memref<!tpu.dma_semaphore, #tpu.memory_space<semaphore_mem>>)
        %dma_wait3A_225 = arith.constant 0 : i32
        %dma_wait3A_226 = tpu.memref_slice %arg6[%add3A_219, %dma_wait3A_225] : memref<20000x80xf32, #tpu.memory_space<hbm>> -> memref<16x80xf32, #tpu.memory_space<hbm>>
        %dma_wait3A_227 = arith.constant 9984 : i32
        %dma_wait3A_228 = arith.constant 0 : i32
        %dma_wait3A_229 = tpu.memref_slice %arg15[%dma_wait3A_227, %dma_wait3A_228] : memref<10000x80xf32, #tpu.memory_space<vmem_shared>> -> memref<16x80xf32, #tpu.memory_space<vmem_shared>>
        tpu.wait_dma2 semaphore(%run_scoped3A : memref<!tpu.dma_semaphore, #tpu.memory_space<semaphore_mem>>) src(%dma_wait3A_229 : memref<16x80xf32, #tpu.memory_space<vmem_shared>>) dst(%dma_wait3A_226 : memref<16x80xf32, #tpu.memory_space<hbm>>)
        tpu.yield
      }) : () -> ()
    } else {
    }
    return
  }
}

#map = affine_map<(d0, d1) -> (0, 0)>
#map1 = affine_map<(d0, d1) -> (0, 0, 0, 0)>
#map2 = affine_map<(d0, d1) -> (0, 0, 0)>
module attributes {stable_mosaic.version = 14 : i64} {
  func.func @body(%arg0: i32, %arg1: i32, %arg2: memref<20000x80xf32, #tpu.memory_space<hbm>>, %arg3: memref<2x16x250x80xi32, #tpu.memory_space<hbm>>, %arg4: memref<16x250x80xi32, #tpu.memory_space<hbm>>, %arg5: memref<10000x80xf32, #tpu.memory_space<hbm>>, %arg6: memref<20000x80xf32, #tpu.memory_space<hbm>>, %arg7: memref<250x80xi32, #tpu.memory_space<vmem>>, %arg8: memref<250x80xi32, #tpu.memory_space<vmem>>, %arg9: memref<80x80xf32, #tpu.memory_space<vmem>>, %arg10: memref<80x80xf32, #tpu.memory_space<vmem>>, %arg11: memref<80x80xf32, #tpu.memory_space<vmem>>, %arg12: memref<80x80xf32, #tpu.memory_space<vmem>>, %arg13: memref<80x80xf32, #tpu.memory_space<vmem>>, %arg14: memref<80x80xf32, #tpu.memory_space<vmem>>, %arg15: memref<10000x80xf32, #tpu.memory_space<vmem_shared>>, %arg16: memref<!tpu.dma_semaphore, #tpu.memory_space<semaphore_mem>>, %arg17: memref<!tpu.dma_semaphore, #tpu.memory_space<semaphore_mem>>, %arg18: memref<!tpu.dma_semaphore, #tpu.memory_space<semaphore_mem>>, %arg19: memref<!tpu.dma_semaphore, #tpu.memory_space<semaphore_mem>>, %arg20: memref<!tpu.dma_semaphore, #tpu.memory_space<semaphore_mem>>, %arg21: memref<!tpu.dma_semaphore, #tpu.memory_space<semaphore_mem>>, %arg22: memref<!tpu.dma_semaphore, #tpu.memory_space<semaphore_mem>>, %arg23: memref<!tpu.dma_semaphore, #tpu.memory_space<semaphore_mem>>, %arg24: memref<!tpu.dma_semaphore, #tpu.memory_space<semaphore_mem>>, %arg25: memref<!tpu.dma_semaphore, #tpu.memory_space<semaphore_mem>>, %arg26: memref<!tpu.dma_semaphore, #tpu.memory_space<semaphore_mem>>, %arg27: memref<!tpu.dma_semaphore, #tpu.memory_space<semaphore_mem>>) attributes {dimension_semantics = [#tpu.dimension_semantics<core_parallel>, #tpu.dimension_semantics<subcore_parallel>], iteration_bounds = array<i64: 2, 16>, scalar_prefetch = 0 : i64, scratch_operands = 21 : i64, tpu.core_type = #tpu.core_type<sc_vector_subcore>, window_params = [{transform_indices = #map}, {transform_indices = #map1}, {transform_indices = #map2}, {transform_indices = #map}, {transform_indices = #map}]} {
    "tpu.region"() ({
      %run_scoped3A = tpu.sem_alloc : memref<!tpu.dma_semaphore, #tpu.memory_space<semaphore_mem>>
      %dma_start3A_216 = arith.constant 0 : i32
      %dma_start3A_217 = arith.constant 0 : i32
      %dma_start3A_218 = tpu.memref_slice %arg3[%arg0, %arg1, %dma_start3A_216, %dma_start3A_217] : memref<2x16x250x80xi32, #tpu.memory_space<hbm>> -> memref<1x1x250x80xi32, #tpu.memory_space<hbm>>
      %dma_start3A_219 = tpu.memref_squeeze %dma_start3A_218 : memref<1x1x250x80xi32, #tpu.memory_space<hbm>> -> memref<250x80xi32, #tpu.memory_space<hbm>>
      %dma_start3A_220 = arith.constant 0 : i32
      %dma_start3A_221 = arith.constant 0 : i32
      %dma_start3A_222 = tpu.memref_slice %arg3[%arg0, %arg1, %dma_start3A_220, %dma_start3A_221] : memref<2x16x250x80xi32, #tpu.memory_space<hbm>> -> memref<1x1x250x80xi32, #tpu.memory_space<hbm>>
      %dma_start3A_223 = tpu.memref_squeeze %dma_start3A_222 : memref<1x1x250x80xi32, #tpu.memory_space<hbm>> -> memref<250x80xi32, #tpu.memory_space<hbm>>
      tpu.enqueue_dma source(%dma_start3A_223 : memref<250x80xi32, #tpu.memory_space<hbm>>) target(%arg7 : memref<250x80xi32, #tpu.memory_space<vmem>>) target_semaphore(%run_scoped3A : memref<!tpu.dma_semaphore, #tpu.memory_space<semaphore_mem>>)
      %dma_wait3A_224 = arith.constant 0 : i32
      %dma_wait3A_225 = arith.constant 0 : i32
      %dma_wait3A_226 = tpu.memref_slice %arg3[%arg0, %arg1, %dma_wait3A_224, %dma_wait3A_225] : memref<2x16x250x80xi32, #tpu.memory_space<hbm>> -> memref<1x1x250x80xi32, #tpu.memory_space<hbm>>
      %dma_wait3A_227 = tpu.memref_squeeze %dma_wait3A_226 : memref<1x1x250x80xi32, #tpu.memory_space<hbm>> -> memref<250x80xi32, #tpu.memory_space<hbm>>
      %dma_wait3A_228 = arith.constant 0 : i32
      %dma_wait3A_229 = arith.constant 0 : i32
      %dma_wait3A_230 = tpu.memref_slice %arg3[%arg0, %arg1, %dma_wait3A_228, %dma_wait3A_229] : memref<2x16x250x80xi32, #tpu.memory_space<hbm>> -> memref<1x1x250x80xi32, #tpu.memory_space<hbm>>
      %dma_wait3A_231 = tpu.memref_squeeze %dma_wait3A_230 : memref<1x1x250x80xi32, #tpu.memory_space<hbm>> -> memref<250x80xi32, #tpu.memory_space<hbm>>
      tpu.wait_dma2 semaphore(%run_scoped3A : memref<!tpu.dma_semaphore, #tpu.memory_space<semaphore_mem>>) src(%dma_wait3A_231 : memref<250x80xi32, #tpu.memory_space<hbm>>) dst(%arg7 : memref<250x80xi32, #tpu.memory_space<vmem>>)
      tpu.yield
    }) : () -> ()
    "tpu.region"() ({
      %run_scoped3A = tpu.sem_alloc : memref<!tpu.dma_semaphore, #tpu.memory_space<semaphore_mem>>
      %dma_start3A_216 = arith.constant 0 : i32
      %dma_start3A_217 = arith.constant 0 : i32
      %dma_start3A_218 = tpu.memref_slice %arg4[%arg1, %dma_start3A_216, %dma_start3A_217] : memref<16x250x80xi32, #tpu.memory_space<hbm>> -> memref<1x250x80xi32, #tpu.memory_space<hbm>>
      %dma_start3A_219 = tpu.memref_squeeze %dma_start3A_218 : memref<1x250x80xi32, #tpu.memory_space<hbm>> -> memref<250x80xi32, #tpu.memory_space<hbm>>
      %dma_start3A_220 = arith.constant 0 : i32
      %dma_start3A_221 = arith.constant 0 : i32
      %dma_start3A_222 = tpu.memref_slice %arg4[%arg1, %dma_start3A_220, %dma_start3A_221] : memref<16x250x80xi32, #tpu.memory_space<hbm>> -> memref<1x250x80xi32, #tpu.memory_space<hbm>>
      %dma_start3A_223 = tpu.memref_squeeze %dma_start3A_222 : memref<1x250x80xi32, #tpu.memory_space<hbm>> -> memref<250x80xi32, #tpu.memory_space<hbm>>
      tpu.enqueue_dma source(%dma_start3A_223 : memref<250x80xi32, #tpu.memory_space<hbm>>) target(%arg8 : memref<250x80xi32, #tpu.memory_space<vmem>>) target_semaphore(%run_scoped3A : memref<!tpu.dma_semaphore, #tpu.memory_space<semaphore_mem>>)
      %dma_wait3A_224 = arith.constant 0 : i32
      %dma_wait3A_225 = arith.constant 0 : i32
      %dma_wait3A_226 = tpu.memref_slice %arg4[%arg1, %dma_wait3A_224, %dma_wait3A_225] : memref<16x250x80xi32, #tpu.memory_space<hbm>> -> memref<1x250x80xi32, #tpu.memory_space<hbm>>
      %dma_wait3A_227 = tpu.memref_squeeze %dma_wait3A_226 : memref<1x250x80xi32, #tpu.memory_space<hbm>> -> memref<250x80xi32, #tpu.memory_space<hbm>>
      %dma_wait3A_228 = arith.constant 0 : i32
      %dma_wait3A_229 = arith.constant 0 : i32
      %dma_wait3A_230 = tpu.memref_slice %arg4[%arg1, %dma_wait3A_228, %dma_wait3A_229] : memref<16x250x80xi32, #tpu.memory_space<hbm>> -> memref<1x250x80xi32, #tpu.memory_space<hbm>>
      %dma_wait3A_231 = tpu.memref_squeeze %dma_wait3A_230 : memref<1x250x80xi32, #tpu.memory_space<hbm>> -> memref<250x80xi32, #tpu.memory_space<hbm>>
      tpu.wait_dma2 semaphore(%run_scoped3A : memref<!tpu.dma_semaphore, #tpu.memory_space<semaphore_mem>>) src(%dma_wait3A_231 : memref<250x80xi32, #tpu.memory_space<hbm>>) dst(%arg8 : memref<250x80xi32, #tpu.memory_space<vmem>>)
      tpu.yield
    }) : () -> ()
    %mul3A = arith.constant 624 : i32
    %mul3A_0 = arith.muli %arg1, %mul3A : i32
    %mul3A_1 = arith.constant 624 : i32
    %mul3A_2 = arith.muli %arg1, %mul3A_1 : i32
    "tpu.region"() ({
      %run_scoped3A = tpu.sem_alloc : memref<!tpu.dma_semaphore, #tpu.memory_space<semaphore_mem>>
      %dma_start3A_216 = arith.constant 0 : i32
      %dma_start3A_217 = tpu.memref_slice %arg15[%mul3A_2, %dma_start3A_216] : memref<10000x80xf32, #tpu.memory_space<vmem_shared>> -> memref<624x80xf32, #tpu.memory_space<vmem_shared>>
      %dma_start3A_218 = arith.constant 0 : i32
      %dma_start3A_219 = tpu.memref_slice %arg5[%mul3A_0, %dma_start3A_218] : memref<10000x80xf32, #tpu.memory_space<hbm>> -> memref<624x80xf32, #tpu.memory_space<hbm>>
      tpu.enqueue_dma source(%dma_start3A_219 : memref<624x80xf32, #tpu.memory_space<hbm>>) target(%dma_start3A_217 : memref<624x80xf32, #tpu.memory_space<vmem_shared>>) target_semaphore(%run_scoped3A : memref<!tpu.dma_semaphore, #tpu.memory_space<semaphore_mem>>)
      %dma_wait3A_220 = arith.constant 0 : i32
      %dma_wait3A_221 = tpu.memref_slice %arg15[%mul3A_2, %dma_wait3A_220] : memref<10000x80xf32, #tpu.memory_space<vmem_shared>> -> memref<624x80xf32, #tpu.memory_space<vmem_shared>>
      %dma_wait3A_222 = arith.constant 0 : i32
      %dma_wait3A_223 = tpu.memref_slice %arg5[%mul3A_0, %dma_wait3A_222] : memref<10000x80xf32, #tpu.memory_space<hbm>> -> memref<624x80xf32, #tpu.memory_space<hbm>>
      tpu.wait_dma2 semaphore(%run_scoped3A : memref<!tpu.dma_semaphore, #tpu.memory_space<semaphore_mem>>) src(%dma_wait3A_223 : memref<624x80xf32, #tpu.memory_space<hbm>>) dst(%dma_wait3A_221 : memref<624x80xf32, #tpu.memory_space<vmem_shared>>)
      tpu.yield
    }) : () -> ()
    %eq3A = arith.constant 0 : i32
    %eq3A_3 = arith.cmpi eq, %arg1, %eq3A : i32
    %convert_element_type3A = arith.extui %eq3A_3 : i1 to i32
    %cond3A = arith.constant 0 : i32
    %cond3A_4 = arith.cmpi ne, %convert_element_type3A, %cond3A : i32
    scf.if %cond3A_4 {
      "tpu.region"() ({
        %run_scoped3A = tpu.sem_alloc : memref<!tpu.dma_semaphore, #tpu.memory_space<semaphore_mem>>
        %dma_start3A_216 = arith.constant 9984 : i32
        %dma_start3A_217 = arith.constant 0 : i32
        %dma_start3A_218 = tpu.memref_slice %arg15[%dma_start3A_216, %dma_start3A_217] : memref<10000x80xf32, #tpu.memory_space<vmem_shared>> -> memref<16x80xf32, #tpu.memory_space<vmem_shared>>
        %dma_start3A_219 = arith.constant 9984 : i32
        %dma_start3A_220 = arith.constant 0 : i32
        %dma_start3A_221 = tpu.memref_slice %arg5[%dma_start3A_219, %dma_start3A_220] : memref<10000x80xf32, #tpu.memory_space<hbm>> -> memref<16x80xf32, #tpu.memory_space<hbm>>
        tpu.enqueue_dma source(%dma_start3A_221 : memref<16x80xf32, #tpu.memory_space<hbm>>) target(%dma_start3A_218 : memref<16x80xf32, #tpu.memory_space<vmem_shared>>) target_semaphore(%run_scoped3A : memref<!tpu.dma_semaphore, #tpu.memory_space<semaphore_mem>>)
        %dma_wait3A_222 = arith.constant 9984 : i32
        %dma_wait3A_223 = arith.constant 0 : i32
        %dma_wait3A_224 = tpu.memref_slice %arg15[%dma_wait3A_222, %dma_wait3A_223] : memref<10000x80xf32, #tpu.memory_space<vmem_shared>> -> memref<16x80xf32, #tpu.memory_space<vmem_shared>>
        %dma_wait3A_225 = arith.constant 9984 : i32
        %dma_wait3A_226 = arith.constant 0 : i32
        %dma_wait3A_227 = tpu.memref_slice %arg5[%dma_wait3A_225, %dma_wait3A_226] : memref<10000x80xf32, #tpu.memory_space<hbm>> -> memref<16x80xf32, #tpu.memory_space<hbm>>
        tpu.wait_dma2 semaphore(%run_scoped3A : memref<!tpu.dma_semaphore, #tpu.memory_space<semaphore_mem>>) src(%dma_wait3A_227 : memref<16x80xf32, #tpu.memory_space<hbm>>) dst(%dma_wait3A_224 : memref<16x80xf32, #tpu.memory_space<vmem_shared>>)
        tpu.yield
      }) : () -> ()
    } else {
    }
    %barrier3A = arith.constant 0 : index
    tpu.barrier barrier_id(%barrier3A)
    %dma_start3A = arith.constant 0 : i32
    %dma_start3A_5 = arith.constant 0 : i32
    %dma_start3A_6 = tpu.memref_slice %arg7[%dma_start3A, %dma_start3A_5] : memref<250x80xi32, #tpu.memory_space<vmem>> -> memref<1x80xi32, #tpu.memory_space<vmem>>
    %dma_start3A_7 = tpu.memref_squeeze %dma_start3A_6 : memref<1x80xi32, #tpu.memory_space<vmem>> -> memref<80xi32, #tpu.memory_space<vmem>>
    %dma_start3A_8 = arith.constant 0 : i32
    %dma_start3A_9 = arith.constant 0 : i32
    %dma_start3A_10 = tpu.memref_slice %arg2[%dma_start3A_8, %dma_start3A_9] : memref<20000x80xf32, #tpu.memory_space<hbm>> -> memref<20000x80xf32, #tpu.memory_space<hbm>>
    tpu.enqueue_indirect_dma source(%dma_start3A_10 : memref<20000x80xf32, #tpu.memory_space<hbm>>) target(%arg9 : memref<80x80xf32, #tpu.memory_space<vmem>>) offsets(%dma_start3A_7 : memref<80xi32, #tpu.memory_space<vmem>>) semaphore(%arg16 : memref<!tpu.dma_semaphore, #tpu.memory_space<semaphore_mem>>)
    %dma_start3A_11 = arith.constant 1 : i32
    %dma_start3A_12 = arith.constant 0 : i32
    %dma_start3A_13 = tpu.memref_slice %arg7[%dma_start3A_11, %dma_start3A_12] : memref<250x80xi32, #tpu.memory_space<vmem>> -> memref<1x80xi32, #tpu.memory_space<vmem>>
    %dma_start3A_14 = tpu.memref_squeeze %dma_start3A_13 : memref<1x80xi32, #tpu.memory_space<vmem>> -> memref<80xi32, #tpu.memory_space<vmem>>
    %dma_start3A_15 = arith.constant 0 : i32
    %dma_start3A_16 = arith.constant 0 : i32
    %dma_start3A_17 = tpu.memref_slice %arg2[%dma_start3A_15, %dma_start3A_16] : memref<20000x80xf32, #tpu.memory_space<hbm>> -> memref<20000x80xf32, #tpu.memory_space<hbm>>
    tpu.enqueue_indirect_dma source(%dma_start3A_17 : memref<20000x80xf32, #tpu.memory_space<hbm>>) target(%arg10 : memref<80x80xf32, #tpu.memory_space<vmem>>) offsets(%dma_start3A_14 : memref<80xi32, #tpu.memory_space<vmem>>) semaphore(%arg17 : memref<!tpu.dma_semaphore, #tpu.memory_space<semaphore_mem>>)
    %dma_start3A_18 = arith.constant 2 : i32
    %dma_start3A_19 = arith.constant 0 : i32
    %dma_start3A_20 = tpu.memref_slice %arg7[%dma_start3A_18, %dma_start3A_19] : memref<250x80xi32, #tpu.memory_space<vmem>> -> memref<1x80xi32, #tpu.memory_space<vmem>>
    %dma_start3A_21 = tpu.memref_squeeze %dma_start3A_20 : memref<1x80xi32, #tpu.memory_space<vmem>> -> memref<80xi32, #tpu.memory_space<vmem>>
    %dma_start3A_22 = arith.constant 0 : i32
    %dma_start3A_23 = arith.constant 0 : i32
    %dma_start3A_24 = tpu.memref_slice %arg2[%dma_start3A_22, %dma_start3A_23] : memref<20000x80xf32, #tpu.memory_space<hbm>> -> memref<20000x80xf32, #tpu.memory_space<hbm>>
    tpu.enqueue_indirect_dma source(%dma_start3A_24 : memref<20000x80xf32, #tpu.memory_space<hbm>>) target(%arg11 : memref<80x80xf32, #tpu.memory_space<vmem>>) offsets(%dma_start3A_21 : memref<80xi32, #tpu.memory_space<vmem>>) semaphore(%arg18 : memref<!tpu.dma_semaphore, #tpu.memory_space<semaphore_mem>>)
    %dma_start3A_25 = arith.constant 3 : i32
    %dma_start3A_26 = arith.constant 0 : i32
    %dma_start3A_27 = tpu.memref_slice %arg7[%dma_start3A_25, %dma_start3A_26] : memref<250x80xi32, #tpu.memory_space<vmem>> -> memref<1x80xi32, #tpu.memory_space<vmem>>
    %dma_start3A_28 = tpu.memref_squeeze %dma_start3A_27 : memref<1x80xi32, #tpu.memory_space<vmem>> -> memref<80xi32, #tpu.memory_space<vmem>>
    %dma_start3A_29 = arith.constant 0 : i32
    %dma_start3A_30 = arith.constant 0 : i32
    %dma_start3A_31 = tpu.memref_slice %arg2[%dma_start3A_29, %dma_start3A_30] : memref<20000x80xf32, #tpu.memory_space<hbm>> -> memref<20000x80xf32, #tpu.memory_space<hbm>>
    tpu.enqueue_indirect_dma source(%dma_start3A_31 : memref<20000x80xf32, #tpu.memory_space<hbm>>) target(%arg12 : memref<80x80xf32, #tpu.memory_space<vmem>>) offsets(%dma_start3A_28 : memref<80xi32, #tpu.memory_space<vmem>>) semaphore(%arg19 : memref<!tpu.dma_semaphore, #tpu.memory_space<semaphore_mem>>)
    %dma_start3A_32 = arith.constant 4 : i32
    %dma_start3A_33 = arith.constant 0 : i32
    %dma_start3A_34 = tpu.memref_slice %arg7[%dma_start3A_32, %dma_start3A_33] : memref<250x80xi32, #tpu.memory_space<vmem>> -> memref<1x80xi32, #tpu.memory_space<vmem>>
    %dma_start3A_35 = tpu.memref_squeeze %dma_start3A_34 : memref<1x80xi32, #tpu.memory_space<vmem>> -> memref<80xi32, #tpu.memory_space<vmem>>
    %dma_start3A_36 = arith.constant 0 : i32
    %dma_start3A_37 = arith.constant 0 : i32
    %dma_start3A_38 = tpu.memref_slice %arg2[%dma_start3A_36, %dma_start3A_37] : memref<20000x80xf32, #tpu.memory_space<hbm>> -> memref<20000x80xf32, #tpu.memory_space<hbm>>
    tpu.enqueue_indirect_dma source(%dma_start3A_38 : memref<20000x80xf32, #tpu.memory_space<hbm>>) target(%arg13 : memref<80x80xf32, #tpu.memory_space<vmem>>) offsets(%dma_start3A_35 : memref<80xi32, #tpu.memory_space<vmem>>) semaphore(%arg20 : memref<!tpu.dma_semaphore, #tpu.memory_space<semaphore_mem>>)
    %dma_start3A_39 = arith.constant 5 : i32
    %dma_start3A_40 = arith.constant 0 : i32
    %dma_start3A_41 = tpu.memref_slice %arg7[%dma_start3A_39, %dma_start3A_40] : memref<250x80xi32, #tpu.memory_space<vmem>> -> memref<1x80xi32, #tpu.memory_space<vmem>>
    %dma_start3A_42 = tpu.memref_squeeze %dma_start3A_41 : memref<1x80xi32, #tpu.memory_space<vmem>> -> memref<80xi32, #tpu.memory_space<vmem>>
    %dma_start3A_43 = arith.constant 0 : i32
    %dma_start3A_44 = arith.constant 0 : i32
    %dma_start3A_45 = tpu.memref_slice %arg2[%dma_start3A_43, %dma_start3A_44] : memref<20000x80xf32, #tpu.memory_space<hbm>> -> memref<20000x80xf32, #tpu.memory_space<hbm>>
    tpu.enqueue_indirect_dma source(%dma_start3A_45 : memref<20000x80xf32, #tpu.memory_space<hbm>>) target(%arg14 : memref<80x80xf32, #tpu.memory_space<vmem>>) offsets(%dma_start3A_42 : memref<80xi32, #tpu.memory_space<vmem>>) semaphore(%arg21 : memref<!tpu.dma_semaphore, #tpu.memory_space<semaphore_mem>>)
    %scan3A = arith.constant 0 : i32
    %scan3A_46 = arith.constant 0 : i32
    %scan3A_47 = arith.constant 41 : i32
    %scan3A_48 = arith.addi %scan3A_46, %scan3A_47 : i32
    %scan3A_49 = arith.constant 1 : i32
    scf.for %scan3A_216 = %scan3A_46 to %scan3A_48 step %scan3A_49  : i32 {
      %mul3A_217 = arith.constant 6 : i32
      %mul3A_218 = arith.muli %mul3A_217, %scan3A_216 : i32
      %add3A_219 = arith.constant 0 : i32
      %add3A_220 = arith.addi %mul3A_218, %add3A_219 : i32
      %dma_wait3A_221 = arith.constant 0 : i32
      %dma_wait3A_222 = tpu.memref_slice %arg7[%add3A_220, %dma_wait3A_221] : memref<250x80xi32, #tpu.memory_space<vmem>> -> memref<1x80xi32, #tpu.memory_space<vmem>>
      %dma_wait3A_223 = tpu.memref_squeeze %dma_wait3A_222 : memref<1x80xi32, #tpu.memory_space<vmem>> -> memref<80xi32, #tpu.memory_space<vmem>>
      %dma_wait3A_224 = arith.constant 0 : i32
      %dma_wait3A_225 = arith.constant 0 : i32
      %dma_wait3A_226 = tpu.memref_slice %arg2[%dma_wait3A_224, %dma_wait3A_225] : memref<20000x80xf32, #tpu.memory_space<hbm>> -> memref<20000x80xf32, #tpu.memory_space<hbm>>
      tpu.wait_indirect_dma semaphore(%arg16 : memref<!tpu.dma_semaphore, #tpu.memory_space<semaphore_mem>>) src(%dma_wait3A_226 : memref<20000x80xf32, #tpu.memory_space<hbm>>) dst(%arg9 : memref<80x80xf32, #tpu.memory_space<vmem>>)
      %mul3A_227 = arith.constant 6 : i32
      %mul3A_228 = arith.muli %mul3A_227, %scan3A_216 : i32
      %add3A_229 = arith.constant 0 : i32
      %add3A_230 = arith.addi %mul3A_228, %add3A_229 : i32
      %dma_start3A_231 = arith.constant 0 : i32
      %dma_start3A_232 = tpu.memref_slice %arg8[%add3A_230, %dma_start3A_231] : memref<250x80xi32, #tpu.memory_space<vmem>> -> memref<1x80xi32, #tpu.memory_space<vmem>>
      %dma_start3A_233 = tpu.memref_squeeze %dma_start3A_232 : memref<1x80xi32, #tpu.memory_space<vmem>> -> memref<80xi32, #tpu.memory_space<vmem>>
      %dma_start3A_234 = arith.constant 0 : i32
      %dma_start3A_235 = arith.constant 0 : i32
      %dma_start3A_236 = tpu.memref_slice %arg15[%dma_start3A_234, %dma_start3A_235] : memref<10000x80xf32, #tpu.memory_space<vmem_shared>> -> memref<10000x80xf32, #tpu.memory_space<vmem_shared>>
      tpu.enqueue_indirect_dma source(%arg9 : memref<80x80xf32, #tpu.memory_space<vmem>>) target(%dma_start3A_236 : memref<10000x80xf32, #tpu.memory_space<vmem_shared>>) offsets(%dma_start3A_233 : memref<80xi32, #tpu.memory_space<vmem>>) semaphore(%arg22 : memref<!tpu.dma_semaphore, #tpu.memory_space<semaphore_mem>>) {add = true}
      %mul3A_237 = arith.constant 6 : i32
      %mul3A_238 = arith.muli %mul3A_237, %scan3A_216 : i32
      %add3A_239 = arith.constant 1 : i32
      %add3A_240 = arith.addi %mul3A_238, %add3A_239 : i32
      %dma_wait3A_241 = arith.constant 0 : i32
      %dma_wait3A_242 = tpu.memref_slice %arg7[%add3A_240, %dma_wait3A_241] : memref<250x80xi32, #tpu.memory_space<vmem>> -> memref<1x80xi32, #tpu.memory_space<vmem>>
      %dma_wait3A_243 = tpu.memref_squeeze %dma_wait3A_242 : memref<1x80xi32, #tpu.memory_space<vmem>> -> memref<80xi32, #tpu.memory_space<vmem>>
      %dma_wait3A_244 = arith.constant 0 : i32
      %dma_wait3A_245 = arith.constant 0 : i32
      %dma_wait3A_246 = tpu.memref_slice %arg2[%dma_wait3A_244, %dma_wait3A_245] : memref<20000x80xf32, #tpu.memory_space<hbm>> -> memref<20000x80xf32, #tpu.memory_space<hbm>>
      tpu.wait_indirect_dma semaphore(%arg17 : memref<!tpu.dma_semaphore, #tpu.memory_space<semaphore_mem>>) src(%dma_wait3A_246 : memref<20000x80xf32, #tpu.memory_space<hbm>>) dst(%arg10 : memref<80x80xf32, #tpu.memory_space<vmem>>)
      %mul3A_247 = arith.constant 6 : i32
      %mul3A_248 = arith.muli %mul3A_247, %scan3A_216 : i32
      %add3A_249 = arith.constant 1 : i32
      %add3A_250 = arith.addi %mul3A_248, %add3A_249 : i32
      %dma_start3A_251 = arith.constant 0 : i32
      %dma_start3A_252 = tpu.memref_slice %arg8[%add3A_250, %dma_start3A_251] : memref<250x80xi32, #tpu.memory_space<vmem>> -> memref<1x80xi32, #tpu.memory_space<vmem>>
      %dma_start3A_253 = tpu.memref_squeeze %dma_start3A_252 : memref<1x80xi32, #tpu.memory_space<vmem>> -> memref<80xi32, #tpu.memory_space<vmem>>
      %dma_start3A_254 = arith.constant 0 : i32
      %dma_start3A_255 = arith.constant 0 : i32
      %dma_start3A_256 = tpu.memref_slice %arg15[%dma_start3A_254, %dma_start3A_255] : memref<10000x80xf32, #tpu.memory_space<vmem_shared>> -> memref<10000x80xf32, #tpu.memory_space<vmem_shared>>
      tpu.enqueue_indirect_dma source(%arg10 : memref<80x80xf32, #tpu.memory_space<vmem>>) target(%dma_start3A_256 : memref<10000x80xf32, #tpu.memory_space<vmem_shared>>) offsets(%dma_start3A_253 : memref<80xi32, #tpu.memory_space<vmem>>) semaphore(%arg23 : memref<!tpu.dma_semaphore, #tpu.memory_space<semaphore_mem>>) {add = true}
      %mul3A_257 = arith.constant 6 : i32
      %mul3A_258 = arith.muli %mul3A_257, %scan3A_216 : i32
      %add3A_259 = arith.constant 2 : i32
      %add3A_260 = arith.addi %mul3A_258, %add3A_259 : i32
      %dma_wait3A_261 = arith.constant 0 : i32
      %dma_wait3A_262 = tpu.memref_slice %arg7[%add3A_260, %dma_wait3A_261] : memref<250x80xi32, #tpu.memory_space<vmem>> -> memref<1x80xi32, #tpu.memory_space<vmem>>
      %dma_wait3A_263 = tpu.memref_squeeze %dma_wait3A_262 : memref<1x80xi32, #tpu.memory_space<vmem>> -> memref<80xi32, #tpu.memory_space<vmem>>
      %dma_wait3A_264 = arith.constant 0 : i32
      %dma_wait3A_265 = arith.constant 0 : i32
      %dma_wait3A_266 = tpu.memref_slice %arg2[%dma_wait3A_264, %dma_wait3A_265] : memref<20000x80xf32, #tpu.memory_space<hbm>> -> memref<20000x80xf32, #tpu.memory_space<hbm>>
      tpu.wait_indirect_dma semaphore(%arg18 : memref<!tpu.dma_semaphore, #tpu.memory_space<semaphore_mem>>) src(%dma_wait3A_266 : memref<20000x80xf32, #tpu.memory_space<hbm>>) dst(%arg11 : memref<80x80xf32, #tpu.memory_space<vmem>>)
      %mul3A_267 = arith.constant 6 : i32
      %mul3A_268 = arith.muli %mul3A_267, %scan3A_216 : i32
      %add3A_269 = arith.constant 2 : i32
      %add3A_270 = arith.addi %mul3A_268, %add3A_269 : i32
      %dma_start3A_271 = arith.constant 0 : i32
      %dma_start3A_272 = tpu.memref_slice %arg8[%add3A_270, %dma_start3A_271] : memref<250x80xi32, #tpu.memory_space<vmem>> -> memref<1x80xi32, #tpu.memory_space<vmem>>
      %dma_start3A_273 = tpu.memref_squeeze %dma_start3A_272 : memref<1x80xi32, #tpu.memory_space<vmem>> -> memref<80xi32, #tpu.memory_space<vmem>>
      %dma_start3A_274 = arith.constant 0 : i32
      %dma_start3A_275 = arith.constant 0 : i32
      %dma_start3A_276 = tpu.memref_slice %arg15[%dma_start3A_274, %dma_start3A_275] : memref<10000x80xf32, #tpu.memory_space<vmem_shared>> -> memref<10000x80xf32, #tpu.memory_space<vmem_shared>>
      tpu.enqueue_indirect_dma source(%arg11 : memref<80x80xf32, #tpu.memory_space<vmem>>) target(%dma_start3A_276 : memref<10000x80xf32, #tpu.memory_space<vmem_shared>>) offsets(%dma_start3A_273 : memref<80xi32, #tpu.memory_space<vmem>>) semaphore(%arg24 : memref<!tpu.dma_semaphore, #tpu.memory_space<semaphore_mem>>) {add = true}
      %mul3A_277 = arith.constant 6 : i32
      %mul3A_278 = arith.muli %mul3A_277, %scan3A_216 : i32
      %add3A_279 = arith.constant 3 : i32
      %add3A_280 = arith.addi %mul3A_278, %add3A_279 : i32
      %dma_wait3A_281 = arith.constant 0 : i32
      %dma_wait3A_282 = tpu.memref_slice %arg7[%add3A_280, %dma_wait3A_281] : memref<250x80xi32, #tpu.memory_space<vmem>> -> memref<1x80xi32, #tpu.memory_space<vmem>>
      %dma_wait3A_283 = tpu.memref_squeeze %dma_wait3A_282 : memref<1x80xi32, #tpu.memory_space<vmem>> -> memref<80xi32, #tpu.memory_space<vmem>>
      %dma_wait3A_284 = arith.constant 0 : i32
      %dma_wait3A_285 = arith.constant 0 : i32
      %dma_wait3A_286 = tpu.memref_slice %arg2[%dma_wait3A_284, %dma_wait3A_285] : memref<20000x80xf32, #tpu.memory_space<hbm>> -> memref<20000x80xf32, #tpu.memory_space<hbm>>
      tpu.wait_indirect_dma semaphore(%arg19 : memref<!tpu.dma_semaphore, #tpu.memory_space<semaphore_mem>>) src(%dma_wait3A_286 : memref<20000x80xf32, #tpu.memory_space<hbm>>) dst(%arg12 : memref<80x80xf32, #tpu.memory_space<vmem>>)
      %mul3A_287 = arith.constant 6 : i32
      %mul3A_288 = arith.muli %mul3A_287, %scan3A_216 : i32
      %add3A_289 = arith.constant 3 : i32
      %add3A_290 = arith.addi %mul3A_288, %add3A_289 : i32
      %dma_start3A_291 = arith.constant 0 : i32
      %dma_start3A_292 = tpu.memref_slice %arg8[%add3A_290, %dma_start3A_291] : memref<250x80xi32, #tpu.memory_space<vmem>> -> memref<1x80xi32, #tpu.memory_space<vmem>>
      %dma_start3A_293 = tpu.memref_squeeze %dma_start3A_292 : memref<1x80xi32, #tpu.memory_space<vmem>> -> memref<80xi32, #tpu.memory_space<vmem>>
      %dma_start3A_294 = arith.constant 0 : i32
      %dma_start3A_295 = arith.constant 0 : i32
      %dma_start3A_296 = tpu.memref_slice %arg15[%dma_start3A_294, %dma_start3A_295] : memref<10000x80xf32, #tpu.memory_space<vmem_shared>> -> memref<10000x80xf32, #tpu.memory_space<vmem_shared>>
      tpu.enqueue_indirect_dma source(%arg12 : memref<80x80xf32, #tpu.memory_space<vmem>>) target(%dma_start3A_296 : memref<10000x80xf32, #tpu.memory_space<vmem_shared>>) offsets(%dma_start3A_293 : memref<80xi32, #tpu.memory_space<vmem>>) semaphore(%arg25 : memref<!tpu.dma_semaphore, #tpu.memory_space<semaphore_mem>>) {add = true}
      %mul3A_297 = arith.constant 6 : i32
      %mul3A_298 = arith.muli %mul3A_297, %scan3A_216 : i32
      %add3A_299 = arith.constant 4 : i32
      %add3A_300 = arith.addi %mul3A_298, %add3A_299 : i32
      %dma_wait3A_301 = arith.constant 0 : i32
      %dma_wait3A_302 = tpu.memref_slice %arg7[%add3A_300, %dma_wait3A_301] : memref<250x80xi32, #tpu.memory_space<vmem>> -> memref<1x80xi32, #tpu.memory_space<vmem>>
      %dma_wait3A_303 = tpu.memref_squeeze %dma_wait3A_302 : memref<1x80xi32, #tpu.memory_space<vmem>> -> memref<80xi32, #tpu.memory_space<vmem>>
      %dma_wait3A_304 = arith.constant 0 : i32
      %dma_wait3A_305 = arith.constant 0 : i32
      %dma_wait3A_306 = tpu.memref_slice %arg2[%dma_wait3A_304, %dma_wait3A_305] : memref<20000x80xf32, #tpu.memory_space<hbm>> -> memref<20000x80xf32, #tpu.memory_space<hbm>>
      tpu.wait_indirect_dma semaphore(%arg20 : memref<!tpu.dma_semaphore, #tpu.memory_space<semaphore_mem>>) src(%dma_wait3A_306 : memref<20000x80xf32, #tpu.memory_space<hbm>>) dst(%arg13 : memref<80x80xf32, #tpu.memory_space<vmem>>)
      %mul3A_307 = arith.constant 6 : i32
      %mul3A_308 = arith.muli %mul3A_307, %scan3A_216 : i32
      %add3A_309 = arith.constant 4 : i32
      %add3A_310 = arith.addi %mul3A_308, %add3A_309 : i32
      %dma_start3A_311 = arith.constant 0 : i32
      %dma_start3A_312 = tpu.memref_slice %arg8[%add3A_310, %dma_start3A_311] : memref<250x80xi32, #tpu.memory_space<vmem>> -> memref<1x80xi32, #tpu.memory_space<vmem>>
      %dma_start3A_313 = tpu.memref_squeeze %dma_start3A_312 : memref<1x80xi32, #tpu.memory_space<vmem>> -> memref<80xi32, #tpu.memory_space<vmem>>
      %dma_start3A_314 = arith.constant 0 : i32
      %dma_start3A_315 = arith.constant 0 : i32
      %dma_start3A_316 = tpu.memref_slice %arg15[%dma_start3A_314, %dma_start3A_315] : memref<10000x80xf32, #tpu.memory_space<vmem_shared>> -> memref<10000x80xf32, #tpu.memory_space<vmem_shared>>
      tpu.enqueue_indirect_dma source(%arg13 : memref<80x80xf32, #tpu.memory_space<vmem>>) target(%dma_start3A_316 : memref<10000x80xf32, #tpu.memory_space<vmem_shared>>) offsets(%dma_start3A_313 : memref<80xi32, #tpu.memory_space<vmem>>) semaphore(%arg26 : memref<!tpu.dma_semaphore, #tpu.memory_space<semaphore_mem>>) {add = true}
      %mul3A_317 = arith.constant 6 : i32
      %mul3A_318 = arith.muli %mul3A_317, %scan3A_216 : i32
      %add3A_319 = arith.constant 5 : i32
      %add3A_320 = arith.addi %mul3A_318, %add3A_319 : i32
      %dma_wait3A_321 = arith.constant 0 : i32
      %dma_wait3A_322 = tpu.memref_slice %arg7[%add3A_320, %dma_wait3A_321] : memref<250x80xi32, #tpu.memory_space<vmem>> -> memref<1x80xi32, #tpu.memory_space<vmem>>
      %dma_wait3A_323 = tpu.memref_squeeze %dma_wait3A_322 : memref<1x80xi32, #tpu.memory_space<vmem>> -> memref<80xi32, #tpu.memory_space<vmem>>
      %dma_wait3A_324 = arith.constant 0 : i32
      %dma_wait3A_325 = arith.constant 0 : i32
      %dma_wait3A_326 = tpu.memref_slice %arg2[%dma_wait3A_324, %dma_wait3A_325] : memref<20000x80xf32, #tpu.memory_space<hbm>> -> memref<20000x80xf32, #tpu.memory_space<hbm>>
      tpu.wait_indirect_dma semaphore(%arg21 : memref<!tpu.dma_semaphore, #tpu.memory_space<semaphore_mem>>) src(%dma_wait3A_326 : memref<20000x80xf32, #tpu.memory_space<hbm>>) dst(%arg14 : memref<80x80xf32, #tpu.memory_space<vmem>>)
      %mul3A_327 = arith.constant 6 : i32
      %mul3A_328 = arith.muli %mul3A_327, %scan3A_216 : i32
      %add3A_329 = arith.constant 5 : i32
      %add3A_330 = arith.addi %mul3A_328, %add3A_329 : i32
      %dma_start3A_331 = arith.constant 0 : i32
      %dma_start3A_332 = tpu.memref_slice %arg8[%add3A_330, %dma_start3A_331] : memref<250x80xi32, #tpu.memory_space<vmem>> -> memref<1x80xi32, #tpu.memory_space<vmem>>
      %dma_start3A_333 = tpu.memref_squeeze %dma_start3A_332 : memref<1x80xi32, #tpu.memory_space<vmem>> -> memref<80xi32, #tpu.memory_space<vmem>>
      %dma_start3A_334 = arith.constant 0 : i32
      %dma_start3A_335 = arith.constant 0 : i32
      %dma_start3A_336 = tpu.memref_slice %arg15[%dma_start3A_334, %dma_start3A_335] : memref<10000x80xf32, #tpu.memory_space<vmem_shared>> -> memref<10000x80xf32, #tpu.memory_space<vmem_shared>>
      tpu.enqueue_indirect_dma source(%arg14 : memref<80x80xf32, #tpu.memory_space<vmem>>) target(%dma_start3A_336 : memref<10000x80xf32, #tpu.memory_space<vmem_shared>>) offsets(%dma_start3A_333 : memref<80xi32, #tpu.memory_space<vmem>>) semaphore(%arg27 : memref<!tpu.dma_semaphore, #tpu.memory_space<semaphore_mem>>) {add = true}
      %lt3A = arith.constant 40 : i32
      %lt3A_337 = arith.cmpi slt, %scan3A_216, %lt3A : i32
      %convert_element_type3A_338 = arith.extui %lt3A_337 : i1 to i32
      %cond3A_339 = arith.constant 0 : i32
      %cond3A_340 = arith.cmpi ne, %convert_element_type3A_338, %cond3A_339 : i32
      scf.if %cond3A_340 {
        %mul3A_341 = arith.constant 6 : i32
        %mul3A_342 = arith.muli %mul3A_341, %scan3A_216 : i32
        %add3A_343 = arith.constant 0 : i32
        %add3A_344 = arith.addi %mul3A_342, %add3A_343 : i32
        %dma_wait3A_345 = arith.constant 0 : i32
        %dma_wait3A_346 = tpu.memref_slice %arg8[%add3A_344, %dma_wait3A_345] : memref<250x80xi32, #tpu.memory_space<vmem>> -> memref<1x80xi32, #tpu.memory_space<vmem>>
        %dma_wait3A_347 = tpu.memref_squeeze %dma_wait3A_346 : memref<1x80xi32, #tpu.memory_space<vmem>> -> memref<80xi32, #tpu.memory_space<vmem>>
        %dma_wait3A_348 = arith.constant 0 : i32
        %dma_wait3A_349 = arith.constant 0 : i32
        %dma_wait3A_350 = tpu.memref_slice %arg15[%dma_wait3A_348, %dma_wait3A_349] : memref<10000x80xf32, #tpu.memory_space<vmem_shared>> -> memref<10000x80xf32, #tpu.memory_space<vmem_shared>>
        tpu.wait_indirect_dma semaphore(%arg22 : memref<!tpu.dma_semaphore, #tpu.memory_space<semaphore_mem>>) src(%arg9 : memref<80x80xf32, #tpu.memory_space<vmem>>) dst(%dma_wait3A_350 : memref<10000x80xf32, #tpu.memory_space<vmem_shared>>)
        %mul3A_351 = arith.constant 6 : i32
        %mul3A_352 = arith.muli %mul3A_351, %scan3A_216 : i32
        %add3A_353 = arith.constant 6 : i32
        %add3A_354 = arith.addi %mul3A_352, %add3A_353 : i32
        %add3A_355 = arith.constant 0 : i32
        %add3A_356 = arith.addi %add3A_354, %add3A_355 : i32
        %dma_start3A_357 = arith.constant 0 : i32
        %dma_start3A_358 = tpu.memref_slice %arg7[%add3A_356, %dma_start3A_357] : memref<250x80xi32, #tpu.memory_space<vmem>> -> memref<1x80xi32, #tpu.memory_space<vmem>>
        %dma_start3A_359 = tpu.memref_squeeze %dma_start3A_358 : memref<1x80xi32, #tpu.memory_space<vmem>> -> memref<80xi32, #tpu.memory_space<vmem>>
        %dma_start3A_360 = arith.constant 0 : i32
        %dma_start3A_361 = arith.constant 0 : i32
        %dma_start3A_362 = tpu.memref_slice %arg2[%dma_start3A_360, %dma_start3A_361] : memref<20000x80xf32, #tpu.memory_space<hbm>> -> memref<20000x80xf32, #tpu.memory_space<hbm>>
        tpu.enqueue_indirect_dma source(%dma_start3A_362 : memref<20000x80xf32, #tpu.memory_space<hbm>>) target(%arg9 : memref<80x80xf32, #tpu.memory_space<vmem>>) offsets(%dma_start3A_359 : memref<80xi32, #tpu.memory_space<vmem>>) semaphore(%arg16 : memref<!tpu.dma_semaphore, #tpu.memory_space<semaphore_mem>>)
        %mul3A_363 = arith.constant 6 : i32
        %mul3A_364 = arith.muli %mul3A_363, %scan3A_216 : i32
        %add3A_365 = arith.constant 1 : i32
        %add3A_366 = arith.addi %mul3A_364, %add3A_365 : i32
        %dma_wait3A_367 = arith.constant 0 : i32
        %dma_wait3A_368 = tpu.memref_slice %arg8[%add3A_366, %dma_wait3A_367] : memref<250x80xi32, #tpu.memory_space<vmem>> -> memref<1x80xi32, #tpu.memory_space<vmem>>
        %dma_wait3A_369 = tpu.memref_squeeze %dma_wait3A_368 : memref<1x80xi32, #tpu.memory_space<vmem>> -> memref<80xi32, #tpu.memory_space<vmem>>
        %dma_wait3A_370 = arith.constant 0 : i32
        %dma_wait3A_371 = arith.constant 0 : i32
        %dma_wait3A_372 = tpu.memref_slice %arg15[%dma_wait3A_370, %dma_wait3A_371] : memref<10000x80xf32, #tpu.memory_space<vmem_shared>> -> memref<10000x80xf32, #tpu.memory_space<vmem_shared>>
        tpu.wait_indirect_dma semaphore(%arg23 : memref<!tpu.dma_semaphore, #tpu.memory_space<semaphore_mem>>) src(%arg10 : memref<80x80xf32, #tpu.memory_space<vmem>>) dst(%dma_wait3A_372 : memref<10000x80xf32, #tpu.memory_space<vmem_shared>>)
        %mul3A_373 = arith.constant 6 : i32
        %mul3A_374 = arith.muli %mul3A_373, %scan3A_216 : i32
        %add3A_375 = arith.constant 6 : i32
        %add3A_376 = arith.addi %mul3A_374, %add3A_375 : i32
        %add3A_377 = arith.constant 1 : i32
        %add3A_378 = arith.addi %add3A_376, %add3A_377 : i32
        %dma_start3A_379 = arith.constant 0 : i32
        %dma_start3A_380 = tpu.memref_slice %arg7[%add3A_378, %dma_start3A_379] : memref<250x80xi32, #tpu.memory_space<vmem>> -> memref<1x80xi32, #tpu.memory_space<vmem>>
        %dma_start3A_381 = tpu.memref_squeeze %dma_start3A_380 : memref<1x80xi32, #tpu.memory_space<vmem>> -> memref<80xi32, #tpu.memory_space<vmem>>
        %dma_start3A_382 = arith.constant 0 : i32
        %dma_start3A_383 = arith.constant 0 : i32
        %dma_start3A_384 = tpu.memref_slice %arg2[%dma_start3A_382, %dma_start3A_383] : memref<20000x80xf32, #tpu.memory_space<hbm>> -> memref<20000x80xf32, #tpu.memory_space<hbm>>
        tpu.enqueue_indirect_dma source(%dma_start3A_384 : memref<20000x80xf32, #tpu.memory_space<hbm>>) target(%arg10 : memref<80x80xf32, #tpu.memory_space<vmem>>) offsets(%dma_start3A_381 : memref<80xi32, #tpu.memory_space<vmem>>) semaphore(%arg17 : memref<!tpu.dma_semaphore, #tpu.memory_space<semaphore_mem>>)
        %mul3A_385 = arith.constant 6 : i32
        %mul3A_386 = arith.muli %mul3A_385, %scan3A_216 : i32
        %add3A_387 = arith.constant 2 : i32
        %add3A_388 = arith.addi %mul3A_386, %add3A_387 : i32
        %dma_wait3A_389 = arith.constant 0 : i32
        %dma_wait3A_390 = tpu.memref_slice %arg8[%add3A_388, %dma_wait3A_389] : memref<250x80xi32, #tpu.memory_space<vmem>> -> memref<1x80xi32, #tpu.memory_space<vmem>>
        %dma_wait3A_391 = tpu.memref_squeeze %dma_wait3A_390 : memref<1x80xi32, #tpu.memory_space<vmem>> -> memref<80xi32, #tpu.memory_space<vmem>>
        %dma_wait3A_392 = arith.constant 0 : i32
        %dma_wait3A_393 = arith.constant 0 : i32
        %dma_wait3A_394 = tpu.memref_slice %arg15[%dma_wait3A_392, %dma_wait3A_393] : memref<10000x80xf32, #tpu.memory_space<vmem_shared>> -> memref<10000x80xf32, #tpu.memory_space<vmem_shared>>
        tpu.wait_indirect_dma semaphore(%arg24 : memref<!tpu.dma_semaphore, #tpu.memory_space<semaphore_mem>>) src(%arg11 : memref<80x80xf32, #tpu.memory_space<vmem>>) dst(%dma_wait3A_394 : memref<10000x80xf32, #tpu.memory_space<vmem_shared>>)
        %mul3A_395 = arith.constant 6 : i32
        %mul3A_396 = arith.muli %mul3A_395, %scan3A_216 : i32
        %add3A_397 = arith.constant 6 : i32
        %add3A_398 = arith.addi %mul3A_396, %add3A_397 : i32
        %add3A_399 = arith.constant 2 : i32
        %add3A_400 = arith.addi %add3A_398, %add3A_399 : i32
        %dma_start3A_401 = arith.constant 0 : i32
        %dma_start3A_402 = tpu.memref_slice %arg7[%add3A_400, %dma_start3A_401] : memref<250x80xi32, #tpu.memory_space<vmem>> -> memref<1x80xi32, #tpu.memory_space<vmem>>
        %dma_start3A_403 = tpu.memref_squeeze %dma_start3A_402 : memref<1x80xi32, #tpu.memory_space<vmem>> -> memref<80xi32, #tpu.memory_space<vmem>>
        %dma_start3A_404 = arith.constant 0 : i32
        %dma_start3A_405 = arith.constant 0 : i32
        %dma_start3A_406 = tpu.memref_slice %arg2[%dma_start3A_404, %dma_start3A_405] : memref<20000x80xf32, #tpu.memory_space<hbm>> -> memref<20000x80xf32, #tpu.memory_space<hbm>>
        tpu.enqueue_indirect_dma source(%dma_start3A_406 : memref<20000x80xf32, #tpu.memory_space<hbm>>) target(%arg11 : memref<80x80xf32, #tpu.memory_space<vmem>>) offsets(%dma_start3A_403 : memref<80xi32, #tpu.memory_space<vmem>>) semaphore(%arg18 : memref<!tpu.dma_semaphore, #tpu.memory_space<semaphore_mem>>)
        %mul3A_407 = arith.constant 6 : i32
        %mul3A_408 = arith.muli %mul3A_407, %scan3A_216 : i32
        %add3A_409 = arith.constant 3 : i32
        %add3A_410 = arith.addi %mul3A_408, %add3A_409 : i32
        %dma_wait3A_411 = arith.constant 0 : i32
        %dma_wait3A_412 = tpu.memref_slice %arg8[%add3A_410, %dma_wait3A_411] : memref<250x80xi32, #tpu.memory_space<vmem>> -> memref<1x80xi32, #tpu.memory_space<vmem>>
        %dma_wait3A_413 = tpu.memref_squeeze %dma_wait3A_412 : memref<1x80xi32, #tpu.memory_space<vmem>> -> memref<80xi32, #tpu.memory_space<vmem>>
        %dma_wait3A_414 = arith.constant 0 : i32
        %dma_wait3A_415 = arith.constant 0 : i32
        %dma_wait3A_416 = tpu.memref_slice %arg15[%dma_wait3A_414, %dma_wait3A_415] : memref<10000x80xf32, #tpu.memory_space<vmem_shared>> -> memref<10000x80xf32, #tpu.memory_space<vmem_shared>>
        tpu.wait_indirect_dma semaphore(%arg25 : memref<!tpu.dma_semaphore, #tpu.memory_space<semaphore_mem>>) src(%arg12 : memref<80x80xf32, #tpu.memory_space<vmem>>) dst(%dma_wait3A_416 : memref<10000x80xf32, #tpu.memory_space<vmem_shared>>)
        %mul3A_417 = arith.constant 6 : i32
        %mul3A_418 = arith.muli %mul3A_417, %scan3A_216 : i32
        %add3A_419 = arith.constant 6 : i32
        %add3A_420 = arith.addi %mul3A_418, %add3A_419 : i32
        %add3A_421 = arith.constant 3 : i32
        %add3A_422 = arith.addi %add3A_420, %add3A_421 : i32
        %dma_start3A_423 = arith.constant 0 : i32
        %dma_start3A_424 = tpu.memref_slice %arg7[%add3A_422, %dma_start3A_423] : memref<250x80xi32, #tpu.memory_space<vmem>> -> memref<1x80xi32, #tpu.memory_space<vmem>>
        %dma_start3A_425 = tpu.memref_squeeze %dma_start3A_424 : memref<1x80xi32, #tpu.memory_space<vmem>> -> memref<80xi32, #tpu.memory_space<vmem>>
        %dma_start3A_426 = arith.constant 0 : i32
        %dma_start3A_427 = arith.constant 0 : i32
        %dma_start3A_428 = tpu.memref_slice %arg2[%dma_start3A_426, %dma_start3A_427] : memref<20000x80xf32, #tpu.memory_space<hbm>> -> memref<20000x80xf32, #tpu.memory_space<hbm>>
        tpu.enqueue_indirect_dma source(%dma_start3A_428 : memref<20000x80xf32, #tpu.memory_space<hbm>>) target(%arg12 : memref<80x80xf32, #tpu.memory_space<vmem>>) offsets(%dma_start3A_425 : memref<80xi32, #tpu.memory_space<vmem>>) semaphore(%arg19 : memref<!tpu.dma_semaphore, #tpu.memory_space<semaphore_mem>>)
        %mul3A_429 = arith.constant 6 : i32
        %mul3A_430 = arith.muli %mul3A_429, %scan3A_216 : i32
        %add3A_431 = arith.constant 4 : i32
        %add3A_432 = arith.addi %mul3A_430, %add3A_431 : i32
        %dma_wait3A_433 = arith.constant 0 : i32
        %dma_wait3A_434 = tpu.memref_slice %arg8[%add3A_432, %dma_wait3A_433] : memref<250x80xi32, #tpu.memory_space<vmem>> -> memref<1x80xi32, #tpu.memory_space<vmem>>
        %dma_wait3A_435 = tpu.memref_squeeze %dma_wait3A_434 : memref<1x80xi32, #tpu.memory_space<vmem>> -> memref<80xi32, #tpu.memory_space<vmem>>
        %dma_wait3A_436 = arith.constant 0 : i32
        %dma_wait3A_437 = arith.constant 0 : i32
        %dma_wait3A_438 = tpu.memref_slice %arg15[%dma_wait3A_436, %dma_wait3A_437] : memref<10000x80xf32, #tpu.memory_space<vmem_shared>> -> memref<10000x80xf32, #tpu.memory_space<vmem_shared>>
        tpu.wait_indirect_dma semaphore(%arg26 : memref<!tpu.dma_semaphore, #tpu.memory_space<semaphore_mem>>) src(%arg13 : memref<80x80xf32, #tpu.memory_space<vmem>>) dst(%dma_wait3A_438 : memref<10000x80xf32, #tpu.memory_space<vmem_shared>>)
        %mul3A_439 = arith.constant 6 : i32
        %mul3A_440 = arith.muli %mul3A_439, %scan3A_216 : i32
        %add3A_441 = arith.constant 6 : i32
        %add3A_442 = arith.addi %mul3A_440, %add3A_441 : i32
        %add3A_443 = arith.constant 4 : i32
        %add3A_444 = arith.addi %add3A_442, %add3A_443 : i32
        %dma_start3A_445 = arith.constant 0 : i32
        %dma_start3A_446 = tpu.memref_slice %arg7[%add3A_444, %dma_start3A_445] : memref<250x80xi32, #tpu.memory_space<vmem>> -> memref<1x80xi32, #tpu.memory_space<vmem>>
        %dma_start3A_447 = tpu.memref_squeeze %dma_start3A_446 : memref<1x80xi32, #tpu.memory_space<vmem>> -> memref<80xi32, #tpu.memory_space<vmem>>
        %dma_start3A_448 = arith.constant 0 : i32
        %dma_start3A_449 = arith.constant 0 : i32
        %dma_start3A_450 = tpu.memref_slice %arg2[%dma_start3A_448, %dma_start3A_449] : memref<20000x80xf32, #tpu.memory_space<hbm>> -> memref<20000x80xf32, #tpu.memory_space<hbm>>
        tpu.enqueue_indirect_dma source(%dma_start3A_450 : memref<20000x80xf32, #tpu.memory_space<hbm>>) target(%arg13 : memref<80x80xf32, #tpu.memory_space<vmem>>) offsets(%dma_start3A_447 : memref<80xi32, #tpu.memory_space<vmem>>) semaphore(%arg20 : memref<!tpu.dma_semaphore, #tpu.memory_space<semaphore_mem>>)
        %mul3A_451 = arith.constant 6 : i32
        %mul3A_452 = arith.muli %mul3A_451, %scan3A_216 : i32
        %add3A_453 = arith.constant 5 : i32
        %add3A_454 = arith.addi %mul3A_452, %add3A_453 : i32
        %dma_wait3A_455 = arith.constant 0 : i32
        %dma_wait3A_456 = tpu.memref_slice %arg8[%add3A_454, %dma_wait3A_455] : memref<250x80xi32, #tpu.memory_space<vmem>> -> memref<1x80xi32, #tpu.memory_space<vmem>>
        %dma_wait3A_457 = tpu.memref_squeeze %dma_wait3A_456 : memref<1x80xi32, #tpu.memory_space<vmem>> -> memref<80xi32, #tpu.memory_space<vmem>>
        %dma_wait3A_458 = arith.constant 0 : i32
        %dma_wait3A_459 = arith.constant 0 : i32
        %dma_wait3A_460 = tpu.memref_slice %arg15[%dma_wait3A_458, %dma_wait3A_459] : memref<10000x80xf32, #tpu.memory_space<vmem_shared>> -> memref<10000x80xf32, #tpu.memory_space<vmem_shared>>
        tpu.wait_indirect_dma semaphore(%arg27 : memref<!tpu.dma_semaphore, #tpu.memory_space<semaphore_mem>>) src(%arg14 : memref<80x80xf32, #tpu.memory_space<vmem>>) dst(%dma_wait3A_460 : memref<10000x80xf32, #tpu.memory_space<vmem_shared>>)
        %mul3A_461 = arith.constant 6 : i32
        %mul3A_462 = arith.muli %mul3A_461, %scan3A_216 : i32
        %add3A_463 = arith.constant 6 : i32
        %add3A_464 = arith.addi %mul3A_462, %add3A_463 : i32
        %add3A_465 = arith.constant 5 : i32
        %add3A_466 = arith.addi %add3A_464, %add3A_465 : i32
        %dma_start3A_467 = arith.constant 0 : i32
        %dma_start3A_468 = tpu.memref_slice %arg7[%add3A_466, %dma_start3A_467] : memref<250x80xi32, #tpu.memory_space<vmem>> -> memref<1x80xi32, #tpu.memory_space<vmem>>
        %dma_start3A_469 = tpu.memref_squeeze %dma_start3A_468 : memref<1x80xi32, #tpu.memory_space<vmem>> -> memref<80xi32, #tpu.memory_space<vmem>>
        %dma_start3A_470 = arith.constant 0 : i32
        %dma_start3A_471 = arith.constant 0 : i32
        %dma_start3A_472 = tpu.memref_slice %arg2[%dma_start3A_470, %dma_start3A_471] : memref<20000x80xf32, #tpu.memory_space<hbm>> -> memref<20000x80xf32, #tpu.memory_space<hbm>>
        tpu.enqueue_indirect_dma source(%dma_start3A_472 : memref<20000x80xf32, #tpu.memory_space<hbm>>) target(%arg14 : memref<80x80xf32, #tpu.memory_space<vmem>>) offsets(%dma_start3A_469 : memref<80xi32, #tpu.memory_space<vmem>>) semaphore(%arg21 : memref<!tpu.dma_semaphore, #tpu.memory_space<semaphore_mem>>)
      } else {
      }
    }
    %scan3A_50 = arith.constant 41 : i32
    %dma_wait3A = arith.constant 240 : i32
    %dma_wait3A_51 = arith.constant 0 : i32
    %dma_wait3A_52 = tpu.memref_slice %arg8[%dma_wait3A, %dma_wait3A_51] : memref<250x80xi32, #tpu.memory_space<vmem>> -> memref<1x80xi32, #tpu.memory_space<vmem>>
    %dma_wait3A_53 = tpu.memref_squeeze %dma_wait3A_52 : memref<1x80xi32, #tpu.memory_space<vmem>> -> memref<80xi32, #tpu.memory_space<vmem>>
    %dma_wait3A_54 = arith.constant 0 : i32
    %dma_wait3A_55 = arith.constant 0 : i32
    %dma_wait3A_56 = tpu.memref_slice %arg15[%dma_wait3A_54, %dma_wait3A_55] : memref<10000x80xf32, #tpu.memory_space<vmem_shared>> -> memref<10000x80xf32, #tpu.memory_space<vmem_shared>>
    tpu.wait_indirect_dma semaphore(%arg22 : memref<!tpu.dma_semaphore, #tpu.memory_space<semaphore_mem>>) src(%arg9 : memref<80x80xf32, #tpu.memory_space<vmem>>) dst(%dma_wait3A_56 : memref<10000x80xf32, #tpu.memory_space<vmem_shared>>)
    %dma_wait3A_57 = arith.constant 241 : i32
    %dma_wait3A_58 = arith.constant 0 : i32
    %dma_wait3A_59 = tpu.memref_slice %arg8[%dma_wait3A_57, %dma_wait3A_58] : memref<250x80xi32, #tpu.memory_space<vmem>> -> memref<1x80xi32, #tpu.memory_space<vmem>>
    %dma_wait3A_60 = tpu.memref_squeeze %dma_wait3A_59 : memref<1x80xi32, #tpu.memory_space<vmem>> -> memref<80xi32, #tpu.memory_space<vmem>>
    %dma_wait3A_61 = arith.constant 0 : i32
    %dma_wait3A_62 = arith.constant 0 : i32
    %dma_wait3A_63 = tpu.memref_slice %arg15[%dma_wait3A_61, %dma_wait3A_62] : memref<10000x80xf32, #tpu.memory_space<vmem_shared>> -> memref<10000x80xf32, #tpu.memory_space<vmem_shared>>
    tpu.wait_indirect_dma semaphore(%arg23 : memref<!tpu.dma_semaphore, #tpu.memory_space<semaphore_mem>>) src(%arg10 : memref<80x80xf32, #tpu.memory_space<vmem>>) dst(%dma_wait3A_63 : memref<10000x80xf32, #tpu.memory_space<vmem_shared>>)
    %dma_wait3A_64 = arith.constant 242 : i32
    %dma_wait3A_65 = arith.constant 0 : i32
    %dma_wait3A_66 = tpu.memref_slice %arg8[%dma_wait3A_64, %dma_wait3A_65] : memref<250x80xi32, #tpu.memory_space<vmem>> -> memref<1x80xi32, #tpu.memory_space<vmem>>
    %dma_wait3A_67 = tpu.memref_squeeze %dma_wait3A_66 : memref<1x80xi32, #tpu.memory_space<vmem>> -> memref<80xi32, #tpu.memory_space<vmem>>
    %dma_wait3A_68 = arith.constant 0 : i32
    %dma_wait3A_69 = arith.constant 0 : i32
    %dma_wait3A_70 = tpu.memref_slice %arg15[%dma_wait3A_68, %dma_wait3A_69] : memref<10000x80xf32, #tpu.memory_space<vmem_shared>> -> memref<10000x80xf32, #tpu.memory_space<vmem_shared>>
    tpu.wait_indirect_dma semaphore(%arg24 : memref<!tpu.dma_semaphore, #tpu.memory_space<semaphore_mem>>) src(%arg11 : memref<80x80xf32, #tpu.memory_space<vmem>>) dst(%dma_wait3A_70 : memref<10000x80xf32, #tpu.memory_space<vmem_shared>>)
    %dma_wait3A_71 = arith.constant 243 : i32
    %dma_wait3A_72 = arith.constant 0 : i32
    %dma_wait3A_73 = tpu.memref_slice %arg8[%dma_wait3A_71, %dma_wait3A_72] : memref<250x80xi32, #tpu.memory_space<vmem>> -> memref<1x80xi32, #tpu.memory_space<vmem>>
    %dma_wait3A_74 = tpu.memref_squeeze %dma_wait3A_73 : memref<1x80xi32, #tpu.memory_space<vmem>> -> memref<80xi32, #tpu.memory_space<vmem>>
    %dma_wait3A_75 = arith.constant 0 : i32
    %dma_wait3A_76 = arith.constant 0 : i32
    %dma_wait3A_77 = tpu.memref_slice %arg15[%dma_wait3A_75, %dma_wait3A_76] : memref<10000x80xf32, #tpu.memory_space<vmem_shared>> -> memref<10000x80xf32, #tpu.memory_space<vmem_shared>>
    tpu.wait_indirect_dma semaphore(%arg25 : memref<!tpu.dma_semaphore, #tpu.memory_space<semaphore_mem>>) src(%arg12 : memref<80x80xf32, #tpu.memory_space<vmem>>) dst(%dma_wait3A_77 : memref<10000x80xf32, #tpu.memory_space<vmem_shared>>)
    %dma_wait3A_78 = arith.constant 244 : i32
    %dma_wait3A_79 = arith.constant 0 : i32
    %dma_wait3A_80 = tpu.memref_slice %arg8[%dma_wait3A_78, %dma_wait3A_79] : memref<250x80xi32, #tpu.memory_space<vmem>> -> memref<1x80xi32, #tpu.memory_space<vmem>>
    %dma_wait3A_81 = tpu.memref_squeeze %dma_wait3A_80 : memref<1x80xi32, #tpu.memory_space<vmem>> -> memref<80xi32, #tpu.memory_space<vmem>>
    %dma_wait3A_82 = arith.constant 0 : i32
    %dma_wait3A_83 = arith.constant 0 : i32
    %dma_wait3A_84 = tpu.memref_slice %arg15[%dma_wait3A_82, %dma_wait3A_83] : memref<10000x80xf32, #tpu.memory_space<vmem_shared>> -> memref<10000x80xf32, #tpu.memory_space<vmem_shared>>
    tpu.wait_indirect_dma semaphore(%arg26 : memref<!tpu.dma_semaphore, #tpu.memory_space<semaphore_mem>>) src(%arg13 : memref<80x80xf32, #tpu.memory_space<vmem>>) dst(%dma_wait3A_84 : memref<10000x80xf32, #tpu.memory_space<vmem_shared>>)
    %dma_wait3A_85 = arith.constant 245 : i32
    %dma_wait3A_86 = arith.constant 0 : i32
    %dma_wait3A_87 = tpu.memref_slice %arg8[%dma_wait3A_85, %dma_wait3A_86] : memref<250x80xi32, #tpu.memory_space<vmem>> -> memref<1x80xi32, #tpu.memory_space<vmem>>
    %dma_wait3A_88 = tpu.memref_squeeze %dma_wait3A_87 : memref<1x80xi32, #tpu.memory_space<vmem>> -> memref<80xi32, #tpu.memory_space<vmem>>
    %dma_wait3A_89 = arith.constant 0 : i32
    %dma_wait3A_90 = arith.constant 0 : i32
    %dma_wait3A_91 = tpu.memref_slice %arg15[%dma_wait3A_89, %dma_wait3A_90] : memref<10000x80xf32, #tpu.memory_space<vmem_shared>> -> memref<10000x80xf32, #tpu.memory_space<vmem_shared>>
    tpu.wait_indirect_dma semaphore(%arg27 : memref<!tpu.dma_semaphore, #tpu.memory_space<semaphore_mem>>) src(%arg14 : memref<80x80xf32, #tpu.memory_space<vmem>>) dst(%dma_wait3A_91 : memref<10000x80xf32, #tpu.memory_space<vmem_shared>>)
    %dma_start3A_92 = arith.constant 246 : i32
    %dma_start3A_93 = arith.constant 0 : i32
    %dma_start3A_94 = tpu.memref_slice %arg7[%dma_start3A_92, %dma_start3A_93] : memref<250x80xi32, #tpu.memory_space<vmem>> -> memref<1x80xi32, #tpu.memory_space<vmem>>
    %dma_start3A_95 = tpu.memref_squeeze %dma_start3A_94 : memref<1x80xi32, #tpu.memory_space<vmem>> -> memref<80xi32, #tpu.memory_space<vmem>>
    %dma_start3A_96 = arith.constant 0 : i32
    %dma_start3A_97 = arith.constant 0 : i32
    %dma_start3A_98 = tpu.memref_slice %arg2[%dma_start3A_96, %dma_start3A_97] : memref<20000x80xf32, #tpu.memory_space<hbm>> -> memref<20000x80xf32, #tpu.memory_space<hbm>>
    tpu.enqueue_indirect_dma source(%dma_start3A_98 : memref<20000x80xf32, #tpu.memory_space<hbm>>) target(%arg9 : memref<80x80xf32, #tpu.memory_space<vmem>>) offsets(%dma_start3A_95 : memref<80xi32, #tpu.memory_space<vmem>>) semaphore(%arg16 : memref<!tpu.dma_semaphore, #tpu.memory_space<semaphore_mem>>)
    %dma_wait3A_99 = arith.constant 246 : i32
    %dma_wait3A_100 = arith.constant 0 : i32
    %dma_wait3A_101 = tpu.memref_slice %arg7[%dma_wait3A_99, %dma_wait3A_100] : memref<250x80xi32, #tpu.memory_space<vmem>> -> memref<1x80xi32, #tpu.memory_space<vmem>>
    %dma_wait3A_102 = tpu.memref_squeeze %dma_wait3A_101 : memref<1x80xi32, #tpu.memory_space<vmem>> -> memref<80xi32, #tpu.memory_space<vmem>>
    %dma_wait3A_103 = arith.constant 0 : i32
    %dma_wait3A_104 = arith.constant 0 : i32
    %dma_wait3A_105 = tpu.memref_slice %arg2[%dma_wait3A_103, %dma_wait3A_104] : memref<20000x80xf32, #tpu.memory_space<hbm>> -> memref<20000x80xf32, #tpu.memory_space<hbm>>
    tpu.wait_indirect_dma semaphore(%arg16 : memref<!tpu.dma_semaphore, #tpu.memory_space<semaphore_mem>>) src(%dma_wait3A_105 : memref<20000x80xf32, #tpu.memory_space<hbm>>) dst(%arg9 : memref<80x80xf32, #tpu.memory_space<vmem>>)
    %dma_start3A_106 = arith.constant 246 : i32
    %dma_start3A_107 = arith.constant 0 : i32
    %dma_start3A_108 = tpu.memref_slice %arg8[%dma_start3A_106, %dma_start3A_107] : memref<250x80xi32, #tpu.memory_space<vmem>> -> memref<1x80xi32, #tpu.memory_space<vmem>>
    %dma_start3A_109 = tpu.memref_squeeze %dma_start3A_108 : memref<1x80xi32, #tpu.memory_space<vmem>> -> memref<80xi32, #tpu.memory_space<vmem>>
    %dma_start3A_110 = arith.constant 0 : i32
    %dma_start3A_111 = arith.constant 0 : i32
    %dma_start3A_112 = tpu.memref_slice %arg15[%dma_start3A_110, %dma_start3A_111] : memref<10000x80xf32, #tpu.memory_space<vmem_shared>> -> memref<10000x80xf32, #tpu.memory_space<vmem_shared>>
    tpu.enqueue_indirect_dma source(%arg9 : memref<80x80xf32, #tpu.memory_space<vmem>>) target(%dma_start3A_112 : memref<10000x80xf32, #tpu.memory_space<vmem_shared>>) offsets(%dma_start3A_109 : memref<80xi32, #tpu.memory_space<vmem>>) semaphore(%arg22 : memref<!tpu.dma_semaphore, #tpu.memory_space<semaphore_mem>>) {add = true}
    %dma_wait3A_113 = arith.constant 246 : i32
    %dma_wait3A_114 = arith.constant 0 : i32
    %dma_wait3A_115 = tpu.memref_slice %arg8[%dma_wait3A_113, %dma_wait3A_114] : memref<250x80xi32, #tpu.memory_space<vmem>> -> memref<1x80xi32, #tpu.memory_space<vmem>>
    %dma_wait3A_116 = tpu.memref_squeeze %dma_wait3A_115 : memref<1x80xi32, #tpu.memory_space<vmem>> -> memref<80xi32, #tpu.memory_space<vmem>>
    %dma_wait3A_117 = arith.constant 0 : i32
    %dma_wait3A_118 = arith.constant 0 : i32
    %dma_wait3A_119 = tpu.memref_slice %arg15[%dma_wait3A_117, %dma_wait3A_118] : memref<10000x80xf32, #tpu.memory_space<vmem_shared>> -> memref<10000x80xf32, #tpu.memory_space<vmem_shared>>
    tpu.wait_indirect_dma semaphore(%arg22 : memref<!tpu.dma_semaphore, #tpu.memory_space<semaphore_mem>>) src(%arg9 : memref<80x80xf32, #tpu.memory_space<vmem>>) dst(%dma_wait3A_119 : memref<10000x80xf32, #tpu.memory_space<vmem_shared>>)
    %dma_start3A_120 = arith.constant 247 : i32
    %dma_start3A_121 = arith.constant 0 : i32
    %dma_start3A_122 = tpu.memref_slice %arg7[%dma_start3A_120, %dma_start3A_121] : memref<250x80xi32, #tpu.memory_space<vmem>> -> memref<1x80xi32, #tpu.memory_space<vmem>>
    %dma_start3A_123 = tpu.memref_squeeze %dma_start3A_122 : memref<1x80xi32, #tpu.memory_space<vmem>> -> memref<80xi32, #tpu.memory_space<vmem>>
    %dma_start3A_124 = arith.constant 0 : i32
    %dma_start3A_125 = arith.constant 0 : i32
    %dma_start3A_126 = tpu.memref_slice %arg2[%dma_start3A_124, %dma_start3A_125] : memref<20000x80xf32, #tpu.memory_space<hbm>> -> memref<20000x80xf32, #tpu.memory_space<hbm>>
    tpu.enqueue_indirect_dma source(%dma_start3A_126 : memref<20000x80xf32, #tpu.memory_space<hbm>>) target(%arg9 : memref<80x80xf32, #tpu.memory_space<vmem>>) offsets(%dma_start3A_123 : memref<80xi32, #tpu.memory_space<vmem>>) semaphore(%arg16 : memref<!tpu.dma_semaphore, #tpu.memory_space<semaphore_mem>>)
    %dma_wait3A_127 = arith.constant 247 : i32
    %dma_wait3A_128 = arith.constant 0 : i32
    %dma_wait3A_129 = tpu.memref_slice %arg7[%dma_wait3A_127, %dma_wait3A_128] : memref<250x80xi32, #tpu.memory_space<vmem>> -> memref<1x80xi32, #tpu.memory_space<vmem>>
    %dma_wait3A_130 = tpu.memref_squeeze %dma_wait3A_129 : memref<1x80xi32, #tpu.memory_space<vmem>> -> memref<80xi32, #tpu.memory_space<vmem>>
    %dma_wait3A_131 = arith.constant 0 : i32
    %dma_wait3A_132 = arith.constant 0 : i32
    %dma_wait3A_133 = tpu.memref_slice %arg2[%dma_wait3A_131, %dma_wait3A_132] : memref<20000x80xf32, #tpu.memory_space<hbm>> -> memref<20000x80xf32, #tpu.memory_space<hbm>>
    tpu.wait_indirect_dma semaphore(%arg16 : memref<!tpu.dma_semaphore, #tpu.memory_space<semaphore_mem>>) src(%dma_wait3A_133 : memref<20000x80xf32, #tpu.memory_space<hbm>>) dst(%arg9 : memref<80x80xf32, #tpu.memory_space<vmem>>)
    %dma_start3A_134 = arith.constant 247 : i32
    %dma_start3A_135 = arith.constant 0 : i32
    %dma_start3A_136 = tpu.memref_slice %arg8[%dma_start3A_134, %dma_start3A_135] : memref<250x80xi32, #tpu.memory_space<vmem>> -> memref<1x80xi32, #tpu.memory_space<vmem>>
    %dma_start3A_137 = tpu.memref_squeeze %dma_start3A_136 : memref<1x80xi32, #tpu.memory_space<vmem>> -> memref<80xi32, #tpu.memory_space<vmem>>
    %dma_start3A_138 = arith.constant 0 : i32
    %dma_start3A_139 = arith.constant 0 : i32
    %dma_start3A_140 = tpu.memref_slice %arg15[%dma_start3A_138, %dma_start3A_139] : memref<10000x80xf32, #tpu.memory_space<vmem_shared>> -> memref<10000x80xf32, #tpu.memory_space<vmem_shared>>
    tpu.enqueue_indirect_dma source(%arg9 : memref<80x80xf32, #tpu.memory_space<vmem>>) target(%dma_start3A_140 : memref<10000x80xf32, #tpu.memory_space<vmem_shared>>) offsets(%dma_start3A_137 : memref<80xi32, #tpu.memory_space<vmem>>) semaphore(%arg22 : memref<!tpu.dma_semaphore, #tpu.memory_space<semaphore_mem>>) {add = true}
    %dma_wait3A_141 = arith.constant 247 : i32
    %dma_wait3A_142 = arith.constant 0 : i32
    %dma_wait3A_143 = tpu.memref_slice %arg8[%dma_wait3A_141, %dma_wait3A_142] : memref<250x80xi32, #tpu.memory_space<vmem>> -> memref<1x80xi32, #tpu.memory_space<vmem>>
    %dma_wait3A_144 = tpu.memref_squeeze %dma_wait3A_143 : memref<1x80xi32, #tpu.memory_space<vmem>> -> memref<80xi32, #tpu.memory_space<vmem>>
    %dma_wait3A_145 = arith.constant 0 : i32
    %dma_wait3A_146 = arith.constant 0 : i32
    %dma_wait3A_147 = tpu.memref_slice %arg15[%dma_wait3A_145, %dma_wait3A_146] : memref<10000x80xf32, #tpu.memory_space<vmem_shared>> -> memref<10000x80xf32, #tpu.memory_space<vmem_shared>>
    tpu.wait_indirect_dma semaphore(%arg22 : memref<!tpu.dma_semaphore, #tpu.memory_space<semaphore_mem>>) src(%arg9 : memref<80x80xf32, #tpu.memory_space<vmem>>) dst(%dma_wait3A_147 : memref<10000x80xf32, #tpu.memory_space<vmem_shared>>)
    %dma_start3A_148 = arith.constant 248 : i32
    %dma_start3A_149 = arith.constant 0 : i32
    %dma_start3A_150 = tpu.memref_slice %arg7[%dma_start3A_148, %dma_start3A_149] : memref<250x80xi32, #tpu.memory_space<vmem>> -> memref<1x80xi32, #tpu.memory_space<vmem>>
    %dma_start3A_151 = tpu.memref_squeeze %dma_start3A_150 : memref<1x80xi32, #tpu.memory_space<vmem>> -> memref<80xi32, #tpu.memory_space<vmem>>
    %dma_start3A_152 = arith.constant 0 : i32
    %dma_start3A_153 = arith.constant 0 : i32
    %dma_start3A_154 = tpu.memref_slice %arg2[%dma_start3A_152, %dma_start3A_153] : memref<20000x80xf32, #tpu.memory_space<hbm>> -> memref<20000x80xf32, #tpu.memory_space<hbm>>
    tpu.enqueue_indirect_dma source(%dma_start3A_154 : memref<20000x80xf32, #tpu.memory_space<hbm>>) target(%arg9 : memref<80x80xf32, #tpu.memory_space<vmem>>) offsets(%dma_start3A_151 : memref<80xi32, #tpu.memory_space<vmem>>) semaphore(%arg16 : memref<!tpu.dma_semaphore, #tpu.memory_space<semaphore_mem>>)
    %dma_wait3A_155 = arith.constant 248 : i32
    %dma_wait3A_156 = arith.constant 0 : i32
    %dma_wait3A_157 = tpu.memref_slice %arg7[%dma_wait3A_155, %dma_wait3A_156] : memref<250x80xi32, #tpu.memory_space<vmem>> -> memref<1x80xi32, #tpu.memory_space<vmem>>
    %dma_wait3A_158 = tpu.memref_squeeze %dma_wait3A_157 : memref<1x80xi32, #tpu.memory_space<vmem>> -> memref<80xi32, #tpu.memory_space<vmem>>
    %dma_wait3A_159 = arith.constant 0 : i32
    %dma_wait3A_160 = arith.constant 0 : i32
    %dma_wait3A_161 = tpu.memref_slice %arg2[%dma_wait3A_159, %dma_wait3A_160] : memref<20000x80xf32, #tpu.memory_space<hbm>> -> memref<20000x80xf32, #tpu.memory_space<hbm>>
    tpu.wait_indirect_dma semaphore(%arg16 : memref<!tpu.dma_semaphore, #tpu.memory_space<semaphore_mem>>) src(%dma_wait3A_161 : memref<20000x80xf32, #tpu.memory_space<hbm>>) dst(%arg9 : memref<80x80xf32, #tpu.memory_space<vmem>>)
    %dma_start3A_162 = arith.constant 248 : i32
    %dma_start3A_163 = arith.constant 0 : i32
    %dma_start3A_164 = tpu.memref_slice %arg8[%dma_start3A_162, %dma_start3A_163] : memref<250x80xi32, #tpu.memory_space<vmem>> -> memref<1x80xi32, #tpu.memory_space<vmem>>
    %dma_start3A_165 = tpu.memref_squeeze %dma_start3A_164 : memref<1x80xi32, #tpu.memory_space<vmem>> -> memref<80xi32, #tpu.memory_space<vmem>>
    %dma_start3A_166 = arith.constant 0 : i32
    %dma_start3A_167 = arith.constant 0 : i32
    %dma_start3A_168 = tpu.memref_slice %arg15[%dma_start3A_166, %dma_start3A_167] : memref<10000x80xf32, #tpu.memory_space<vmem_shared>> -> memref<10000x80xf32, #tpu.memory_space<vmem_shared>>
    tpu.enqueue_indirect_dma source(%arg9 : memref<80x80xf32, #tpu.memory_space<vmem>>) target(%dma_start3A_168 : memref<10000x80xf32, #tpu.memory_space<vmem_shared>>) offsets(%dma_start3A_165 : memref<80xi32, #tpu.memory_space<vmem>>) semaphore(%arg22 : memref<!tpu.dma_semaphore, #tpu.memory_space<semaphore_mem>>) {add = true}
    %dma_wait3A_169 = arith.constant 248 : i32
    %dma_wait3A_170 = arith.constant 0 : i32
    %dma_wait3A_171 = tpu.memref_slice %arg8[%dma_wait3A_169, %dma_wait3A_170] : memref<250x80xi32, #tpu.memory_space<vmem>> -> memref<1x80xi32, #tpu.memory_space<vmem>>
    %dma_wait3A_172 = tpu.memref_squeeze %dma_wait3A_171 : memref<1x80xi32, #tpu.memory_space<vmem>> -> memref<80xi32, #tpu.memory_space<vmem>>
    %dma_wait3A_173 = arith.constant 0 : i32
    %dma_wait3A_174 = arith.constant 0 : i32
    %dma_wait3A_175 = tpu.memref_slice %arg15[%dma_wait3A_173, %dma_wait3A_174] : memref<10000x80xf32, #tpu.memory_space<vmem_shared>> -> memref<10000x80xf32, #tpu.memory_space<vmem_shared>>
    tpu.wait_indirect_dma semaphore(%arg22 : memref<!tpu.dma_semaphore, #tpu.memory_space<semaphore_mem>>) src(%arg9 : memref<80x80xf32, #tpu.memory_space<vmem>>) dst(%dma_wait3A_175 : memref<10000x80xf32, #tpu.memory_space<vmem_shared>>)
    %dma_start3A_176 = arith.constant 249 : i32
    %dma_start3A_177 = arith.constant 0 : i32
    %dma_start3A_178 = tpu.memref_slice %arg7[%dma_start3A_176, %dma_start3A_177] : memref<250x80xi32, #tpu.memory_space<vmem>> -> memref<1x80xi32, #tpu.memory_space<vmem>>
    %dma_start3A_179 = tpu.memref_squeeze %dma_start3A_178 : memref<1x80xi32, #tpu.memory_space<vmem>> -> memref<80xi32, #tpu.memory_space<vmem>>
    %dma_start3A_180 = arith.constant 0 : i32
    %dma_start3A_181 = arith.constant 0 : i32
    %dma_start3A_182 = tpu.memref_slice %arg2[%dma_start3A_180, %dma_start3A_181] : memref<20000x80xf32, #tpu.memory_space<hbm>> -> memref<20000x80xf32, #tpu.memory_space<hbm>>
    tpu.enqueue_indirect_dma source(%dma_start3A_182 : memref<20000x80xf32, #tpu.memory_space<hbm>>) target(%arg9 : memref<80x80xf32, #tpu.memory_space<vmem>>) offsets(%dma_start3A_179 : memref<80xi32, #tpu.memory_space<vmem>>) semaphore(%arg16 : memref<!tpu.dma_semaphore, #tpu.memory_space<semaphore_mem>>)
    %dma_wait3A_183 = arith.constant 249 : i32
    %dma_wait3A_184 = arith.constant 0 : i32
    %dma_wait3A_185 = tpu.memref_slice %arg7[%dma_wait3A_183, %dma_wait3A_184] : memref<250x80xi32, #tpu.memory_space<vmem>> -> memref<1x80xi32, #tpu.memory_space<vmem>>
    %dma_wait3A_186 = tpu.memref_squeeze %dma_wait3A_185 : memref<1x80xi32, #tpu.memory_space<vmem>> -> memref<80xi32, #tpu.memory_space<vmem>>
    %dma_wait3A_187 = arith.constant 0 : i32
    %dma_wait3A_188 = arith.constant 0 : i32
    %dma_wait3A_189 = tpu.memref_slice %arg2[%dma_wait3A_187, %dma_wait3A_188] : memref<20000x80xf32, #tpu.memory_space<hbm>> -> memref<20000x80xf32, #tpu.memory_space<hbm>>
    tpu.wait_indirect_dma semaphore(%arg16 : memref<!tpu.dma_semaphore, #tpu.memory_space<semaphore_mem>>) src(%dma_wait3A_189 : memref<20000x80xf32, #tpu.memory_space<hbm>>) dst(%arg9 : memref<80x80xf32, #tpu.memory_space<vmem>>)
    %dma_start3A_190 = arith.constant 249 : i32
    %dma_start3A_191 = arith.constant 0 : i32
    %dma_start3A_192 = tpu.memref_slice %arg8[%dma_start3A_190, %dma_start3A_191] : memref<250x80xi32, #tpu.memory_space<vmem>> -> memref<1x80xi32, #tpu.memory_space<vmem>>
    %dma_start3A_193 = tpu.memref_squeeze %dma_start3A_192 : memref<1x80xi32, #tpu.memory_space<vmem>> -> memref<80xi32, #tpu.memory_space<vmem>>
    %dma_start3A_194 = arith.constant 0 : i32
    %dma_start3A_195 = arith.constant 0 : i32
    %dma_start3A_196 = tpu.memref_slice %arg15[%dma_start3A_194, %dma_start3A_195] : memref<10000x80xf32, #tpu.memory_space<vmem_shared>> -> memref<10000x80xf32, #tpu.memory_space<vmem_shared>>
    tpu.enqueue_indirect_dma source(%arg9 : memref<80x80xf32, #tpu.memory_space<vmem>>) target(%dma_start3A_196 : memref<10000x80xf32, #tpu.memory_space<vmem_shared>>) offsets(%dma_start3A_193 : memref<80xi32, #tpu.memory_space<vmem>>) semaphore(%arg22 : memref<!tpu.dma_semaphore, #tpu.memory_space<semaphore_mem>>) {add = true}
    %dma_wait3A_197 = arith.constant 249 : i32
    %dma_wait3A_198 = arith.constant 0 : i32
    %dma_wait3A_199 = tpu.memref_slice %arg8[%dma_wait3A_197, %dma_wait3A_198] : memref<250x80xi32, #tpu.memory_space<vmem>> -> memref<1x80xi32, #tpu.memory_space<vmem>>
    %dma_wait3A_200 = tpu.memref_squeeze %dma_wait3A_199 : memref<1x80xi32, #tpu.memory_space<vmem>> -> memref<80xi32, #tpu.memory_space<vmem>>
    %dma_wait3A_201 = arith.constant 0 : i32
    %dma_wait3A_202 = arith.constant 0 : i32
    %dma_wait3A_203 = tpu.memref_slice %arg15[%dma_wait3A_201, %dma_wait3A_202] : memref<10000x80xf32, #tpu.memory_space<vmem_shared>> -> memref<10000x80xf32, #tpu.memory_space<vmem_shared>>
    tpu.wait_indirect_dma semaphore(%arg22 : memref<!tpu.dma_semaphore, #tpu.memory_space<semaphore_mem>>) src(%arg9 : memref<80x80xf32, #tpu.memory_space<vmem>>) dst(%dma_wait3A_203 : memref<10000x80xf32, #tpu.memory_space<vmem_shared>>)
    %barrier3A_204 = arith.constant 0 : index
    tpu.barrier barrier_id(%barrier3A_204)
    %mul3A_205 = arith.constant 624 : i32
    %mul3A_206 = arith.muli %arg1, %mul3A_205 : i32
    %mul3A_207 = arith.constant 10000 : i32
    %mul3A_208 = arith.muli %arg0, %mul3A_207 : i32
    %mul3A_209 = arith.constant 624 : i32
    %mul3A_210 = arith.muli %arg1, %mul3A_209 : i32
    %add3A = arith.addi %mul3A_208, %mul3A_210 : i32
    "tpu.region"() ({
      %run_scoped3A = tpu.sem_alloc : memref<!tpu.dma_semaphore, #tpu.memory_space<semaphore_mem>>
      %dma_start3A_216 = arith.constant 0 : i32
      %dma_start3A_217 = tpu.memref_slice %arg6[%add3A, %dma_start3A_216] : memref<20000x80xf32, #tpu.memory_space<hbm>> -> memref<624x80xf32, #tpu.memory_space<hbm>>
      %dma_start3A_218 = arith.constant 0 : i32
      %dma_start3A_219 = tpu.memref_slice %arg15[%mul3A_206, %dma_start3A_218] : memref<10000x80xf32, #tpu.memory_space<vmem_shared>> -> memref<624x80xf32, #tpu.memory_space<vmem_shared>>
      tpu.enqueue_dma source(%dma_start3A_219 : memref<624x80xf32, #tpu.memory_space<vmem_shared>>) target(%dma_start3A_217 : memref<624x80xf32, #tpu.memory_space<hbm>>) target_semaphore(%run_scoped3A : memref<!tpu.dma_semaphore, #tpu.memory_space<semaphore_mem>>)
      %dma_wait3A_220 = arith.constant 0 : i32
      %dma_wait3A_221 = tpu.memref_slice %arg6[%add3A, %dma_wait3A_220] : memref<20000x80xf32, #tpu.memory_space<hbm>> -> memref<624x80xf32, #tpu.memory_space<hbm>>
      %dma_wait3A_222 = arith.constant 0 : i32
      %dma_wait3A_223 = tpu.memref_slice %arg15[%mul3A_206, %dma_wait3A_222] : memref<10000x80xf32, #tpu.memory_space<vmem_shared>> -> memref<624x80xf32, #tpu.memory_space<vmem_shared>>
      tpu.wait_dma2 semaphore(%run_scoped3A : memref<!tpu.dma_semaphore, #tpu.memory_space<semaphore_mem>>) src(%dma_wait3A_223 : memref<624x80xf32, #tpu.memory_space<vmem_shared>>) dst(%dma_wait3A_221 : memref<624x80xf32, #tpu.memory_space<hbm>>)
      tpu.yield
    }) : () -> ()
    %eq3A_211 = arith.constant 0 : i32
    %eq3A_212 = arith.cmpi eq, %arg1, %eq3A_211 : i32
    %convert_element_type3A_213 = arith.extui %eq3A_212 : i1 to i32
    %cond3A_214 = arith.constant 0 : i32
    %cond3A_215 = arith.cmpi ne, %convert_element_type3A_213, %cond3A_214 : i32
    scf.if %cond3A_215 {
      %mul3A_216 = arith.constant 10000 : i32
      %mul3A_217 = arith.muli %arg0, %mul3A_216 : i32
      %add3A_218 = arith.constant 9984 : i32
      %add3A_219 = arith.addi %mul3A_217, %add3A_218 : i32
      "tpu.region"() ({
        %run_scoped3A = tpu.sem_alloc : memref<!tpu.dma_semaphore, #tpu.memory_space<semaphore_mem>>
        %dma_start3A_220 = arith.constant 0 : i32
        %dma_start3A_221 = tpu.memref_slice %arg6[%add3A_219, %dma_start3A_220] : memref<20000x80xf32, #tpu.memory_space<hbm>> -> memref<16x80xf32, #tpu.memory_space<hbm>>
        %dma_start3A_222 = arith.constant 9984 : i32
        %dma_start3A_223 = arith.constant 0 : i32
        %dma_start3A_224 = tpu.memref_slice %arg15[%dma_start3A_222, %dma_start3A_223] : memref<10000x80xf32, #tpu.memory_space<vmem_shared>> -> memref<16x80xf32, #tpu.memory_space<vmem_shared>>
        tpu.enqueue_dma source(%dma_start3A_224 : memref<16x80xf32, #tpu.memory_space<vmem_shared>>) target(%dma_start3A_221 : memref<16x80xf32, #tpu.memory_space<hbm>>) target_semaphore(%run_scoped3A : memref<!tpu.dma_semaphore, #tpu.memory_space<semaphore_mem>>)
        %dma_wait3A_225 = arith.constant 0 : i32
        %dma_wait3A_226 = tpu.memref_slice %arg6[%add3A_219, %dma_wait3A_225] : memref<20000x80xf32, #tpu.memory_space<hbm>> -> memref<16x80xf32, #tpu.memory_space<hbm>>
        %dma_wait3A_227 = arith.constant 9984 : i32
        %dma_wait3A_228 = arith.constant 0 : i32
        %dma_wait3A_229 = tpu.memref_slice %arg15[%dma_wait3A_227, %dma_wait3A_228] : memref<10000x80xf32, #tpu.memory_space<vmem_shared>> -> memref<16x80xf32, #tpu.memory_space<vmem_shared>>
        tpu.wait_dma2 semaphore(%run_scoped3A : memref<!tpu.dma_semaphore, #tpu.memory_space<semaphore_mem>>) src(%dma_wait3A_229 : memref<16x80xf32, #tpu.memory_space<vmem_shared>>) dst(%dma_wait3A_226 : memref<16x80xf32, #tpu.memory_space<hbm>>)
        tpu.yield
      }) : () -> ()
    } else {
    }
    return
  }
}

#map = affine_map<(d0, d1) -> (0)>
module attributes {stable_mosaic.version = 14 : i64} {
  func.func @body(%arg0: i32, %arg1: i32, %arg2: memref<40000xf32, #tpu.memory_space<hbm>>, %arg3: memref<320000xi32, #tpu.memory_space<hbm>>, %arg4: memref<320000xi32, #tpu.memory_space<hbm>>, %arg5: memref<320000xf32, #tpu.memory_space<hbm>>, %arg6: memref<320000xf32, #tpu.memory_space<hbm>>, %arg7: memref<40000xf32, #tpu.memory_space<vmem>>, %arg8: memref<10000xi32, #tpu.memory_space<vmem>>, %arg9: memref<10000xi32, #tpu.memory_space<vmem>>, %arg10: memref<10000xf32, #tpu.memory_space<vmem>>, %arg11: memref<10000xf32, #tpu.memory_space<vmem>>) attributes {dimension_semantics = [#tpu.dimension_semantics<core_parallel>, #tpu.dimension_semantics<subcore_parallel>], iteration_bounds = array<i64: 2, 16>, scalar_prefetch = 0 : i64, scratch_operands = 5 : i64, tpu.core_type = #tpu.core_type<sc_vector_subcore>, window_params = [{transform_indices = #map}, {transform_indices = #map}, {transform_indices = #map}, {transform_indices = #map}, {transform_indices = #map}]} {
    %mul3A = arith.constant 16 : i32
    %mul3A_0 = arith.muli %arg0, %mul3A : i32
    %add3A = arith.addi %mul3A_0, %arg1 : i32
    "tpu.region"() ({
      %run_scoped3A = tpu.sem_alloc : memref<!tpu.dma_semaphore, #tpu.memory_space<semaphore_mem>>
      tpu.enqueue_dma source(%arg2 : memref<40000xf32, #tpu.memory_space<hbm>>) target(%arg7 : memref<40000xf32, #tpu.memory_space<vmem>>) target_semaphore(%run_scoped3A : memref<!tpu.dma_semaphore, #tpu.memory_space<semaphore_mem>>)
      tpu.wait_dma2 semaphore(%run_scoped3A : memref<!tpu.dma_semaphore, #tpu.memory_space<semaphore_mem>>) src(%arg2 : memref<40000xf32, #tpu.memory_space<hbm>>) dst(%arg7 : memref<40000xf32, #tpu.memory_space<vmem>>)
      tpu.yield
    }) : () -> ()
    %mul3A_1 = arith.constant 10000 : i32
    %mul3A_2 = arith.muli %add3A, %mul3A_1 : i32
    "tpu.region"() ({
      %run_scoped3A = tpu.sem_alloc : memref<!tpu.dma_semaphore, #tpu.memory_space<semaphore_mem>>
      %dma_start3A = tpu.memref_slice %arg3[%mul3A_2] : memref<320000xi32, #tpu.memory_space<hbm>> -> memref<10000xi32, #tpu.memory_space<hbm>>
      %dma_start3A_14 = tpu.memref_slice %arg3[%mul3A_2] : memref<320000xi32, #tpu.memory_space<hbm>> -> memref<10000xi32, #tpu.memory_space<hbm>>
      tpu.enqueue_dma source(%dma_start3A_14 : memref<10000xi32, #tpu.memory_space<hbm>>) target(%arg8 : memref<10000xi32, #tpu.memory_space<vmem>>) target_semaphore(%run_scoped3A : memref<!tpu.dma_semaphore, #tpu.memory_space<semaphore_mem>>)
      %dma_wait3A = tpu.memref_slice %arg3[%mul3A_2] : memref<320000xi32, #tpu.memory_space<hbm>> -> memref<10000xi32, #tpu.memory_space<hbm>>
      %dma_wait3A_15 = tpu.memref_slice %arg3[%mul3A_2] : memref<320000xi32, #tpu.memory_space<hbm>> -> memref<10000xi32, #tpu.memory_space<hbm>>
      tpu.wait_dma2 semaphore(%run_scoped3A : memref<!tpu.dma_semaphore, #tpu.memory_space<semaphore_mem>>) src(%dma_wait3A_15 : memref<10000xi32, #tpu.memory_space<hbm>>) dst(%arg8 : memref<10000xi32, #tpu.memory_space<vmem>>)
      tpu.yield
    }) : () -> ()
    %mul3A_3 = arith.constant 10000 : i32
    %mul3A_4 = arith.muli %add3A, %mul3A_3 : i32
    "tpu.region"() ({
      %run_scoped3A = tpu.sem_alloc : memref<!tpu.dma_semaphore, #tpu.memory_space<semaphore_mem>>
      %dma_start3A = tpu.memref_slice %arg4[%mul3A_4] : memref<320000xi32, #tpu.memory_space<hbm>> -> memref<10000xi32, #tpu.memory_space<hbm>>
      %dma_start3A_14 = tpu.memref_slice %arg4[%mul3A_4] : memref<320000xi32, #tpu.memory_space<hbm>> -> memref<10000xi32, #tpu.memory_space<hbm>>
      tpu.enqueue_dma source(%dma_start3A_14 : memref<10000xi32, #tpu.memory_space<hbm>>) target(%arg9 : memref<10000xi32, #tpu.memory_space<vmem>>) target_semaphore(%run_scoped3A : memref<!tpu.dma_semaphore, #tpu.memory_space<semaphore_mem>>)
      %dma_wait3A = tpu.memref_slice %arg4[%mul3A_4] : memref<320000xi32, #tpu.memory_space<hbm>> -> memref<10000xi32, #tpu.memory_space<hbm>>
      %dma_wait3A_15 = tpu.memref_slice %arg4[%mul3A_4] : memref<320000xi32, #tpu.memory_space<hbm>> -> memref<10000xi32, #tpu.memory_space<hbm>>
      tpu.wait_dma2 semaphore(%run_scoped3A : memref<!tpu.dma_semaphore, #tpu.memory_space<semaphore_mem>>) src(%dma_wait3A_15 : memref<10000xi32, #tpu.memory_space<hbm>>) dst(%arg9 : memref<10000xi32, #tpu.memory_space<vmem>>)
      tpu.yield
    }) : () -> ()
    %scan3A = arith.constant 0 : i32
    %scan3A_5 = arith.constant 0 : i32
    %scan3A_6 = arith.constant 625 : i32
    %scan3A_7 = arith.addi %scan3A_5, %scan3A_6 : i32
    %scan3A_8 = arith.constant 1 : i32
    scf.for %scan3A_14 = %scan3A_5 to %scan3A_7 step %scan3A_8  : i32 {
      %mul3A_15 = arith.constant 16 : i32
      %mul3A_16 = arith.muli %scan3A_14, %mul3A_15 : i32
      %get3A = arith.index_cast %mul3A_16 : i32 to index
      %get3A_17 = tpu.vector_load %arg8[%get3A] {strides = array<i32>} : memref<10000xi32, #tpu.memory_space<vmem>>, vector<16xi32>,
      %mul3A_18 = arith.constant 4 : i32
      %mul3A_19 = vector.broadcast %mul3A_18 : i32 to vector<16xi32>
      %mul3A_20 = arith.muli %get3A_17, %mul3A_19 : vector<16xi32>
      %mul3A_21 = arith.constant 16 : i32
      %mul3A_22 = arith.muli %scan3A_14, %mul3A_21 : i32
      %get3A_23 = arith.index_cast %mul3A_22 : i32 to index
      %get3A_24 = tpu.vector_load %arg9[%get3A_23] {strides = array<i32>} : memref<10000xi32, #tpu.memory_space<vmem>>, vector<16xi32>,
      %mul3A_25 = arith.constant 4 : i32
      %mul3A_26 = vector.broadcast %mul3A_25 : i32 to vector<16xi32>
      %mul3A_27 = arith.muli %get3A_24, %mul3A_26 : vector<16xi32>
      %gather3A = tpu.vector_load_idx %arg7[%mul3A_20] : memref<40000xf32, #tpu.memory_space<vmem>>[vector<16xi32>], vector<16xf32>,
      %add3A_28 = arith.constant 1 : i32
      %add3A_29 = vector.broadcast %add3A_28 : i32 to vector<16xi32>
      %add3A_30 = arith.addi %mul3A_20, %add3A_29 : vector<16xi32>
      %gather3A_31 = tpu.vector_load_idx %arg7[%add3A_30] : memref<40000xf32, #tpu.memory_space<vmem>>[vector<16xi32>], vector<16xf32>,
      %add3A_32 = arith.constant 2 : i32
      %add3A_33 = vector.broadcast %add3A_32 : i32 to vector<16xi32>
      %add3A_34 = arith.addi %mul3A_27, %add3A_33 : vector<16xi32>
      %gather3A_35 = tpu.vector_load_idx %arg7[%add3A_34] : memref<40000xf32, #tpu.memory_space<vmem>>[vector<16xi32>], vector<16xf32>,
      %add3A_36 = arith.constant 3 : i32
      %add3A_37 = vector.broadcast %add3A_36 : i32 to vector<16xi32>
      %add3A_38 = arith.addi %mul3A_27, %add3A_37 : vector<16xi32>
      %gather3A_39 = tpu.vector_load_idx %arg7[%add3A_38] : memref<40000xf32, #tpu.memory_space<vmem>>[vector<16xi32>], vector<16xf32>,
      %add3A_40 = arith.addf %gather3A, %gather3A_35 : vector<16xf32>
      %mul3A_41 = arith.constant 16 : i32
      %mul3A_42 = arith.muli %scan3A_14, %mul3A_41 : i32
      %swap3A = arith.index_cast %mul3A_42 : i32 to index
      %swap3A_43 = tpu.vector_load %arg10[%swap3A] {strides = array<i32>} : memref<10000xf32, #tpu.memory_space<vmem>>, vector<16xf32>,
      tpu.vector_store %arg10[%swap3A], %add3A_40 {strides = array<i32>} : memref<10000xf32, #tpu.memory_space<vmem>>, vector<16xf32>,
      %add3A_44 = arith.addf %gather3A_31, %gather3A_39 : vector<16xf32>
      %mul3A_45 = arith.constant 16 : i32
      %mul3A_46 = arith.muli %scan3A_14, %mul3A_45 : i32
      %swap3A_47 = arith.index_cast %mul3A_46 : i32 to index
      %swap3A_48 = tpu.vector_load %arg11[%swap3A_47] {strides = array<i32>} : memref<10000xf32, #tpu.memory_space<vmem>>, vector<16xf32>,
      tpu.vector_store %arg11[%swap3A_47], %add3A_44 {strides = array<i32>} : memref<10000xf32, #tpu.memory_space<vmem>>, vector<16xf32>,
    }
    %scan3A_9 = arith.constant 625 : i32
    %mul3A_10 = arith.constant 10000 : i32
    %mul3A_11 = arith.muli %add3A, %mul3A_10 : i32
    "tpu.region"() ({
      %run_scoped3A = tpu.sem_alloc : memref<!tpu.dma_semaphore, #tpu.memory_space<semaphore_mem>>
      %dma_start3A = tpu.memref_slice %arg5[%mul3A_11] : memref<320000xf32, #tpu.memory_space<hbm>> -> memref<10000xf32, #tpu.memory_space<hbm>>
      %dma_start3A_14 = tpu.memref_slice %arg5[%mul3A_11] : memref<320000xf32, #tpu.memory_space<hbm>> -> memref<10000xf32, #tpu.memory_space<hbm>>
      tpu.enqueue_dma source(%arg10 : memref<10000xf32, #tpu.memory_space<vmem>>) target(%dma_start3A_14 : memref<10000xf32, #tpu.memory_space<hbm>>) target_semaphore(%run_scoped3A : memref<!tpu.dma_semaphore, #tpu.memory_space<semaphore_mem>>)
      %dma_wait3A = tpu.memref_slice %arg5[%mul3A_11] : memref<320000xf32, #tpu.memory_space<hbm>> -> memref<10000xf32, #tpu.memory_space<hbm>>
      %dma_wait3A_15 = tpu.memref_slice %arg5[%mul3A_11] : memref<320000xf32, #tpu.memory_space<hbm>> -> memref<10000xf32, #tpu.memory_space<hbm>>
      tpu.wait_dma2 semaphore(%run_scoped3A : memref<!tpu.dma_semaphore, #tpu.memory_space<semaphore_mem>>) src(%arg10 : memref<10000xf32, #tpu.memory_space<vmem>>) dst(%dma_wait3A_15 : memref<10000xf32, #tpu.memory_space<hbm>>)
      tpu.yield
    }) : () -> ()
    %mul3A_12 = arith.constant 10000 : i32
    %mul3A_13 = arith.muli %add3A, %mul3A_12 : i32
    "tpu.region"() ({
      %run_scoped3A = tpu.sem_alloc : memref<!tpu.dma_semaphore, #tpu.memory_space<semaphore_mem>>
      %dma_start3A = tpu.memref_slice %arg6[%mul3A_13] : memref<320000xf32, #tpu.memory_space<hbm>> -> memref<10000xf32, #tpu.memory_space<hbm>>
      %dma_start3A_14 = tpu.memref_slice %arg6[%mul3A_13] : memref<320000xf32, #tpu.memory_space<hbm>> -> memref<10000xf32, #tpu.memory_space<hbm>>
      tpu.enqueue_dma source(%arg11 : memref<10000xf32, #tpu.memory_space<vmem>>) target(%dma_start3A_14 : memref<10000xf32, #tpu.memory_space<hbm>>) target_semaphore(%run_scoped3A : memref<!tpu.dma_semaphore, #tpu.memory_space<semaphore_mem>>)
      %dma_wait3A = tpu.memref_slice %arg6[%mul3A_13] : memref<320000xf32, #tpu.memory_space<hbm>> -> memref<10000xf32, #tpu.memory_space<hbm>>
      %dma_wait3A_15 = tpu.memref_slice %arg6[%mul3A_13] : memref<320000xf32, #tpu.memory_space<hbm>> -> memref<10000xf32, #tpu.memory_space<hbm>>
      tpu.wait_dma2 semaphore(%run_scoped3A : memref<!tpu.dma_semaphore, #tpu.memory_space<semaphore_mem>>) src(%arg11 : memref<10000xf32, #tpu.memory_space<vmem>>) dst(%dma_wait3A_15 : memref<10000xf32, #tpu.memory_space<hbm>>)
      tpu.yield
    }) : () -> ()
    return
  }
}

module attributes {stable_mosaic.version = 14 : i64} {
  func.func @body(%arg0: i32, %arg1: i32, %arg2: memref<2000x76xf32, #tpu.memory_space<vmem>>, %arg3: memref<1x76x80xf32, #tpu.memory_space<vmem>>, %arg4: memref<2000x80xf32, #tpu.memory_space<vmem>>) attributes {dimension_semantics = [#tpu.dimension_semantics<arbitrary>, #tpu.dimension_semantics<arbitrary>], iteration_bounds = array<i64: 5, 2>, scalar_prefetch = 0 : i64, scratch_operands = 0 : i64, tpu.core_type = #tpu.core_type<tc>, window_params = [{transform_indices = @transform_0, window_bounds = array<i64: 2000, 76>}, {transform_indices = @transform_1, window_bounds = array<i64: 1, 76, 80>}, {transform_indices = @transform_2, window_bounds = array<i64: 2000, 80>}]} {
    %get3A = arith.constant 0 : index
    %get3A_0 = arith.constant 0 : index
    %get3A_1 = vector.load %arg2[%get3A, %get3A_0] : memref<2000x76xf32, #tpu.memory_space<vmem>>, vector<2000x76xf32>
    %get3A_2 = arith.constant 0 : index
    %get3A_3 = arith.constant 0 : index
    %get3A_4 = arith.constant 0 : index
    %get3A_5 = vector.load %arg3[%get3A_2, %get3A_3, %get3A_4] : memref<1x76x80xf32, #tpu.memory_space<vmem>>, vector<1x76x80xf32>
    %get3A_6 = vector.shape_cast %get3A_5 : vector<1x76x80xf32> to vector<76x80xf32>
    %dot_general3A = arith.constant dense<0.000000e+00> : vector<2000x80xf32>
    %dot_general3A_7 = tpu.matmul %get3A_1, %get3A_6, %dot_general3A {dimension_numbers = #tpu.dot_dimension_numbers<[1], [0], [0], [1], [0, 0, 1, 1], [], []>, transpose_lhs_hint = false} : vector<2000x76xf32>, vector<76x80xf32>, vector<2000x80xf32> -> vector<2000x80xf32>
    %swap3A = arith.constant 0 : index
    %swap3A_8 = arith.constant 0 : index
    %swap3A_9 = vector.load %arg4[%swap3A, %swap3A_8] : memref<2000x80xf32, #tpu.memory_space<vmem>>, vector<2000x80xf32>
    tpu.vector_store %arg4[%swap3A, %swap3A_8], %dot_general3A_7 {strides = array<i32>} : memref<2000x80xf32, #tpu.memory_space<vmem>>, vector<2000x80xf32>,
    return
  }
  func.func @transform_0(%arg0: i32, %arg1: i32) -> (i32, i32) {
    %c0_i32 = arith.constant 0 : i32
    %c0_i32_0 = arith.constant 0 : i32
    return %arg0, %c0_i32 : i32, i32
  }
  func.func @transform_1(%arg0: i32, %arg1: i32) -> (i32, i32, i32) {
    %c0_i32 = arith.constant 0 : i32
    %c0_i32_0 = arith.constant 0 : i32
    %c0_i32_1 = arith.constant 0 : i32
    return %arg1, %c0_i32, %c0_i32_0 : i32, i32, i32
  }
  func.func @transform_2(%arg0: i32, %arg1: i32) -> (i32, i32) {
    %mul3A = arith.constant 5 : i32
    %mul3A_0 = arith.muli %arg1, %mul3A : i32
    %add3A = arith.addi %mul3A_0, %arg0 : i32
    %c0_i32 = arith.constant 0 : i32
    %c0_i32_1 = arith.constant 0 : i32
    return %add3A, %c0_i32 : i32, i32
  }
}

module attributes {stable_mosaic.version = 14 : i64} {
  func.func @body(%arg0: i32, %arg1: i32, %arg2: memref<2000x76xf32, #tpu.memory_space<vmem>>, %arg3: memref<2000x80xf32, #tpu.memory_space<vmem>>, %arg4: memref<2000x80xf32, #tpu.memory_space<vmem>>, %arg5: memref<2000x80xf32, #tpu.memory_space<vmem>>, %arg6: memref<2000x80xf32, #tpu.memory_space<vmem>>, %arg7: memref<80x80xf32, #tpu.memory_space<vmem>>, %arg8: memref<80x80xf32, #tpu.memory_space<vmem>>, %arg9: memref<76x152xf32, #tpu.memory_space<vmem>>, %arg10: memref<80x152xf32, #tpu.memory_space<vmem>>, %arg11: memref<80x152xf32, #tpu.memory_space<vmem>>, %arg12: memref<1x152xf32, #tpu.memory_space<vmem>>, %arg13: memref<1x152x80xf32, #tpu.memory_space<vmem>>, %arg14: memref<2000x152xf32, #tpu.memory_space<vmem>>, %arg15: memref<2000x80xf32, #tpu.memory_space<vmem>>) attributes {dimension_semantics = [#tpu.dimension_semantics<arbitrary>, #tpu.dimension_semantics<arbitrary>], iteration_bounds = array<i64: 5, 2>, scalar_prefetch = 0 : i64, scratch_operands = 0 : i64, tpu.core_type = #tpu.core_type<tc>, window_params = [{transform_indices = @transform_0, window_bounds = array<i64: 2000, 76>}, {transform_indices = @transform_1, window_bounds = array<i64: 2000, 80>}, {transform_indices = @transform_2, window_bounds = array<i64: 2000, 80>}, {transform_indices = @transform_3, window_bounds = array<i64: 2000, 80>}, {transform_indices = @transform_4, window_bounds = array<i64: 2000, 80>}, {pipeline_mode = #tpu.pipeline_mode<synchronous>, transform_indices = @transform_5, window_bounds = array<i64: 80, 80>}, {pipeline_mode = #tpu.pipeline_mode<synchronous>, transform_indices = @transform_6, window_bounds = array<i64: 80, 80>}, {pipeline_mode = #tpu.pipeline_mode<synchronous>, transform_indices = @transform_7, window_bounds = array<i64: 76, 152>}, {pipeline_mode = #tpu.pipeline_mode<synchronous>, transform_indices = @transform_8, window_bounds = array<i64: 80, 152>}, {pipeline_mode = #tpu.pipeline_mode<synchronous>, transform_indices = @transform_9, window_bounds = array<i64: 80, 152>}, {pipeline_mode = #tpu.pipeline_mode<synchronous>, transform_indices = @transform_10, window_bounds = array<i64: 1, 152>}, {transform_indices = @transform_11, window_bounds = array<i64: 1, 152, 80>}, {transform_indices = @transform_12, window_bounds = array<i64: 2000, 152>}, {transform_indices = @transform_13, window_bounds = array<i64: 2000, 80>}]} {
    %get3A = arith.constant 0 : index
    %get3A_0 = arith.constant 0 : index
    %get3A_1 = vector.load %arg5[%get3A, %get3A_0] : memref<2000x80xf32, #tpu.memory_space<vmem>>, vector<2000x80xf32>
    %get3A_2 = arith.constant 0 : index
    %get3A_3 = arith.constant 0 : index
    %get3A_4 = vector.load %arg6[%get3A_2, %get3A_3] : memref<2000x80xf32, #tpu.memory_space<vmem>>, vector<2000x80xf32>
    %add3A = arith.addf %get3A_1, %get3A_4 : vector<2000x80xf32>
    %slice3A = vector.extract_strided_slice %add3A {offsets = [0, 0], sizes = [2000, 1], strides = [1, 1]} : vector<2000x80xf32> to vector<2000x1xf32>
    %max3A = arith.constant 1.000000e+00 : f32
    %max3A_5 = vector.broadcast %max3A : f32 to vector<2000x1xf32>
    %max3A_6 = arith.maximumf %slice3A, %max3A_5 : vector<2000x1xf32>
    %div3A = arith.constant 1.000000e+00 : f32
    %div3A_7 = vector.broadcast %div3A : f32 to vector<2000x1xf32>
    %div3A_8 = arith.divf %div3A_7, %max3A_6 : vector<2000x1xf32>
    %get3A_9 = arith.constant 0 : index
    %get3A_10 = arith.constant 0 : index
    %get3A_11 = vector.load %arg3[%get3A_9, %get3A_10] : memref<2000x80xf32, #tpu.memory_space<vmem>>, vector<2000x80xf32>
    %get3A_12 = arith.constant 0 : index
    %get3A_13 = arith.constant 0 : index
    %get3A_14 = vector.load %arg7[%get3A_12, %get3A_13] : memref<80x80xf32, #tpu.memory_space<vmem>>, vector<80x80xf32>
    %dot_general3A = arith.constant dense<0.000000e+00> : vector<2000x80xf32>
    %dot_general3A_15 = tpu.matmul %add3A, %get3A_14, %dot_general3A {dimension_numbers = #tpu.dot_dimension_numbers<[1], [0], [0], [1], [0, 0, 1, 1], [], []>, transpose_lhs_hint = false} : vector<2000x80xf32>, vector<80x80xf32>, vector<2000x80xf32> -> vector<2000x80xf32>
    %add3A_16 = arith.addf %get3A_11, %dot_general3A_15 : vector<2000x80xf32>
    %mul3A = vector.broadcast %div3A_8 : vector<2000x1xf32> to vector<2000x80xf32>
    %mul3A_17 = arith.mulf %add3A_16, %mul3A : vector<2000x80xf32>
    %get3A_18 = arith.constant 0 : index
    %get3A_19 = arith.constant 0 : index
    %get3A_20 = vector.load %arg4[%get3A_18, %get3A_19] : memref<2000x80xf32, #tpu.memory_space<vmem>>, vector<2000x80xf32>
    %get3A_21 = arith.constant 0 : index
    %get3A_22 = arith.constant 0 : index
    %get3A_23 = vector.load %arg8[%get3A_21, %get3A_22] : memref<80x80xf32, #tpu.memory_space<vmem>>, vector<80x80xf32>
    %dot_general3A_24 = arith.constant dense<0.000000e+00> : vector<2000x80xf32>
    %dot_general3A_25 = tpu.matmul %add3A, %get3A_23, %dot_general3A_24 {dimension_numbers = #tpu.dot_dimension_numbers<[1], [0], [0], [1], [0, 0, 1, 1], [], []>, transpose_lhs_hint = false} : vector<2000x80xf32>, vector<80x80xf32>, vector<2000x80xf32> -> vector<2000x80xf32>
    %add3A_26 = arith.addf %get3A_20, %dot_general3A_25 : vector<2000x80xf32>
    %mul3A_27 = vector.broadcast %div3A_8 : vector<2000x1xf32> to vector<2000x80xf32>
    %mul3A_28 = arith.mulf %add3A_26, %mul3A_27 : vector<2000x80xf32>
    %get3A_29 = arith.constant 0 : index
    %get3A_30 = arith.constant 0 : index
    %get3A_31 = vector.load %arg2[%get3A_29, %get3A_30] : memref<2000x76xf32, #tpu.memory_space<vmem>>, vector<2000x76xf32>
    %get3A_32 = arith.constant 0 : index
    %get3A_33 = arith.constant 0 : index
    %get3A_34 = vector.load %arg9[%get3A_32, %get3A_33] : memref<76x152xf32, #tpu.memory_space<vmem>>, vector<76x152xf32>
    %dot_general3A_35 = arith.constant dense<0.000000e+00> : vector<2000x152xf32>
    %dot_general3A_36 = tpu.matmul %get3A_31, %get3A_34, %dot_general3A_35 {dimension_numbers = #tpu.dot_dimension_numbers<[1], [0], [0], [1], [0, 0, 1, 1], [], []>, transpose_lhs_hint = false} : vector<2000x76xf32>, vector<76x152xf32>, vector<2000x152xf32> -> vector<2000x152xf32>
    %get3A_37 = arith.constant 0 : index
    %get3A_38 = arith.constant 0 : index
    %get3A_39 = vector.load %arg10[%get3A_37, %get3A_38] : memref<80x152xf32, #tpu.memory_space<vmem>>, vector<80x152xf32>
    %dot_general3A_40 = arith.constant dense<0.000000e+00> : vector<2000x152xf32>
    %dot_general3A_41 = tpu.matmul %mul3A_17, %get3A_39, %dot_general3A_40 {dimension_numbers = #tpu.dot_dimension_numbers<[1], [0], [0], [1], [0, 0, 1, 1], [], []>, transpose_lhs_hint = false} : vector<2000x80xf32>, vector<80x152xf32>, vector<2000x152xf32> -> vector<2000x152xf32>
    %add3A_42 = arith.addf %dot_general3A_36, %dot_general3A_41 : vector<2000x152xf32>
    %get3A_43 = arith.constant 0 : index
    %get3A_44 = arith.constant 0 : index
    %get3A_45 = vector.load %arg11[%get3A_43, %get3A_44] : memref<80x152xf32, #tpu.memory_space<vmem>>, vector<80x152xf32>
    %dot_general3A_46 = arith.constant dense<0.000000e+00> : vector<2000x152xf32>
    %dot_general3A_47 = tpu.matmul %mul3A_28, %get3A_45, %dot_general3A_46 {dimension_numbers = #tpu.dot_dimension_numbers<[1], [0], [0], [1], [0, 0, 1, 1], [], []>, transpose_lhs_hint = false} : vector<2000x80xf32>, vector<80x152xf32>, vector<2000x152xf32> -> vector<2000x152xf32>
    %add3A_48 = arith.addf %add3A_42, %dot_general3A_47 : vector<2000x152xf32>
    %get3A_49 = arith.constant 0 : index
    %get3A_50 = arith.constant 0 : index
    %get3A_51 = vector.load %arg12[%get3A_49, %get3A_50] : memref<1x152xf32, #tpu.memory_space<vmem>>, vector<1x152xf32>
    %add3A_52 = vector.broadcast %get3A_51 : vector<1x152xf32> to vector<2000x152xf32>
    %add3A_53 = arith.addf %add3A_48, %add3A_52 : vector<2000x152xf32>
    %max3A_54 = arith.constant 0.000000e+00 : f32
    %max3A_55 = vector.broadcast %max3A_54 : f32 to vector<2000x152xf32>
    %max3A_56 = arith.maximumf %add3A_53, %max3A_55 : vector<2000x152xf32>
    %swap3A = arith.constant 0 : index
    %swap3A_57 = arith.constant 0 : index
    %swap3A_58 = vector.load %arg14[%swap3A, %swap3A_57] : memref<2000x152xf32, #tpu.memory_space<vmem>>, vector<2000x152xf32>
    tpu.vector_store %arg14[%swap3A, %swap3A_57], %max3A_56 {strides = array<i32>} : memref<2000x152xf32, #tpu.memory_space<vmem>>, vector<2000x152xf32>,
    %get3A_59 = arith.constant 0 : index
    %get3A_60 = arith.constant 0 : index
    %get3A_61 = arith.constant 0 : index
    %get3A_62 = vector.load %arg13[%get3A_59, %get3A_60, %get3A_61] : memref<1x152x80xf32, #tpu.memory_space<vmem>>, vector<1x152x80xf32>
    %get3A_63 = vector.shape_cast %get3A_62 : vector<1x152x80xf32> to vector<152x80xf32>
    %dot_general3A_64 = arith.constant dense<0.000000e+00> : vector<2000x80xf32>
    %dot_general3A_65 = tpu.matmul %max3A_56, %get3A_63, %dot_general3A_64 {dimension_numbers = #tpu.dot_dimension_numbers<[1], [0], [0], [1], [0, 0, 1, 1], [], []>, transpose_lhs_hint = false} : vector<2000x152xf32>, vector<152x80xf32>, vector<2000x80xf32> -> vector<2000x80xf32>
    %swap3A_66 = arith.constant 0 : index
    %swap3A_67 = arith.constant 0 : index
    %swap3A_68 = vector.load %arg15[%swap3A_66, %swap3A_67] : memref<2000x80xf32, #tpu.memory_space<vmem>>, vector<2000x80xf32>
    tpu.vector_store %arg15[%swap3A_66, %swap3A_67], %dot_general3A_65 {strides = array<i32>} : memref<2000x80xf32, #tpu.memory_space<vmem>>, vector<2000x80xf32>,
    return
  }
  func.func @transform_0(%arg0: i32, %arg1: i32) -> (i32, i32) {
    %c0_i32 = arith.constant 0 : i32
    %c0_i32_0 = arith.constant 0 : i32
    return %arg0, %c0_i32 : i32, i32
  }
  func.func @transform_1(%arg0: i32, %arg1: i32) -> (i32, i32) {
    %c0_i32 = arith.constant 0 : i32
    %c0_i32_0 = arith.constant 0 : i32
    return %arg0, %c0_i32 : i32, i32
  }
  func.func @transform_2(%arg0: i32, %arg1: i32) -> (i32, i32) {
    %add3A = arith.constant 5 : i32
    %add3A_0 = arith.addi %add3A, %arg0 : i32
    %c0_i32 = arith.constant 0 : i32
    %c0_i32_1 = arith.constant 0 : i32
    return %add3A_0, %c0_i32 : i32, i32
  }
  func.func @transform_3(%arg0: i32, %arg1: i32) -> (i32, i32) {
    %c0_i32 = arith.constant 0 : i32
    %c0_i32_0 = arith.constant 0 : i32
    return %arg0, %c0_i32 : i32, i32
  }
  func.func @transform_4(%arg0: i32, %arg1: i32) -> (i32, i32) {
    %add3A = arith.constant 5 : i32
    %add3A_0 = arith.addi %add3A, %arg0 : i32
    %c0_i32 = arith.constant 0 : i32
    %c0_i32_1 = arith.constant 0 : i32
    return %add3A_0, %c0_i32 : i32, i32
  }
  func.func @transform_5(%arg0: i32, %arg1: i32) -> (i32, i32) {
    %c0_i32 = arith.constant 0 : i32
    %c0_i32_0 = arith.constant 0 : i32
    %c0_i32_1 = arith.constant 0 : i32
    return %c0_i32, %c0_i32_0 : i32, i32
  }
  func.func @transform_6(%arg0: i32, %arg1: i32) -> (i32, i32) {
    %c0_i32 = arith.constant 0 : i32
    %c0_i32_0 = arith.constant 0 : i32
    %c0_i32_1 = arith.constant 0 : i32
    return %c0_i32, %c0_i32_0 : i32, i32
  }
  func.func @transform_7(%arg0: i32, %arg1: i32) -> (i32, i32) {
    %c0_i32 = arith.constant 0 : i32
    %c0_i32_0 = arith.constant 0 : i32
    %c0_i32_1 = arith.constant 0 : i32
    return %c0_i32, %c0_i32_0 : i32, i32
  }
  func.func @transform_8(%arg0: i32, %arg1: i32) -> (i32, i32) {
    %c0_i32 = arith.constant 0 : i32
    %c0_i32_0 = arith.constant 0 : i32
    %c0_i32_1 = arith.constant 0 : i32
    return %c0_i32, %c0_i32_0 : i32, i32
  }
  func.func @transform_9(%arg0: i32, %arg1: i32) -> (i32, i32) {
    %c0_i32 = arith.constant 0 : i32
    %c0_i32_0 = arith.constant 0 : i32
    %c0_i32_1 = arith.constant 0 : i32
    return %c0_i32, %c0_i32_0 : i32, i32
  }
  func.func @transform_10(%arg0: i32, %arg1: i32) -> (i32, i32) {
    %c0_i32 = arith.constant 0 : i32
    %c0_i32_0 = arith.constant 0 : i32
    %c0_i32_1 = arith.constant 0 : i32
    return %c0_i32, %c0_i32_0 : i32, i32
  }
  func.func @transform_11(%arg0: i32, %arg1: i32) -> (i32, i32, i32) {
    %c0_i32 = arith.constant 0 : i32
    %c0_i32_0 = arith.constant 0 : i32
    %c0_i32_1 = arith.constant 0 : i32
    return %arg1, %c0_i32, %c0_i32_0 : i32, i32, i32
  }
  func.func @transform_12(%arg0: i32, %arg1: i32) -> (i32, i32) {
    %c0_i32 = arith.constant 0 : i32
    %c0_i32_0 = arith.constant 0 : i32
    return %arg0, %c0_i32 : i32, i32
  }
  func.func @transform_13(%arg0: i32, %arg1: i32) -> (i32, i32) {
    %mul3A = arith.constant 5 : i32
    %mul3A_0 = arith.muli %arg1, %mul3A : i32
    %add3A = arith.addi %mul3A_0, %arg0 : i32
    %c0_i32 = arith.constant 0 : i32
    %c0_i32_1 = arith.constant 0 : i32
    return %add3A, %c0_i32 : i32, i32
  }
}

module attributes {stable_mosaic.version = 14 : i64} {
  func.func @body(%arg0: i32, %arg1: i32, %arg2: memref<2000x152xf32, #tpu.memory_space<vmem>>, %arg3: memref<2000x80xf32, #tpu.memory_space<vmem>>, %arg4: memref<2000x80xf32, #tpu.memory_space<vmem>>, %arg5: memref<2000x80xf32, #tpu.memory_space<vmem>>, %arg6: memref<2000x80xf32, #tpu.memory_space<vmem>>, %arg7: memref<80x80xf32, #tpu.memory_space<vmem>>, %arg8: memref<80x80xf32, #tpu.memory_space<vmem>>, %arg9: memref<152x152xf32, #tpu.memory_space<vmem>>, %arg10: memref<80x152xf32, #tpu.memory_space<vmem>>, %arg11: memref<80x152xf32, #tpu.memory_space<vmem>>, %arg12: memref<1x152xf32, #tpu.memory_space<vmem>>, %arg13: memref<1x152x80xf32, #tpu.memory_space<vmem>>, %arg14: memref<2000x152xf32, #tpu.memory_space<vmem>>, %arg15: memref<2000x80xf32, #tpu.memory_space<vmem>>) attributes {dimension_semantics = [#tpu.dimension_semantics<arbitrary>, #tpu.dimension_semantics<arbitrary>], iteration_bounds = array<i64: 5, 2>, scalar_prefetch = 0 : i64, scratch_operands = 0 : i64, tpu.core_type = #tpu.core_type<tc>, window_params = [{transform_indices = @transform_0, window_bounds = array<i64: 2000, 152>}, {transform_indices = @transform_1, window_bounds = array<i64: 2000, 80>}, {transform_indices = @transform_2, window_bounds = array<i64: 2000, 80>}, {transform_indices = @transform_3, window_bounds = array<i64: 2000, 80>}, {transform_indices = @transform_4, window_bounds = array<i64: 2000, 80>}, {pipeline_mode = #tpu.pipeline_mode<synchronous>, transform_indices = @transform_5, window_bounds = array<i64: 80, 80>}, {pipeline_mode = #tpu.pipeline_mode<synchronous>, transform_indices = @transform_6, window_bounds = array<i64: 80, 80>}, {pipeline_mode = #tpu.pipeline_mode<synchronous>, transform_indices = @transform_7, window_bounds = array<i64: 152, 152>}, {pipeline_mode = #tpu.pipeline_mode<synchronous>, transform_indices = @transform_8, window_bounds = array<i64: 80, 152>}, {pipeline_mode = #tpu.pipeline_mode<synchronous>, transform_indices = @transform_9, window_bounds = array<i64: 80, 152>}, {pipeline_mode = #tpu.pipeline_mode<synchronous>, transform_indices = @transform_10, window_bounds = array<i64: 1, 152>}, {transform_indices = @transform_11, window_bounds = array<i64: 1, 152, 80>}, {transform_indices = @transform_12, window_bounds = array<i64: 2000, 152>}, {transform_indices = @transform_13, window_bounds = array<i64: 2000, 80>}]} {
    %get3A = arith.constant 0 : index
    %get3A_0 = arith.constant 0 : index
    %get3A_1 = vector.load %arg5[%get3A, %get3A_0] : memref<2000x80xf32, #tpu.memory_space<vmem>>, vector<2000x80xf32>
    %get3A_2 = arith.constant 0 : index
    %get3A_3 = arith.constant 0 : index
    %get3A_4 = vector.load %arg6[%get3A_2, %get3A_3] : memref<2000x80xf32, #tpu.memory_space<vmem>>, vector<2000x80xf32>
    %add3A = arith.addf %get3A_1, %get3A_4 : vector<2000x80xf32>
    %slice3A = vector.extract_strided_slice %add3A {offsets = [0, 0], sizes = [2000, 1], strides = [1, 1]} : vector<2000x80xf32> to vector<2000x1xf32>
    %max3A = arith.constant 1.000000e+00 : f32
    %max3A_5 = vector.broadcast %max3A : f32 to vector<2000x1xf32>
    %max3A_6 = arith.maximumf %slice3A, %max3A_5 : vector<2000x1xf32>
    %div3A = arith.constant 1.000000e+00 : f32
    %div3A_7 = vector.broadcast %div3A : f32 to vector<2000x1xf32>
    %div3A_8 = arith.divf %div3A_7, %max3A_6 : vector<2000x1xf32>
    %get3A_9 = arith.constant 0 : index
    %get3A_10 = arith.constant 0 : index
    %get3A_11 = vector.load %arg3[%get3A_9, %get3A_10] : memref<2000x80xf32, #tpu.memory_space<vmem>>, vector<2000x80xf32>
    %get3A_12 = arith.constant 0 : index
    %get3A_13 = arith.constant 0 : index
    %get3A_14 = vector.load %arg7[%get3A_12, %get3A_13] : memref<80x80xf32, #tpu.memory_space<vmem>>, vector<80x80xf32>
    %dot_general3A = arith.constant dense<0.000000e+00> : vector<2000x80xf32>
    %dot_general3A_15 = tpu.matmul %add3A, %get3A_14, %dot_general3A {dimension_numbers = #tpu.dot_dimension_numbers<[1], [0], [0], [1], [0, 0, 1, 1], [], []>, transpose_lhs_hint = false} : vector<2000x80xf32>, vector<80x80xf32>, vector<2000x80xf32> -> vector<2000x80xf32>
    %add3A_16 = arith.addf %get3A_11, %dot_general3A_15 : vector<2000x80xf32>
    %mul3A = vector.broadcast %div3A_8 : vector<2000x1xf32> to vector<2000x80xf32>
    %mul3A_17 = arith.mulf %add3A_16, %mul3A : vector<2000x80xf32>
    %get3A_18 = arith.constant 0 : index
    %get3A_19 = arith.constant 0 : index
    %get3A_20 = vector.load %arg4[%get3A_18, %get3A_19] : memref<2000x80xf32, #tpu.memory_space<vmem>>, vector<2000x80xf32>
    %get3A_21 = arith.constant 0 : index
    %get3A_22 = arith.constant 0 : index
    %get3A_23 = vector.load %arg8[%get3A_21, %get3A_22] : memref<80x80xf32, #tpu.memory_space<vmem>>, vector<80x80xf32>
    %dot_general3A_24 = arith.constant dense<0.000000e+00> : vector<2000x80xf32>
    %dot_general3A_25 = tpu.matmul %add3A, %get3A_23, %dot_general3A_24 {dimension_numbers = #tpu.dot_dimension_numbers<[1], [0], [0], [1], [0, 0, 1, 1], [], []>, transpose_lhs_hint = false} : vector<2000x80xf32>, vector<80x80xf32>, vector<2000x80xf32> -> vector<2000x80xf32>
    %add3A_26 = arith.addf %get3A_20, %dot_general3A_25 : vector<2000x80xf32>
    %mul3A_27 = vector.broadcast %div3A_8 : vector<2000x1xf32> to vector<2000x80xf32>
    %mul3A_28 = arith.mulf %add3A_26, %mul3A_27 : vector<2000x80xf32>
    %get3A_29 = arith.constant 0 : index
    %get3A_30 = arith.constant 0 : index
    %get3A_31 = vector.load %arg2[%get3A_29, %get3A_30] : memref<2000x152xf32, #tpu.memory_space<vmem>>, vector<2000x152xf32>
    %get3A_32 = arith.constant 0 : index
    %get3A_33 = arith.constant 0 : index
    %get3A_34 = vector.load %arg9[%get3A_32, %get3A_33] : memref<152x152xf32, #tpu.memory_space<vmem>>, vector<152x152xf32>
    %dot_general3A_35 = arith.constant dense<0.000000e+00> : vector<2000x152xf32>
    %dot_general3A_36 = tpu.matmul %get3A_31, %get3A_34, %dot_general3A_35 {dimension_numbers = #tpu.dot_dimension_numbers<[1], [0], [0], [1], [0, 0, 1, 1], [], []>, transpose_lhs_hint = false} : vector<2000x152xf32>, vector<152x152xf32>, vector<2000x152xf32> -> vector<2000x152xf32>
    %get3A_37 = arith.constant 0 : index
    %get3A_38 = arith.constant 0 : index
    %get3A_39 = vector.load %arg10[%get3A_37, %get3A_38] : memref<80x152xf32, #tpu.memory_space<vmem>>, vector<80x152xf32>
    %dot_general3A_40 = arith.constant dense<0.000000e+00> : vector<2000x152xf32>
    %dot_general3A_41 = tpu.matmul %mul3A_17, %get3A_39, %dot_general3A_40 {dimension_numbers = #tpu.dot_dimension_numbers<[1], [0], [0], [1], [0, 0, 1, 1], [], []>, transpose_lhs_hint = false} : vector<2000x80xf32>, vector<80x152xf32>, vector<2000x152xf32> -> vector<2000x152xf32>
    %add3A_42 = arith.addf %dot_general3A_36, %dot_general3A_41 : vector<2000x152xf32>
    %get3A_43 = arith.constant 0 : index
    %get3A_44 = arith.constant 0 : index
    %get3A_45 = vector.load %arg11[%get3A_43, %get3A_44] : memref<80x152xf32, #tpu.memory_space<vmem>>, vector<80x152xf32>
    %dot_general3A_46 = arith.constant dense<0.000000e+00> : vector<2000x152xf32>
    %dot_general3A_47 = tpu.matmul %mul3A_28, %get3A_45, %dot_general3A_46 {dimension_numbers = #tpu.dot_dimension_numbers<[1], [0], [0], [1], [0, 0, 1, 1], [], []>, transpose_lhs_hint = false} : vector<2000x80xf32>, vector<80x152xf32>, vector<2000x152xf32> -> vector<2000x152xf32>
    %add3A_48 = arith.addf %add3A_42, %dot_general3A_47 : vector<2000x152xf32>
    %get3A_49 = arith.constant 0 : index
    %get3A_50 = arith.constant 0 : index
    %get3A_51 = vector.load %arg12[%get3A_49, %get3A_50] : memref<1x152xf32, #tpu.memory_space<vmem>>, vector<1x152xf32>
    %add3A_52 = vector.broadcast %get3A_51 : vector<1x152xf32> to vector<2000x152xf32>
    %add3A_53 = arith.addf %add3A_48, %add3A_52 : vector<2000x152xf32>
    %max3A_54 = arith.constant 0.000000e+00 : f32
    %max3A_55 = vector.broadcast %max3A_54 : f32 to vector<2000x152xf32>
    %max3A_56 = arith.maximumf %add3A_53, %max3A_55 : vector<2000x152xf32>
    %swap3A = arith.constant 0 : index
    %swap3A_57 = arith.constant 0 : index
    %swap3A_58 = vector.load %arg14[%swap3A, %swap3A_57] : memref<2000x152xf32, #tpu.memory_space<vmem>>, vector<2000x152xf32>
    tpu.vector_store %arg14[%swap3A, %swap3A_57], %max3A_56 {strides = array<i32>} : memref<2000x152xf32, #tpu.memory_space<vmem>>, vector<2000x152xf32>,
    %get3A_59 = arith.constant 0 : index
    %get3A_60 = arith.constant 0 : index
    %get3A_61 = arith.constant 0 : index
    %get3A_62 = vector.load %arg13[%get3A_59, %get3A_60, %get3A_61] : memref<1x152x80xf32, #tpu.memory_space<vmem>>, vector<1x152x80xf32>
    %get3A_63 = vector.shape_cast %get3A_62 : vector<1x152x80xf32> to vector<152x80xf32>
    %dot_general3A_64 = arith.constant dense<0.000000e+00> : vector<2000x80xf32>
    %dot_general3A_65 = tpu.matmul %max3A_56, %get3A_63, %dot_general3A_64 {dimension_numbers = #tpu.dot_dimension_numbers<[1], [0], [0], [1], [0, 0, 1, 1], [], []>, transpose_lhs_hint = false} : vector<2000x152xf32>, vector<152x80xf32>, vector<2000x80xf32> -> vector<2000x80xf32>
    %swap3A_66 = arith.constant 0 : index
    %swap3A_67 = arith.constant 0 : index
    %swap3A_68 = vector.load %arg15[%swap3A_66, %swap3A_67] : memref<2000x80xf32, #tpu.memory_space<vmem>>, vector<2000x80xf32>
    tpu.vector_store %arg15[%swap3A_66, %swap3A_67], %dot_general3A_65 {strides = array<i32>} : memref<2000x80xf32, #tpu.memory_space<vmem>>, vector<2000x80xf32>,
    return
  }
  func.func @transform_0(%arg0: i32, %arg1: i32) -> (i32, i32) {
    %c0_i32 = arith.constant 0 : i32
    %c0_i32_0 = arith.constant 0 : i32
    return %arg0, %c0_i32 : i32, i32
  }
  func.func @transform_1(%arg0: i32, %arg1: i32) -> (i32, i32) {
    %c0_i32 = arith.constant 0 : i32
    %c0_i32_0 = arith.constant 0 : i32
    return %arg0, %c0_i32 : i32, i32
  }
  func.func @transform_2(%arg0: i32, %arg1: i32) -> (i32, i32) {
    %add3A = arith.constant 5 : i32
    %add3A_0 = arith.addi %add3A, %arg0 : i32
    %c0_i32 = arith.constant 0 : i32
    %c0_i32_1 = arith.constant 0 : i32
    return %add3A_0, %c0_i32 : i32, i32
  }
  func.func @transform_3(%arg0: i32, %arg1: i32) -> (i32, i32) {
    %c0_i32 = arith.constant 0 : i32
    %c0_i32_0 = arith.constant 0 : i32
    return %arg0, %c0_i32 : i32, i32
  }
  func.func @transform_4(%arg0: i32, %arg1: i32) -> (i32, i32) {
    %add3A = arith.constant 5 : i32
    %add3A_0 = arith.addi %add3A, %arg0 : i32
    %c0_i32 = arith.constant 0 : i32
    %c0_i32_1 = arith.constant 0 : i32
    return %add3A_0, %c0_i32 : i32, i32
  }
  func.func @transform_5(%arg0: i32, %arg1: i32) -> (i32, i32) {
    %c0_i32 = arith.constant 0 : i32
    %c0_i32_0 = arith.constant 0 : i32
    %c0_i32_1 = arith.constant 0 : i32
    return %c0_i32, %c0_i32_0 : i32, i32
  }
  func.func @transform_6(%arg0: i32, %arg1: i32) -> (i32, i32) {
    %c0_i32 = arith.constant 0 : i32
    %c0_i32_0 = arith.constant 0 : i32
    %c0_i32_1 = arith.constant 0 : i32
    return %c0_i32, %c0_i32_0 : i32, i32
  }
  func.func @transform_7(%arg0: i32, %arg1: i32) -> (i32, i32) {
    %c0_i32 = arith.constant 0 : i32
    %c0_i32_0 = arith.constant 0 : i32
    %c0_i32_1 = arith.constant 0 : i32
    return %c0_i32, %c0_i32_0 : i32, i32
  }
  func.func @transform_8(%arg0: i32, %arg1: i32) -> (i32, i32) {
    %c0_i32 = arith.constant 0 : i32
    %c0_i32_0 = arith.constant 0 : i32
    %c0_i32_1 = arith.constant 0 : i32
    return %c0_i32, %c0_i32_0 : i32, i32
  }
  func.func @transform_9(%arg0: i32, %arg1: i32) -> (i32, i32) {
    %c0_i32 = arith.constant 0 : i32
    %c0_i32_0 = arith.constant 0 : i32
    %c0_i32_1 = arith.constant 0 : i32
    return %c0_i32, %c0_i32_0 : i32, i32
  }
  func.func @transform_10(%arg0: i32, %arg1: i32) -> (i32, i32) {
    %c0_i32 = arith.constant 0 : i32
    %c0_i32_0 = arith.constant 0 : i32
    %c0_i32_1 = arith.constant 0 : i32
    return %c0_i32, %c0_i32_0 : i32, i32
  }
  func.func @transform_11(%arg0: i32, %arg1: i32) -> (i32, i32, i32) {
    %c0_i32 = arith.constant 0 : i32
    %c0_i32_0 = arith.constant 0 : i32
    %c0_i32_1 = arith.constant 0 : i32
    return %arg1, %c0_i32, %c0_i32_0 : i32, i32, i32
  }
  func.func @transform_12(%arg0: i32, %arg1: i32) -> (i32, i32) {
    %c0_i32 = arith.constant 0 : i32
    %c0_i32_0 = arith.constant 0 : i32
    return %arg0, %c0_i32 : i32, i32
  }
  func.func @transform_13(%arg0: i32, %arg1: i32) -> (i32, i32) {
    %mul3A = arith.constant 5 : i32
    %mul3A_0 = arith.muli %arg1, %mul3A : i32
    %add3A = arith.addi %mul3A_0, %arg0 : i32
    %c0_i32 = arith.constant 0 : i32
    %c0_i32_1 = arith.constant 0 : i32
    return %add3A, %c0_i32 : i32, i32
  }
}

module attributes {stable_mosaic.version = 14 : i64} {
  func.func @body(%arg0: i32, %arg1: memref<2000x152xf32, #tpu.memory_space<vmem>>, %arg2: memref<2000x80xf32, #tpu.memory_space<vmem>>, %arg3: memref<2000x80xf32, #tpu.memory_space<vmem>>, %arg4: memref<2000x80xf32, #tpu.memory_space<vmem>>, %arg5: memref<2000x80xf32, #tpu.memory_space<vmem>>, %arg6: memref<80x80xf32, #tpu.memory_space<vmem>>, %arg7: memref<80x80xf32, #tpu.memory_space<vmem>>, %arg8: memref<152x152xf32, #tpu.memory_space<vmem>>, %arg9: memref<80x152xf32, #tpu.memory_space<vmem>>, %arg10: memref<80x152xf32, #tpu.memory_space<vmem>>, %arg11: memref<1x152xf32, #tpu.memory_space<vmem>>, %arg12: memref<152x128xf32, #tpu.memory_space<vmem>>, %arg13: memref<1x128xf32, #tpu.memory_space<vmem>>, %arg14: memref<2000x128xf32, #tpu.memory_space<vmem>>) attributes {dimension_semantics = [#tpu.dimension_semantics<arbitrary>], iteration_bounds = array<i64: 5>, scalar_prefetch = 0 : i64, scratch_operands = 0 : i64, tpu.core_type = #tpu.core_type<tc>, window_params = [{transform_indices = @transform_0, window_bounds = array<i64: 2000, 152>}, {transform_indices = @transform_1, window_bounds = array<i64: 2000, 80>}, {transform_indices = @transform_2, window_bounds = array<i64: 2000, 80>}, {transform_indices = @transform_3, window_bounds = array<i64: 2000, 80>}, {transform_indices = @transform_4, window_bounds = array<i64: 2000, 80>}, {pipeline_mode = #tpu.pipeline_mode<synchronous>, transform_indices = @transform_5, window_bounds = array<i64: 80, 80>}, {pipeline_mode = #tpu.pipeline_mode<synchronous>, transform_indices = @transform_6, window_bounds = array<i64: 80, 80>}, {pipeline_mode = #tpu.pipeline_mode<synchronous>, transform_indices = @transform_7, window_bounds = array<i64: 152, 152>}, {pipeline_mode = #tpu.pipeline_mode<synchronous>, transform_indices = @transform_8, window_bounds = array<i64: 80, 152>}, {pipeline_mode = #tpu.pipeline_mode<synchronous>, transform_indices = @transform_9, window_bounds = array<i64: 80, 152>}, {pipeline_mode = #tpu.pipeline_mode<synchronous>, transform_indices = @transform_10, window_bounds = array<i64: 1, 152>}, {pipeline_mode = #tpu.pipeline_mode<synchronous>, transform_indices = @transform_11, window_bounds = array<i64: 152, 128>}, {pipeline_mode = #tpu.pipeline_mode<synchronous>, transform_indices = @transform_12, window_bounds = array<i64: 1, 128>}, {transform_indices = @transform_13, window_bounds = array<i64: 2000, 128>}]} {
    %get3A = arith.constant 0 : index
    %get3A_0 = arith.constant 0 : index
    %get3A_1 = vector.load %arg4[%get3A, %get3A_0] : memref<2000x80xf32, #tpu.memory_space<vmem>>, vector<2000x80xf32>
    %get3A_2 = arith.constant 0 : index
    %get3A_3 = arith.constant 0 : index
    %get3A_4 = vector.load %arg5[%get3A_2, %get3A_3] : memref<2000x80xf32, #tpu.memory_space<vmem>>, vector<2000x80xf32>
    %add3A = arith.addf %get3A_1, %get3A_4 : vector<2000x80xf32>
    %slice3A = vector.extract_strided_slice %add3A {offsets = [0, 0], sizes = [2000, 1], strides = [1, 1]} : vector<2000x80xf32> to vector<2000x1xf32>
    %max3A = arith.constant 1.000000e+00 : f32
    %max3A_5 = vector.broadcast %max3A : f32 to vector<2000x1xf32>
    %max3A_6 = arith.maximumf %slice3A, %max3A_5 : vector<2000x1xf32>
    %div3A = arith.constant 1.000000e+00 : f32
    %div3A_7 = vector.broadcast %div3A : f32 to vector<2000x1xf32>
    %div3A_8 = arith.divf %div3A_7, %max3A_6 : vector<2000x1xf32>
    %get3A_9 = arith.constant 0 : index
    %get3A_10 = arith.constant 0 : index
    %get3A_11 = vector.load %arg2[%get3A_9, %get3A_10] : memref<2000x80xf32, #tpu.memory_space<vmem>>, vector<2000x80xf32>
    %get3A_12 = arith.constant 0 : index
    %get3A_13 = arith.constant 0 : index
    %get3A_14 = vector.load %arg6[%get3A_12, %get3A_13] : memref<80x80xf32, #tpu.memory_space<vmem>>, vector<80x80xf32>
    %dot_general3A = arith.constant dense<0.000000e+00> : vector<2000x80xf32>
    %dot_general3A_15 = tpu.matmul %add3A, %get3A_14, %dot_general3A {dimension_numbers = #tpu.dot_dimension_numbers<[1], [0], [0], [1], [0, 0, 1, 1], [], []>, transpose_lhs_hint = false} : vector<2000x80xf32>, vector<80x80xf32>, vector<2000x80xf32> -> vector<2000x80xf32>
    %add3A_16 = arith.addf %get3A_11, %dot_general3A_15 : vector<2000x80xf32>
    %mul3A = vector.broadcast %div3A_8 : vector<2000x1xf32> to vector<2000x80xf32>
    %mul3A_17 = arith.mulf %add3A_16, %mul3A : vector<2000x80xf32>
    %get3A_18 = arith.constant 0 : index
    %get3A_19 = arith.constant 0 : index
    %get3A_20 = vector.load %arg3[%get3A_18, %get3A_19] : memref<2000x80xf32, #tpu.memory_space<vmem>>, vector<2000x80xf32>
    %get3A_21 = arith.constant 0 : index
    %get3A_22 = arith.constant 0 : index
    %get3A_23 = vector.load %arg7[%get3A_21, %get3A_22] : memref<80x80xf32, #tpu.memory_space<vmem>>, vector<80x80xf32>
    %dot_general3A_24 = arith.constant dense<0.000000e+00> : vector<2000x80xf32>
    %dot_general3A_25 = tpu.matmul %add3A, %get3A_23, %dot_general3A_24 {dimension_numbers = #tpu.dot_dimension_numbers<[1], [0], [0], [1], [0, 0, 1, 1], [], []>, transpose_lhs_hint = false} : vector<2000x80xf32>, vector<80x80xf32>, vector<2000x80xf32> -> vector<2000x80xf32>
    %add3A_26 = arith.addf %get3A_20, %dot_general3A_25 : vector<2000x80xf32>
    %mul3A_27 = vector.broadcast %div3A_8 : vector<2000x1xf32> to vector<2000x80xf32>
    %mul3A_28 = arith.mulf %add3A_26, %mul3A_27 : vector<2000x80xf32>
    %get3A_29 = arith.constant 0 : index
    %get3A_30 = arith.constant 0 : index
    %get3A_31 = vector.load %arg1[%get3A_29, %get3A_30] : memref<2000x152xf32, #tpu.memory_space<vmem>>, vector<2000x152xf32>
    %get3A_32 = arith.constant 0 : index
    %get3A_33 = arith.constant 0 : index
    %get3A_34 = vector.load %arg8[%get3A_32, %get3A_33] : memref<152x152xf32, #tpu.memory_space<vmem>>, vector<152x152xf32>
    %dot_general3A_35 = arith.constant dense<0.000000e+00> : vector<2000x152xf32>
    %dot_general3A_36 = tpu.matmul %get3A_31, %get3A_34, %dot_general3A_35 {dimension_numbers = #tpu.dot_dimension_numbers<[1], [0], [0], [1], [0, 0, 1, 1], [], []>, transpose_lhs_hint = false} : vector<2000x152xf32>, vector<152x152xf32>, vector<2000x152xf32> -> vector<2000x152xf32>
    %get3A_37 = arith.constant 0 : index
    %get3A_38 = arith.constant 0 : index
    %get3A_39 = vector.load %arg9[%get3A_37, %get3A_38] : memref<80x152xf32, #tpu.memory_space<vmem>>, vector<80x152xf32>
    %dot_general3A_40 = arith.constant dense<0.000000e+00> : vector<2000x152xf32>
    %dot_general3A_41 = tpu.matmul %mul3A_17, %get3A_39, %dot_general3A_40 {dimension_numbers = #tpu.dot_dimension_numbers<[1], [0], [0], [1], [0, 0, 1, 1], [], []>, transpose_lhs_hint = false} : vector<2000x80xf32>, vector<80x152xf32>, vector<2000x152xf32> -> vector<2000x152xf32>
    %add3A_42 = arith.addf %dot_general3A_36, %dot_general3A_41 : vector<2000x152xf32>
    %get3A_43 = arith.constant 0 : index
    %get3A_44 = arith.constant 0 : index
    %get3A_45 = vector.load %arg10[%get3A_43, %get3A_44] : memref<80x152xf32, #tpu.memory_space<vmem>>, vector<80x152xf32>
    %dot_general3A_46 = arith.constant dense<0.000000e+00> : vector<2000x152xf32>
    %dot_general3A_47 = tpu.matmul %mul3A_28, %get3A_45, %dot_general3A_46 {dimension_numbers = #tpu.dot_dimension_numbers<[1], [0], [0], [1], [0, 0, 1, 1], [], []>, transpose_lhs_hint = false} : vector<2000x80xf32>, vector<80x152xf32>, vector<2000x152xf32> -> vector<2000x152xf32>
    %add3A_48 = arith.addf %add3A_42, %dot_general3A_47 : vector<2000x152xf32>
    %get3A_49 = arith.constant 0 : index
    %get3A_50 = arith.constant 0 : index
    %get3A_51 = vector.load %arg11[%get3A_49, %get3A_50] : memref<1x152xf32, #tpu.memory_space<vmem>>, vector<1x152xf32>
    %add3A_52 = vector.broadcast %get3A_51 : vector<1x152xf32> to vector<2000x152xf32>
    %add3A_53 = arith.addf %add3A_48, %add3A_52 : vector<2000x152xf32>
    %max3A_54 = arith.constant 0.000000e+00 : f32
    %max3A_55 = vector.broadcast %max3A_54 : f32 to vector<2000x152xf32>
    %max3A_56 = arith.maximumf %add3A_53, %max3A_55 : vector<2000x152xf32>
    %get3A_57 = arith.constant 0 : index
    %get3A_58 = arith.constant 0 : index
    %get3A_59 = vector.load %arg12[%get3A_57, %get3A_58] : memref<152x128xf32, #tpu.memory_space<vmem>>, vector<152x128xf32>
    %dot_general3A_60 = arith.constant dense<0.000000e+00> : vector<2000x128xf32>
    %dot_general3A_61 = tpu.matmul %max3A_56, %get3A_59, %dot_general3A_60 {dimension_numbers = #tpu.dot_dimension_numbers<[1], [0], [0], [1], [0, 0, 1, 1], [], []>, transpose_lhs_hint = false} : vector<2000x152xf32>, vector<152x128xf32>, vector<2000x128xf32> -> vector<2000x128xf32>
    %get3A_62 = arith.constant 0 : index
    %get3A_63 = arith.constant 0 : index
    %get3A_64 = vector.load %arg13[%get3A_62, %get3A_63] : memref<1x128xf32, #tpu.memory_space<vmem>>, vector<1x128xf32>
    %add3A_65 = vector.broadcast %get3A_64 : vector<1x128xf32> to vector<2000x128xf32>
    %add3A_66 = arith.addf %dot_general3A_61, %add3A_65 : vector<2000x128xf32>
    %swap3A = arith.constant 0 : index
    %swap3A_67 = arith.constant 0 : index
    %swap3A_68 = vector.load %arg14[%swap3A, %swap3A_67] : memref<2000x128xf32, #tpu.memory_space<vmem>>, vector<2000x128xf32>
    tpu.vector_store %arg14[%swap3A, %swap3A_67], %add3A_66 {strides = array<i32>} : memref<2000x128xf32, #tpu.memory_space<vmem>>, vector<2000x128xf32>,
    return
  }
  func.func @transform_0(%arg0: i32) -> (i32, i32) {
    %c0_i32 = arith.constant 0 : i32
    %c0_i32_0 = arith.constant 0 : i32
    return %arg0, %c0_i32 : i32, i32
  }
  func.func @transform_1(%arg0: i32) -> (i32, i32) {
    %c0_i32 = arith.constant 0 : i32
    %c0_i32_0 = arith.constant 0 : i32
    return %arg0, %c0_i32 : i32, i32
  }
  func.func @transform_2(%arg0: i32) -> (i32, i32) {
    %add3A = arith.constant 5 : i32
    %add3A_0 = arith.addi %add3A, %arg0 : i32
    %c0_i32 = arith.constant 0 : i32
    %c0_i32_1 = arith.constant 0 : i32
    return %add3A_0, %c0_i32 : i32, i32
  }
  func.func @transform_3(%arg0: i32) -> (i32, i32) {
    %c0_i32 = arith.constant 0 : i32
    %c0_i32_0 = arith.constant 0 : i32
    return %arg0, %c0_i32 : i32, i32
  }
  func.func @transform_4(%arg0: i32) -> (i32, i32) {
    %add3A = arith.constant 5 : i32
    %add3A_0 = arith.addi %add3A, %arg0 : i32
    %c0_i32 = arith.constant 0 : i32
    %c0_i32_1 = arith.constant 0 : i32
    return %add3A_0, %c0_i32 : i32, i32
  }
  func.func @transform_5(%arg0: i32) -> (i32, i32) {
    %c0_i32 = arith.constant 0 : i32
    %c0_i32_0 = arith.constant 0 : i32
    %c0_i32_1 = arith.constant 0 : i32
    return %c0_i32, %c0_i32_0 : i32, i32
  }
  func.func @transform_6(%arg0: i32) -> (i32, i32) {
    %c0_i32 = arith.constant 0 : i32
    %c0_i32_0 = arith.constant 0 : i32
    %c0_i32_1 = arith.constant 0 : i32
    return %c0_i32, %c0_i32_0 : i32, i32
  }
  func.func @transform_7(%arg0: i32) -> (i32, i32) {
    %c0_i32 = arith.constant 0 : i32
    %c0_i32_0 = arith.constant 0 : i32
    %c0_i32_1 = arith.constant 0 : i32
    return %c0_i32, %c0_i32_0 : i32, i32
  }
  func.func @transform_8(%arg0: i32) -> (i32, i32) {
    %c0_i32 = arith.constant 0 : i32
    %c0_i32_0 = arith.constant 0 : i32
    %c0_i32_1 = arith.constant 0 : i32
    return %c0_i32, %c0_i32_0 : i32, i32
  }
  func.func @transform_9(%arg0: i32) -> (i32, i32) {
    %c0_i32 = arith.constant 0 : i32
    %c0_i32_0 = arith.constant 0 : i32
    %c0_i32_1 = arith.constant 0 : i32
    return %c0_i32, %c0_i32_0 : i32, i32
  }
  func.func @transform_10(%arg0: i32) -> (i32, i32) {
    %c0_i32 = arith.constant 0 : i32
    %c0_i32_0 = arith.constant 0 : i32
    %c0_i32_1 = arith.constant 0 : i32
    return %c0_i32, %c0_i32_0 : i32, i32
  }
  func.func @transform_11(%arg0: i32) -> (i32, i32) {
    %c0_i32 = arith.constant 0 : i32
    %c0_i32_0 = arith.constant 0 : i32
    %c0_i32_1 = arith.constant 0 : i32
    return %c0_i32, %c0_i32_0 : i32, i32
  }
  func.func @transform_12(%arg0: i32) -> (i32, i32) {
    %c0_i32 = arith.constant 0 : i32
    %c0_i32_0 = arith.constant 0 : i32
    %c0_i32_1 = arith.constant 0 : i32
    return %c0_i32, %c0_i32_0 : i32, i32
  }
  func.func @transform_13(%arg0: i32) -> (i32, i32) {
    %c0_i32 = arith.constant 0 : i32
    %c0_i32_0 = arith.constant 0 : i32
    return %arg0, %c0_i32 : i32, i32
  }
}

</mosaic_0001>

<sc_bundles>
// kernel: kernel.11.cloned.1.call-start
scs
__scs_entry_jumppad:
0x0: {  	(pc) =	sbr.rel $0x88, $3  }
0x1: {  	(tag) =	ssettag $0x0;
	lr =	simm.s32 $0x1  }
0x2: {  	[smem:$0x3F90] =	sst lr;
	_ =	strace $0xD0000000  }
0x3: {  	_ = 	snop  }
0x4: {  	_ = 	snop  }
0x5: {  	_ = 	snop  }
0x6: {  	_ = 	snop  }
0x7: {  	_ = 	snop  }
__scs_overlays_trampoline_lowered:
0x8: {  	[smem:$0x3F9F] =	sst s0  }
0x9: {  	[smem:$0x3FA0] =	sst s1  }
0xa: {  	[smem:$0x3FA1] =	sst s2  }
0xb: {  	[smem:$0x3FA2] =	sst s3  }
0xc: {  	[smem:$0x3FA3] =	sst s4  }
0xd: {  	[smem:$0x3FA4] =	sst s5  }
0xe: {  	[smem:$0x3FA5] =	sst s6  }
0xf: {  	[smem:$0x3FA6] =	sst s7  }
0x10: {  	[smem:$0x3FA7] =	sst s8  }
0x11: {  	[smem:$0x3FA8] =	sst s9;
	s0 =	simm.s32 @!p0 $0x0  }
0x12: {  	s1 =	sld [smem:$0x3F8E];
	s0 =	simm.s32 @p0 $0x1  }
0x13: {  	[smem:$0x3FA9] =	sst s0;
	s0 =	simm.s32 @!p1 $0x0  }
0x14: {  	s2 =	sld [smem:$0x3F8D];
	s0 =	simm.s32 @p1 $0x1  }
0x15: {  	[smem:$0x3FAA] =	sst s0;
	s0 =	simm.s32 @!p2 $0x0  }
0x16: {  	s3 =	sld [smem:$0x3FDB];
	s0 =	simm.s32 @p2 $0x1  }
0x17: {  	s4 =	simm.s32 $0x1BF5;
	[smem:$0x3FAC] =	sst s0  }
0x18: {  	s0 =	sld [smem:$0x3F8F];
	_ =	swait.ge [sflag:s4], $0x0  }
0x19: {  	s7 =	sld [smem:$0x3F90]  }
0x1a: {  	s8 =	sadd.s32 $0xFFFFE003, lr  }
0x1b: {  	s9 =	sadd.s32 $0xFFFFFEF7, lr;
	s5 =	simm.s32 $0xFFFFFFFF;
	p2 =	slt.u32 s8, $0xFFFFF086  }
0x1c: {  	p1 =	slt.u32 s9, $0xF7A;
	s5 =	simm.s32 @!p2 $0x0  }
0x1d: {  	s5 =	simm.s32 @p1 $0x1;
	p0 =	seq.s32 s7, s2  }
0x1e: {  	s7 =	smul.u32 @!p0 $0xF7A, s2;
	p2 =	seq.s32 @!p0 s5, $0x0  }
0x1f: {  	s9 =	smul.u32 $0xF7A, s1;
	s8 =	simm.s32 @!p0 $0x1BF5;
	p2 =	por !p2, p0  }
0x20: {  	[sflag:s8] =	ssyncset.s32 @!p0 $0xFFFFF086;
	s6 =	sadd.s32 @!p0 s3, s7;
	s7 =	simm.s32 @!p0 $0x108  }
0x21: {  	s3 =	sadd.s32 s3, s9;
	s6 =	sadd.s32 @!p0 $0x88, s6;
	s7 =	simm.s32 @p2 $0x1082  }
0x22: {  	[simem:s7], [sflag:s8] =	dma.local @!p0 [hbm:s6], $0xF7A  }
0x23: {  	s9 =	sor.u32 $0xD0000000, s2;
	s6 =	simm.s32 $0x108;
	_ =	swait.ge @!p0 [sflag:s8], $0x0  }
0x24: {  	s3 =	sadd.s32 $0x88, s3;
	s6 =	simm.s32 @!p1 $0x1082;
	[sflag:s4] =	ssyncset.s32 $0xFFFFF086  }
0x25: {  	[simem:s6], [sflag:s4] =	dma.local [hbm:s3], $0xF7A  }
0x26: {  	[smem:$0x3F90] =	sst s1;
	(tag) =	ssettag s2;
	_ =	strace s9  }
0x27: {  	s1 =	sld [smem:$0x3FA0]  }
0x28: {  	s2 =	sld [smem:$0x3FA1]  }
0x29: {  	s4 =	sld [smem:$0x3FA3]  }
0x2a: {  	p0 =	seq.s32 s5, $0x0;
	s5 =	sld [smem:$0x3FA4]  }
0x2b: {  	s6 =	sld [smem:$0x3FA5]  }
0x2c: {  	s7 =	sld [smem:$0x3FA6]  }
0x2d: {  	s3 =	simm.s32 $0x108;
	s8 =	sld [smem:$0x3FA7]  }
0x2e: {  	s3 =	simm.s32 @!p0 $0x1082;
	s9 =	sld [smem:$0x3FA8]  }
0x2f: {  	lr =	sadd.s32 s0, s3;
	s0 =	sld [smem:$0x3F9F]  }
0x30: {  	s3 =	sld [smem:$0x3FA2]  }
0x31: {  	[smem:$0x3FAB] =	sst s10  }
0x32: {  	s10 =	sld [smem:$0x3FA9];
	_ =	sdelay $0x3  }
0x33: {  	p0 =	seq.s32 s10, $0x1;
	s10 =	sld [smem:$0x3FAB];
	_ =	sdelay $0x3  }
0x34: {  	[smem:$0x3FAB] =	sst s10  }
0x35: {  	s10 =	sld [smem:$0x3FAA];
	_ =	sdelay $0x3  }
0x36: {  	p1 =	seq.s32 s10, $0x1;
	s10 =	sld [smem:$0x3FAB];
	_ =	sdelay $0x3  }
0x37: {  	[smem:$0x3FAB] =	sst s10  }
0x38: {  	s10 =	sld [smem:$0x3FAC]  }
0x39: {  	_ = 	snop;
	(pc) =	sbr.ind lr, $3  }
0x3a: {  	_ = 	snop  }
0x3b: {  	_ = 	snop  }
0x3c: {  	p2 =	seq.s32 s10, $0x1;
	s10 =	sld [smem:$0x3FAB]  }
0x3d: {  	_ =	shalt  }
0x3e: {  	_ =	shalt  }
0x3f: {  	_ =	shalt  }
0x40: {  	_ =	shalt  }
0x41: {  	_ =	shalt  }
0x42: {  	_ =	shalt  }
0x43: {  	_ =	shalt  }
0x44: {  	_ =	shalt  }
0x45: {  	_ =	shalt  }
0x46: {  	_ =	shalt  }
0x47: {  	_ =	shalt  }
0x48: {  	_ =	shalt  }
0x49: {  	_ =	shalt  }
0x4a: {  	_ =	shalt  }
0x4b: {  	_ =	shalt  }
0x4c: {  	_ =	shalt  }
0x4d: {  	_ =	shalt  }
0x4e: {  	_ =	shalt  }
0x4f: {  	_ =	shalt  }
0x50: {  	_ =	shalt  }
0x51: {  	_ =	shalt  }
0x52: {  	_ =	shalt  }
0x53: {  	_ =	shalt  }
0x54: {  	_ =	shalt  }
0x55: {  	_ =	shalt  }
0x56: {  	_ =	shalt  }
0x57: {  	_ =	shalt  }
0x58: {  	_ =	shalt  }
0x59: {  	_ =	shalt  }
0x5a: {  	_ =	shalt  }
0x5b: {  	_ =	shalt  }
0x5c: {  	_ =	shalt  }
0x5d: {  	_ =	shalt  }
0x5e: {  	_ =	shalt  }
0x5f: {  	_ =	shalt  }
0x60: {  	_ =	shalt  }
0x61: {  	_ =	shalt  }
0x62: {  	_ =	shalt  }
0x63: {  	_ =	shalt  }
0x64: {  	_ =	shalt  }
0x65: {  	_ =	shalt  }
0x66: {  	_ =	shalt  }
0x67: {  	_ =	shalt  }
0x68: {  	_ =	shalt  }
0x69: {  	_ =	shalt  }
0x6a: {  	_ =	shalt  }
0x6b: {  	_ =	shalt  }
0x6c: {  	_ =	shalt  }
0x6d: {  	_ =	shalt  }
0x6e: {  	_ =	shalt  }
0x6f: {  	_ =	shalt  }
0x70: {  	_ =	shalt  }
0x71: {  	_ =	shalt  }
0x72: {  	_ =	shalt  }
0x73: {  	_ =	shalt  }
0x74: {  	_ =	shalt  }
0x75: {  	_ =	shalt  }
0x76: {  	_ =	shalt  }
0x77: {  	_ =	shalt  }
0x78: {  	_ =	shalt  }
0x79: {  	_ =	shalt  }
0x7a: {  	_ =	shalt  }
0x7b: {  	_ =	shalt  }
0x7c: {  	_ =	shalt  }
0x7d: {  	_ =	shalt  }
0x7e: {  	_ =	shalt  }
0x7f: {  	_ =	shalt  }
0x80: {  	_ =	shalt  }
0x81: {  	_ =	shalt  }
0x82: {  	_ =	shalt  }
0x83: {  	_ =	shalt  }
0x84: {  	_ =	shalt  }
0x85: {  	_ =	shalt  }
0x86: {  	_ =	shalt  }
0x87: {  	_ =	shalt  }
.Lfunc_end0:
.L_simem_size_0:
called_computation_lowered:
.L_overlay_start_0:
0x88: {  	s2 =	sld [smem:$0x3FD9]  }
0x89: {  	s3 =	sld [smem:$0x3FFE];
	_ =	sdelay $0x1  }
0x8a: {  	s1 =	srdreg.scid  }
0x8b: {  	s0 =	sand.u32 $0x1, s1  }
0x8c: {  	s17 =	sshll.u32 s0, $0xA;
	s2 =	sadd.s32 s3, s2  }
0x8d: {  	s2 =	sadd.s32 s2, s17  }
0x8e: {  	[smem:$0x3FB7] =	sst s2  }
0x8f: {  	_ = 	snop  }
0x90: {  	s2 =	sld [smem:$0x3FD0];
	(tm) =	ssettm $0x1  }
0x91: {  	s18 =	sld [smem:$0x3FFB];
	_ =	sdelay $0x3  }
0x92: {  	_ =	strace s18  }
0x93: {  	s3 =	sld [smem:$0x3FFC];
	_ =	sdelay $0x3  }
0x94: {  	_ =	strace s3  }
0x95: {  	s3 =	sld [smem:$0x3FFD];
	_ =	sdelay $0x3  }
0x96: {  	_ =	strace s3  }
0x97: {  	_ =	strace $0x8FFFFFFF  }
0x98: {  	s19 =	sld [smem:$0x3FDB];
	_ =	sdelay $0x1  }
0x99: {  	s4 =	simm.s32 $_scs_section_size  }
0x9a: {  	s5 =	simm.s32 $_size__tile_overlayer_lowered;
	s6 =	simm.s32 $_tile_overlayer_lowered  }
0x9b: {  	s22 =	simm.s32 $0x1BFF;
	s21 =	sshll.u32 s6, $0x1;
	s3 =	sadd.s32 s4, s19  }
0x9c: {  	s7 =	simm.s32 $0x0;
	s20 =	sshll.u32 s5, $0x1;
	s5 =	sadd.s32 s21, s3  }
0x9d: {  	[timem:s7], [sflag:s22] =	dma.local [hbm:s5], s20  }
0x9e: {  	_ =	swait.ge [sflag:s22], s20  }
0x9f: {  	s4 =	ssub.s32 $0x0, s20;
	[sflag:s22] =	ssyncset.done $0x0  }
0xa0: {  	[sflag:s22] =	ssyncadd.s32 s4;
	_ =	sdelay $0x1  }
0xa1: {  	s23 =	simm.s32 $0x1B8B  }
0xa2: {  	_ =	swait.ge [sflag:s23], $0x1  }
0xa3: {  	[sflag:s23] =	ssyncset.done $0x0  }
0xa4: {  	s25 =	simm.s32 $0x1B8E;
	s24 =	sld [smem:$0x3FFE];
	[sflag:s23] =	ssyncadd.s32 $0xFFFFFFFF  }
0xa5: {  	s26 =	simm.s32 $execute0_lowered;
	[smem:$0x3FD2] =	sst s25  }
0xa6: {  	s5 =	sshll.u32 s26, $0x1;
	_ =	strace $0x80000046;
	[dreg:$0x1] =	wrdreg $0xFFFFFFFF  }
0xa7: {  	s28 =	simm.s32 $_size_execute0_lowered;
	s3 =	sadd.s32 s3, s5;
	[dreg:$0x0] =	wrdreg $0x0  }
0xa8: {  	s5 =	sshll.u32 s28, $0x1;
	[dreg:$0x2] =	wrdreg s3  }
0xa9: {  	[dreg:$0x3] =	wrdreg s5  }
0xaa: {  	[dreg:$0x4] =	wrdreg $0xC0  }
0xab: {  	_ =	task [dreg:s7], $0x5FFFF  }
0xac: {  	[dreg:$0x1] =	wrdreg $0xFFFFFFFF  }
0xad: {  	[dreg:$0x0] =	wrdreg $0x60  }
0xae: {  	[dreg:$0x2] =	wrdreg s24  }
0xaf: {  	[dreg:$0x3] =	wrdreg s2  }
0xb0: {  	[dreg:$0x4] =	wrdreg $0x132400  }
0xb1: {  	[dreg:$0x5] =	wrdreg $0x9  }
0xb2: {  	_ =	task.clear_ibuf [dreg:s7], $0x6FFFF;
	_ =	strace $0x90000046  }
0xb3: {  	s29 =	simm.s32 $0x9;
	_ =	strace $0x80000048  }
0xb4: {  	_ =	swait.ge [sflag:s29], $0x1  }
0xb5: {  	[sflag:s29] =	ssyncadd.s32 $0xFFFFFFFF  }
0xb6: {  	_ =	strace $0x90000048  }
0xb7: {  	_ =	sfence  }
0xb8: {  	s30 =	sld [smem:$0x0];
	_ =	sdelay $0x2  }
0xb9: {  	s31 =	sshll.u32 s1, $0xD;
	s1 =	sshrl.u32 s1, $0x2  }
0xba: {  	s3 =	sand.u32 $0x4000, s31;
	s1 =	sadd.s32 s1, s30  }
0xbb: {  	s0 =	sor.u32 s3, s0;
	s1 =	sshll.u32 s1, $0x11  }
0xbc: {  	s0 =	sor.u32 s1, s0  }
0xbd: {  	s0 =	sadd.s32 $0x8F2B, s0  }
0xbe: {  	[sflag:s0] =	ssyncadd.remote.s32 $0x1  }
0xbf: {  	_ =	sfence.sel $0xFFFF  }
0xc0: {  	[dreg:$0x0] =	wrdreg $0xFFFFFFFF;
	(pc) =	sbr.abs _section_cstart, $3  }
0xc1: {  	[dreg:$0x1] =	wrdreg $0xFFFFFFFF  }
0xc2: {  	_ =	task.clear_ibuf [dreg:s7], $0x2FFFF;
	_ =	strace $0x9FFFFFFF  }
0xc3: {  	(tm) =	ssettm $0x7FFFFFFF  }
tec
execute0_lowered:
.L_overlay_start_1:
0x0: {  	(tag) =	ssettag $0x1  }
0x1: {  	s0 =	rddreg [dreg:$0x0]  }
0x2: {  	s4 =	rddreg [dreg:$0x1]  }
0x3: {  	s1 =	rddreg [dreg:$0x2];
	s2 =	simm.s32 $0x0  }
0x4: {  	s5 =	stileid.u32;
	s3 =	srdreg.scid;
	s16 =	simm.s32 $0x50  }
0x5: {  	s17 =	simm.s32 $0x9C40;
	s28 =	simm.s32 $0x1;
	s29 =	simm.s32 $0x2  }
0x6: {  	s30 =	simm.s32 $0x3;
	s31 =	simm.s32 $0x4;
	s6 =	smul.u32 $0x4E20, s5  }
0x7: {  	[smem:$0x7FF] =	sst s2;
	s7 =	smul.u32 $0xC300, s5;
	s8 =	sand.u32 $0x1, s3  }
0x8: {  	s3 =	sadd.s32 $0x2DC00, s0;
	s12 =	sadd.s32 $0x8AE00, s0;
	s14 =	smul.u32 $0x1860, s5  }
0x9: {  	p0 =	sne.s32 s5, $0x0;
	s26 =	sshll.u32 s5, $0x6;
	s11 =	smul.u32 $0x4E200, s8  }
0xa: {  	s5 =	simm.s32 $0xC;
	_ =	strace $0x80000047;
	s19 =	smul.u32 $0xC3500, s8  }
0xb: {  	s13 =	ssub.s32 $0x2, s8;
	s22 =	smul.u32 $0x186A0, s8;
	s8 =	sadd.s32 $0xC3000, s1  }
0xc: {  	s9 =	sshrl.u32 s6, $0x3;
	s10 =	sshrl.u32 s7, $0x3;
	s18 =	sshrl.u32 s13, $0x1  }
0xd: {  	s21 =	sadd.s32 s7, s1;
	s15 =	sshrl.u32 @!p0 s8, $0x3;
	s9 =	sadd.s32 s9, s0  }
0xe: {  	s10 =	sadd.s32 s10, s0;
	s6 =	sadd.s32 s6, s11;
	s11 =	ssub.s32 s13, s18  }
0xf: {  	s0 =	sadd.s32 $0x8AC00, s0;
	s24 =	sadd.s32 s14, s22;
	s13 =	sor.u32 $0x1C0D, s26  }
0x10: {  	s14 =	sshrl.u32 s21, $0x3;
	s18 =	simm.s32 $0xB540;
	s22 =	simm.s32 $0xE740  }
0x11: {  	s26 =	simm.s32 $0x11940;
	s21 =	simm.s32 $0x8;
	s6 =	sshrl.u32 s6, $0x3  }
0x12: {  	s20 =	sadd.s32 $0x5EA00, s9;
	s23 =	sadd.s32 $0x72600, s10;
	[dreg:$0x7] =	wrdreg s0  }
0x13: {  	s0 =	sadd.s32 s12, s24;
	s10 =	smax.u32 s11, $0x1;
	[dreg:$0x5] =	wrdreg s20  }
0x14: {  	s11 =	simm.s32 $0xD;
	s24 =	simm.s32 $0x10040;
	[dreg:$0x6] =	wrdreg s23  }
0x15: {  	s4 =	sadd.s32 s4, s6;
	[dreg:$0x8] =	wrdreg s0;
	s20 =	simm.s32 $0xCE40  }
0x16: {  	s0 =	simm.s32 $0x5;
	[dreg:$0x4] =	wrdreg s4;
	s4 =	sshrl.u32 s19, $0x3  }
0x17: {  	s23 =	simm.s32 $0x9;
	s6 =	simm.s32 $0x0;
	s4 =	sadd.s32 s12, s4  }
0x18: {  	s19 =	simm.s32 $0x7;
	s12 =	simm.s32 $0x6;
	s25 =	sadd.s32 $0x18600, s4  }
0x19: {  	s4 =	simm.s32 $0xB;
	[dreg:$0x9] =	wrdreg s25;
	s25 =	simm.s32 $0xA  }
.LBB2_1:
0x1a: {  	s7 =	rddreg [dreg:$0x4]  }
0x1b: {  	[tilespmem:s2], [sflag:$0xD] =	stream.linear.gather [hbm4b:s7+s2], $0x4E20, $0x38;
	[tilespmem:$0x1F590] =	vst v63  }
0x1c: {  	_ =	swait.ge [sflag:s11], $0x4E20  }
0x1d: {  	[sflag:s11] =	ssyncset.done $0x0  }
0x1e: {  	s8 =	simm.s32 $0x4E20;
	s9 =	rddreg [dreg:$0x5];
	[sflag:s11] =	ssyncadd.s32 $0xFFFFB1E0  }
0x1f: {  	[tilespmem:s8], [sflag:$0xD] =	stream.linear.gather [hbm4b:s9+s2], $0x4E20, $0x38;
	[tilespmem:$0x1F590] =	vst v63  }
0x20: {  	_ =	swait.ge [sflag:s11], $0x4E20  }
0x21: {  	[sflag:s11] =	ssyncset.done $0x0  }
0x22: {  	s8 =	rddreg [dreg:$0x6];
	[sflag:s11] =	ssyncadd.s32 $0xFFFFB1E0  }
0x23: {  	[spmem:s14], [sflag:s13] =	dma.local [hbm:s8], $0x1860  }
0x24: {  	_ =	swait.ge [sflag:s11], $0x1860  }
0x25: {  	[sflag:s11] =	ssyncset.done $0x0  }
0x26: {  	s7 =	rddreg [dreg:$0x7];
	[sflag:s11] =	ssyncadd.s32 $0xFFFFE7A0  }
0x27: {  	[spmem:s15], [sflag:s13] =	dma.local @!p0 [hbm:s7], $0xA0  }
0x28: {  	s7 =	simm.s32 @!p0 $0xD  }
0x29: {  	_ =	swait.ge @!p0 [sflag:s7], $0xA0  }
0x2a: {  	[sflag:s7] =	ssyncset.done @!p0 $0x0  }
0x2b: {  	[sflag:s7] =	ssyncadd.s32 @!p0 $0xFFFFFF60  }
0x2c: {  	[bflag:$0x0] =	sbarrier.arrive $0xFFFF  }
0x2d: {  	[tilespmem:s17], [sflag:$0x1] =	stream.indirect.gather [hbm4b:s3+s16], $0x50, s2, s16, $0xb8;
	[tilespmem:$0x1F590] =	vst v63  }
0x2e: {  	_ = 	snop  }
0x2f: {  	[tilespmem:s18], [sflag:$0x2] =	stream.indirect.gather [hbm4b:s3+s16], $0x50, s16, s16, $0xb8;
	[tilespmem:$0x1F590] =	vst v63  }
0x30: {  	s9 =	simm.s32 $0xA0  }
0x31: {  	[tilespmem:s20], [sflag:$0x3] =	stream.indirect.gather [hbm4b:s3+s16], $0x50, s9, s16, $0xb8;
	[tilespmem:$0x1F590] =	vst v63  }
0x32: {  	s8 =	simm.s32 $0xF0  }
0x33: {  	[tilespmem:s22], [sflag:$0x4] =	stream.indirect.gather [hbm4b:s3+s16], $0x50, s8, s16, $0xb8;
	[tilespmem:$0x1F590] =	vst v63  }
0x34: {  	s9 =	simm.s32 $0x140  }
0x35: {  	[tilespmem:s24], [sflag:$0x5] =	stream.indirect.gather [hbm4b:s3+s16], $0x50, s9, s16, $0xb8;
	[tilespmem:$0x1F590] =	vst v63  }
0x36: {  	s8 =	simm.s32 $0x190  }
0x37: {  	[tilespmem:s26], [sflag:$0x6] =	stream.indirect.gather [hbm4b:s3+s16], $0x50, s8, s16, $0xb8;
	[tilespmem:$0x1F590] =	vst v63  }
0x38: {  	_ =	swait.ge [sflag:s28], $0x1900  }
0x39: {  	[sflag:s28] =	ssyncset.done $0x0  }
0x3a: {  	s9 =	simm.s32 $0x4E20;
	[sflag:s28] =	ssyncadd.s32 $0xFFFFE700  }
0x3b: {  	[spmem:s1] =	stream.indirect.scatter.add.f32 [tilespmem:s17], [sflag:$0x7], $0x50, s9, s16, $0xb8;
	[tilespmem:$0x1F590] =	vst v63  }
0x3c: {  	_ =	swait.ge [sflag:s29], $0x1900  }
0x3d: {  	[sflag:s29] =	ssyncset.done $0x0  }
0x3e: {  	s8 =	simm.s32 $0x4E70;
	[sflag:s29] =	ssyncadd.s32 $0xFFFFE700  }
0x3f: {  	[spmem:s1] =	stream.indirect.scatter.add.f32 [tilespmem:s18], [sflag:$0x8], $0x50, s8, s16, $0xb8;
	[tilespmem:$0x1F590] =	vst v63  }
0x40: {  	_ =	swait.ge [sflag:s30], $0x1900  }
0x41: {  	[sflag:s30] =	ssyncset.done $0x0  }
0x42: {  	s9 =	simm.s32 $0x4EC0;
	[sflag:s30] =	ssyncadd.s32 $0xFFFFE700  }
0x43: {  	[spmem:s1] =	stream.indirect.scatter.add.f32 [tilespmem:s20], [sflag:$0x9], $0x50, s9, s16, $0xb8;
	[tilespmem:$0x1F590] =	vst v63  }
0x44: {  	_ =	swait.ge [sflag:s31], $0x1900  }
0x45: {  	[sflag:s31] =	ssyncset.done $0x0  }
0x46: {  	s8 =	simm.s32 $0x4F10;
	[sflag:s31] =	ssyncadd.s32 $0xFFFFE700  }
0x47: {  	[spmem:s1] =	stream.indirect.scatter.add.f32 [tilespmem:s22], [sflag:$0xA], $0x50, s8, s16, $0xb8;
	[tilespmem:$0x1F590] =	vst v63  }
0x48: {  	_ =	swait.ge [sflag:s0], $0x1900  }
0x49: {  	[sflag:s0] =	ssyncset.done $0x0  }
0x4a: {  	s9 =	simm.s32 $0x4F60;
	[sflag:s0] =	ssyncadd.s32 $0xFFFFE700  }
0x4b: {  	[spmem:s1] =	stream.indirect.scatter.add.f32 [tilespmem:s24], [sflag:$0xB], $0x50, s9, s16, $0xb8;
	[tilespmem:$0x1F590] =	vst v63  }
0x4c: {  	_ =	swait.ge [sflag:s12], $0x1900  }
0x4d: {  	[sflag:s12] =	ssyncset.done $0x0  }
0x4e: {  	s8 =	simm.s32 $0x4FB0;
	[sflag:s12] =	ssyncadd.s32 $0xFFFFE700  }
0x4f: {  	[spmem:s1] =	stream.indirect.scatter.add.f32 [tilespmem:s26], [sflag:$0xC], $0x50, s8, s16, $0xb8;
	[tilespmem:$0x1F590] =	vst v63  }
0x50: {  	_ =	swait.ge [sflag:s19], $0x1900  }
0x51: {  	[sflag:s19] =	ssyncset.done $0x0  }
0x52: {  	s9 =	simm.s32 $0x1E0;
	[sflag:s19] =	ssyncadd.s32 $0xFFFFE700  }
0x53: {  	[tilespmem:s17], [sflag:$0x1] =	stream.indirect.gather [hbm4b:s3+s16], $0x50, s9, s16, $0xb8;
	[tilespmem:$0x1F590] =	vst v63  }
0x54: {  	_ =	swait.ge [sflag:s21], $0x1900  }
0x55: {  	[sflag:s21] =	ssyncset.done $0x0  }
0x56: {  	s8 =	simm.s32 $0x230;
	[sflag:s21] =	ssyncadd.s32 $0xFFFFE700  }
0x57: {  	[tilespmem:s18], [sflag:$0x2] =	stream.indirect.gather [hbm4b:s3+s16], $0x50, s8, s16, $0xb8;
	[tilespmem:$0x1F590] =	vst v63  }
0x58: {  	_ =	swait.ge [sflag:s23], $0x1900  }
0x59: {  	[sflag:s23] =	ssyncset.done $0x0  }
0x5a: {  	s9 =	simm.s32 $0x280;
	[sflag:s23] =	ssyncadd.s32 $0xFFFFE700  }
0x5b: {  	[tilespmem:s20], [sflag:$0x3] =	stream.indirect.gather [hbm4b:s3+s16], $0x50, s9, s16, $0xb8;
	[tilespmem:$0x1F590] =	vst v63  }
0x5c: {  	_ =	swait.ge [sflag:s25], $0x1900  }
0x5d: {  	[sflag:s25] =	ssyncset.done $0x0  }
0x5e: {  	s8 =	simm.s32 $0x2D0;
	[sflag:s25] =	ssyncadd.s32 $0xFFFFE700  }
0x5f: {  	[tilespmem:s22], [sflag:$0x4] =	stream.indirect.gather [hbm4b:s3+s16], $0x50, s8, s16, $0xb8;
	[tilespmem:$0x1F590] =	vst v63  }
0x60: {  	_ =	swait.ge [sflag:s4], $0x1900  }
0x61: {  	[sflag:s4] =	ssyncset.done $0x0  }
0x62: {  	s9 =	simm.s32 $0x320;
	[sflag:s4] =	ssyncadd.s32 $0xFFFFE700  }
0x63: {  	[tilespmem:s24], [sflag:$0x5] =	stream.indirect.gather [hbm4b:s3+s16], $0x50, s9, s16, $0xb8;
	[tilespmem:$0x1F590] =	vst v63  }
0x64: {  	_ =	swait.ge [sflag:s5], $0x1900  }
0x65: {  	[sflag:s5] =	ssyncset.done $0x0  }
0x66: {  	s7 =	simm.s32 $0x780;
	s8 =	simm.s32 $0x370;
	[sflag:s5] =	ssyncadd.s32 $0xFFFFE700  }
.LBB2_2:
0x67: {  	[tilespmem:s26], [sflag:$0x6] =	stream.indirect.gather [hbm4b:s3+s16], $0x50, s8, s16, $0xb8;
	[tilespmem:$0x1F590] =	vst v63  }
0x68: {  	s8 =	smov.u32 s7  }
0x69: {  	p1 =	sne.s32 s7, $0x12480;
	s7 =	sadd.s32 $0x780, s7;
	_ =	swait.ge [sflag:s28], $0x1900  }
0x6a: {  	s8 =	sshra.s32 s8, $0x2;
	[sflag:s28] =	ssyncset.done $0x0  }
0x6b: {  	s9 =	sadd.s32 $0x4E20, s8;
	[sflag:s28] =	ssyncadd.s32 $0xFFFFE700  }
0x6c: {  	[spmem:s1] =	stream.indirect.scatter.add.f32 [tilespmem:s17], [sflag:$0x7], $0x50, s9, s16, $0xb8;
	[tilespmem:$0x1F590] =	vst v63  }
0x6d: {  	_ =	swait.ge [sflag:s29], $0x1900  }
0x6e: {  	[sflag:s29] =	ssyncset.done $0x0  }
0x6f: {  	s9 =	sadd.s32 $0x4E70, s8;
	[sflag:s29] =	ssyncadd.s32 $0xFFFFE700  }
0x70: {  	[spmem:s1] =	stream.indirect.scatter.add.f32 [tilespmem:s18], [sflag:$0x8], $0x50, s9, s16, $0xb8;
	[tilespmem:$0x1F590] =	vst v63  }
0x71: {  	_ =	swait.ge [sflag:s30], $0x1900  }
0x72: {  	[sflag:s30] =	ssyncset.done $0x0  }
0x73: {  	s9 =	sadd.s32 $0x4EC0, s8;
	[sflag:s30] =	ssyncadd.s32 $0xFFFFE700  }
0x74: {  	[spmem:s1] =	stream.indirect.scatter.add.f32 [tilespmem:s20], [sflag:$0x9], $0x50, s9, s16, $0xb8;
	[tilespmem:$0x1F590] =	vst v63  }
0x75: {  	_ =	swait.ge [sflag:s31], $0x1900  }
0x76: {  	[sflag:s31] =	ssyncset.done $0x0  }
0x77: {  	s9 =	sadd.s32 $0x4F10, s8;
	[sflag:s31] =	ssyncadd.s32 $0xFFFFE700  }
0x78: {  	[spmem:s1] =	stream.indirect.scatter.add.f32 [tilespmem:s22], [sflag:$0xA], $0x50, s9, s16, $0xb8;
	[tilespmem:$0x1F590] =	vst v63  }
0x79: {  	_ =	swait.ge [sflag:s0], $0x1900  }
0x7a: {  	[sflag:s0] =	ssyncset.done $0x0  }
0x7b: {  	s9 =	sadd.s32 $0x4F60, s8;
	[sflag:s0] =	ssyncadd.s32 $0xFFFFE700  }
0x7c: {  	[spmem:s1] =	stream.indirect.scatter.add.f32 [tilespmem:s24], [sflag:$0xB], $0x50, s9, s16, $0xb8;
	[tilespmem:$0x1F590] =	vst v63  }
0x7d: {  	_ =	swait.ge [sflag:s12], $0x1900  }
0x7e: {  	[sflag:s12] =	ssyncset.done $0x0  }
0x7f: {  	s9 =	sadd.s32 $0x4FB0, s8;
	[sflag:s12] =	ssyncadd.s32 $0xFFFFE700  }
0x80: {  	[spmem:s1] =	stream.indirect.scatter.add.f32 [tilespmem:s26], [sflag:$0xC], $0x50, s9, s16, $0xb8;
	[tilespmem:$0x1F590] =	vst v63  }
0x81: {  	_ =	swait.ge [sflag:s19], $0x1900  }
0x82: {  	[sflag:s19] =	ssyncset.done $0x0  }
0x83: {  	s9 =	sadd.s32 $0x1E0, s8;
	[sflag:s19] =	ssyncadd.s32 $0xFFFFE700  }
0x84: {  	[tilespmem:s17], [sflag:$0x1] =	stream.indirect.gather [hbm4b:s3+s16], $0x50, s9, s16, $0xb8;
	[tilespmem:$0x1F590] =	vst v63  }
0x85: {  	_ =	swait.ge [sflag:s21], $0x1900  }
0x86: {  	[sflag:s21] =	ssyncset.done $0x0  }
0x87: {  	s9 =	sadd.s32 $0x230, s8;
	[sflag:s21] =	ssyncadd.s32 $0xFFFFE700  }
0x88: {  	[tilespmem:s18], [sflag:$0x2] =	stream.indirect.gather [hbm4b:s3+s16], $0x50, s9, s16, $0xb8;
	[tilespmem:$0x1F590] =	vst v63  }
0x89: {  	_ =	swait.ge [sflag:s23], $0x1900  }
0x8a: {  	[sflag:s23] =	ssyncset.done $0x0  }
0x8b: {  	s9 =	sadd.s32 $0x280, s8;
	[sflag:s23] =	ssyncadd.s32 $0xFFFFE700  }
0x8c: {  	[tilespmem:s20], [sflag:$0x3] =	stream.indirect.gather [hbm4b:s3+s16], $0x50, s9, s16, $0xb8;
	[tilespmem:$0x1F590] =	vst v63  }
0x8d: {  	_ =	swait.ge [sflag:s25], $0x1900  }
0x8e: {  	[sflag:s25] =	ssyncset.done $0x0  }
0x8f: {  	s9 =	sadd.s32 $0x2D0, s8;
	[sflag:s25] =	ssyncadd.s32 $0xFFFFE700  }
0x90: {  	[tilespmem:s22], [sflag:$0x4] =	stream.indirect.gather [hbm4b:s3+s16], $0x50, s9, s16, $0xb8;
	[tilespmem:$0x1F590] =	vst v63  }
0x91: {  	_ =	swait.ge [sflag:s4], $0x1900  }
0x92: {  	[sflag:s4] =	ssyncset.done $0x0  }
.Ltmp0:
0x93: {  	s9 =	sadd.s32 $0x320, s8;
	[sflag:s4] =	ssyncadd.s32 $0xFFFFE700;
	(pc) =	sbr.rel @p1 .LBB2_2-.Ltmp0, $4  }
0x94: {  	[tilespmem:s24], [sflag:$0x5] =	stream.indirect.gather [hbm4b:s3+s16], $0x50, s9, s16, $0xb8;
	[tilespmem:$0x1F590] =	vst v63  }
0x95: {  	_ =	swait.ge [sflag:s5], $0x1900  }
0x96: {  	[sflag:s5] =	ssyncset.done $0x0  }
0x97: {  	s8 =	sadd.s32 $0x370, s8;
	[sflag:s5] =	ssyncadd.s32 $0xFFFFE700  }
0x98: {  	[tilespmem:s26], [sflag:$0x6] =	stream.indirect.gather [hbm4b:s3+s16], $0x50, s8, s16, $0xb8;
	[tilespmem:$0x1F590] =	vst v63  }
0x99: {  	_ =	swait.ge [sflag:s28], $0x1900  }
0x9a: {  	[sflag:s28] =	ssyncset.done $0x0  }
0x9b: {  	s7 =	simm.s32 $0x9920;
	[sflag:s28] =	ssyncadd.s32 $0xFFFFE700  }
0x9c: {  	[spmem:s1] =	stream.indirect.scatter.add.f32 [tilespmem:s17], [sflag:$0x7], $0x50, s7, s16, $0xb8;
	[tilespmem:$0x1F590] =	vst v63  }
0x9d: {  	_ =	swait.ge [sflag:s29], $0x1900  }
0x9e: {  	[sflag:s29] =	ssyncset.done $0x0  }
0x9f: {  	s8 =	simm.s32 $0x9970;
	[sflag:s29] =	ssyncadd.s32 $0xFFFFE700  }
0xa0: {  	[spmem:s1] =	stream.indirect.scatter.add.f32 [tilespmem:s18], [sflag:$0x8], $0x50, s8, s16, $0xb8;
	[tilespmem:$0x1F590] =	vst v63  }
0xa1: {  	_ =	swait.ge [sflag:s30], $0x1900  }
0xa2: {  	[sflag:s30] =	ssyncset.done $0x0  }
0xa3: {  	s9 =	simm.s32 $0x99C0;
	[sflag:s30] =	ssyncadd.s32 $0xFFFFE700  }
0xa4: {  	[spmem:s1] =	stream.indirect.scatter.add.f32 [tilespmem:s20], [sflag:$0x9], $0x50, s9, s16, $0xb8;
	[tilespmem:$0x1F590] =	vst v63  }
0xa5: {  	_ =	swait.ge [sflag:s31], $0x1900  }
0xa6: {  	[sflag:s31] =	ssyncset.done $0x0  }
0xa7: {  	s8 =	simm.s32 $0x9A10;
	[sflag:s31] =	ssyncadd.s32 $0xFFFFE700  }
0xa8: {  	[spmem:s1] =	stream.indirect.scatter.add.f32 [tilespmem:s22], [sflag:$0xA], $0x50, s8, s16, $0xb8;
	[tilespmem:$0x1F590] =	vst v63  }
0xa9: {  	_ =	swait.ge [sflag:s0], $0x1900  }
0xaa: {  	[sflag:s0] =	ssyncset.done $0x0  }
0xab: {  	s9 =	simm.s32 $0x9A60;
	[sflag:s0] =	ssyncadd.s32 $0xFFFFE700  }
0xac: {  	[spmem:s1] =	stream.indirect.scatter.add.f32 [tilespmem:s24], [sflag:$0xB], $0x50, s9, s16, $0xb8;
	[tilespmem:$0x1F590] =	vst v63  }
0xad: {  	_ =	swait.ge [sflag:s12], $0x1900  }
0xae: {  	[sflag:s12] =	ssyncset.done $0x0  }
0xaf: {  	s8 =	simm.s32 $0x9AB0;
	[sflag:s12] =	ssyncadd.s32 $0xFFFFE700  }
0xb0: {  	[spmem:s1] =	stream.indirect.scatter.add.f32 [tilespmem:s26], [sflag:$0xC], $0x50, s8, s16, $0xb8;
	[tilespmem:$0x1F590] =	vst v63  }
0xb1: {  	_ =	swait.ge [sflag:s19], $0x1900  }
0xb2: {  	[sflag:s19] =	ssyncset.done $0x0  }
0xb3: {  	[sflag:s19] =	ssyncadd.s32 $0xFFFFE700  }
0xb4: {  	_ =	swait.ge [sflag:s21], $0x1900  }
0xb5: {  	[sflag:s21] =	ssyncset.done $0x0  }
0xb6: {  	[sflag:s21] =	ssyncadd.s32 $0xFFFFE700  }
0xb7: {  	_ =	swait.ge [sflag:s23], $0x1900  }
0xb8: {  	[sflag:s23] =	ssyncset.done $0x0  }
0xb9: {  	[sflag:s23] =	ssyncadd.s32 $0xFFFFE700  }
0xba: {  	_ =	swait.ge [sflag:s25], $0x1900  }
0xbb: {  	[sflag:s25] =	ssyncset.done $0x0  }
0xbc: {  	[sflag:s25] =	ssyncadd.s32 $0xFFFFE700  }
0xbd: {  	_ =	swait.ge [sflag:s4], $0x1900  }
0xbe: {  	[sflag:s4] =	ssyncset.done $0x0  }
0xbf: {  	[sflag:s4] =	ssyncadd.s32 $0xFFFFE700  }
0xc0: {  	_ =	swait.ge [sflag:s5], $0x1900  }
0xc1: {  	[sflag:s5] =	ssyncset.done $0x0  }
0xc2: {  	s9 =	simm.s32 $0x4CE0;
	[sflag:s5] =	ssyncadd.s32 $0xFFFFE700  }
0xc3: {  	[tilespmem:s17], [sflag:$0x1] =	stream.indirect.gather [hbm4b:s3+s16], $0x50, s9, s16, $0xb8;
	[tilespmem:$0x1F590] =	vst v63  }
0xc4: {  	_ =	swait.ge [sflag:s28], $0x1900  }
0xc5: {  	[sflag:s28] =	ssyncset.done $0x0  }
0xc6: {  	s8 =	simm.s32 $0x9B00;
	[sflag:s28] =	ssyncadd.s32 $0xFFFFE700  }
0xc7: {  	[spmem:s1] =	stream.indirect.scatter.add.f32 [tilespmem:s17], [sflag:$0x7], $0x50, s8, s16, $0xb8;
	[tilespmem:$0x1F590] =	vst v63  }
0xc8: {  	_ =	swait.ge [sflag:s19], $0x1900  }
0xc9: {  	[sflag:s19] =	ssyncset.done $0x0  }
0xca: {  	s9 =	simm.s32 $0x4D30;
	[sflag:s19] =	ssyncadd.s32 $0xFFFFE700  }
0xcb: {  	[tilespmem:s17], [sflag:$0x1] =	stream.indirect.gather [hbm4b:s3+s16], $0x50, s9, s16, $0xb8;
	[tilespmem:$0x1F590] =	vst v63  }
0xcc: {  	_ =	swait.ge [sflag:s28], $0x1900  }
0xcd: {  	[sflag:s28] =	ssyncset.done $0x0  }
0xce: {  	s8 =	simm.s32 $0x9B50;
	[sflag:s28] =	ssyncadd.s32 $0xFFFFE700  }
0xcf: {  	[spmem:s1] =	stream.indirect.scatter.add.f32 [tilespmem:s17], [sflag:$0x7], $0x50, s8, s16, $0xb8;
	[tilespmem:$0x1F590] =	vst v63  }
0xd0: {  	_ =	swait.ge [sflag:s19], $0x1900  }
0xd1: {  	[sflag:s19] =	ssyncset.done $0x0  }
0xd2: {  	s9 =	simm.s32 $0x4D80;
	[sflag:s19] =	ssyncadd.s32 $0xFFFFE700  }
0xd3: {  	[tilespmem:s17], [sflag:$0x1] =	stream.indirect.gather [hbm4b:s3+s16], $0x50, s9, s16, $0xb8;
	[tilespmem:$0x1F590] =	vst v63  }
0xd4: {  	_ =	swait.ge [sflag:s28], $0x1900  }
0xd5: {  	[sflag:s28] =	ssyncset.done $0x0  }
0xd6: {  	s8 =	simm.s32 $0x9BA0;
	[sflag:s28] =	ssyncadd.s32 $0xFFFFE700  }
0xd7: {  	[spmem:s1] =	stream.indirect.scatter.add.f32 [tilespmem:s17], [sflag:$0x7], $0x50, s8, s16, $0xb8;
	[tilespmem:$0x1F590] =	vst v63  }
0xd8: {  	_ =	swait.ge [sflag:s19], $0x1900  }
0xd9: {  	[sflag:s19] =	ssyncset.done $0x0  }
0xda: {  	s9 =	simm.s32 $0x4DD0;
	[sflag:s19] =	ssyncadd.s32 $0xFFFFE700  }
0xdb: {  	[tilespmem:s17], [sflag:$0x1] =	stream.indirect.gather [hbm4b:s3+s16], $0x50, s9, s16, $0xb8;
	[tilespmem:$0x1F590] =	vst v63  }
0xdc: {  	_ =	swait.ge [sflag:s28], $0x1900  }
0xdd: {  	[sflag:s28] =	ssyncset.done $0x0  }
0xde: {  	s8 =	simm.s32 $0x9BF0;
	[sflag:s28] =	ssyncadd.s32 $0xFFFFE700  }
0xdf: {  	[spmem:s1] =	stream.indirect.scatter.add.f32 [tilespmem:s17], [sflag:$0x7], $0x50, s8, s16, $0xb8;
	[tilespmem:$0x1F590] =	vst v63  }
0xe0: {  	_ =	swait.ge [sflag:s19], $0x1900  }
0xe1: {  	[sflag:s19] =	ssyncset.done $0x0  }
0xe2: {  	[sflag:s19] =	ssyncadd.s32 $0xFFFFE700  }
0xe3: {  	[bflag:$0x0] =	sbarrier.arrive $0xFFFF  }
0xe4: {  	s9 =	rddreg [dreg:$0x8]  }
0xe5: {  	[hbm:s9], [sflag:s13] =	dma.local [spmem:s14], $0x1860  }
0xe6: {  	_ =	swait.ge [sflag:s11], $0x1860  }
0xe7: {  	s6 =	sadd.s32 $0x1, s6;
	[sflag:s11] =	ssyncset.done $0x0  }
0xe8: {  	p1 =	sne.s32 s6, s10;
	s7 =	rddreg [dreg:$0x9];
	[sflag:s11] =	ssyncadd.s32 $0xFFFFE7A0  }
0xe9: {  	[hbm:s7], [sflag:s13] =	dma.local @!p0 [spmem:s15], $0xA0  }
.Ltmp1:
0xea: {  	_ = 	snop;
	(pc) =	sbr.rel @p1 .LBB2_1-.Ltmp1, $4  }
0xeb: {  	s7 =	simm.s32 @!p0 $0xD  }
0xec: {  	_ =	swait.ge @!p0 [sflag:s7], $0xA0  }
0xed: {  	[sflag:s7] =	ssyncset.done @!p0 $0x0  }
0xee: {  	[sflag:s7] =	ssyncadd.s32 @!p0 $0xFFFFFF60  }
0xef: {  	_ =	sfence.sel $0x180000  }
0xf0: {  	[bflag:$0x0] =	sbarrier.arrive $0xFFFF  }
0xf1: {  	_ =	strace $0x90000047  }
0xf2: {  	[bflag:$0x2] =	sbarrier.arrive $0xFFFF  }
0xf3: {  	s0 =	rddreg [dreg:$0x3]  }
0xf4: {  	s0 =	sadd.s32 @!p0 $0x100000, s0  }
0xf5: {  	[sflag:s0] =	ssyncadd.tile.s32 @!p0 $0x1;
	_ =	shalt  }
.Lfunc_end2:
_tile_overlayer_lowered:
.L_overlay_start_2:
0xf6: {  	(tag) =	ssettag $0x2  }
0xf7: {  	s0 =	rddreg [dreg:$0x0];
	s2 =	stileid.u32  }
0xf8: {  	s1 =	rddreg [dreg:$0x1];
	p0 =	sne.s32 s2, $0x0  }
0xf9: {  	s3 =	rddreg [dreg:$0x2];
	[bflag:$0x3] =	sbarrier.arrive $0xFFFF;
	s2 =	simm.s32 @!p0 $0x1C0D  }
0xfa: {  	[timem:s3], [sflag:s2] =	dma.local @!p0 [hbm:s0], s1  }
0xfb: {  	s0 =	simm.s32 @!p0 $0xD  }
0xfc: {  	_ =	swait.ge @!p0 [sflag:s0], s1  }
0xfd: {  	s1 =	ssub.s32 @!p0 $0x0, s1;
	[sflag:s0] =	ssyncset.done @!p0 $0x0  }
0xfe: {  	[sflag:s0] =	ssyncadd.s32 @!p0 s1  }
0xff: {  	[bflag:$0x3] =	sbarrier.arrive $0xFFFF  }
0x100: {  	_ =	shalt  }

// kernel: kernel.14.cloned.1.call-start
scs
__scs_entry_jumppad:
0x0: {  	(pc) =	sbr.rel $0x88, $3  }
0x1: {  	(tag) =	ssettag $0x0;
	lr =	simm.s32 $0x1  }
0x2: {  	[smem:$0x3F90] =	sst lr;
	_ =	strace $0xD0000000  }
0x3: {  	_ = 	snop  }
0x4: {  	_ = 	snop  }
0x5: {  	_ = 	snop  }
0x6: {  	_ = 	snop  }
0x7: {  	_ = 	snop  }
__scs_overlays_trampoline_lowered:
0x8: {  	[smem:$0x3F9F] =	sst s0  }
0x9: {  	[smem:$0x3FA0] =	sst s1  }
0xa: {  	[smem:$0x3FA1] =	sst s2  }
0xb: {  	[smem:$0x3FA2] =	sst s3  }
0xc: {  	[smem:$0x3FA3] =	sst s4  }
0xd: {  	[smem:$0x3FA4] =	sst s5  }
0xe: {  	[smem:$0x3FA5] =	sst s6  }
0xf: {  	[smem:$0x3FA6] =	sst s7  }
0x10: {  	[smem:$0x3FA7] =	sst s8  }
0x11: {  	[smem:$0x3FA8] =	sst s9;
	s0 =	simm.s32 @!p0 $0x0  }
0x12: {  	s1 =	sld [smem:$0x3F8E];
	s0 =	simm.s32 @p0 $0x1  }
0x13: {  	[smem:$0x3FA9] =	sst s0;
	s0 =	simm.s32 @!p1 $0x0  }
0x14: {  	s2 =	sld [smem:$0x3F8D];
	s0 =	simm.s32 @p1 $0x1  }
0x15: {  	[smem:$0x3FAA] =	sst s0;
	s0 =	simm.s32 @!p2 $0x0  }
0x16: {  	s3 =	sld [smem:$0x3FDB];
	s0 =	simm.s32 @p2 $0x1  }
0x17: {  	s4 =	simm.s32 $0x1BF5;
	[smem:$0x3FAC] =	sst s0  }
0x18: {  	s0 =	sld [smem:$0x3F8F];
	_ =	swait.ge [sflag:s4], $0x0  }
0x19: {  	s7 =	sld [smem:$0x3F90]  }
0x1a: {  	s8 =	sadd.s32 $0xFFFFE003, lr  }
0x1b: {  	s9 =	sadd.s32 $0xFFFFFEF7, lr;
	s5 =	simm.s32 $0xFFFFFFFF;
	p2 =	slt.u32 s8, $0xFFFFF086  }
0x1c: {  	p1 =	slt.u32 s9, $0xF7A;
	s5 =	simm.s32 @!p2 $0x0  }
0x1d: {  	s5 =	simm.s32 @p1 $0x1;
	p0 =	seq.s32 s7, s2  }
0x1e: {  	s7 =	smul.u32 @!p0 $0xF7A, s2;
	p2 =	seq.s32 @!p0 s5, $0x0  }
0x1f: {  	s9 =	smul.u32 $0xF7A, s1;
	s8 =	simm.s32 @!p0 $0x1BF5;
	p2 =	por !p2, p0  }
0x20: {  	[sflag:s8] =	ssyncset.s32 @!p0 $0xFFFFF086;
	s6 =	sadd.s32 @!p0 s3, s7;
	s7 =	simm.s32 @!p0 $0x108  }
0x21: {  	s3 =	sadd.s32 s3, s9;
	s6 =	sadd.s32 @!p0 $0x88, s6;
	s7 =	simm.s32 @p2 $0x1082  }
0x22: {  	[simem:s7], [sflag:s8] =	dma.local @!p0 [hbm:s6], $0xF7A  }
0x23: {  	s9 =	sor.u32 $0xD0000000, s2;
	s6 =	simm.s32 $0x108;
	_ =	swait.ge @!p0 [sflag:s8], $0x0  }
0x24: {  	s3 =	sadd.s32 $0x88, s3;
	s6 =	simm.s32 @!p1 $0x1082;
	[sflag:s4] =	ssyncset.s32 $0xFFFFF086  }
0x25: {  	[simem:s6], [sflag:s4] =	dma.local [hbm:s3], $0xF7A  }
0x26: {  	[smem:$0x3F90] =	sst s1;
	(tag) =	ssettag s2;
	_ =	strace s9  }
0x27: {  	s1 =	sld [smem:$0x3FA0]  }
0x28: {  	s2 =	sld [smem:$0x3FA1]  }
0x29: {  	s4 =	sld [smem:$0x3FA3]  }
0x2a: {  	p0 =	seq.s32 s5, $0x0;
	s5 =	sld [smem:$0x3FA4]  }
0x2b: {  	s6 =	sld [smem:$0x3FA5]  }
0x2c: {  	s7 =	sld [smem:$0x3FA6]  }
0x2d: {  	s3 =	simm.s32 $0x108;
	s8 =	sld [smem:$0x3FA7]  }
0x2e: {  	s3 =	simm.s32 @!p0 $0x1082;
	s9 =	sld [smem:$0x3FA8]  }
0x2f: {  	lr =	sadd.s32 s0, s3;
	s0 =	sld [smem:$0x3F9F]  }
0x30: {  	s3 =	sld [smem:$0x3FA2]  }
0x31: {  	[smem:$0x3FAB] =	sst s10  }
0x32: {  	s10 =	sld [smem:$0x3FA9];
	_ =	sdelay $0x3  }
0x33: {  	p0 =	seq.s32 s10, $0x1;
	s10 =	sld [smem:$0x3FAB];
	_ =	sdelay $0x3  }
0x34: {  	[smem:$0x3FAB] =	sst s10  }
0x35: {  	s10 =	sld [smem:$0x3FAA];
	_ =	sdelay $0x3  }
0x36: {  	p1 =	seq.s32 s10, $0x1;
	s10 =	sld [smem:$0x3FAB];
	_ =	sdelay $0x3  }
0x37: {  	[smem:$0x3FAB] =	sst s10  }
0x38: {  	s10 =	sld [smem:$0x3FAC]  }
0x39: {  	_ = 	snop;
	(pc) =	sbr.ind lr, $3  }
0x3a: {  	_ = 	snop  }
0x3b: {  	_ = 	snop  }
0x3c: {  	p2 =	seq.s32 s10, $0x1;
	s10 =	sld [smem:$0x3FAB]  }
0x3d: {  	_ =	shalt  }
0x3e: {  	_ =	shalt  }
0x3f: {  	_ =	shalt  }
0x40: {  	_ =	shalt  }
0x41: {  	_ =	shalt  }
0x42: {  	_ =	shalt  }
0x43: {  	_ =	shalt  }
0x44: {  	_ =	shalt  }
0x45: {  	_ =	shalt  }
0x46: {  	_ =	shalt  }
0x47: {  	_ =	shalt  }
0x48: {  	_ =	shalt  }
0x49: {  	_ =	shalt  }
0x4a: {  	_ =	shalt  }
0x4b: {  	_ =	shalt  }
0x4c: {  	_ =	shalt  }
0x4d: {  	_ =	shalt  }
0x4e: {  	_ =	shalt  }
0x4f: {  	_ =	shalt  }
0x50: {  	_ =	shalt  }
0x51: {  	_ =	shalt  }
0x52: {  	_ =	shalt  }
0x53: {  	_ =	shalt  }
0x54: {  	_ =	shalt  }
0x55: {  	_ =	shalt  }
0x56: {  	_ =	shalt  }
0x57: {  	_ =	shalt  }
0x58: {  	_ =	shalt  }
0x59: {  	_ =	shalt  }
0x5a: {  	_ =	shalt  }
0x5b: {  	_ =	shalt  }
0x5c: {  	_ =	shalt  }
0x5d: {  	_ =	shalt  }
0x5e: {  	_ =	shalt  }
0x5f: {  	_ =	shalt  }
0x60: {  	_ =	shalt  }
0x61: {  	_ =	shalt  }
0x62: {  	_ =	shalt  }
0x63: {  	_ =	shalt  }
0x64: {  	_ =	shalt  }
0x65: {  	_ =	shalt  }
0x66: {  	_ =	shalt  }
0x67: {  	_ =	shalt  }
0x68: {  	_ =	shalt  }
0x69: {  	_ =	shalt  }
0x6a: {  	_ =	shalt  }
0x6b: {  	_ =	shalt  }
0x6c: {  	_ =	shalt  }
0x6d: {  	_ =	shalt  }
0x6e: {  	_ =	shalt  }
0x6f: {  	_ =	shalt  }
0x70: {  	_ =	shalt  }
0x71: {  	_ =	shalt  }
0x72: {  	_ =	shalt  }
0x73: {  	_ =	shalt  }
0x74: {  	_ =	shalt  }
0x75: {  	_ =	shalt  }
0x76: {  	_ =	shalt  }
0x77: {  	_ =	shalt  }
0x78: {  	_ =	shalt  }
0x79: {  	_ =	shalt  }
0x7a: {  	_ =	shalt  }
0x7b: {  	_ =	shalt  }
0x7c: {  	_ =	shalt  }
0x7d: {  	_ =	shalt  }
0x7e: {  	_ =	shalt  }
0x7f: {  	_ =	shalt  }
0x80: {  	_ =	shalt  }
0x81: {  	_ =	shalt  }
0x82: {  	_ =	shalt  }
0x83: {  	_ =	shalt  }
0x84: {  	_ =	shalt  }
0x85: {  	_ =	shalt  }
0x86: {  	_ =	shalt  }
0x87: {  	_ =	shalt  }
.Lfunc_end0:
.L_simem_size_0:
called_computation.1_lowered:
.L_overlay_start_0:
0x88: {  	s2 =	sld [smem:$0x3FD9]  }
0x89: {  	s3 =	sld [smem:$0x3FFE];
	_ =	sdelay $0x1  }
0x8a: {  	s1 =	srdreg.scid  }
0x8b: {  	s0 =	sand.u32 $0x1, s1  }
0x8c: {  	s17 =	sshll.u32 s0, $0xA;
	s2 =	sadd.s32 s3, s2  }
0x8d: {  	s2 =	sadd.s32 s2, s17  }
0x8e: {  	[smem:$0x3FB7] =	sst s2  }
0x8f: {  	_ = 	snop  }
0x90: {  	(tm) =	ssettm $0x1  }
0x91: {  	s18 =	sld [smem:$0x3FFB];
	_ =	sdelay $0x3  }
0x92: {  	_ =	strace s18  }
0x93: {  	s2 =	sld [smem:$0x3FFC];
	_ =	sdelay $0x3  }
0x94: {  	_ =	strace s2  }
0x95: {  	s2 =	sld [smem:$0x3FFD];
	_ =	sdelay $0x3  }
0x96: {  	_ =	strace s2  }
0x97: {  	_ =	strace $0x8FFFFFFF  }
0x98: {  	s19 =	sld [smem:$0x3FDB];
	_ =	sdelay $0x1  }
0x99: {  	s20 =	simm.s32 $_scs_section_size  }
0x9a: {  	s4 =	simm.s32 $_size__tile_overlayer_lowered;
	s5 =	simm.s32 $_tile_overlayer_lowered  }
0x9b: {  	s6 =	simm.s32 $0x1BFF;
	s21 =	sshll.u32 s5, $0x1;
	s3 =	sadd.s32 s20, s19  }
0x9c: {  	s22 =	simm.s32 $0x0;
	s4 =	sshll.u32 s4, $0x1;
	s5 =	sadd.s32 s21, s3  }
0x9d: {  	[timem:s22], [sflag:s6] =	dma.local [hbm:s5], s4  }
0x9e: {  	_ =	swait.ge [sflag:s6], s4  }
0x9f: {  	s4 =	ssub.s32 $0x0, s4;
	[sflag:s6] =	ssyncset.done $0x0  }
0xa0: {  	[sflag:s6] =	ssyncadd.s32 s4;
	_ =	sdelay $0x1  }
0xa1: {  	s23 =	simm.s32 $0x1B8B  }
0xa2: {  	_ =	swait.ge [sflag:s23], $0x1  }
0xa3: {  	[sflag:s23] =	ssyncset.done $0x0  }
0xa4: {  	[sflag:s23] =	ssyncadd.s32 $0xFFFFFFFF  }
0xa5: {  	s4 =	sld [smem:$0x0]  }
0xa6: {  	s5 =	sand.u32 $0xFFFFFFFE, s1  }
0xa7: {  	p0 =	sne.s32 s1, s5  }
0xa8: {  	s5 =	sshll.u32 @p0 s5, $0xE  }
0xa9: {  	s5 =	sadd.s32 @p0 $0x11B8D, s5;
	s6 =	sshll.u32 @p0 s4, $0x11  }
0xaa: {  	s5 =	sor.u32 @p0 s6, s5  }
0xab: {  	[sflag:s5] =	ssyncadd.remote.s32 @p0 $0x1;
	_ =	sdelay $0x1  }
0xac: {  	s5 =	simm.s32 @p0 $0x1B8D  }
0xad: {  	_ =	swait.eq @p0 [sflag:s5], $0x1  }
0xae: {  	[sflag:s5] =	ssyncadd.s32 @p0 $0xFFFFFFFF  }
0xaf: {  	s6 =	sshll.u32 @!p0 s1, $0xE  }
0xb0: {  	s6 =	sor.u32 @!p0 $0x4000, s6;
	s5 =	simm.s32 @!p0 $0x1B8D  }
0xb1: {  	s4 =	sshll.u32 @!p0 s4, $0x11;
	s6 =	sadd.s32 @!p0 $0x11B8D, s6;
	_ =	swait.eq @!p0 [sflag:s5], $0x1  }
0xb2: {  	s4 =	sor.u32 @!p0 s4, s6;
	[sflag:s5] =	ssyncadd.s32 @!p0 $0xFFFFFFFF  }
0xb3: {  	s25 =	simm.s32 $0x1B8E;
	s24 =	sld [smem:$0x3FFE];
	[sflag:s4] =	ssyncadd.remote.s32 @!p0 $0x1  }
0xb4: {  	s26 =	simm.s32 $execute0_lowered;
	[smem:$0x3FD2] =	sst s25  }
0xb5: {  	s5 =	sshll.u32 s26, $0x1;
	_ =	strace $0x80000049;
	[dreg:$0x1] =	wrdreg $0xFFFFFFFF  }
0xb6: {  	s28 =	simm.s32 $_size_execute0_lowered;
	s3 =	sadd.s32 s3, s5;
	[dreg:$0x0] =	wrdreg $0x0  }
0xb7: {  	s5 =	sshll.u32 s28, $0x1;
	[dreg:$0x2] =	wrdreg s3  }
0xb8: {  	[dreg:$0x3] =	wrdreg s5  }
0xb9: {  	[dreg:$0x4] =	wrdreg $0xC0  }
0xba: {  	_ =	task [dreg:s22], $0x5FFFF  }
0xbb: {  	[dreg:$0x1] =	wrdreg $0xFFFFFFFF  }
0xbc: {  	[dreg:$0x0] =	wrdreg $0x60  }
0xbd: {  	[dreg:$0x2] =	wrdreg s24  }
0xbe: {  	[dreg:$0x3] =	wrdreg $0xB8000  }
0xbf: {  	[dreg:$0x4] =	wrdreg $0xA  }
0xc0: {  	_ =	task.clear_ibuf [dreg:s22], $0x5FFFF;
	_ =	strace $0x90000049  }
0xc1: {  	s29 =	simm.s32 $0xA;
	_ =	strace $0x8000004B  }
0xc2: {  	_ =	swait.ge [sflag:s29], $0x1  }
0xc3: {  	[sflag:s29] =	ssyncadd.s32 $0xFFFFFFFF  }
0xc4: {  	_ =	strace $0x9000004B  }
0xc5: {  	_ =	sfence  }
0xc6: {  	s30 =	sld [smem:$0x0];
	_ =	sdelay $0x2  }
0xc7: {  	s31 =	sshll.u32 s1, $0xD;
	s1 =	sshrl.u32 s1, $0x2  }
0xc8: {  	s4 =	sand.u32 $0x4000, s31;
	s1 =	sadd.s32 s1, s30  }
0xc9: {  	s0 =	sor.u32 s4, s0;
	s1 =	sshll.u32 s1, $0x11  }
0xca: {  	s0 =	sor.u32 s1, s0  }
0xcb: {  	s0 =	sadd.s32 $0x8F2B, s0  }
0xcc: {  	[sflag:s0] =	ssyncadd.remote.s32 $0x1  }
0xcd: {  	_ =	sfence.sel $0xFFFF  }
0xce: {  	[dreg:$0x0] =	wrdreg $0xFFFFFFFF;
	(pc) =	sbr.abs _section_cstart, $3  }
0xcf: {  	[dreg:$0x1] =	wrdreg $0xFFFFFFFF  }
0xd0: {  	_ =	task.clear_ibuf [dreg:s22], $0x2FFFF;
	_ =	strace $0x9FFFFFFF  }
0xd1: {  	(tm) =	ssettm $0x7FFFFFFF  }
tec
execute0_lowered:
.L_overlay_start_1:
0x0: {  	(tag) =	ssettag $0x1  }
0x1: {  	s0 =	rddreg [dreg:$0x0]  }
0x2: {  	s1 =	rddreg [dreg:$0x1];
	s2 =	simm.s32 $0x0;
	s14 =	stileid.u32  }
0x3: {  	s4 =	srdreg.scid;
	s28 =	simm.s32 $0x5;
	s29 =	simm.s32 $0x6  }
0x4: {  	[smem:$0x7FF] =	sst s2;
	s3 =	sshll.u32 s14, $0xB;
	s11 =	smul.u32 $0x2700, s14  }
0x5: {  	s12 =	sadd.s32 $0x5ADE00, s0;
	s10 =	sand.u32 $0x1, s4;
	s8 =	smul.u32 $0x4E000, s14  }
0x6: {  	s13 =	sadd.s32 $0xF2E00, s0;
	s25 =	smul.u32 $0x27100, s14;
	s31 =	sshll.u32 s14, $0x6  }
0x7: {  	p0 =	sne.s32 s14, $0x0;
	_ =	strace $0x8000004A;
	s3 =	sadd.s32 s3, s0  }
0x8: {  	s5 =	ssub.s32 $0x2, s10;
	s7 =	sshll.u32 s10, $0x4;
	s17 =	sshll.u32 s10, $0xF  }
0x9: {  	s23 =	smul.u32 $0x138800, s10;
	s9 =	sadd.s32 s11, s0;
	s6 =	sshrl.u32 s5, $0x1  }
0xa: {  	s16 =	sor.u32 s14, s7;
	s3 =	sadd.s32 s17, s3;
	s18 =	sshrl.u32 s8, $0x2  }
0xb: {  	s0 =	sadd.s32 $0xF2C00, s0;
	s15 =	ssub.s32 s5, s6;
	s7 =	smul.u32 $0x138800, s16  }
0xc: {  	s3 =	sadd.s32 $0xBBC00, s3;
	s17 =	sadd.s32 s18, s1;
	s19 =	sadd.s32 $0xCBC00, s9  }
0xd: {  	s18 =	sadd.s32 $0x138000, s1;
	s20 =	smul.u32 $0x27100, s16;
	[dreg:$0x5] =	wrdreg s0  }
0xe: {  	s16 =	smul.u32 $0x27100, s10;
	s24 =	sshrl.u32 s23, $0x3;
	[dreg:$0x3] =	wrdreg s3  }
0xf: {  	s23 =	simm.s32 $0x50;
	[dreg:$0x4] =	wrdreg s19;
	s19 =	smul.u32 $0x271000, s10  }
0x10: {  	s0 =	sadd.s32 s13, s24;
	s17 =	sshrl.u32 s17, $0x3;
	s18 =	sshrl.u32 @!p0 s18, $0x3  }
0x11: {  	s24 =	simm.s32 $0x2;
	s21 =	sshrl.u32 s7, $0x3;
	s6 =	sadd.s32 s12, s20  }
0x12: {  	s11 =	sadd.s32 s11, s16;
	s16 =	sor.u32 $0x1C07, s31;
	s20 =	simm.s32 $0x6800  }
0x13: {  	s22 =	sadd.s32 s12, s21;
	s26 =	sadd.s32 s19, s12;
	s11 =	sadd.s32 s13, s11  }
0x14: {  	s12 =	sadd.s32 $0x27000, s0;
	s13 =	smax.u32 s15, $0x1;
	s15 =	simm.s32 $0x7  }
0x15: {  	s19 =	simm.s32 $0x4000;
	s21 =	simm.s32 $0x9000;
	s0 =	simm.s32 $0x0  }
0x16: {  	s7 =	sadd.s32 $0x500, s22;
	s8 =	sadd.s32 $0xA00, s22;
	s9 =	sadd.s32 $0x26700, s22  }
0x17: {  	s10 =	sadd.s32 $0x26C00, s22;
	s30 =	sadd.s32 s25, s26;
	s22 =	simm.s32 $0x1  }
0x18: {  	s25 =	simm.s32 $0x3;
	s26 =	simm.s32 $0x4;
	s3 =	sadd.s32 $0x1900, s30  }
.LBB2_1:
0x19: {  	s4 =	rddreg [dreg:$0x3]  }
0x1a: {  	[tilespmem:s2], [sflag:$0x7] =	stream.linear.gather [hbm4b:s4+s2], $0x3E80, $0x38;
	[tilespmem:$0x17B50] =	vst v63  }
0x1b: {  	_ =	swait.ge [sflag:s15], $0x3E80  }
0x1c: {  	[sflag:s15] =	ssyncset.done $0x0  }
0x1d: {  	s14 =	rddreg [dreg:$0x4];
	[sflag:s15] =	ssyncadd.s32 $0xFFFFC180  }
0x1e: {  	[spmem:s17], [sflag:s16] =	dma.local [hbm:s14], $0x2700  }
0x1f: {  	_ =	swait.ge [sflag:s15], $0x2700  }
0x20: {  	[sflag:s15] =	ssyncset.done $0x0  }
0x21: {  	s14 =	simm.s32 @!p0 $0x7;
	s4 =	rddreg [dreg:$0x5];
	[sflag:s15] =	ssyncadd.s32 $0xFFFFD900  }
0x22: {  	[spmem:s18], [sflag:s16] =	dma.local @!p0 [hbm:s4], $0x100  }
0x23: {  	_ =	swait.ge @!p0 [sflag:s14], $0x100  }
0x24: {  	[sflag:s14] =	ssyncset.done @!p0 $0x0  }
0x25: {  	[sflag:s14] =	ssyncadd.s32 @!p0 $0xFFFFFF00  }
0x26: {  	[bflag:$0x0] =	sbarrier.arrive $0xFFFF  }
0x27: {  	[tilespmem:s19], [sflag:$0x1] =	stream.linear.gather [hbm4b:s6+s2], $0x2800, $0x38;
	[tilespmem:$0x17B50] =	vst v63  }
0x28: {  	_ = 	snop  }
0x29: {  	[tilespmem:s20], [sflag:$0x2] =	stream.linear.gather [hbm4b:s7+s2], $0x2800, $0x38;
	[tilespmem:$0x17B50] =	vst v63  }
0x2a: {  	_ = 	snop  }
0x2b: {  	[tilespmem:s21], [sflag:$0x3] =	stream.linear.gather [hbm4b:s8+s2], $0x2800, $0x38;
	[tilespmem:$0x17B50] =	vst v63  }
0x2c: {  	_ =	swait.ge [sflag:s22], $0x2800  }
0x2d: {  	[sflag:s22] =	ssyncset.done $0x0  }
0x2e: {  	s5 =	simm.s32 $0x0;
	[sflag:s22] =	ssyncadd.s32 $0xFFFFD800  }
0x2f: {  	[spmem:s1] =	stream.indirect.scatter.add.f32 [tilespmem:s19], [sflag:$0x4], $0x50, s5, s23, $0xb8;
	[tilespmem:$0x17B50] =	vst v63  }
0x30: {  	_ =	swait.ge [sflag:s24], $0x2800  }
0x31: {  	[sflag:s24] =	ssyncset.done $0x0  }
0x32: {  	s4 =	simm.s32 $0x80;
	[sflag:s24] =	ssyncadd.s32 $0xFFFFD800  }
0x33: {  	[spmem:s1] =	stream.indirect.scatter.add.f32 [tilespmem:s20], [sflag:$0x5], $0x50, s4, s23, $0xb8;
	[tilespmem:$0x17B50] =	vst v63  }
0x34: {  	_ =	swait.ge [sflag:s25], $0x2800  }
0x35: {  	[sflag:s25] =	ssyncset.done $0x0  }
0x36: {  	s5 =	simm.s32 $0x100;
	[sflag:s25] =	ssyncadd.s32 $0xFFFFD800  }
0x37: {  	[spmem:s1] =	stream.indirect.scatter.add.f32 [tilespmem:s21], [sflag:$0x6], $0x50, s5, s23, $0xb8;
	[tilespmem:$0x17B50] =	vst v63  }
0x38: {  	_ =	swait.ge [sflag:s26], $0x1900  }
0x39: {  	[sflag:s26] =	ssyncset.done $0x0  }
0x3a: {  	s4 =	sadd.s32 $0xFFFFF600, s3;
	[sflag:s26] =	ssyncadd.s32 $0xFFFFE700  }
0x3b: {  	[tilespmem:s19], [sflag:$0x1] =	stream.linear.gather [hbm4b:s4+s2], $0x2800, $0x38;
	[tilespmem:$0x17B50] =	vst v63  }
0x3c: {  	_ =	swait.ge [sflag:s28], $0x1900  }
0x3d: {  	[sflag:s28] =	ssyncset.done $0x0  }
0x3e: {  	s5 =	sadd.s32 $0xFFFFFB00, s3;
	[sflag:s28] =	ssyncadd.s32 $0xFFFFE700  }
0x3f: {  	[tilespmem:s20], [sflag:$0x2] =	stream.linear.gather [hbm4b:s5+s2], $0x2800, $0x38;
	[tilespmem:$0x17B50] =	vst v63  }
0x40: {  	_ =	swait.ge [sflag:s29], $0x1900  }
0x41: {  	s30 =	simm.s32 $0x600;
	[sflag:s29] =	ssyncset.done $0x0  }
0x42: {  	s31 =	sadd.s32 $0xF00, s3;
	s14 =	smov.u32 s3;
	[sflag:s29] =	ssyncadd.s32 $0xFFFFE700  }
.LBB2_2:
0x43: {  	[tilespmem:s21], [sflag:$0x3] =	stream.linear.gather [hbm4b:s14+s2], $0x2800, $0x38;
	[tilespmem:$0x17B50] =	vst v63  }
0x44: {  	s4 =	smov.u32 s30;
	s14 =	smov.u32 s31  }
0x45: {  	p1 =	sne.s32 s30, $0xEA00;
	s30 =	sadd.s32 $0x600, s30;
	_ =	swait.ge [sflag:s22], $0x2800  }
0x46: {  	[sflag:s22] =	ssyncset.done $0x0  }
0x47: {  	s4 =	sshra.s32 s4, $0x2;
	[sflag:s22] =	ssyncadd.s32 $0xFFFFD800  }
0x48: {  	[spmem:s1] =	stream.indirect.scatter.add.f32 [tilespmem:s19], [sflag:$0x4], $0x50, s4, s23, $0xb8;
	[tilespmem:$0x17B50] =	vst v63  }
0x49: {  	_ =	swait.ge [sflag:s24], $0x2800  }
0x4a: {  	[sflag:s24] =	ssyncset.done $0x0  }
0x4b: {  	s5 =	sadd.s32 $0x80, s4;
	[sflag:s24] =	ssyncadd.s32 $0xFFFFD800  }
0x4c: {  	[spmem:s1] =	stream.indirect.scatter.add.f32 [tilespmem:s20], [sflag:$0x5], $0x50, s5, s23, $0xb8;
	[tilespmem:$0x17B50] =	vst v63  }
0x4d: {  	_ =	swait.ge [sflag:s25], $0x2800  }
0x4e: {  	[sflag:s25] =	ssyncset.done $0x0  }
0x4f: {  	s4 =	sadd.s32 $0x100, s4;
	[sflag:s25] =	ssyncadd.s32 $0xFFFFD800  }
0x50: {  	[spmem:s1] =	stream.indirect.scatter.add.f32 [tilespmem:s21], [sflag:$0x6], $0x50, s4, s23, $0xb8;
	[tilespmem:$0x17B50] =	vst v63  }
0x51: {  	_ =	swait.ge [sflag:s26], $0x1900  }
0x52: {  	[sflag:s26] =	ssyncset.done $0x0  }
0x53: {  	s4 =	sadd.s32 $0xFFFFF600, s31;
	[sflag:s26] =	ssyncadd.s32 $0xFFFFE700  }
0x54: {  	[tilespmem:s19], [sflag:$0x1] =	stream.linear.gather [hbm4b:s4+s2], $0x2800, $0x38;
	[tilespmem:$0x17B50] =	vst v63  }
0x55: {  	_ =	swait.ge [sflag:s28], $0x1900  }
0x56: {  	[sflag:s28] =	ssyncset.done $0x0  }
.Ltmp0:
0x57: {  	s4 =	sadd.s32 $0xFFFFFB00, s31;
	[sflag:s28] =	ssyncadd.s32 $0xFFFFE700;
	(pc) =	sbr.rel @p1 .LBB2_2-.Ltmp0, $4  }
0x58: {  	[tilespmem:s20], [sflag:$0x2] =	stream.linear.gather [hbm4b:s4+s2], $0x2800, $0x38;
	[tilespmem:$0x17B50] =	vst v63  }
0x59: {  	_ =	swait.ge [sflag:s29], $0x1900  }
0x5a: {  	[sflag:s29] =	ssyncset.done $0x0  }
0x5b: {  	s31 =	sadd.s32 $0xF00, s31;
	[sflag:s29] =	ssyncadd.s32 $0xFFFFE700  }
0x5c: {  	[tilespmem:s21], [sflag:$0x3] =	stream.linear.gather [hbm4b:s14+s2], $0x2800, $0x38;
	[tilespmem:$0x17B50] =	vst v63  }
0x5d: {  	_ =	swait.ge [sflag:s22], $0x2800  }
0x5e: {  	[sflag:s22] =	ssyncset.done $0x0  }
0x5f: {  	s4 =	simm.s32 $0x3C00;
	[sflag:s22] =	ssyncadd.s32 $0xFFFFD800  }
0x60: {  	[spmem:s1] =	stream.indirect.scatter.add.f32 [tilespmem:s19], [sflag:$0x4], $0x50, s4, s23, $0xb8;
	[tilespmem:$0x17B50] =	vst v63  }
0x61: {  	_ =	swait.ge [sflag:s24], $0x2800  }
0x62: {  	[sflag:s24] =	ssyncset.done $0x0  }
0x63: {  	s5 =	simm.s32 $0x3C80;
	[sflag:s24] =	ssyncadd.s32 $0xFFFFD800  }
0x64: {  	[spmem:s1] =	stream.indirect.scatter.add.f32 [tilespmem:s20], [sflag:$0x5], $0x50, s5, s23, $0xb8;
	[tilespmem:$0x17B50] =	vst v63  }
0x65: {  	_ =	swait.ge [sflag:s25], $0x2800  }
0x66: {  	[sflag:s25] =	ssyncset.done $0x0  }
0x67: {  	s14 =	simm.s32 $0x3D00;
	[sflag:s25] =	ssyncadd.s32 $0xFFFFD800  }
0x68: {  	[spmem:s1] =	stream.indirect.scatter.add.f32 [tilespmem:s21], [sflag:$0x6], $0x50, s14, s23, $0xb8;
	[tilespmem:$0x17B50] =	vst v63  }
0x69: {  	_ =	swait.ge [sflag:s26], $0x1900  }
0x6a: {  	[sflag:s26] =	ssyncset.done $0x0  }
0x6b: {  	[sflag:s26] =	ssyncadd.s32 $0xFFFFE700  }
0x6c: {  	_ =	swait.ge [sflag:s28], $0x1900  }
0x6d: {  	[sflag:s28] =	ssyncset.done $0x0  }
0x6e: {  	[sflag:s28] =	ssyncadd.s32 $0xFFFFE700  }
0x6f: {  	_ =	swait.ge [sflag:s29], $0x1900  }
0x70: {  	[sflag:s29] =	ssyncset.done $0x0  }
0x71: {  	[sflag:s29] =	ssyncadd.s32 $0xFFFFE700  }
0x72: {  	[tilespmem:s19], [sflag:$0x1] =	stream.linear.gather [hbm4b:s9+s2], $0x2800, $0x38;
	[tilespmem:$0x17B50] =	vst v63  }
0x73: {  	_ =	swait.ge [sflag:s22], $0x2800  }
0x74: {  	[sflag:s22] =	ssyncset.done $0x0  }
0x75: {  	s30 =	simm.s32 $0x3D80;
	[sflag:s22] =	ssyncadd.s32 $0xFFFFD800  }
0x76: {  	[spmem:s1] =	stream.indirect.scatter.add.f32 [tilespmem:s19], [sflag:$0x4], $0x50, s30, s23, $0xb8;
	[tilespmem:$0x17B50] =	vst v63  }
0x77: {  	_ =	swait.ge [sflag:s26], $0x1900  }
0x78: {  	[sflag:s26] =	ssyncset.done $0x0  }
0x79: {  	[sflag:s26] =	ssyncadd.s32 $0xFFFFE700  }
0x7a: {  	[tilespmem:s19], [sflag:$0x1] =	stream.linear.gather [hbm4b:s10+s2], $0x2800, $0x38;
	[tilespmem:$0x17B50] =	vst v63  }
0x7b: {  	_ =	swait.ge [sflag:s22], $0x2800  }
0x7c: {  	[sflag:s22] =	ssyncset.done $0x0  }
0x7d: {  	s31 =	simm.s32 $0x3E00;
	[sflag:s22] =	ssyncadd.s32 $0xFFFFD800  }
0x7e: {  	[spmem:s1] =	stream.indirect.scatter.add.f32 [tilespmem:s19], [sflag:$0x4], $0x50, s31, s23, $0xb8;
	[tilespmem:$0x17B50] =	vst v63  }
0x7f: {  	_ =	swait.ge [sflag:s26], $0x1900  }
0x80: {  	[sflag:s26] =	ssyncset.done $0x0  }
0x81: {  	[sflag:s26] =	ssyncadd.s32 $0xFFFFE700  }
0x82: {  	[bflag:$0x0] =	sbarrier.arrive $0xFFFF  }
0x83: {  	[hbm:s11], [sflag:s16] =	dma.local [spmem:s17], $0x2700  }
0x84: {  	s0 =	sadd.s32 $0x1, s0;
	_ =	swait.ge [sflag:s15], $0x2700  }
0x85: {  	p1 =	sne.s32 s0, s13;
	[sflag:s15] =	ssyncset.done $0x0  }
.Ltmp1:
0x86: {  	s4 =	simm.s32 @!p0 $0x7;
	[sflag:s15] =	ssyncadd.s32 $0xFFFFD900;
	(pc) =	sbr.rel @p1 .LBB2_1-.Ltmp1, $4  }
0x87: {  	[hbm:s12], [sflag:s16] =	dma.local @!p0 [spmem:s18], $0x100  }
0x88: {  	_ =	swait.ge @!p0 [sflag:s4], $0x100  }
0x89: {  	[sflag:s4] =	ssyncset.done @!p0 $0x0  }
0x8a: {  	[sflag:s4] =	ssyncadd.s32 @!p0 $0xFFFFFF00  }
0x8b: {  	_ =	sfence.sel $0x180000  }
0x8c: {  	[bflag:$0x0] =	sbarrier.arrive $0xFFFF  }
0x8d: {  	_ =	strace $0x9000004A  }
0x8e: {  	[bflag:$0x2] =	sbarrier.arrive $0xFFFF  }
0x8f: {  	s0 =	rddreg [dreg:$0x2]  }
0x90: {  	s0 =	sadd.s32 @!p0 $0x100000, s0  }
0x91: {  	[sflag:s0] =	ssyncadd.tile.s32 @!p0 $0x1;
	_ =	shalt  }
.Lfunc_end2:
_tile_overlayer_lowered:
.L_overlay_start_2:
0x92: {  	(tag) =	ssettag $0x2  }
0x93: {  	s0 =	rddreg [dreg:$0x0];
	s2 =	stileid.u32  }
0x94: {  	s1 =	rddreg [dreg:$0x1];
	p0 =	sne.s32 s2, $0x0  }
0x95: {  	s3 =	rddreg [dreg:$0x2];
	[bflag:$0x3] =	sbarrier.arrive $0xFFFF;
	s2 =	simm.s32 @!p0 $0x1C07  }
0x96: {  	[timem:s3], [sflag:s2] =	dma.local @!p0 [hbm:s0], s1  }
0x97: {  	s0 =	simm.s32 @!p0 $0x7  }
0x98: {  	_ =	swait.ge @!p0 [sflag:s0], s1  }
0x99: {  	s1 =	ssub.s32 @!p0 $0x0, s1;
	[sflag:s0] =	ssyncset.done @!p0 $0x0  }
0x9a: {  	[sflag:s0] =	ssyncadd.s32 @!p0 s1  }
0x9b: {  	[bflag:$0x3] =	sbarrier.arrive $0xFFFF  }
0x9c: {  	_ =	shalt  }

// kernel: kernel.17.cloned.1.call-start
scs
__scs_entry_jumppad:
0x0: {  	(pc) =	sbr.rel $0x88, $3  }
0x1: {  	(tag) =	ssettag $0x0;
	lr =	simm.s32 $0x1  }
0x2: {  	[smem:$0x3F90] =	sst lr;
	_ =	strace $0xD0000000  }
0x3: {  	_ = 	snop  }
0x4: {  	_ = 	snop  }
0x5: {  	_ = 	snop  }
0x6: {  	_ = 	snop  }
0x7: {  	_ = 	snop  }
__scs_overlays_trampoline_lowered:
0x8: {  	[smem:$0x3F9F] =	sst s0  }
0x9: {  	[smem:$0x3FA0] =	sst s1  }
0xa: {  	[smem:$0x3FA1] =	sst s2  }
0xb: {  	[smem:$0x3FA2] =	sst s3  }
0xc: {  	[smem:$0x3FA3] =	sst s4  }
0xd: {  	[smem:$0x3FA4] =	sst s5  }
0xe: {  	[smem:$0x3FA5] =	sst s6  }
0xf: {  	[smem:$0x3FA6] =	sst s7  }
0x10: {  	[smem:$0x3FA7] =	sst s8  }
0x11: {  	[smem:$0x3FA8] =	sst s9;
	s0 =	simm.s32 @!p0 $0x0  }
0x12: {  	s1 =	sld [smem:$0x3F8E];
	s0 =	simm.s32 @p0 $0x1  }
0x13: {  	[smem:$0x3FA9] =	sst s0;
	s0 =	simm.s32 @!p1 $0x0  }
0x14: {  	s2 =	sld [smem:$0x3F8D];
	s0 =	simm.s32 @p1 $0x1  }
0x15: {  	[smem:$0x3FAA] =	sst s0;
	s0 =	simm.s32 @!p2 $0x0  }
0x16: {  	s3 =	sld [smem:$0x3FDB];
	s0 =	simm.s32 @p2 $0x1  }
0x17: {  	s4 =	simm.s32 $0x1BF5;
	[smem:$0x3FAC] =	sst s0  }
0x18: {  	s0 =	sld [smem:$0x3F8F];
	_ =	swait.ge [sflag:s4], $0x0  }
0x19: {  	s7 =	sld [smem:$0x3F90]  }
0x1a: {  	s8 =	sadd.s32 $0xFFFFE003, lr  }
0x1b: {  	s9 =	sadd.s32 $0xFFFFFEF7, lr;
	s5 =	simm.s32 $0xFFFFFFFF;
	p2 =	slt.u32 s8, $0xFFFFF086  }
0x1c: {  	p1 =	slt.u32 s9, $0xF7A;
	s5 =	simm.s32 @!p2 $0x0  }
0x1d: {  	s5 =	simm.s32 @p1 $0x1;
	p0 =	seq.s32 s7, s2  }
0x1e: {  	s7 =	smul.u32 @!p0 $0xF7A, s2;
	p2 =	seq.s32 @!p0 s5, $0x0  }
0x1f: {  	s9 =	smul.u32 $0xF7A, s1;
	s8 =	simm.s32 @!p0 $0x1BF5;
	p2 =	por !p2, p0  }
0x20: {  	[sflag:s8] =	ssyncset.s32 @!p0 $0xFFFFF086;
	s6 =	sadd.s32 @!p0 s3, s7;
	s7 =	simm.s32 @!p0 $0x108  }
0x21: {  	s3 =	sadd.s32 s3, s9;
	s6 =	sadd.s32 @!p0 $0x88, s6;
	s7 =	simm.s32 @p2 $0x1082  }
0x22: {  	[simem:s7], [sflag:s8] =	dma.local @!p0 [hbm:s6], $0xF7A  }
0x23: {  	s9 =	sor.u32 $0xD0000000, s2;
	s6 =	simm.s32 $0x108;
	_ =	swait.ge @!p0 [sflag:s8], $0x0  }
0x24: {  	s3 =	sadd.s32 $0x88, s3;
	s6 =	simm.s32 @!p1 $0x1082;
	[sflag:s4] =	ssyncset.s32 $0xFFFFF086  }
0x25: {  	[simem:s6], [sflag:s4] =	dma.local [hbm:s3], $0xF7A  }
0x26: {  	[smem:$0x3F90] =	sst s1;
	(tag) =	ssettag s2;
	_ =	strace s9  }
0x27: {  	s1 =	sld [smem:$0x3FA0]  }
0x28: {  	s2 =	sld [smem:$0x3FA1]  }
0x29: {  	s4 =	sld [smem:$0x3FA3]  }
0x2a: {  	p0 =	seq.s32 s5, $0x0;
	s5 =	sld [smem:$0x3FA4]  }
0x2b: {  	s6 =	sld [smem:$0x3FA5]  }
0x2c: {  	s7 =	sld [smem:$0x3FA6]  }
0x2d: {  	s3 =	simm.s32 $0x108;
	s8 =	sld [smem:$0x3FA7]  }
0x2e: {  	s3 =	simm.s32 @!p0 $0x1082;
	s9 =	sld [smem:$0x3FA8]  }
0x2f: {  	lr =	sadd.s32 s0, s3;
	s0 =	sld [smem:$0x3F9F]  }
0x30: {  	s3 =	sld [smem:$0x3FA2]  }
0x31: {  	[smem:$0x3FAB] =	sst s10  }
0x32: {  	s10 =	sld [smem:$0x3FA9];
	_ =	sdelay $0x3  }
0x33: {  	p0 =	seq.s32 s10, $0x1;
	s10 =	sld [smem:$0x3FAB];
	_ =	sdelay $0x3  }
0x34: {  	[smem:$0x3FAB] =	sst s10  }
0x35: {  	s10 =	sld [smem:$0x3FAA];
	_ =	sdelay $0x3  }
0x36: {  	p1 =	seq.s32 s10, $0x1;
	s10 =	sld [smem:$0x3FAB];
	_ =	sdelay $0x3  }
0x37: {  	[smem:$0x3FAB] =	sst s10  }
0x38: {  	s10 =	sld [smem:$0x3FAC]  }
0x39: {  	_ = 	snop;
	(pc) =	sbr.ind lr, $3  }
0x3a: {  	_ = 	snop  }
0x3b: {  	_ = 	snop  }
0x3c: {  	p2 =	seq.s32 s10, $0x1;
	s10 =	sld [smem:$0x3FAB]  }
0x3d: {  	_ =	shalt  }
0x3e: {  	_ =	shalt  }
0x3f: {  	_ =	shalt  }
0x40: {  	_ =	shalt  }
0x41: {  	_ =	shalt  }
0x42: {  	_ =	shalt  }
0x43: {  	_ =	shalt  }
0x44: {  	_ =	shalt  }
0x45: {  	_ =	shalt  }
0x46: {  	_ =	shalt  }
0x47: {  	_ =	shalt  }
0x48: {  	_ =	shalt  }
0x49: {  	_ =	shalt  }
0x4a: {  	_ =	shalt  }
0x4b: {  	_ =	shalt  }
0x4c: {  	_ =	shalt  }
0x4d: {  	_ =	shalt  }
0x4e: {  	_ =	shalt  }
0x4f: {  	_ =	shalt  }
0x50: {  	_ =	shalt  }
0x51: {  	_ =	shalt  }
0x52: {  	_ =	shalt  }
0x53: {  	_ =	shalt  }
0x54: {  	_ =	shalt  }
0x55: {  	_ =	shalt  }
0x56: {  	_ =	shalt  }
0x57: {  	_ =	shalt  }
0x58: {  	_ =	shalt  }
0x59: {  	_ =	shalt  }
0x5a: {  	_ =	shalt  }
0x5b: {  	_ =	shalt  }
0x5c: {  	_ =	shalt  }
0x5d: {  	_ =	shalt  }
0x5e: {  	_ =	shalt  }
0x5f: {  	_ =	shalt  }
0x60: {  	_ =	shalt  }
0x61: {  	_ =	shalt  }
0x62: {  	_ =	shalt  }
0x63: {  	_ =	shalt  }
0x64: {  	_ =	shalt  }
0x65: {  	_ =	shalt  }
0x66: {  	_ =	shalt  }
0x67: {  	_ =	shalt  }
0x68: {  	_ =	shalt  }
0x69: {  	_ =	shalt  }
0x6a: {  	_ =	shalt  }
0x6b: {  	_ =	shalt  }
0x6c: {  	_ =	shalt  }
0x6d: {  	_ =	shalt  }
0x6e: {  	_ =	shalt  }
0x6f: {  	_ =	shalt  }
0x70: {  	_ =	shalt  }
0x71: {  	_ =	shalt  }
0x72: {  	_ =	shalt  }
0x73: {  	_ =	shalt  }
0x74: {  	_ =	shalt  }
0x75: {  	_ =	shalt  }
0x76: {  	_ =	shalt  }
0x77: {  	_ =	shalt  }
0x78: {  	_ =	shalt  }
0x79: {  	_ =	shalt  }
0x7a: {  	_ =	shalt  }
0x7b: {  	_ =	shalt  }
0x7c: {  	_ =	shalt  }
0x7d: {  	_ =	shalt  }
0x7e: {  	_ =	shalt  }
0x7f: {  	_ =	shalt  }
0x80: {  	_ =	shalt  }
0x81: {  	_ =	shalt  }
0x82: {  	_ =	shalt  }
0x83: {  	_ =	shalt  }
0x84: {  	_ =	shalt  }
0x85: {  	_ =	shalt  }
0x86: {  	_ =	shalt  }
0x87: {  	_ =	shalt  }
.Lfunc_end0:
.L_simem_size_0:
called_computation.2_lowered:
.L_overlay_start_0:
0x88: {  	s2 =	sld [smem:$0x3FD9]  }
0x89: {  	s3 =	sld [smem:$0x3FFE];
	_ =	sdelay $0x1  }
0x8a: {  	s1 =	srdreg.scid  }
0x8b: {  	s0 =	sand.u32 $0x1, s1  }
0x8c: {  	s17 =	sshll.u32 s0, $0xA;
	s2 =	sadd.s32 s3, s2  }
0x8d: {  	s2 =	sadd.s32 s2, s17  }
0x8e: {  	[smem:$0x3FB7] =	sst s2  }
0x8f: {  	_ = 	snop  }
0x90: {  	s2 =	sld [smem:$0x3FD0];
	(tm) =	ssettm $0x1  }
0x91: {  	s18 =	sld [smem:$0x3FFB];
	_ =	sdelay $0x3  }
0x92: {  	_ =	strace s18  }
0x93: {  	s3 =	sld [smem:$0x3FFC];
	_ =	sdelay $0x3  }
0x94: {  	_ =	strace s3  }
0x95: {  	s3 =	sld [smem:$0x3FFD];
	_ =	sdelay $0x3  }
0x96: {  	_ =	strace s3  }
0x97: {  	_ =	strace $0x8FFFFFFF  }
0x98: {  	s19 =	sld [smem:$0x3FDB];
	_ =	sdelay $0x1  }
0x99: {  	s4 =	simm.s32 $_scs_section_size  }
0x9a: {  	s5 =	simm.s32 $_size__tile_overlayer_lowered;
	s6 =	simm.s32 $_tile_overlayer_lowered  }
0x9b: {  	s22 =	simm.s32 $0x1BFF;
	s21 =	sshll.u32 s6, $0x1;
	s3 =	sadd.s32 s4, s19  }
0x9c: {  	s7 =	simm.s32 $0x0;
	s20 =	sshll.u32 s5, $0x1;
	s5 =	sadd.s32 s21, s3  }
0x9d: {  	[timem:s7], [sflag:s22] =	dma.local [hbm:s5], s20  }
0x9e: {  	_ =	swait.ge [sflag:s22], s20  }
0x9f: {  	s4 =	ssub.s32 $0x0, s20;
	[sflag:s22] =	ssyncset.done $0x0  }
0xa0: {  	[sflag:s22] =	ssyncadd.s32 s4;
	_ =	sdelay $0x1  }
0xa1: {  	s23 =	simm.s32 $0x1B8B  }
0xa2: {  	_ =	swait.ge [sflag:s23], $0x1  }
0xa3: {  	[sflag:s23] =	ssyncset.done $0x0  }
0xa4: {  	s25 =	simm.s32 $0x1B8E;
	s24 =	sld [smem:$0x3FFE];
	[sflag:s23] =	ssyncadd.s32 $0xFFFFFFFF  }
0xa5: {  	s26 =	simm.s32 $execute0_lowered;
	[smem:$0x3FD2] =	sst s25  }
0xa6: {  	s5 =	sshll.u32 s26, $0x1;
	_ =	strace $0x8000004C;
	[dreg:$0x1] =	wrdreg $0xFFFFFFFF  }
0xa7: {  	s28 =	simm.s32 $_size_execute0_lowered;
	s3 =	sadd.s32 s3, s5;
	[dreg:$0x0] =	wrdreg $0x0  }
0xa8: {  	s5 =	sshll.u32 s28, $0x1;
	[dreg:$0x2] =	wrdreg s3  }
0xa9: {  	[dreg:$0x3] =	wrdreg s5  }
0xaa: {  	[dreg:$0x4] =	wrdreg $0xC0  }
0xab: {  	_ =	task [dreg:s7], $0x5FFFF  }
0xac: {  	[dreg:$0x1] =	wrdreg $0xFFFFFFFF  }
0xad: {  	[dreg:$0x0] =	wrdreg $0x60  }
0xae: {  	[dreg:$0x2] =	wrdreg s24  }
0xaf: {  	[dreg:$0x3] =	wrdreg s2  }
0xb0: {  	[dreg:$0x4] =	wrdreg $0x132400  }
0xb1: {  	[dreg:$0x5] =	wrdreg $0x9  }
0xb2: {  	_ =	task.clear_ibuf [dreg:s7], $0x6FFFF;
	_ =	strace $0x9000004C  }
0xb3: {  	s29 =	simm.s32 $0x9;
	_ =	strace $0x8000004E  }
0xb4: {  	_ =	swait.ge [sflag:s29], $0x1  }
0xb5: {  	[sflag:s29] =	ssyncadd.s32 $0xFFFFFFFF  }
0xb6: {  	_ =	strace $0x9000004E  }
0xb7: {  	_ =	sfence  }
0xb8: {  	s30 =	sld [smem:$0x0];
	_ =	sdelay $0x2  }
0xb9: {  	s31 =	sshll.u32 s1, $0xD;
	s1 =	sshrl.u32 s1, $0x2  }
0xba: {  	s3 =	sand.u32 $0x4000, s31;
	s1 =	sadd.s32 s1, s30  }
0xbb: {  	s0 =	sor.u32 s3, s0;
	s1 =	sshll.u32 s1, $0x11  }
0xbc: {  	s0 =	sor.u32 s1, s0  }
0xbd: {  	s0 =	sadd.s32 $0x8F2B, s0  }
0xbe: {  	[sflag:s0] =	ssyncadd.remote.s32 $0x1  }
0xbf: {  	_ =	sfence.sel $0xFFFF  }
0xc0: {  	[dreg:$0x0] =	wrdreg $0xFFFFFFFF;
	(pc) =	sbr.abs _section_cstart, $3  }
0xc1: {  	[dreg:$0x1] =	wrdreg $0xFFFFFFFF  }
0xc2: {  	_ =	task.clear_ibuf [dreg:s7], $0x2FFFF;
	_ =	strace $0x9FFFFFFF  }
0xc3: {  	(tm) =	ssettm $0x7FFFFFFF  }
tec
execute0_lowered:
.L_overlay_start_1:
0x0: {  	(tag) =	ssettag $0x1  }
0x1: {  	s0 =	rddreg [dreg:$0x0]  }
0x2: {  	s4 =	rddreg [dreg:$0x1]  }
0x3: {  	s1 =	rddreg [dreg:$0x2];
	s2 =	simm.s32 $0x0  }
0x4: {  	s5 =	stileid.u32;
	s3 =	srdreg.scid;
	s16 =	simm.s32 $0x50  }
0x5: {  	s17 =	simm.s32 $0x9C40;
	s28 =	simm.s32 $0x1;
	s29 =	simm.s32 $0x2  }
0x6: {  	s30 =	simm.s32 $0x3;
	s31 =	simm.s32 $0x4;
	s6 =	smul.u32 $0x4E20, s5  }
0x7: {  	[smem:$0x7FF] =	sst s2;
	s7 =	smul.u32 $0xC300, s5;
	s8 =	sand.u32 $0x1, s3  }
0x8: {  	s3 =	sadd.s32 $0x141000, s0;
	s12 =	sadd.s32 $0x6A00, s0;
	s14 =	smul.u32 $0x1860, s5  }
0x9: {  	p0 =	sne.s32 s5, $0x0;
	s26 =	sshll.u32 s5, $0x6;
	s11 =	smul.u32 $0x4E200, s8  }
0xa: {  	s5 =	simm.s32 $0xC;
	_ =	strace $0x8000004D;
	s19 =	smul.u32 $0xC3500, s8  }
0xb: {  	s13 =	ssub.s32 $0x2, s8;
	s22 =	smul.u32 $0x186A0, s8;
	s8 =	sadd.s32 $0xC3000, s1  }
0xc: {  	s9 =	sshrl.u32 s6, $0x3;
	s10 =	sshrl.u32 s7, $0x3;
	s18 =	sshrl.u32 s13, $0x1  }
0xd: {  	s21 =	sadd.s32 s7, s1;
	s15 =	sshrl.u32 @!p0 s8, $0x3;
	s9 =	sadd.s32 s9, s0  }
0xe: {  	s10 =	sadd.s32 s10, s0;
	s6 =	sadd.s32 s6, s11;
	s11 =	ssub.s32 s13, s18  }
0xf: {  	s0 =	sadd.s32 $0x8AC00, s0;
	s24 =	sadd.s32 s14, s22;
	s13 =	sor.u32 $0x1C0D, s26  }
0x10: {  	s14 =	sshrl.u32 s21, $0x3;
	s18 =	simm.s32 $0xB540;
	s22 =	simm.s32 $0xE740  }
0x11: {  	s26 =	simm.s32 $0x11940;
	s21 =	simm.s32 $0x8;
	s6 =	sshrl.u32 s6, $0x3  }
0x12: {  	s20 =	sadd.s32 $0x5EA00, s9;
	s23 =	sadd.s32 $0x72600, s10;
	[dreg:$0x7] =	wrdreg s0  }
0x13: {  	s0 =	sadd.s32 s12, s24;
	s10 =	smax.u32 s11, $0x1;
	[dreg:$0x5] =	wrdreg s20  }
0x14: {  	s11 =	simm.s32 $0xD;
	s24 =	simm.s32 $0x10040;
	[dreg:$0x6] =	wrdreg s23  }
0x15: {  	s4 =	sadd.s32 s4, s6;
	[dreg:$0x8] =	wrdreg s0;
	s20 =	simm.s32 $0xCE40  }
0x16: {  	s0 =	simm.s32 $0x5;
	[dreg:$0x4] =	wrdreg s4;
	s4 =	sshrl.u32 s19, $0x3  }
0x17: {  	s23 =	simm.s32 $0x9;
	s6 =	simm.s32 $0x0;
	s4 =	sadd.s32 s12, s4  }
0x18: {  	s19 =	simm.s32 $0x7;
	s12 =	simm.s32 $0x6;
	s25 =	sadd.s32 $0x18600, s4  }
0x19: {  	s4 =	simm.s32 $0xB;
	[dreg:$0x9] =	wrdreg s25;
	s25 =	simm.s32 $0xA  }
.LBB2_1:
0x1a: {  	s7 =	rddreg [dreg:$0x4]  }
0x1b: {  	[tilespmem:s2], [sflag:$0xD] =	stream.linear.gather [hbm4b:s7+s2], $0x4E20, $0x38;
	[tilespmem:$0x1F590] =	vst v63  }
0x1c: {  	_ =	swait.ge [sflag:s11], $0x4E20  }
0x1d: {  	[sflag:s11] =	ssyncset.done $0x0  }
0x1e: {  	s8 =	simm.s32 $0x4E20;
	s9 =	rddreg [dreg:$0x5];
	[sflag:s11] =	ssyncadd.s32 $0xFFFFB1E0  }
0x1f: {  	[tilespmem:s8], [sflag:$0xD] =	stream.linear.gather [hbm4b:s9+s2], $0x4E20, $0x38;
	[tilespmem:$0x1F590] =	vst v63  }
0x20: {  	_ =	swait.ge [sflag:s11], $0x4E20  }
0x21: {  	[sflag:s11] =	ssyncset.done $0x0  }
0x22: {  	s8 =	rddreg [dreg:$0x6];
	[sflag:s11] =	ssyncadd.s32 $0xFFFFB1E0  }
0x23: {  	[spmem:s14], [sflag:s13] =	dma.local [hbm:s8], $0x1860  }
0x24: {  	_ =	swait.ge [sflag:s11], $0x1860  }
0x25: {  	[sflag:s11] =	ssyncset.done $0x0  }
0x26: {  	s7 =	rddreg [dreg:$0x7];
	[sflag:s11] =	ssyncadd.s32 $0xFFFFE7A0  }
0x27: {  	[spmem:s15], [sflag:s13] =	dma.local @!p0 [hbm:s7], $0xA0  }
0x28: {  	s7 =	simm.s32 @!p0 $0xD  }
0x29: {  	_ =	swait.ge @!p0 [sflag:s7], $0xA0  }
0x2a: {  	[sflag:s7] =	ssyncset.done @!p0 $0x0  }
0x2b: {  	[sflag:s7] =	ssyncadd.s32 @!p0 $0xFFFFFF60  }
0x2c: {  	[bflag:$0x0] =	sbarrier.arrive $0xFFFF  }
0x2d: {  	[tilespmem:s17], [sflag:$0x1] =	stream.indirect.gather [hbm4b:s3+s16], $0x50, s2, s16, $0xb8;
	[tilespmem:$0x1F590] =	vst v63  }
0x2e: {  	_ = 	snop  }
0x2f: {  	[tilespmem:s18], [sflag:$0x2] =	stream.indirect.gather [hbm4b:s3+s16], $0x50, s16, s16, $0xb8;
	[tilespmem:$0x1F590] =	vst v63  }
0x30: {  	s9 =	simm.s32 $0xA0  }
0x31: {  	[tilespmem:s20], [sflag:$0x3] =	stream.indirect.gather [hbm4b:s3+s16], $0x50, s9, s16, $0xb8;
	[tilespmem:$0x1F590] =	vst v63  }
0x32: {  	s8 =	simm.s32 $0xF0  }
0x33: {  	[tilespmem:s22], [sflag:$0x4] =	stream.indirect.gather [hbm4b:s3+s16], $0x50, s8, s16, $0xb8;
	[tilespmem:$0x1F590] =	vst v63  }
0x34: {  	s9 =	simm.s32 $0x140  }
0x35: {  	[tilespmem:s24], [sflag:$0x5] =	stream.indirect.gather [hbm4b:s3+s16], $0x50, s9, s16, $0xb8;
	[tilespmem:$0x1F590] =	vst v63  }
0x36: {  	s8 =	simm.s32 $0x190  }
0x37: {  	[tilespmem:s26], [sflag:$0x6] =	stream.indirect.gather [hbm4b:s3+s16], $0x50, s8, s16, $0xb8;
	[tilespmem:$0x1F590] =	vst v63  }
0x38: {  	_ =	swait.ge [sflag:s28], $0x1900  }
0x39: {  	[sflag:s28] =	ssyncset.done $0x0  }
0x3a: {  	s9 =	simm.s32 $0x4E20;
	[sflag:s28] =	ssyncadd.s32 $0xFFFFE700  }
0x3b: {  	[spmem:s1] =	stream.indirect.scatter.add.f32 [tilespmem:s17], [sflag:$0x7], $0x50, s9, s16, $0xb8;
	[tilespmem:$0x1F590] =	vst v63  }
0x3c: {  	_ =	swait.ge [sflag:s29], $0x1900  }
0x3d: {  	[sflag:s29] =	ssyncset.done $0x0  }
0x3e: {  	s8 =	simm.s32 $0x4E70;
	[sflag:s29] =	ssyncadd.s32 $0xFFFFE700  }
0x3f: {  	[spmem:s1] =	stream.indirect.scatter.add.f32 [tilespmem:s18], [sflag:$0x8], $0x50, s8, s16, $0xb8;
	[tilespmem:$0x1F590] =	vst v63  }
0x40: {  	_ =	swait.ge [sflag:s30], $0x1900  }
0x41: {  	[sflag:s30] =	ssyncset.done $0x0  }
0x42: {  	s9 =	simm.s32 $0x4EC0;
	[sflag:s30] =	ssyncadd.s32 $0xFFFFE700  }
0x43: {  	[spmem:s1] =	stream.indirect.scatter.add.f32 [tilespmem:s20], [sflag:$0x9], $0x50, s9, s16, $0xb8;
	[tilespmem:$0x1F590] =	vst v63  }
0x44: {  	_ =	swait.ge [sflag:s31], $0x1900  }
0x45: {  	[sflag:s31] =	ssyncset.done $0x0  }
0x46: {  	s8 =	simm.s32 $0x4F10;
	[sflag:s31] =	ssyncadd.s32 $0xFFFFE700  }
0x47: {  	[spmem:s1] =	stream.indirect.scatter.add.f32 [tilespmem:s22], [sflag:$0xA], $0x50, s8, s16, $0xb8;
	[tilespmem:$0x1F590] =	vst v63  }
0x48: {  	_ =	swait.ge [sflag:s0], $0x1900  }
0x49: {  	[sflag:s0] =	ssyncset.done $0x0  }
0x4a: {  	s9 =	simm.s32 $0x4F60;
	[sflag:s0] =	ssyncadd.s32 $0xFFFFE700  }
0x4b: {  	[spmem:s1] =	stream.indirect.scatter.add.f32 [tilespmem:s24], [sflag:$0xB], $0x50, s9, s16, $0xb8;
	[tilespmem:$0x1F590] =	vst v63  }
0x4c: {  	_ =	swait.ge [sflag:s12], $0x1900  }
0x4d: {  	[sflag:s12] =	ssyncset.done $0x0  }
0x4e: {  	s8 =	simm.s32 $0x4FB0;
	[sflag:s12] =	ssyncadd.s32 $0xFFFFE700  }
0x4f: {  	[spmem:s1] =	stream.indirect.scatter.add.f32 [tilespmem:s26], [sflag:$0xC], $0x50, s8, s16, $0xb8;
	[tilespmem:$0x1F590] =	vst v63  }
0x50: {  	_ =	swait.ge [sflag:s19], $0x1900  }
0x51: {  	[sflag:s19] =	ssyncset.done $0x0  }
0x52: {  	s9 =	simm.s32 $0x1E0;
	[sflag:s19] =	ssyncadd.s32 $0xFFFFE700  }
0x53: {  	[tilespmem:s17], [sflag:$0x1] =	stream.indirect.gather [hbm4b:s3+s16], $0x50, s9, s16, $0xb8;
	[tilespmem:$0x1F590] =	vst v63  }
0x54: {  	_ =	swait.ge [sflag:s21], $0x1900  }
0x55: {  	[sflag:s21] =	ssyncset.done $0x0  }
0x56: {  	s8 =	simm.s32 $0x230;
	[sflag:s21] =	ssyncadd.s32 $0xFFFFE700  }
0x57: {  	[tilespmem:s18], [sflag:$0x2] =	stream.indirect.gather [hbm4b:s3+s16], $0x50, s8, s16, $0xb8;
	[tilespmem:$0x1F590] =	vst v63  }
0x58: {  	_ =	swait.ge [sflag:s23], $0x1900  }
0x59: {  	[sflag:s23] =	ssyncset.done $0x0  }
0x5a: {  	s9 =	simm.s32 $0x280;
	[sflag:s23] =	ssyncadd.s32 $0xFFFFE700  }
0x5b: {  	[tilespmem:s20], [sflag:$0x3] =	stream.indirect.gather [hbm4b:s3+s16], $0x50, s9, s16, $0xb8;
	[tilespmem:$0x1F590] =	vst v63  }
0x5c: {  	_ =	swait.ge [sflag:s25], $0x1900  }
0x5d: {  	[sflag:s25] =	ssyncset.done $0x0  }
0x5e: {  	s8 =	simm.s32 $0x2D0;
	[sflag:s25] =	ssyncadd.s32 $0xFFFFE700  }
0x5f: {  	[tilespmem:s22], [sflag:$0x4] =	stream.indirect.gather [hbm4b:s3+s16], $0x50, s8, s16, $0xb8;
	[tilespmem:$0x1F590] =	vst v63  }
0x60: {  	_ =	swait.ge [sflag:s4], $0x1900  }
0x61: {  	[sflag:s4] =	ssyncset.done $0x0  }
0x62: {  	s9 =	simm.s32 $0x320;
	[sflag:s4] =	ssyncadd.s32 $0xFFFFE700  }
0x63: {  	[tilespmem:s24], [sflag:$0x5] =	stream.indirect.gather [hbm4b:s3+s16], $0x50, s9, s16, $0xb8;
	[tilespmem:$0x1F590] =	vst v63  }
0x64: {  	_ =	swait.ge [sflag:s5], $0x1900  }
0x65: {  	[sflag:s5] =	ssyncset.done $0x0  }
0x66: {  	s7 =	simm.s32 $0x780;
	s8 =	simm.s32 $0x370;
	[sflag:s5] =	ssyncadd.s32 $0xFFFFE700  }
.LBB2_2:
0x67: {  	[tilespmem:s26], [sflag:$0x6] =	stream.indirect.gather [hbm4b:s3+s16], $0x50, s8, s16, $0xb8;
	[tilespmem:$0x1F590] =	vst v63  }
0x68: {  	s8 =	smov.u32 s7  }
0x69: {  	p1 =	sne.s32 s7, $0x12480;
	s7 =	sadd.s32 $0x780, s7;
	_ =	swait.ge [sflag:s28], $0x1900  }
0x6a: {  	s8 =	sshra.s32 s8, $0x2;
	[sflag:s28] =	ssyncset.done $0x0  }
0x6b: {  	s9 =	sadd.s32 $0x4E20, s8;
	[sflag:s28] =	ssyncadd.s32 $0xFFFFE700  }
0x6c: {  	[spmem:s1] =	stream.indirect.scatter.add.f32 [tilespmem:s17], [sflag:$0x7], $0x50, s9, s16, $0xb8;
	[tilespmem:$0x1F590] =	vst v63  }
0x6d: {  	_ =	swait.ge [sflag:s29], $0x1900  }
0x6e: {  	[sflag:s29] =	ssyncset.done $0x0  }
0x6f: {  	s9 =	sadd.s32 $0x4E70, s8;
	[sflag:s29] =	ssyncadd.s32 $0xFFFFE700  }
0x70: {  	[spmem:s1] =	stream.indirect.scatter.add.f32 [tilespmem:s18], [sflag:$0x8], $0x50, s9, s16, $0xb8;
	[tilespmem:$0x1F590] =	vst v63  }
0x71: {  	_ =	swait.ge [sflag:s30], $0x1900  }
0x72: {  	[sflag:s30] =	ssyncset.done $0x0  }
0x73: {  	s9 =	sadd.s32 $0x4EC0, s8;
	[sflag:s30] =	ssyncadd.s32 $0xFFFFE700  }
0x74: {  	[spmem:s1] =	stream.indirect.scatter.add.f32 [tilespmem:s20], [sflag:$0x9], $0x50, s9, s16, $0xb8;
	[tilespmem:$0x1F590] =	vst v63  }
0x75: {  	_ =	swait.ge [sflag:s31], $0x1900  }
0x76: {  	[sflag:s31] =	ssyncset.done $0x0  }
0x77: {  	s9 =	sadd.s32 $0x4F10, s8;
	[sflag:s31] =	ssyncadd.s32 $0xFFFFE700  }
0x78: {  	[spmem:s1] =	stream.indirect.scatter.add.f32 [tilespmem:s22], [sflag:$0xA], $0x50, s9, s16, $0xb8;
	[tilespmem:$0x1F590] =	vst v63  }
0x79: {  	_ =	swait.ge [sflag:s0], $0x1900  }
0x7a: {  	[sflag:s0] =	ssyncset.done $0x0  }
0x7b: {  	s9 =	sadd.s32 $0x4F60, s8;
	[sflag:s0] =	ssyncadd.s32 $0xFFFFE700  }
0x7c: {  	[spmem:s1] =	stream.indirect.scatter.add.f32 [tilespmem:s24], [sflag:$0xB], $0x50, s9, s16, $0xb8;
	[tilespmem:$0x1F590] =	vst v63  }
0x7d: {  	_ =	swait.ge [sflag:s12], $0x1900  }
0x7e: {  	[sflag:s12] =	ssyncset.done $0x0  }
0x7f: {  	s9 =	sadd.s32 $0x4FB0, s8;
	[sflag:s12] =	ssyncadd.s32 $0xFFFFE700  }
0x80: {  	[spmem:s1] =	stream.indirect.scatter.add.f32 [tilespmem:s26], [sflag:$0xC], $0x50, s9, s16, $0xb8;
	[tilespmem:$0x1F590] =	vst v63  }
0x81: {  	_ =	swait.ge [sflag:s19], $0x1900  }
0x82: {  	[sflag:s19] =	ssyncset.done $0x0  }
0x83: {  	s9 =	sadd.s32 $0x1E0, s8;
	[sflag:s19] =	ssyncadd.s32 $0xFFFFE700  }
0x84: {  	[tilespmem:s17], [sflag:$0x1] =	stream.indirect.gather [hbm4b:s3+s16], $0x50, s9, s16, $0xb8;
	[tilespmem:$0x1F590] =	vst v63  }
0x85: {  	_ =	swait.ge [sflag:s21], $0x1900  }
0x86: {  	[sflag:s21] =	ssyncset.done $0x0  }
0x87: {  	s9 =	sadd.s32 $0x230, s8;
	[sflag:s21] =	ssyncadd.s32 $0xFFFFE700  }
0x88: {  	[tilespmem:s18], [sflag:$0x2] =	stream.indirect.gather [hbm4b:s3+s16], $0x50, s9, s16, $0xb8;
	[tilespmem:$0x1F590] =	vst v63  }
0x89: {  	_ =	swait.ge [sflag:s23], $0x1900  }
0x8a: {  	[sflag:s23] =	ssyncset.done $0x0  }
0x8b: {  	s9 =	sadd.s32 $0x280, s8;
	[sflag:s23] =	ssyncadd.s32 $0xFFFFE700  }
0x8c: {  	[tilespmem:s20], [sflag:$0x3] =	stream.indirect.gather [hbm4b:s3+s16], $0x50, s9, s16, $0xb8;
	[tilespmem:$0x1F590] =	vst v63  }
0x8d: {  	_ =	swait.ge [sflag:s25], $0x1900  }
0x8e: {  	[sflag:s25] =	ssyncset.done $0x0  }
0x8f: {  	s9 =	sadd.s32 $0x2D0, s8;
	[sflag:s25] =	ssyncadd.s32 $0xFFFFE700  }
0x90: {  	[tilespmem:s22], [sflag:$0x4] =	stream.indirect.gather [hbm4b:s3+s16], $0x50, s9, s16, $0xb8;
	[tilespmem:$0x1F590] =	vst v63  }
0x91: {  	_ =	swait.ge [sflag:s4], $0x1900  }
0x92: {  	[sflag:s4] =	ssyncset.done $0x0  }
.Ltmp0:
0x93: {  	s9 =	sadd.s32 $0x320, s8;
	[sflag:s4] =	ssyncadd.s32 $0xFFFFE700;
	(pc) =	sbr.rel @p1 .LBB2_2-.Ltmp0, $4  }
0x94: {  	[tilespmem:s24], [sflag:$0x5] =	stream.indirect.gather [hbm4b:s3+s16], $0x50, s9, s16, $0xb8;
	[tilespmem:$0x1F590] =	vst v63  }
0x95: {  	_ =	swait.ge [sflag:s5], $0x1900  }
0x96: {  	[sflag:s5] =	ssyncset.done $0x0  }
0x97: {  	s8 =	sadd.s32 $0x370, s8;
	[sflag:s5] =	ssyncadd.s32 $0xFFFFE700  }
0x98: {  	[tilespmem:s26], [sflag:$0x6] =	stream.indirect.gather [hbm4b:s3+s16], $0x50, s8, s16, $0xb8;
	[tilespmem:$0x1F590] =	vst v63  }
0x99: {  	_ =	swait.ge [sflag:s28], $0x1900  }
0x9a: {  	[sflag:s28] =	ssyncset.done $0x0  }
0x9b: {  	s7 =	simm.s32 $0x9920;
	[sflag:s28] =	ssyncadd.s32 $0xFFFFE700  }
0x9c: {  	[spmem:s1] =	stream.indirect.scatter.add.f32 [tilespmem:s17], [sflag:$0x7], $0x50, s7, s16, $0xb8;
	[tilespmem:$0x1F590] =	vst v63  }
0x9d: {  	_ =	swait.ge [sflag:s29], $0x1900  }
0x9e: {  	[sflag:s29] =	ssyncset.done $0x0  }
0x9f: {  	s8 =	simm.s32 $0x9970;
	[sflag:s29] =	ssyncadd.s32 $0xFFFFE700  }
0xa0: {  	[spmem:s1] =	stream.indirect.scatter.add.f32 [tilespmem:s18], [sflag:$0x8], $0x50, s8, s16, $0xb8;
	[tilespmem:$0x1F590] =	vst v63  }
0xa1: {  	_ =	swait.ge [sflag:s30], $0x1900  }
0xa2: {  	[sflag:s30] =	ssyncset.done $0x0  }
0xa3: {  	s9 =	simm.s32 $0x99C0;
	[sflag:s30] =	ssyncadd.s32 $0xFFFFE700  }
0xa4: {  	[spmem:s1] =	stream.indirect.scatter.add.f32 [tilespmem:s20], [sflag:$0x9], $0x50, s9, s16, $0xb8;
	[tilespmem:$0x1F590] =	vst v63  }
0xa5: {  	_ =	swait.ge [sflag:s31], $0x1900  }
0xa6: {  	[sflag:s31] =	ssyncset.done $0x0  }
0xa7: {  	s8 =	simm.s32 $0x9A10;
	[sflag:s31] =	ssyncadd.s32 $0xFFFFE700  }
0xa8: {  	[spmem:s1] =	stream.indirect.scatter.add.f32 [tilespmem:s22], [sflag:$0xA], $0x50, s8, s16, $0xb8;
	[tilespmem:$0x1F590] =	vst v63  }
0xa9: {  	_ =	swait.ge [sflag:s0], $0x1900  }
0xaa: {  	[sflag:s0] =	ssyncset.done $0x0  }
0xab: {  	s9 =	simm.s32 $0x9A60;
	[sflag:s0] =	ssyncadd.s32 $0xFFFFE700  }
0xac: {  	[spmem:s1] =	stream.indirect.scatter.add.f32 [tilespmem:s24], [sflag:$0xB], $0x50, s9, s16, $0xb8;
	[tilespmem:$0x1F590] =	vst v63  }
0xad: {  	_ =	swait.ge [sflag:s12], $0x1900  }
0xae: {  	[sflag:s12] =	ssyncset.done $0x0  }
0xaf: {  	s8 =	simm.s32 $0x9AB0;
	[sflag:s12] =	ssyncadd.s32 $0xFFFFE700  }
0xb0: {  	[spmem:s1] =	stream.indirect.scatter.add.f32 [tilespmem:s26], [sflag:$0xC], $0x50, s8, s16, $0xb8;
	[tilespmem:$0x1F590] =	vst v63  }
0xb1: {  	_ =	swait.ge [sflag:s19], $0x1900  }
0xb2: {  	[sflag:s19] =	ssyncset.done $0x0  }
0xb3: {  	[sflag:s19] =	ssyncadd.s32 $0xFFFFE700  }
0xb4: {  	_ =	swait.ge [sflag:s21], $0x1900  }
0xb5: {  	[sflag:s21] =	ssyncset.done $0x0  }
0xb6: {  	[sflag:s21] =	ssyncadd.s32 $0xFFFFE700  }
0xb7: {  	_ =	swait.ge [sflag:s23], $0x1900  }
0xb8: {  	[sflag:s23] =	ssyncset.done $0x0  }
0xb9: {  	[sflag:s23] =	ssyncadd.s32 $0xFFFFE700  }
0xba: {  	_ =	swait.ge [sflag:s25], $0x1900  }
0xbb: {  	[sflag:s25] =	ssyncset.done $0x0  }
0xbc: {  	[sflag:s25] =	ssyncadd.s32 $0xFFFFE700  }
0xbd: {  	_ =	swait.ge [sflag:s4], $0x1900  }
0xbe: {  	[sflag:s4] =	ssyncset.done $0x0  }
0xbf: {  	[sflag:s4] =	ssyncadd.s32 $0xFFFFE700  }
0xc0: {  	_ =	swait.ge [sflag:s5], $0x1900  }
0xc1: {  	[sflag:s5] =	ssyncset.done $0x0  }
0xc2: {  	s9 =	simm.s32 $0x4CE0;
	[sflag:s5] =	ssyncadd.s32 $0xFFFFE700  }
0xc3: {  	[tilespmem:s17], [sflag:$0x1] =	stream.indirect.gather [hbm4b:s3+s16], $0x50, s9, s16, $0xb8;
	[tilespmem:$0x1F590] =	vst v63  }
0xc4: {  	_ =	swait.ge [sflag:s28], $0x1900  }
0xc5: {  	[sflag:s28] =	ssyncset.done $0x0  }
0xc6: {  	s8 =	simm.s32 $0x9B00;
	[sflag:s28] =	ssyncadd.s32 $0xFFFFE700  }
0xc7: {  	[spmem:s1] =	stream.indirect.scatter.add.f32 [tilespmem:s17], [sflag:$0x7], $0x50, s8, s16, $0xb8;
	[tilespmem:$0x1F590] =	vst v63  }
0xc8: {  	_ =	swait.ge [sflag:s19], $0x1900  }
0xc9: {  	[sflag:s19] =	ssyncset.done $0x0  }
0xca: {  	s9 =	simm.s32 $0x4D30;
	[sflag:s19] =	ssyncadd.s32 $0xFFFFE700  }
0xcb: {  	[tilespmem:s17], [sflag:$0x1] =	stream.indirect.gather [hbm4b:s3+s16], $0x50, s9, s16, $0xb8;
	[tilespmem:$0x1F590] =	vst v63  }
0xcc: {  	_ =	swait.ge [sflag:s28], $0x1900  }
0xcd: {  	[sflag:s28] =	ssyncset.done $0x0  }
0xce: {  	s8 =	simm.s32 $0x9B50;
	[sflag:s28] =	ssyncadd.s32 $0xFFFFE700  }
0xcf: {  	[spmem:s1] =	stream.indirect.scatter.add.f32 [tilespmem:s17], [sflag:$0x7], $0x50, s8, s16, $0xb8;
	[tilespmem:$0x1F590] =	vst v63  }
0xd0: {  	_ =	swait.ge [sflag:s19], $0x1900  }
0xd1: {  	[sflag:s19] =	ssyncset.done $0x0  }
0xd2: {  	s9 =	simm.s32 $0x4D80;
	[sflag:s19] =	ssyncadd.s32 $0xFFFFE700  }
0xd3: {  	[tilespmem:s17], [sflag:$0x1] =	stream.indirect.gather [hbm4b:s3+s16], $0x50, s9, s16, $0xb8;
	[tilespmem:$0x1F590] =	vst v63  }
0xd4: {  	_ =	swait.ge [sflag:s28], $0x1900  }
0xd5: {  	[sflag:s28] =	ssyncset.done $0x0  }
0xd6: {  	s8 =	simm.s32 $0x9BA0;
	[sflag:s28] =	ssyncadd.s32 $0xFFFFE700  }
0xd7: {  	[spmem:s1] =	stream.indirect.scatter.add.f32 [tilespmem:s17], [sflag:$0x7], $0x50, s8, s16, $0xb8;
	[tilespmem:$0x1F590] =	vst v63  }
0xd8: {  	_ =	swait.ge [sflag:s19], $0x1900  }
0xd9: {  	[sflag:s19] =	ssyncset.done $0x0  }
0xda: {  	s9 =	simm.s32 $0x4DD0;
	[sflag:s19] =	ssyncadd.s32 $0xFFFFE700  }
0xdb: {  	[tilespmem:s17], [sflag:$0x1] =	stream.indirect.gather [hbm4b:s3+s16], $0x50, s9, s16, $0xb8;
	[tilespmem:$0x1F590] =	vst v63  }
0xdc: {  	_ =	swait.ge [sflag:s28], $0x1900  }
0xdd: {  	[sflag:s28] =	ssyncset.done $0x0  }
0xde: {  	s8 =	simm.s32 $0x9BF0;
	[sflag:s28] =	ssyncadd.s32 $0xFFFFE700  }
0xdf: {  	[spmem:s1] =	stream.indirect.scatter.add.f32 [tilespmem:s17], [sflag:$0x7], $0x50, s8, s16, $0xb8;
	[tilespmem:$0x1F590] =	vst v63  }
0xe0: {  	_ =	swait.ge [sflag:s19], $0x1900  }
0xe1: {  	[sflag:s19] =	ssyncset.done $0x0  }
0xe2: {  	[sflag:s19] =	ssyncadd.s32 $0xFFFFE700  }
0xe3: {  	[bflag:$0x0] =	sbarrier.arrive $0xFFFF  }
0xe4: {  	s9 =	rddreg [dreg:$0x8]  }
0xe5: {  	[hbm:s9], [sflag:s13] =	dma.local [spmem:s14], $0x1860  }
0xe6: {  	_ =	swait.ge [sflag:s11], $0x1860  }
0xe7: {  	s6 =	sadd.s32 $0x1, s6;
	[sflag:s11] =	ssyncset.done $0x0  }
0xe8: {  	p1 =	sne.s32 s6, s10;
	s7 =	rddreg [dreg:$0x9];
	[sflag:s11] =	ssyncadd.s32 $0xFFFFE7A0  }
0xe9: {  	[hbm:s7], [sflag:s13] =	dma.local @!p0 [spmem:s15], $0xA0  }
.Ltmp1:
0xea: {  	_ = 	snop;
	(pc) =	sbr.rel @p1 .LBB2_1-.Ltmp1, $4  }
0xeb: {  	s7 =	simm.s32 @!p0 $0xD  }
0xec: {  	_ =	swait.ge @!p0 [sflag:s7], $0xA0  }
0xed: {  	[sflag:s7] =	ssyncset.done @!p0 $0x0  }
0xee: {  	[sflag:s7] =	ssyncadd.s32 @!p0 $0xFFFFFF60  }
0xef: {  	_ =	sfence.sel $0x180000  }
0xf0: {  	[bflag:$0x0] =	sbarrier.arrive $0xFFFF  }
0xf1: {  	_ =	strace $0x9000004D  }
0xf2: {  	[bflag:$0x2] =	sbarrier.arrive $0xFFFF  }
0xf3: {  	s0 =	rddreg [dreg:$0x3]  }
0xf4: {  	s0 =	sadd.s32 @!p0 $0x100000, s0  }
0xf5: {  	[sflag:s0] =	ssyncadd.tile.s32 @!p0 $0x1;
	_ =	shalt  }
.Lfunc_end2:
_tile_overlayer_lowered:
.L_overlay_start_2:
0xf6: {  	(tag) =	ssettag $0x2  }
0xf7: {  	s0 =	rddreg [dreg:$0x0];
	s2 =	stileid.u32  }
0xf8: {  	s1 =	rddreg [dreg:$0x1];
	p0 =	sne.s32 s2, $0x0  }
0xf9: {  	s3 =	rddreg [dreg:$0x2];
	[bflag:$0x3] =	sbarrier.arrive $0xFFFF;
	s2 =	simm.s32 @!p0 $0x1C0D  }
0xfa: {  	[timem:s3], [sflag:s2] =	dma.local @!p0 [hbm:s0], s1  }
0xfb: {  	s0 =	simm.s32 @!p0 $0xD  }
0xfc: {  	_ =	swait.ge @!p0 [sflag:s0], s1  }
0xfd: {  	s1 =	ssub.s32 @!p0 $0x0, s1;
	[sflag:s0] =	ssyncset.done @!p0 $0x0  }
0xfe: {  	[sflag:s0] =	ssyncadd.s32 @!p0 s1  }
0xff: {  	[bflag:$0x3] =	sbarrier.arrive $0xFFFF  }
0x100: {  	_ =	shalt  }

// kernel: kernel.20.cloned.1.call-start
scs
__scs_entry_jumppad:
0x0: {  	(pc) =	sbr.rel $0x88, $3  }
0x1: {  	(tag) =	ssettag $0x0;
	lr =	simm.s32 $0x1  }
0x2: {  	[smem:$0x3F90] =	sst lr;
	_ =	strace $0xD0000000  }
0x3: {  	_ = 	snop  }
0x4: {  	_ = 	snop  }
0x5: {  	_ = 	snop  }
0x6: {  	_ = 	snop  }
0x7: {  	_ = 	snop  }
__scs_overlays_trampoline_lowered:
0x8: {  	[smem:$0x3F9F] =	sst s0  }
0x9: {  	[smem:$0x3FA0] =	sst s1  }
0xa: {  	[smem:$0x3FA1] =	sst s2  }
0xb: {  	[smem:$0x3FA2] =	sst s3  }
0xc: {  	[smem:$0x3FA3] =	sst s4  }
0xd: {  	[smem:$0x3FA4] =	sst s5  }
0xe: {  	[smem:$0x3FA5] =	sst s6  }
0xf: {  	[smem:$0x3FA6] =	sst s7  }
0x10: {  	[smem:$0x3FA7] =	sst s8  }
0x11: {  	[smem:$0x3FA8] =	sst s9;
	s0 =	simm.s32 @!p0 $0x0  }
0x12: {  	s1 =	sld [smem:$0x3F8E];
	s0 =	simm.s32 @p0 $0x1  }
0x13: {  	[smem:$0x3FA9] =	sst s0;
	s0 =	simm.s32 @!p1 $0x0  }
0x14: {  	s2 =	sld [smem:$0x3F8D];
	s0 =	simm.s32 @p1 $0x1  }
0x15: {  	[smem:$0x3FAA] =	sst s0;
	s0 =	simm.s32 @!p2 $0x0  }
0x16: {  	s3 =	sld [smem:$0x3FDB];
	s0 =	simm.s32 @p2 $0x1  }
0x17: {  	s4 =	simm.s32 $0x1BF5;
	[smem:$0x3FAC] =	sst s0  }
0x18: {  	s0 =	sld [smem:$0x3F8F];
	_ =	swait.ge [sflag:s4], $0x0  }
0x19: {  	s7 =	sld [smem:$0x3F90]  }
0x1a: {  	s8 =	sadd.s32 $0xFFFFE003, lr  }
0x1b: {  	s9 =	sadd.s32 $0xFFFFFEF7, lr;
	s5 =	simm.s32 $0xFFFFFFFF;
	p2 =	slt.u32 s8, $0xFFFFF086  }
0x1c: {  	p1 =	slt.u32 s9, $0xF7A;
	s5 =	simm.s32 @!p2 $0x0  }
0x1d: {  	s5 =	simm.s32 @p1 $0x1;
	p0 =	seq.s32 s7, s2  }
0x1e: {  	s7 =	smul.u32 @!p0 $0xF7A, s2;
	p2 =	seq.s32 @!p0 s5, $0x0  }
0x1f: {  	s9 =	smul.u32 $0xF7A, s1;
	s8 =	simm.s32 @!p0 $0x1BF5;
	p2 =	por !p2, p0  }
0x20: {  	[sflag:s8] =	ssyncset.s32 @!p0 $0xFFFFF086;
	s6 =	sadd.s32 @!p0 s3, s7;
	s7 =	simm.s32 @!p0 $0x108  }
0x21: {  	s3 =	sadd.s32 s3, s9;
	s6 =	sadd.s32 @!p0 $0x88, s6;
	s7 =	simm.s32 @p2 $0x1082  }
0x22: {  	[simem:s7], [sflag:s8] =	dma.local @!p0 [hbm:s6], $0xF7A  }
0x23: {  	s9 =	sor.u32 $0xD0000000, s2;
	s6 =	simm.s32 $0x108;
	_ =	swait.ge @!p0 [sflag:s8], $0x0  }
0x24: {  	s3 =	sadd.s32 $0x88, s3;
	s6 =	simm.s32 @!p1 $0x1082;
	[sflag:s4] =	ssyncset.s32 $0xFFFFF086  }
0x25: {  	[simem:s6], [sflag:s4] =	dma.local [hbm:s3], $0xF7A  }
0x26: {  	[smem:$0x3F90] =	sst s1;
	(tag) =	ssettag s2;
	_ =	strace s9  }
0x27: {  	s1 =	sld [smem:$0x3FA0]  }
0x28: {  	s2 =	sld [smem:$0x3FA1]  }
0x29: {  	s4 =	sld [smem:$0x3FA3]  }
0x2a: {  	p0 =	seq.s32 s5, $0x0;
	s5 =	sld [smem:$0x3FA4]  }
0x2b: {  	s6 =	sld [smem:$0x3FA5]  }
0x2c: {  	s7 =	sld [smem:$0x3FA6]  }
0x2d: {  	s3 =	simm.s32 $0x108;
	s8 =	sld [smem:$0x3FA7]  }
0x2e: {  	s3 =	simm.s32 @!p0 $0x1082;
	s9 =	sld [smem:$0x3FA8]  }
0x2f: {  	lr =	sadd.s32 s0, s3;
	s0 =	sld [smem:$0x3F9F]  }
0x30: {  	s3 =	sld [smem:$0x3FA2]  }
0x31: {  	[smem:$0x3FAB] =	sst s10  }
0x32: {  	s10 =	sld [smem:$0x3FA9];
	_ =	sdelay $0x3  }
0x33: {  	p0 =	seq.s32 s10, $0x1;
	s10 =	sld [smem:$0x3FAB];
	_ =	sdelay $0x3  }
0x34: {  	[smem:$0x3FAB] =	sst s10  }
0x35: {  	s10 =	sld [smem:$0x3FAA];
	_ =	sdelay $0x3  }
0x36: {  	p1 =	seq.s32 s10, $0x1;
	s10 =	sld [smem:$0x3FAB];
	_ =	sdelay $0x3  }
0x37: {  	[smem:$0x3FAB] =	sst s10  }
0x38: {  	s10 =	sld [smem:$0x3FAC]  }
0x39: {  	_ = 	snop;
	(pc) =	sbr.ind lr, $3  }
0x3a: {  	_ = 	snop  }
0x3b: {  	_ = 	snop  }
0x3c: {  	p2 =	seq.s32 s10, $0x1;
	s10 =	sld [smem:$0x3FAB]  }
0x3d: {  	_ =	shalt  }
0x3e: {  	_ =	shalt  }
0x3f: {  	_ =	shalt  }
0x40: {  	_ =	shalt  }
0x41: {  	_ =	shalt  }
0x42: {  	_ =	shalt  }
0x43: {  	_ =	shalt  }
0x44: {  	_ =	shalt  }
0x45: {  	_ =	shalt  }
0x46: {  	_ =	shalt  }
0x47: {  	_ =	shalt  }
0x48: {  	_ =	shalt  }
0x49: {  	_ =	shalt  }
0x4a: {  	_ =	shalt  }
0x4b: {  	_ =	shalt  }
0x4c: {  	_ =	shalt  }
0x4d: {  	_ =	shalt  }
0x4e: {  	_ =	shalt  }
0x4f: {  	_ =	shalt  }
0x50: {  	_ =	shalt  }
0x51: {  	_ =	shalt  }
0x52: {  	_ =	shalt  }
0x53: {  	_ =	shalt  }
0x54: {  	_ =	shalt  }
0x55: {  	_ =	shalt  }
0x56: {  	_ =	shalt  }
0x57: {  	_ =	shalt  }
0x58: {  	_ =	shalt  }
0x59: {  	_ =	shalt  }
0x5a: {  	_ =	shalt  }
0x5b: {  	_ =	shalt  }
0x5c: {  	_ =	shalt  }
0x5d: {  	_ =	shalt  }
0x5e: {  	_ =	shalt  }
0x5f: {  	_ =	shalt  }
0x60: {  	_ =	shalt  }
0x61: {  	_ =	shalt  }
0x62: {  	_ =	shalt  }
0x63: {  	_ =	shalt  }
0x64: {  	_ =	shalt  }
0x65: {  	_ =	shalt  }
0x66: {  	_ =	shalt  }
0x67: {  	_ =	shalt  }
0x68: {  	_ =	shalt  }
0x69: {  	_ =	shalt  }
0x6a: {  	_ =	shalt  }
0x6b: {  	_ =	shalt  }
0x6c: {  	_ =	shalt  }
0x6d: {  	_ =	shalt  }
0x6e: {  	_ =	shalt  }
0x6f: {  	_ =	shalt  }
0x70: {  	_ =	shalt  }
0x71: {  	_ =	shalt  }
0x72: {  	_ =	shalt  }
0x73: {  	_ =	shalt  }
0x74: {  	_ =	shalt  }
0x75: {  	_ =	shalt  }
0x76: {  	_ =	shalt  }
0x77: {  	_ =	shalt  }
0x78: {  	_ =	shalt  }
0x79: {  	_ =	shalt  }
0x7a: {  	_ =	shalt  }
0x7b: {  	_ =	shalt  }
0x7c: {  	_ =	shalt  }
0x7d: {  	_ =	shalt  }
0x7e: {  	_ =	shalt  }
0x7f: {  	_ =	shalt  }
0x80: {  	_ =	shalt  }
0x81: {  	_ =	shalt  }
0x82: {  	_ =	shalt  }
0x83: {  	_ =	shalt  }
0x84: {  	_ =	shalt  }
0x85: {  	_ =	shalt  }
0x86: {  	_ =	shalt  }
0x87: {  	_ =	shalt  }
.Lfunc_end0:
.L_simem_size_0:
called_computation.3_lowered:
.L_overlay_start_0:
0x88: {  	s2 =	sld [smem:$0x3FD9]  }
0x89: {  	s3 =	sld [smem:$0x3FFE];
	_ =	sdelay $0x1  }
0x8a: {  	s1 =	srdreg.scid  }
0x8b: {  	s0 =	sand.u32 $0x1, s1  }
0x8c: {  	s17 =	sshll.u32 s0, $0xA;
	s2 =	sadd.s32 s3, s2  }
0x8d: {  	s2 =	sadd.s32 s2, s17  }
0x8e: {  	[smem:$0x3FB7] =	sst s2  }
0x8f: {  	_ = 	snop  }
0x90: {  	s2 =	sld [smem:$0x3FD0];
	(tm) =	ssettm $0x1  }
0x91: {  	s18 =	sld [smem:$0x3FFB];
	_ =	sdelay $0x3  }
0x92: {  	_ =	strace s18  }
0x93: {  	s3 =	sld [smem:$0x3FFC];
	_ =	sdelay $0x3  }
0x94: {  	_ =	strace s3  }
0x95: {  	s3 =	sld [smem:$0x3FFD];
	_ =	sdelay $0x3  }
0x96: {  	_ =	strace s3  }
0x97: {  	_ =	strace $0x8FFFFFFF  }
0x98: {  	s19 =	sld [smem:$0x3FDB];
	_ =	sdelay $0x1  }
0x99: {  	s4 =	simm.s32 $_scs_section_size  }
0x9a: {  	s5 =	simm.s32 $_size__tile_overlayer_lowered;
	s6 =	simm.s32 $_tile_overlayer_lowered  }
0x9b: {  	s22 =	simm.s32 $0x1BFF;
	s21 =	sshll.u32 s6, $0x1;
	s3 =	sadd.s32 s4, s19  }
0x9c: {  	s7 =	simm.s32 $0x0;
	s20 =	sshll.u32 s5, $0x1;
	s5 =	sadd.s32 s21, s3  }
0x9d: {  	[timem:s7], [sflag:s22] =	dma.local [hbm:s5], s20  }
0x9e: {  	_ =	swait.ge [sflag:s22], s20  }
0x9f: {  	s4 =	ssub.s32 $0x0, s20;
	[sflag:s22] =	ssyncset.done $0x0  }
0xa0: {  	[sflag:s22] =	ssyncadd.s32 s4;
	_ =	sdelay $0x1  }
0xa1: {  	s23 =	simm.s32 $0x1B8B  }
0xa2: {  	_ =	swait.ge [sflag:s23], $0x1  }
0xa3: {  	[sflag:s23] =	ssyncset.done $0x0  }
0xa4: {  	s25 =	simm.s32 $0x1B8E;
	s24 =	sld [smem:$0x3FFE];
	[sflag:s23] =	ssyncadd.s32 $0xFFFFFFFF  }
0xa5: {  	s26 =	simm.s32 $execute0_lowered;
	[smem:$0x3FD2] =	sst s25  }
0xa6: {  	s5 =	sshll.u32 s26, $0x1;
	_ =	strace $0x8000004F;
	[dreg:$0x1] =	wrdreg $0xFFFFFFFF  }
0xa7: {  	s28 =	simm.s32 $_size_execute0_lowered;
	s3 =	sadd.s32 s3, s5;
	[dreg:$0x0] =	wrdreg $0x0  }
0xa8: {  	s5 =	sshll.u32 s28, $0x1;
	[dreg:$0x2] =	wrdreg s3  }
0xa9: {  	[dreg:$0x3] =	wrdreg s5  }
0xaa: {  	[dreg:$0x4] =	wrdreg $0xC0  }
0xab: {  	_ =	task [dreg:s7], $0x5FFFF  }
0xac: {  	[dreg:$0x1] =	wrdreg $0xFFFFFFFF  }
0xad: {  	[dreg:$0x0] =	wrdreg $0x60  }
0xae: {  	[dreg:$0x2] =	wrdreg s24  }
0xaf: {  	[dreg:$0x3] =	wrdreg s2  }
0xb0: {  	[dreg:$0x4] =	wrdreg $0x132400  }
0xb1: {  	[dreg:$0x5] =	wrdreg $0x9  }
0xb2: {  	_ =	task.clear_ibuf [dreg:s7], $0x6FFFF;
	_ =	strace $0x9000004F  }
0xb3: {  	s29 =	simm.s32 $0x9;
	_ =	strace $0x80000051  }
0xb4: {  	_ =	swait.ge [sflag:s29], $0x1  }
0xb5: {  	[sflag:s29] =	ssyncadd.s32 $0xFFFFFFFF  }
0xb6: {  	_ =	strace $0x90000051  }
0xb7: {  	_ =	sfence  }
0xb8: {  	s30 =	sld [smem:$0x0];
	_ =	sdelay $0x2  }
0xb9: {  	s31 =	sshll.u32 s1, $0xD;
	s1 =	sshrl.u32 s1, $0x2  }
0xba: {  	s3 =	sand.u32 $0x4000, s31;
	s1 =	sadd.s32 s1, s30  }
0xbb: {  	s0 =	sor.u32 s3, s0;
	s1 =	sshll.u32 s1, $0x11  }
0xbc: {  	s0 =	sor.u32 s1, s0  }
0xbd: {  	s0 =	sadd.s32 $0x8F2B, s0  }
0xbe: {  	[sflag:s0] =	ssyncadd.remote.s32 $0x1  }
0xbf: {  	_ =	sfence.sel $0xFFFF  }
0xc0: {  	[dreg:$0x0] =	wrdreg $0xFFFFFFFF;
	(pc) =	sbr.abs _section_cstart, $3  }
0xc1: {  	[dreg:$0x1] =	wrdreg $0xFFFFFFFF  }
0xc2: {  	_ =	task.clear_ibuf [dreg:s7], $0x2FFFF;
	_ =	strace $0x9FFFFFFF  }
0xc3: {  	(tm) =	ssettm $0x7FFFFFFF  }
tec
execute0_lowered:
.L_overlay_start_1:
0x0: {  	(tag) =	ssettag $0x1  }
0x1: {  	s0 =	rddreg [dreg:$0x0]  }
0x2: {  	s4 =	rddreg [dreg:$0x1]  }
0x3: {  	s1 =	rddreg [dreg:$0x2];
	s2 =	simm.s32 $0x0  }
0x4: {  	s5 =	stileid.u32;
	s3 =	srdreg.scid;
	s16 =	simm.s32 $0x50  }
0x5: {  	s17 =	simm.s32 $0x9C40;
	s28 =	simm.s32 $0x1;
	s29 =	simm.s32 $0x2  }
0x6: {  	s30 =	simm.s32 $0x3;
	s31 =	simm.s32 $0x4;
	s6 =	smul.u32 $0x4E20, s5  }
0x7: {  	[smem:$0x7FF] =	sst s2;
	s7 =	smul.u32 $0xC300, s5;
	s8 =	sand.u32 $0x1, s3  }
0x8: {  	s3 =	sadd.s32 $0x6A00, s0;
	s12 =	sadd.s32 $0x8AE00, s0;
	s14 =	smul.u32 $0x1860, s5  }
0x9: {  	p0 =	sne.s32 s5, $0x0;
	s26 =	sshll.u32 s5, $0x6;
	s11 =	smul.u32 $0x4E200, s8  }
0xa: {  	s5 =	simm.s32 $0xC;
	_ =	strace $0x80000050;
	s19 =	smul.u32 $0xC3500, s8  }
0xb: {  	s13 =	ssub.s32 $0x2, s8;
	s22 =	smul.u32 $0x186A0, s8;
	s8 =	sadd.s32 $0xC3000, s1  }
0xc: {  	s9 =	sshrl.u32 s6, $0x3;
	s10 =	sshrl.u32 s7, $0x3;
	s18 =	sshrl.u32 s13, $0x1  }
0xd: {  	s21 =	sadd.s32 s7, s1;
	s15 =	sshrl.u32 @!p0 s8, $0x3;
	s9 =	sadd.s32 s9, s0  }
0xe: {  	s10 =	sadd.s32 s10, s0;
	s6 =	sadd.s32 s6, s11;
	s11 =	ssub.s32 s13, s18  }
0xf: {  	s0 =	sadd.s32 $0x8AC00, s0;
	s24 =	sadd.s32 s14, s22;
	s13 =	sor.u32 $0x1C0D, s26  }
0x10: {  	s14 =	sshrl.u32 s21, $0x3;
	s18 =	simm.s32 $0xB540;
	s22 =	simm.s32 $0xE740  }
0x11: {  	s26 =	simm.s32 $0x11940;
	s21 =	simm.s32 $0x8;
	s6 =	sshrl.u32 s6, $0x3  }
0x12: {  	s20 =	sadd.s32 $0x5EA00, s9;
	s23 =	sadd.s32 $0x72600, s10;
	[dreg:$0x7] =	wrdreg s0  }
0x13: {  	s0 =	sadd.s32 s12, s24;
	s10 =	smax.u32 s11, $0x1;
	[dreg:$0x5] =	wrdreg s20  }
0x14: {  	s11 =	simm.s32 $0xD;
	s24 =	simm.s32 $0x10040;
	[dreg:$0x6] =	wrdreg s23  }
0x15: {  	s4 =	sadd.s32 s4, s6;
	[dreg:$0x8] =	wrdreg s0;
	s20 =	simm.s32 $0xCE40  }
0x16: {  	s0 =	simm.s32 $0x5;
	[dreg:$0x4] =	wrdreg s4;
	s4 =	sshrl.u32 s19, $0x3  }
0x17: {  	s23 =	simm.s32 $0x9;
	s6 =	simm.s32 $0x0;
	s4 =	sadd.s32 s12, s4  }
0x18: {  	s19 =	simm.s32 $0x7;
	s12 =	simm.s32 $0x6;
	s25 =	sadd.s32 $0x18600, s4  }
0x19: {  	s4 =	simm.s32 $0xB;
	[dreg:$0x9] =	wrdreg s25;
	s25 =	simm.s32 $0xA  }
.LBB2_1:
0x1a: {  	s7 =	rddreg [dreg:$0x4]  }
0x1b: {  	[tilespmem:s2], [sflag:$0xD] =	stream.linear.gather [hbm4b:s7+s2], $0x4E20, $0x38;
	[tilespmem:$0x1F590] =	vst v63  }
0x1c: {  	_ =	swait.ge [sflag:s11], $0x4E20  }
0x1d: {  	[sflag:s11] =	ssyncset.done $0x0  }
0x1e: {  	s8 =	simm.s32 $0x4E20;
	s9 =	rddreg [dreg:$0x5];
	[sflag:s11] =	ssyncadd.s32 $0xFFFFB1E0  }
0x1f: {  	[tilespmem:s8], [sflag:$0xD] =	stream.linear.gather [hbm4b:s9+s2], $0x4E20, $0x38;
	[tilespmem:$0x1F590] =	vst v63  }
0x20: {  	_ =	swait.ge [sflag:s11], $0x4E20  }
0x21: {  	[sflag:s11] =	ssyncset.done $0x0  }
0x22: {  	s8 =	rddreg [dreg:$0x6];
	[sflag:s11] =	ssyncadd.s32 $0xFFFFB1E0  }
0x23: {  	[spmem:s14], [sflag:s13] =	dma.local [hbm:s8], $0x1860  }
0x24: {  	_ =	swait.ge [sflag:s11], $0x1860  }
0x25: {  	[sflag:s11] =	ssyncset.done $0x0  }
0x26: {  	s7 =	rddreg [dreg:$0x7];
	[sflag:s11] =	ssyncadd.s32 $0xFFFFE7A0  }
0x27: {  	[spmem:s15], [sflag:s13] =	dma.local @!p0 [hbm:s7], $0xA0  }
0x28: {  	s7 =	simm.s32 @!p0 $0xD  }
0x29: {  	_ =	swait.ge @!p0 [sflag:s7], $0xA0  }
0x2a: {  	[sflag:s7] =	ssyncset.done @!p0 $0x0  }
0x2b: {  	[sflag:s7] =	ssyncadd.s32 @!p0 $0xFFFFFF60  }
0x2c: {  	[bflag:$0x0] =	sbarrier.arrive $0xFFFF  }
0x2d: {  	[tilespmem:s17], [sflag:$0x1] =	stream.indirect.gather [hbm4b:s3+s16], $0x50, s2, s16, $0xb8;
	[tilespmem:$0x1F590] =	vst v63  }
0x2e: {  	_ = 	snop  }
0x2f: {  	[tilespmem:s18], [sflag:$0x2] =	stream.indirect.gather [hbm4b:s3+s16], $0x50, s16, s16, $0xb8;
	[tilespmem:$0x1F590] =	vst v63  }
0x30: {  	s9 =	simm.s32 $0xA0  }
0x31: {  	[tilespmem:s20], [sflag:$0x3] =	stream.indirect.gather [hbm4b:s3+s16], $0x50, s9, s16, $0xb8;
	[tilespmem:$0x1F590] =	vst v63  }
0x32: {  	s8 =	simm.s32 $0xF0  }
0x33: {  	[tilespmem:s22], [sflag:$0x4] =	stream.indirect.gather [hbm4b:s3+s16], $0x50, s8, s16, $0xb8;
	[tilespmem:$0x1F590] =	vst v63  }
0x34: {  	s9 =	simm.s32 $0x140  }
0x35: {  	[tilespmem:s24], [sflag:$0x5] =	stream.indirect.gather [hbm4b:s3+s16], $0x50, s9, s16, $0xb8;
	[tilespmem:$0x1F590] =	vst v63  }
0x36: {  	s8 =	simm.s32 $0x190  }
0x37: {  	[tilespmem:s26], [sflag:$0x6] =	stream.indirect.gather [hbm4b:s3+s16], $0x50, s8, s16, $0xb8;
	[tilespmem:$0x1F590] =	vst v63  }
0x38: {  	_ =	swait.ge [sflag:s28], $0x1900  }
0x39: {  	[sflag:s28] =	ssyncset.done $0x0  }
0x3a: {  	s9 =	simm.s32 $0x4E20;
	[sflag:s28] =	ssyncadd.s32 $0xFFFFE700  }
0x3b: {  	[spmem:s1] =	stream.indirect.scatter.add.f32 [tilespmem:s17], [sflag:$0x7], $0x50, s9, s16, $0xb8;
	[tilespmem:$0x1F590] =	vst v63  }
0x3c: {  	_ =	swait.ge [sflag:s29], $0x1900  }
0x3d: {  	[sflag:s29] =	ssyncset.done $0x0  }
0x3e: {  	s8 =	simm.s32 $0x4E70;
	[sflag:s29] =	ssyncadd.s32 $0xFFFFE700  }
0x3f: {  	[spmem:s1] =	stream.indirect.scatter.add.f32 [tilespmem:s18], [sflag:$0x8], $0x50, s8, s16, $0xb8;
	[tilespmem:$0x1F590] =	vst v63  }
0x40: {  	_ =	swait.ge [sflag:s30], $0x1900  }
0x41: {  	[sflag:s30] =	ssyncset.done $0x0  }
0x42: {  	s9 =	simm.s32 $0x4EC0;
	[sflag:s30] =	ssyncadd.s32 $0xFFFFE700  }
0x43: {  	[spmem:s1] =	stream.indirect.scatter.add.f32 [tilespmem:s20], [sflag:$0x9], $0x50, s9, s16, $0xb8;
	[tilespmem:$0x1F590] =	vst v63  }
0x44: {  	_ =	swait.ge [sflag:s31], $0x1900  }
0x45: {  	[sflag:s31] =	ssyncset.done $0x0  }
0x46: {  	s8 =	simm.s32 $0x4F10;
	[sflag:s31] =	ssyncadd.s32 $0xFFFFE700  }
0x47: {  	[spmem:s1] =	stream.indirect.scatter.add.f32 [tilespmem:s22], [sflag:$0xA], $0x50, s8, s16, $0xb8;
	[tilespmem:$0x1F590] =	vst v63  }
0x48: {  	_ =	swait.ge [sflag:s0], $0x1900  }
0x49: {  	[sflag:s0] =	ssyncset.done $0x0  }
0x4a: {  	s9 =	simm.s32 $0x4F60;
	[sflag:s0] =	ssyncadd.s32 $0xFFFFE700  }
0x4b: {  	[spmem:s1] =	stream.indirect.scatter.add.f32 [tilespmem:s24], [sflag:$0xB], $0x50, s9, s16, $0xb8;
	[tilespmem:$0x1F590] =	vst v63  }
0x4c: {  	_ =	swait.ge [sflag:s12], $0x1900  }
0x4d: {  	[sflag:s12] =	ssyncset.done $0x0  }
0x4e: {  	s8 =	simm.s32 $0x4FB0;
	[sflag:s12] =	ssyncadd.s32 $0xFFFFE700  }
0x4f: {  	[spmem:s1] =	stream.indirect.scatter.add.f32 [tilespmem:s26], [sflag:$0xC], $0x50, s8, s16, $0xb8;
	[tilespmem:$0x1F590] =	vst v63  }
0x50: {  	_ =	swait.ge [sflag:s19], $0x1900  }
0x51: {  	[sflag:s19] =	ssyncset.done $0x0  }
0x52: {  	s9 =	simm.s32 $0x1E0;
	[sflag:s19] =	ssyncadd.s32 $0xFFFFE700  }
0x53: {  	[tilespmem:s17], [sflag:$0x1] =	stream.indirect.gather [hbm4b:s3+s16], $0x50, s9, s16, $0xb8;
	[tilespmem:$0x1F590] =	vst v63  }
0x54: {  	_ =	swait.ge [sflag:s21], $0x1900  }
0x55: {  	[sflag:s21] =	ssyncset.done $0x0  }
0x56: {  	s8 =	simm.s32 $0x230;
	[sflag:s21] =	ssyncadd.s32 $0xFFFFE700  }
0x57: {  	[tilespmem:s18], [sflag:$0x2] =	stream.indirect.gather [hbm4b:s3+s16], $0x50, s8, s16, $0xb8;
	[tilespmem:$0x1F590] =	vst v63  }
0x58: {  	_ =	swait.ge [sflag:s23], $0x1900  }
0x59: {  	[sflag:s23] =	ssyncset.done $0x0  }
0x5a: {  	s9 =	simm.s32 $0x280;
	[sflag:s23] =	ssyncadd.s32 $0xFFFFE700  }
0x5b: {  	[tilespmem:s20], [sflag:$0x3] =	stream.indirect.gather [hbm4b:s3+s16], $0x50, s9, s16, $0xb8;
	[tilespmem:$0x1F590] =	vst v63  }
0x5c: {  	_ =	swait.ge [sflag:s25], $0x1900  }
0x5d: {  	[sflag:s25] =	ssyncset.done $0x0  }
0x5e: {  	s8 =	simm.s32 $0x2D0;
	[sflag:s25] =	ssyncadd.s32 $0xFFFFE700  }
0x5f: {  	[tilespmem:s22], [sflag:$0x4] =	stream.indirect.gather [hbm4b:s3+s16], $0x50, s8, s16, $0xb8;
	[tilespmem:$0x1F590] =	vst v63  }
0x60: {  	_ =	swait.ge [sflag:s4], $0x1900  }
0x61: {  	[sflag:s4] =	ssyncset.done $0x0  }
0x62: {  	s9 =	simm.s32 $0x320;
	[sflag:s4] =	ssyncadd.s32 $0xFFFFE700  }
0x63: {  	[tilespmem:s24], [sflag:$0x5] =	stream.indirect.gather [hbm4b:s3+s16], $0x50, s9, s16, $0xb8;
	[tilespmem:$0x1F590] =	vst v63  }
0x64: {  	_ =	swait.ge [sflag:s5], $0x1900  }
0x65: {  	[sflag:s5] =	ssyncset.done $0x0  }
0x66: {  	s7 =	simm.s32 $0x780;
	s8 =	simm.s32 $0x370;
	[sflag:s5] =	ssyncadd.s32 $0xFFFFE700  }
.LBB2_2:
0x67: {  	[tilespmem:s26], [sflag:$0x6] =	stream.indirect.gather [hbm4b:s3+s16], $0x50, s8, s16, $0xb8;
	[tilespmem:$0x1F590] =	vst v63  }
0x68: {  	s8 =	smov.u32 s7  }
0x69: {  	p1 =	sne.s32 s7, $0x12480;
	s7 =	sadd.s32 $0x780, s7;
	_ =	swait.ge [sflag:s28], $0x1900  }
0x6a: {  	s8 =	sshra.s32 s8, $0x2;
	[sflag:s28] =	ssyncset.done $0x0  }
0x6b: {  	s9 =	sadd.s32 $0x4E20, s8;
	[sflag:s28] =	ssyncadd.s32 $0xFFFFE700  }
0x6c: {  	[spmem:s1] =	stream.indirect.scatter.add.f32 [tilespmem:s17], [sflag:$0x7], $0x50, s9, s16, $0xb8;
	[tilespmem:$0x1F590] =	vst v63  }
0x6d: {  	_ =	swait.ge [sflag:s29], $0x1900  }
0x6e: {  	[sflag:s29] =	ssyncset.done $0x0  }
0x6f: {  	s9 =	sadd.s32 $0x4E70, s8;
	[sflag:s29] =	ssyncadd.s32 $0xFFFFE700  }
0x70: {  	[spmem:s1] =	stream.indirect.scatter.add.f32 [tilespmem:s18], [sflag:$0x8], $0x50, s9, s16, $0xb8;
	[tilespmem:$0x1F590] =	vst v63  }
0x71: {  	_ =	swait.ge [sflag:s30], $0x1900  }
0x72: {  	[sflag:s30] =	ssyncset.done $0x0  }
0x73: {  	s9 =	sadd.s32 $0x4EC0, s8;
	[sflag:s30] =	ssyncadd.s32 $0xFFFFE700  }
0x74: {  	[spmem:s1] =	stream.indirect.scatter.add.f32 [tilespmem:s20], [sflag:$0x9], $0x50, s9, s16, $0xb8;
	[tilespmem:$0x1F590] =	vst v63  }
0x75: {  	_ =	swait.ge [sflag:s31], $0x1900  }
0x76: {  	[sflag:s31] =	ssyncset.done $0x0  }
0x77: {  	s9 =	sadd.s32 $0x4F10, s8;
	[sflag:s31] =	ssyncadd.s32 $0xFFFFE700  }
0x78: {  	[spmem:s1] =	stream.indirect.scatter.add.f32 [tilespmem:s22], [sflag:$0xA], $0x50, s9, s16, $0xb8;
	[tilespmem:$0x1F590] =	vst v63  }
0x79: {  	_ =	swait.ge [sflag:s0], $0x1900  }
0x7a: {  	[sflag:s0] =	ssyncset.done $0x0  }
0x7b: {  	s9 =	sadd.s32 $0x4F60, s8;
	[sflag:s0] =	ssyncadd.s32 $0xFFFFE700  }
0x7c: {  	[spmem:s1] =	stream.indirect.scatter.add.f32 [tilespmem:s24], [sflag:$0xB], $0x50, s9, s16, $0xb8;
	[tilespmem:$0x1F590] =	vst v63  }
0x7d: {  	_ =	swait.ge [sflag:s12], $0x1900  }
0x7e: {  	[sflag:s12] =	ssyncset.done $0x0  }
0x7f: {  	s9 =	sadd.s32 $0x4FB0, s8;
	[sflag:s12] =	ssyncadd.s32 $0xFFFFE700  }
0x80: {  	[spmem:s1] =	stream.indirect.scatter.add.f32 [tilespmem:s26], [sflag:$0xC], $0x50, s9, s16, $0xb8;
	[tilespmem:$0x1F590] =	vst v63  }
0x81: {  	_ =	swait.ge [sflag:s19], $0x1900  }
0x82: {  	[sflag:s19] =	ssyncset.done $0x0  }
0x83: {  	s9 =	sadd.s32 $0x1E0, s8;
	[sflag:s19] =	ssyncadd.s32 $0xFFFFE700  }
0x84: {  	[tilespmem:s17], [sflag:$0x1] =	stream.indirect.gather [hbm4b:s3+s16], $0x50, s9, s16, $0xb8;
	[tilespmem:$0x1F590] =	vst v63  }
0x85: {  	_ =	swait.ge [sflag:s21], $0x1900  }
0x86: {  	[sflag:s21] =	ssyncset.done $0x0  }
0x87: {  	s9 =	sadd.s32 $0x230, s8;
	[sflag:s21] =	ssyncadd.s32 $0xFFFFE700  }
0x88: {  	[tilespmem:s18], [sflag:$0x2] =	stream.indirect.gather [hbm4b:s3+s16], $0x50, s9, s16, $0xb8;
	[tilespmem:$0x1F590] =	vst v63  }
0x89: {  	_ =	swait.ge [sflag:s23], $0x1900  }
0x8a: {  	[sflag:s23] =	ssyncset.done $0x0  }
0x8b: {  	s9 =	sadd.s32 $0x280, s8;
	[sflag:s23] =	ssyncadd.s32 $0xFFFFE700  }
0x8c: {  	[tilespmem:s20], [sflag:$0x3] =	stream.indirect.gather [hbm4b:s3+s16], $0x50, s9, s16, $0xb8;
	[tilespmem:$0x1F590] =	vst v63  }
0x8d: {  	_ =	swait.ge [sflag:s25], $0x1900  }
0x8e: {  	[sflag:s25] =	ssyncset.done $0x0  }
0x8f: {  	s9 =	sadd.s32 $0x2D0, s8;
	[sflag:s25] =	ssyncadd.s32 $0xFFFFE700  }
0x90: {  	[tilespmem:s22], [sflag:$0x4] =	stream.indirect.gather [hbm4b:s3+s16], $0x50, s9, s16, $0xb8;
	[tilespmem:$0x1F590] =	vst v63  }
0x91: {  	_ =	swait.ge [sflag:s4], $0x1900  }
0x92: {  	[sflag:s4] =	ssyncset.done $0x0  }
.Ltmp0:
0x93: {  	s9 =	sadd.s32 $0x320, s8;
	[sflag:s4] =	ssyncadd.s32 $0xFFFFE700;
	(pc) =	sbr.rel @p1 .LBB2_2-.Ltmp0, $4  }
0x94: {  	[tilespmem:s24], [sflag:$0x5] =	stream.indirect.gather [hbm4b:s3+s16], $0x50, s9, s16, $0xb8;
	[tilespmem:$0x1F590] =	vst v63  }
0x95: {  	_ =	swait.ge [sflag:s5], $0x1900  }
0x96: {  	[sflag:s5] =	ssyncset.done $0x0  }
0x97: {  	s8 =	sadd.s32 $0x370, s8;
	[sflag:s5] =	ssyncadd.s32 $0xFFFFE700  }
0x98: {  	[tilespmem:s26], [sflag:$0x6] =	stream.indirect.gather [hbm4b:s3+s16], $0x50, s8, s16, $0xb8;
	[tilespmem:$0x1F590] =	vst v63  }
0x99: {  	_ =	swait.ge [sflag:s28], $0x1900  }
0x9a: {  	[sflag:s28] =	ssyncset.done $0x0  }
0x9b: {  	s7 =	simm.s32 $0x9920;
	[sflag:s28] =	ssyncadd.s32 $0xFFFFE700  }
0x9c: {  	[spmem:s1] =	stream.indirect.scatter.add.f32 [tilespmem:s17], [sflag:$0x7], $0x50, s7, s16, $0xb8;
	[tilespmem:$0x1F590] =	vst v63  }
0x9d: {  	_ =	swait.ge [sflag:s29], $0x1900  }
0x9e: {  	[sflag:s29] =	ssyncset.done $0x0  }
0x9f: {  	s8 =	simm.s32 $0x9970;
	[sflag:s29] =	ssyncadd.s32 $0xFFFFE700  }
0xa0: {  	[spmem:s1] =	stream.indirect.scatter.add.f32 [tilespmem:s18], [sflag:$0x8], $0x50, s8, s16, $0xb8;
	[tilespmem:$0x1F590] =	vst v63  }
0xa1: {  	_ =	swait.ge [sflag:s30], $0x1900  }
0xa2: {  	[sflag:s30] =	ssyncset.done $0x0  }
0xa3: {  	s9 =	simm.s32 $0x99C0;
	[sflag:s30] =	ssyncadd.s32 $0xFFFFE700  }
0xa4: {  	[spmem:s1] =	stream.indirect.scatter.add.f32 [tilespmem:s20], [sflag:$0x9], $0x50, s9, s16, $0xb8;
	[tilespmem:$0x1F590] =	vst v63  }
0xa5: {  	_ =	swait.ge [sflag:s31], $0x1900  }
0xa6: {  	[sflag:s31] =	ssyncset.done $0x0  }
0xa7: {  	s8 =	simm.s32 $0x9A10;
	[sflag:s31] =	ssyncadd.s32 $0xFFFFE700  }
0xa8: {  	[spmem:s1] =	stream.indirect.scatter.add.f32 [tilespmem:s22], [sflag:$0xA], $0x50, s8, s16, $0xb8;
	[tilespmem:$0x1F590] =	vst v63  }
0xa9: {  	_ =	swait.ge [sflag:s0], $0x1900  }
0xaa: {  	[sflag:s0] =	ssyncset.done $0x0  }
0xab: {  	s9 =	simm.s32 $0x9A60;
	[sflag:s0] =	ssyncadd.s32 $0xFFFFE700  }
0xac: {  	[spmem:s1] =	stream.indirect.scatter.add.f32 [tilespmem:s24], [sflag:$0xB], $0x50, s9, s16, $0xb8;
	[tilespmem:$0x1F590] =	vst v63  }
0xad: {  	_ =	swait.ge [sflag:s12], $0x1900  }
0xae: {  	[sflag:s12] =	ssyncset.done $0x0  }
0xaf: {  	s8 =	simm.s32 $0x9AB0;
	[sflag:s12] =	ssyncadd.s32 $0xFFFFE700  }
0xb0: {  	[spmem:s1] =	stream.indirect.scatter.add.f32 [tilespmem:s26], [sflag:$0xC], $0x50, s8, s16, $0xb8;
	[tilespmem:$0x1F590] =	vst v63  }
0xb1: {  	_ =	swait.ge [sflag:s19], $0x1900  }
0xb2: {  	[sflag:s19] =	ssyncset.done $0x0  }
0xb3: {  	[sflag:s19] =	ssyncadd.s32 $0xFFFFE700  }
0xb4: {  	_ =	swait.ge [sflag:s21], $0x1900  }
0xb5: {  	[sflag:s21] =	ssyncset.done $0x0  }
0xb6: {  	[sflag:s21] =	ssyncadd.s32 $0xFFFFE700  }
0xb7: {  	_ =	swait.ge [sflag:s23], $0x1900  }
0xb8: {  	[sflag:s23] =	ssyncset.done $0x0  }
0xb9: {  	[sflag:s23] =	ssyncadd.s32 $0xFFFFE700  }
0xba: {  	_ =	swait.ge [sflag:s25], $0x1900  }
0xbb: {  	[sflag:s25] =	ssyncset.done $0x0  }
0xbc: {  	[sflag:s25] =	ssyncadd.s32 $0xFFFFE700  }
0xbd: {  	_ =	swait.ge [sflag:s4], $0x1900  }
0xbe: {  	[sflag:s4] =	ssyncset.done $0x0  }
0xbf: {  	[sflag:s4] =	ssyncadd.s32 $0xFFFFE700  }
0xc0: {  	_ =	swait.ge [sflag:s5], $0x1900  }
0xc1: {  	[sflag:s5] =	ssyncset.done $0x0  }
0xc2: {  	s9 =	simm.s32 $0x4CE0;
	[sflag:s5] =	ssyncadd.s32 $0xFFFFE700  }
0xc3: {  	[tilespmem:s17], [sflag:$0x1] =	stream.indirect.gather [hbm4b:s3+s16], $0x50, s9, s16, $0xb8;
	[tilespmem:$0x1F590] =	vst v63  }
0xc4: {  	_ =	swait.ge [sflag:s28], $0x1900  }
0xc5: {  	[sflag:s28] =	ssyncset.done $0x0  }
0xc6: {  	s8 =	simm.s32 $0x9B00;
	[sflag:s28] =	ssyncadd.s32 $0xFFFFE700  }
0xc7: {  	[spmem:s1] =	stream.indirect.scatter.add.f32 [tilespmem:s17], [sflag:$0x7], $0x50, s8, s16, $0xb8;
	[tilespmem:$0x1F590] =	vst v63  }
0xc8: {  	_ =	swait.ge [sflag:s19], $0x1900  }
0xc9: {  	[sflag:s19] =	ssyncset.done $0x0  }
0xca: {  	s9 =	simm.s32 $0x4D30;
	[sflag:s19] =	ssyncadd.s32 $0xFFFFE700  }
0xcb: {  	[tilespmem:s17], [sflag:$0x1] =	stream.indirect.gather [hbm4b:s3+s16], $0x50, s9, s16, $0xb8;
	[tilespmem:$0x1F590] =	vst v63  }
0xcc: {  	_ =	swait.ge [sflag:s28], $0x1900  }
0xcd: {  	[sflag:s28] =	ssyncset.done $0x0  }
0xce: {  	s8 =	simm.s32 $0x9B50;
	[sflag:s28] =	ssyncadd.s32 $0xFFFFE700  }
0xcf: {  	[spmem:s1] =	stream.indirect.scatter.add.f32 [tilespmem:s17], [sflag:$0x7], $0x50, s8, s16, $0xb8;
	[tilespmem:$0x1F590] =	vst v63  }
0xd0: {  	_ =	swait.ge [sflag:s19], $0x1900  }
0xd1: {  	[sflag:s19] =	ssyncset.done $0x0  }
0xd2: {  	s9 =	simm.s32 $0x4D80;
	[sflag:s19] =	ssyncadd.s32 $0xFFFFE700  }
0xd3: {  	[tilespmem:s17], [sflag:$0x1] =	stream.indirect.gather [hbm4b:s3+s16], $0x50, s9, s16, $0xb8;
	[tilespmem:$0x1F590] =	vst v63  }
0xd4: {  	_ =	swait.ge [sflag:s28], $0x1900  }
0xd5: {  	[sflag:s28] =	ssyncset.done $0x0  }
0xd6: {  	s8 =	simm.s32 $0x9BA0;
	[sflag:s28] =	ssyncadd.s32 $0xFFFFE700  }
0xd7: {  	[spmem:s1] =	stream.indirect.scatter.add.f32 [tilespmem:s17], [sflag:$0x7], $0x50, s8, s16, $0xb8;
	[tilespmem:$0x1F590] =	vst v63  }
0xd8: {  	_ =	swait.ge [sflag:s19], $0x1900  }
0xd9: {  	[sflag:s19] =	ssyncset.done $0x0  }
0xda: {  	s9 =	simm.s32 $0x4DD0;
	[sflag:s19] =	ssyncadd.s32 $0xFFFFE700  }
0xdb: {  	[tilespmem:s17], [sflag:$0x1] =	stream.indirect.gather [hbm4b:s3+s16], $0x50, s9, s16, $0xb8;
	[tilespmem:$0x1F590] =	vst v63  }
0xdc: {  	_ =	swait.ge [sflag:s28], $0x1900  }
0xdd: {  	[sflag:s28] =	ssyncset.done $0x0  }
0xde: {  	s8 =	simm.s32 $0x9BF0;
	[sflag:s28] =	ssyncadd.s32 $0xFFFFE700  }
0xdf: {  	[spmem:s1] =	stream.indirect.scatter.add.f32 [tilespmem:s17], [sflag:$0x7], $0x50, s8, s16, $0xb8;
	[tilespmem:$0x1F590] =	vst v63  }
0xe0: {  	_ =	swait.ge [sflag:s19], $0x1900  }
0xe1: {  	[sflag:s19] =	ssyncset.done $0x0  }
0xe2: {  	[sflag:s19] =	ssyncadd.s32 $0xFFFFE700  }
0xe3: {  	[bflag:$0x0] =	sbarrier.arrive $0xFFFF  }
0xe4: {  	s9 =	rddreg [dreg:$0x8]  }
0xe5: {  	[hbm:s9], [sflag:s13] =	dma.local [spmem:s14], $0x1860  }
0xe6: {  	_ =	swait.ge [sflag:s11], $0x1860  }
0xe7: {  	s6 =	sadd.s32 $0x1, s6;
	[sflag:s11] =	ssyncset.done $0x0  }
0xe8: {  	p1 =	sne.s32 s6, s10;
	s7 =	rddreg [dreg:$0x9];
	[sflag:s11] =	ssyncadd.s32 $0xFFFFE7A0  }
0xe9: {  	[hbm:s7], [sflag:s13] =	dma.local @!p0 [spmem:s15], $0xA0  }
.Ltmp1:
0xea: {  	_ = 	snop;
	(pc) =	sbr.rel @p1 .LBB2_1-.Ltmp1, $4  }
0xeb: {  	s7 =	simm.s32 @!p0 $0xD  }
0xec: {  	_ =	swait.ge @!p0 [sflag:s7], $0xA0  }
0xed: {  	[sflag:s7] =	ssyncset.done @!p0 $0x0  }
0xee: {  	[sflag:s7] =	ssyncadd.s32 @!p0 $0xFFFFFF60  }
0xef: {  	_ =	sfence.sel $0x180000  }
0xf0: {  	[bflag:$0x0] =	sbarrier.arrive $0xFFFF  }
0xf1: {  	_ =	strace $0x90000050  }
0xf2: {  	[bflag:$0x2] =	sbarrier.arrive $0xFFFF  }
0xf3: {  	s0 =	rddreg [dreg:$0x3]  }
0xf4: {  	s0 =	sadd.s32 @!p0 $0x100000, s0  }
0xf5: {  	[sflag:s0] =	ssyncadd.tile.s32 @!p0 $0x1;
	_ =	shalt  }
.Lfunc_end2:
_tile_overlayer_lowered:
.L_overlay_start_2:
0xf6: {  	(tag) =	ssettag $0x2  }
0xf7: {  	s0 =	rddreg [dreg:$0x0];
	s2 =	stileid.u32  }
0xf8: {  	s1 =	rddreg [dreg:$0x1];
	p0 =	sne.s32 s2, $0x0  }
0xf9: {  	s3 =	rddreg [dreg:$0x2];
	[bflag:$0x3] =	sbarrier.arrive $0xFFFF;
	s2 =	simm.s32 @!p0 $0x1C0D  }
0xfa: {  	[timem:s3], [sflag:s2] =	dma.local @!p0 [hbm:s0], s1  }
0xfb: {  	s0 =	simm.s32 @!p0 $0xD  }
0xfc: {  	_ =	swait.ge @!p0 [sflag:s0], s1  }
0xfd: {  	s1 =	ssub.s32 @!p0 $0x0, s1;
	[sflag:s0] =	ssyncset.done @!p0 $0x0  }
0xfe: {  	[sflag:s0] =	ssyncadd.s32 @!p0 s1  }
0xff: {  	[bflag:$0x3] =	sbarrier.arrive $0xFFFF  }
0x100: {  	_ =	shalt  }

// kernel: kernel.23.cloned.1.call-start
scs
__scs_entry_jumppad:
0x0: {  	(pc) =	sbr.rel $0x88, $3  }
0x1: {  	(tag) =	ssettag $0x0;
	lr =	simm.s32 $0x1  }
0x2: {  	[smem:$0x3F90] =	sst lr;
	_ =	strace $0xD0000000  }
0x3: {  	_ = 	snop  }
0x4: {  	_ = 	snop  }
0x5: {  	_ = 	snop  }
0x6: {  	_ = 	snop  }
0x7: {  	_ = 	snop  }
__scs_overlays_trampoline_lowered:
0x8: {  	[smem:$0x3F9F] =	sst s0  }
0x9: {  	[smem:$0x3FA0] =	sst s1  }
0xa: {  	[smem:$0x3FA1] =	sst s2  }
0xb: {  	[smem:$0x3FA2] =	sst s3  }
0xc: {  	[smem:$0x3FA3] =	sst s4  }
0xd: {  	[smem:$0x3FA4] =	sst s5  }
0xe: {  	[smem:$0x3FA5] =	sst s6  }
0xf: {  	[smem:$0x3FA6] =	sst s7  }
0x10: {  	[smem:$0x3FA7] =	sst s8  }
0x11: {  	[smem:$0x3FA8] =	sst s9;
	s0 =	simm.s32 @!p0 $0x0  }
0x12: {  	s1 =	sld [smem:$0x3F8E];
	s0 =	simm.s32 @p0 $0x1  }
0x13: {  	[smem:$0x3FA9] =	sst s0;
	s0 =	simm.s32 @!p1 $0x0  }
0x14: {  	s2 =	sld [smem:$0x3F8D];
	s0 =	simm.s32 @p1 $0x1  }
0x15: {  	[smem:$0x3FAA] =	sst s0;
	s0 =	simm.s32 @!p2 $0x0  }
0x16: {  	s3 =	sld [smem:$0x3FDB];
	s0 =	simm.s32 @p2 $0x1  }
0x17: {  	s4 =	simm.s32 $0x1BF5;
	[smem:$0x3FAC] =	sst s0  }
0x18: {  	s0 =	sld [smem:$0x3F8F];
	_ =	swait.ge [sflag:s4], $0x0  }
0x19: {  	s7 =	sld [smem:$0x3F90]  }
0x1a: {  	s8 =	sadd.s32 $0xFFFFE003, lr  }
0x1b: {  	s9 =	sadd.s32 $0xFFFFFEF7, lr;
	s5 =	simm.s32 $0xFFFFFFFF;
	p2 =	slt.u32 s8, $0xFFFFF086  }
0x1c: {  	p1 =	slt.u32 s9, $0xF7A;
	s5 =	simm.s32 @!p2 $0x0  }
0x1d: {  	s5 =	simm.s32 @p1 $0x1;
	p0 =	seq.s32 s7, s2  }
0x1e: {  	s7 =	smul.u32 @!p0 $0xF7A, s2;
	p2 =	seq.s32 @!p0 s5, $0x0  }
0x1f: {  	s9 =	smul.u32 $0xF7A, s1;
	s8 =	simm.s32 @!p0 $0x1BF5;
	p2 =	por !p2, p0  }
0x20: {  	[sflag:s8] =	ssyncset.s32 @!p0 $0xFFFFF086;
	s6 =	sadd.s32 @!p0 s3, s7;
	s7 =	simm.s32 @!p0 $0x108  }
0x21: {  	s3 =	sadd.s32 s3, s9;
	s6 =	sadd.s32 @!p0 $0x88, s6;
	s7 =	simm.s32 @p2 $0x1082  }
0x22: {  	[simem:s7], [sflag:s8] =	dma.local @!p0 [hbm:s6], $0xF7A  }
0x23: {  	s9 =	sor.u32 $0xD0000000, s2;
	s6 =	simm.s32 $0x108;
	_ =	swait.ge @!p0 [sflag:s8], $0x0  }
0x24: {  	s3 =	sadd.s32 $0x88, s3;
	s6 =	simm.s32 @!p1 $0x1082;
	[sflag:s4] =	ssyncset.s32 $0xFFFFF086  }
0x25: {  	[simem:s6], [sflag:s4] =	dma.local [hbm:s3], $0xF7A  }
0x26: {  	[smem:$0x3F90] =	sst s1;
	(tag) =	ssettag s2;
	_ =	strace s9  }
0x27: {  	s1 =	sld [smem:$0x3FA0]  }
0x28: {  	s2 =	sld [smem:$0x3FA1]  }
0x29: {  	s4 =	sld [smem:$0x3FA3]  }
0x2a: {  	p0 =	seq.s32 s5, $0x0;
	s5 =	sld [smem:$0x3FA4]  }
0x2b: {  	s6 =	sld [smem:$0x3FA5]  }
0x2c: {  	s7 =	sld [smem:$0x3FA6]  }
0x2d: {  	s3 =	simm.s32 $0x108;
	s8 =	sld [smem:$0x3FA7]  }
0x2e: {  	s3 =	simm.s32 @!p0 $0x1082;
	s9 =	sld [smem:$0x3FA8]  }
0x2f: {  	lr =	sadd.s32 s0, s3;
	s0 =	sld [smem:$0x3F9F]  }
0x30: {  	s3 =	sld [smem:$0x3FA2]  }
0x31: {  	[smem:$0x3FAB] =	sst s10  }
0x32: {  	s10 =	sld [smem:$0x3FA9];
	_ =	sdelay $0x3  }
0x33: {  	p0 =	seq.s32 s10, $0x1;
	s10 =	sld [smem:$0x3FAB];
	_ =	sdelay $0x3  }
0x34: {  	[smem:$0x3FAB] =	sst s10  }
0x35: {  	s10 =	sld [smem:$0x3FAA];
	_ =	sdelay $0x3  }
0x36: {  	p1 =	seq.s32 s10, $0x1;
	s10 =	sld [smem:$0x3FAB];
	_ =	sdelay $0x3  }
0x37: {  	[smem:$0x3FAB] =	sst s10  }
0x38: {  	s10 =	sld [smem:$0x3FAC]  }
0x39: {  	_ = 	snop;
	(pc) =	sbr.ind lr, $3  }
0x3a: {  	_ = 	snop  }
0x3b: {  	_ = 	snop  }
0x3c: {  	p2 =	seq.s32 s10, $0x1;
	s10 =	sld [smem:$0x3FAB]  }
0x3d: {  	_ =	shalt  }
0x3e: {  	_ =	shalt  }
0x3f: {  	_ =	shalt  }
0x40: {  	_ =	shalt  }
0x41: {  	_ =	shalt  }
0x42: {  	_ =	shalt  }
0x43: {  	_ =	shalt  }
0x44: {  	_ =	shalt  }
0x45: {  	_ =	shalt  }
0x46: {  	_ =	shalt  }
0x47: {  	_ =	shalt  }
0x48: {  	_ =	shalt  }
0x49: {  	_ =	shalt  }
0x4a: {  	_ =	shalt  }
0x4b: {  	_ =	shalt  }
0x4c: {  	_ =	shalt  }
0x4d: {  	_ =	shalt  }
0x4e: {  	_ =	shalt  }
0x4f: {  	_ =	shalt  }
0x50: {  	_ =	shalt  }
0x51: {  	_ =	shalt  }
0x52: {  	_ =	shalt  }
0x53: {  	_ =	shalt  }
0x54: {  	_ =	shalt  }
0x55: {  	_ =	shalt  }
0x56: {  	_ =	shalt  }
0x57: {  	_ =	shalt  }
0x58: {  	_ =	shalt  }
0x59: {  	_ =	shalt  }
0x5a: {  	_ =	shalt  }
0x5b: {  	_ =	shalt  }
0x5c: {  	_ =	shalt  }
0x5d: {  	_ =	shalt  }
0x5e: {  	_ =	shalt  }
0x5f: {  	_ =	shalt  }
0x60: {  	_ =	shalt  }
0x61: {  	_ =	shalt  }
0x62: {  	_ =	shalt  }
0x63: {  	_ =	shalt  }
0x64: {  	_ =	shalt  }
0x65: {  	_ =	shalt  }
0x66: {  	_ =	shalt  }
0x67: {  	_ =	shalt  }
0x68: {  	_ =	shalt  }
0x69: {  	_ =	shalt  }
0x6a: {  	_ =	shalt  }
0x6b: {  	_ =	shalt  }
0x6c: {  	_ =	shalt  }
0x6d: {  	_ =	shalt  }
0x6e: {  	_ =	shalt  }
0x6f: {  	_ =	shalt  }
0x70: {  	_ =	shalt  }
0x71: {  	_ =	shalt  }
0x72: {  	_ =	shalt  }
0x73: {  	_ =	shalt  }
0x74: {  	_ =	shalt  }
0x75: {  	_ =	shalt  }
0x76: {  	_ =	shalt  }
0x77: {  	_ =	shalt  }
0x78: {  	_ =	shalt  }
0x79: {  	_ =	shalt  }
0x7a: {  	_ =	shalt  }
0x7b: {  	_ =	shalt  }
0x7c: {  	_ =	shalt  }
0x7d: {  	_ =	shalt  }
0x7e: {  	_ =	shalt  }
0x7f: {  	_ =	shalt  }
0x80: {  	_ =	shalt  }
0x81: {  	_ =	shalt  }
0x82: {  	_ =	shalt  }
0x83: {  	_ =	shalt  }
0x84: {  	_ =	shalt  }
0x85: {  	_ =	shalt  }
0x86: {  	_ =	shalt  }
0x87: {  	_ =	shalt  }
.Lfunc_end0:
.L_simem_size_0:
called_computation.4_lowered:
.L_overlay_start_0:
0x88: {  	s2 =	sld [smem:$0x3FD9]  }
0x89: {  	s3 =	sld [smem:$0x3FFE];
	_ =	sdelay $0x1  }
0x8a: {  	s1 =	srdreg.scid  }
0x8b: {  	s0 =	sand.u32 $0x1, s1  }
0x8c: {  	s17 =	sshll.u32 s0, $0xA;
	s2 =	sadd.s32 s3, s2  }
0x8d: {  	s2 =	sadd.s32 s2, s17  }
0x8e: {  	[smem:$0x3FB7] =	sst s2  }
0x8f: {  	_ = 	snop  }
0x90: {  	s2 =	sld [smem:$0x3FD0];
	(tm) =	ssettm $0x1  }
0x91: {  	s18 =	sld [smem:$0x3FFB];
	_ =	sdelay $0x3  }
0x92: {  	_ =	strace s18  }
0x93: {  	s3 =	sld [smem:$0x3FFC];
	_ =	sdelay $0x3  }
0x94: {  	_ =	strace s3  }
0x95: {  	s3 =	sld [smem:$0x3FFD];
	_ =	sdelay $0x3  }
0x96: {  	_ =	strace s3  }
0x97: {  	_ =	strace $0x8FFFFFFF  }
0x98: {  	s19 =	sld [smem:$0x3FDB];
	_ =	sdelay $0x1  }
0x99: {  	s4 =	simm.s32 $_scs_section_size  }
0x9a: {  	s5 =	simm.s32 $_size__tile_overlayer_lowered;
	s6 =	simm.s32 $_tile_overlayer_lowered  }
0x9b: {  	s22 =	simm.s32 $0x1BFF;
	s21 =	sshll.u32 s6, $0x1;
	s3 =	sadd.s32 s4, s19  }
0x9c: {  	s7 =	simm.s32 $0x0;
	s20 =	sshll.u32 s5, $0x1;
	s5 =	sadd.s32 s21, s3  }
0x9d: {  	[timem:s7], [sflag:s22] =	dma.local [hbm:s5], s20  }
0x9e: {  	_ =	swait.ge [sflag:s22], s20  }
0x9f: {  	s4 =	ssub.s32 $0x0, s20;
	[sflag:s22] =	ssyncset.done $0x0  }
0xa0: {  	[sflag:s22] =	ssyncadd.s32 s4;
	_ =	sdelay $0x1  }
0xa1: {  	s23 =	simm.s32 $0x1B8B  }
0xa2: {  	_ =	swait.ge [sflag:s23], $0x1  }
0xa3: {  	[sflag:s23] =	ssyncset.done $0x0  }
0xa4: {  	s25 =	simm.s32 $0x1B8E;
	s24 =	sld [smem:$0x3FFE];
	[sflag:s23] =	ssyncadd.s32 $0xFFFFFFFF  }
0xa5: {  	s26 =	simm.s32 $execute0_lowered;
	[smem:$0x3FD2] =	sst s25  }
0xa6: {  	s5 =	sshll.u32 s26, $0x1;
	_ =	strace $0x80000052;
	[dreg:$0x1] =	wrdreg $0xFFFFFFFF  }
0xa7: {  	s28 =	simm.s32 $_size_execute0_lowered;
	s3 =	sadd.s32 s3, s5;
	[dreg:$0x0] =	wrdreg $0x0  }
0xa8: {  	s5 =	sshll.u32 s28, $0x1;
	[dreg:$0x2] =	wrdreg s3  }
0xa9: {  	[dreg:$0x3] =	wrdreg s5  }
0xaa: {  	[dreg:$0x4] =	wrdreg $0xC0  }
0xab: {  	_ =	task [dreg:s7], $0x5FFFF  }
0xac: {  	[dreg:$0x1] =	wrdreg $0xFFFFFFFF  }
0xad: {  	[dreg:$0x0] =	wrdreg $0x60  }
0xae: {  	[dreg:$0x2] =	wrdreg s24  }
0xaf: {  	[dreg:$0x3] =	wrdreg s2  }
0xb0: {  	[dreg:$0x4] =	wrdreg $0x9  }
0xb1: {  	_ =	task.clear_ibuf [dreg:s7], $0x5FFFF;
	_ =	strace $0x90000052  }
0xb2: {  	s29 =	simm.s32 $0x9;
	_ =	strace $0x80000054  }
0xb3: {  	_ =	swait.ge [sflag:s29], $0x1  }
0xb4: {  	[sflag:s29] =	ssyncadd.s32 $0xFFFFFFFF  }
0xb5: {  	_ =	strace $0x90000054  }
0xb6: {  	_ =	sfence  }
0xb7: {  	s30 =	sld [smem:$0x0];
	_ =	sdelay $0x2  }
0xb8: {  	s31 =	sshll.u32 s1, $0xD;
	s1 =	sshrl.u32 s1, $0x2  }
0xb9: {  	s3 =	sand.u32 $0x4000, s31;
	s1 =	sadd.s32 s1, s30  }
0xba: {  	s0 =	sor.u32 s3, s0;
	s1 =	sshll.u32 s1, $0x11  }
0xbb: {  	s0 =	sor.u32 s1, s0  }
0xbc: {  	s0 =	sadd.s32 $0x8F2B, s0  }
0xbd: {  	[sflag:s0] =	ssyncadd.remote.s32 $0x1  }
0xbe: {  	_ =	sfence.sel $0xFFFF  }
0xbf: {  	[dreg:$0x0] =	wrdreg $0xFFFFFFFF;
	(pc) =	sbr.abs _section_cstart, $3  }
0xc0: {  	[dreg:$0x1] =	wrdreg $0xFFFFFFFF  }
0xc1: {  	_ =	task.clear_ibuf [dreg:s7], $0x2FFFF;
	_ =	strace $0x9FFFFFFF  }
0xc2: {  	(tm) =	ssettm $0x7FFFFFFF  }
0xc3: {  	_ =	shalt  }
tec
execute0_lowered:
.L_overlay_start_1:
0x0: {  	(tag) =	ssettag $0x1  }
0x1: {  	s0 =	srdreg.scid;
	s4 =	rddreg [dreg:$0x0]  }
0x2: {  	s6 =	rddreg [dreg:$0x1];
	s1 =	stileid.u32  }
0x3: {  	s2 =	simm.s32 $0x0;
	s10 =	simm.s32 $0x9C40;
	s3 =	sand.u32 $0x1, s0  }
0x4: {  	s11 =	simm.s32 $0xC350;
	s12 =	simm.s32 $0xEA60;
	s5 =	sshll.u32 s3, $0x4  }
0x5: {  	s13 =	simm.s32 $0x11170;
	s14 =	simm.s32 $0x0;
	s5 =	sor.u32 s1, s5  }
0x6: {  	[smem:$0x7FF] =	sst s2;
	s30 =	ssub.s32 $0x2, s3;
	s7 =	smul.u32 $0x4E2, s5  }
0x7: {  	s0 =	rddreg [dreg:$0x2];
	_ =	strace $0x80000053;
	s31 =	sshrl.u32 s30, $0x1  }
0x8: {  	s3 =	sadd.s32 $0x6A00, s4;
	s9 =	ssub.s32 s30, s31;
	s8 =	sadd.s32 s7, s4  }
0x9: {  	s6 =	sadd.s32 s6, s7;
	s4 =	sadd.s32 $0x68800, s8;
	s5 =	sadd.s32 $0x5EA00, s8  }
0xa: {  	s7 =	sadd.s32 $0x7E00, s8;
	s8 =	smax.u32 s9, $0x1;
	s9 =	simm.s32 $0x1  }
.LBB2_1:
0xb: {  	[tilespmem:s2], [sflag:$0x1] =	stream.linear.gather [hbm4b:s3+s2], $0x9C40, $0x38;
	[tilespmem:$0x13880] =	vst v63  }
0xc: {  	_ =	swait.ge [sflag:s9], $0x9C40  }
0xd: {  	[sflag:s9] =	ssyncset.done $0x0  }
0xe: {  	[sflag:s9] =	ssyncadd.s32 $0xFFFF63C0  }
0xf: {  	[tilespmem:s10], [sflag:$0x1] =	stream.linear.gather [hbm4b:s4+s2], $0x2710, $0x38;
	[tilespmem:$0x13880] =	vst v63  }
0x10: {  	_ =	swait.ge [sflag:s9], $0x2710  }
0x11: {  	[sflag:s9] =	ssyncset.done $0x0  }
0x12: {  	[sflag:s9] =	ssyncadd.s32 $0xFFFFD8F0  }
0x13: {  	[tilespmem:s11], [sflag:$0x1] =	stream.linear.gather [hbm4b:s5+s2], $0x2710, $0x38;
	[tilespmem:$0x13880] =	vst v63  }
0x14: {  	_ =	swait.ge [sflag:s9], $0x2710  }
0x15: {  	[sflag:s9] =	ssyncset.done $0x0  }
0x16: {  	s16 =	simm.s32 $0x0;
	[sflag:s9] =	ssyncadd.s32 $0xFFFFD8F0  }
0x17: {  	v0 =	vld [tilespmem:s16+$0x9C40]  }
0x18: {  	v1 =	vld [tilespmem:s16+$0xC350];
	_ =	sdelay $0x3  }
0x19: {  	v2 =	vshll.u32 v0, $0x2  }
0x1a: {  	v0 =	vshll.u32 v1, $0x2;
	v1 =	vor.u32 $0x1, v2  }
0x1b: {  	s15 =	simm.s32 $0x10;
	v4 =	vor.u32 $0x2, v0  }
0x1c: {  	v3 =	vld [tilespmem:s15+$0x9C40];
	v6 =	vor.u32 $0x3, v0  }
0x1d: {  	v0 =	vld [tilespmem:s15+$0xC350]  }
0x1e: {  	v2 =	vld.idx.msk [tilespmem:v2+s2+$0x0], $0xffff  }
0x1f: {  	v1 =	vld.idx.msk [tilespmem:v1+s2+$0x0], $0xffff  }
0x20: {  	v5 =	vld.idx.msk [tilespmem:v4+s2+$0x0], $0xffff  }
0x21: {  	s17 =	simm.s32 $0x80;
	v4 =	vld.idx.msk [tilespmem:v6+s2+$0x0], $0xffff  }
.LBB2_2:
0x22: {  	p0 =	sne.s32 s17, $0x9C00;
	s18 =	smov.u32 s17;
	s17 =	sadd.s32 $0x40, s17  }
0x23: {  	v6 =	vshll.u32 v3, $0x2;
	v0 =	vshll.u32 v0, $0x2  }
0x24: {  	v7 =	vor.u32 $0x2, v0;
	v8 =	vor.u32 $0x3, v0  }
0x25: {  	v9 =	vor.u32 $0x1, v6;
	v2 =	vadd.f32 v5, v2  }
0x26: {  	s18 =	sshra.s32 s18, $0x2;
	v1 =	vadd.f32 v4, v1  }
0x27: {  	v0 =	vld [tilespmem:s18+$0xC350];
	[tilespmem:s16+$0xEA60] =	vst v2  }
.Ltmp0:
0x28: {  	v3 =	vld [tilespmem:s18+$0x9C40];
	[tilespmem:s16+$0x11170] =	vst v1;
	s16 =	smov.u32 s15;
	s15 =	smov.u32 s18;
	(pc) =	sbr.rel @p0 .LBB2_2-.Ltmp0, $4  }
0x29: {  	v2 =	vld.idx.msk [tilespmem:v6+s2+$0x0], $0xffff  }
0x2a: {  	v1 =	vld.idx.msk [tilespmem:v9+s2+$0x0], $0xffff  }
0x2b: {  	v5 =	vld.idx.msk [tilespmem:v7+s2+$0x0], $0xffff  }
0x2c: {  	v4 =	vld.idx.msk [tilespmem:v8+s2+$0x0], $0xffff  }
0x2d: {  	_ =	sdelay $0x1  }
0x2e: {  	v3 =	vshll.u32 v3, $0x2  }
0x2f: {  	v0 =	vshll.u32 v0, $0x2;
	v6 =	vor.u32 $0x1, v3;
	v2 =	vadd.f32 v5, v2  }
0x30: {  	v62 =	vor.u32 $0x2, v0;
	v1 =	vadd.f32 v4, v1  }
0x31: {  	v0 =	vor.u32 $0x3, v0;
	[tilespmem:s16+$0xEA60] =	vst v2  }
0x32: {  	[tilespmem:s16+$0x11170] =	vst v1  }
0x33: {  	v1 =	vld.idx.msk [tilespmem:v3+s2+$0x0], $0xffff  }
0x34: {  	v2 =	vld.idx.msk [tilespmem:v6+s2+$0x0], $0xffff  }
0x35: {  	v63 =	vld.idx.msk [tilespmem:v62+s2+$0x0], $0xffff  }
0x36: {  	v0 =	vld.idx.msk [tilespmem:v0+s2+$0x0], $0xffff;
	_ =	sdelay $0x3  }
0x37: {  	v1 =	vadd.f32 v63, v1  }
0x38: {  	v0 =	vadd.f32 v0, v2  }
0x39: {  	[tilespmem:s15+$0xEA60] =	vst v1  }
0x3a: {  	[tilespmem:s15+$0x11170] =	vst v0  }
0x3b: {  	[hbm4b:s6+s2] =	stream.linear.scatter [tilespmem:s12], [sflag:$0x1], $0x2710, $0x38;
	[tilespmem:$0x13880] =	vst v63  }
0x3c: {  	s14 =	sadd.s32 $0x1, s14;
	_ =	swait.ge [sflag:s9], $0x2710  }
0x3d: {  	p0 =	sne.s32 s14, s8;
	[sflag:s9] =	ssyncset.done $0x0  }
.Ltmp1:
0x3e: {  	[sflag:s9] =	ssyncadd.s32 $0xFFFFD8F0;
	(pc) =	sbr.rel @p0 .LBB2_1-.Ltmp1, $4  }
0x3f: {  	[hbm4b:s7+s2] =	stream.linear.scatter [tilespmem:s13], [sflag:$0x1], $0x2710, $0x38;
	[tilespmem:$0x13880] =	vst v63  }
0x40: {  	_ =	swait.ge [sflag:s9], $0x2710  }
0x41: {  	[sflag:s9] =	ssyncset.done $0x0  }
0x42: {  	[sflag:s9] =	ssyncadd.s32 $0xFFFFD8F0  }
0x43: {  	_ =	sfence.sel $0x180000  }
0x44: {  	[bflag:$0x0] =	sbarrier.arrive $0xFFFF  }
0x45: {  	p0 =	sne.s32 s1, $0x0;
	_ =	strace $0x90000053  }
0x46: {  	s0 =	sadd.s32 @!p0 $0x100000, s0;
	[bflag:$0x2] =	sbarrier.arrive $0xFFFF  }
0x47: {  	[sflag:s0] =	ssyncadd.tile.s32 @!p0 $0x1;
	_ =	shalt  }
.Lfunc_end2:
_tile_overlayer_lowered:
.L_overlay_start_2:
0x48: {  	(tag) =	ssettag $0x2  }
0x49: {  	s0 =	rddreg [dreg:$0x0];
	s2 =	stileid.u32  }
0x4a: {  	s1 =	rddreg [dreg:$0x1];
	p0 =	sne.s32 s2, $0x0  }
0x4b: {  	s3 =	rddreg [dreg:$0x2];
	[bflag:$0x3] =	sbarrier.arrive $0xFFFF;
	s2 =	simm.s32 @!p0 $0x1C01  }
0x4c: {  	[timem:s3], [sflag:s2] =	dma.local @!p0 [hbm:s0], s1  }
0x4d: {  	s0 =	simm.s32 @!p0 $0x1  }
0x4e: {  	_ =	swait.ge @!p0 [sflag:s0], s1  }
0x4f: {  	s1 =	ssub.s32 @!p0 $0x0, s1;
	[sflag:s0] =	ssyncset.done @!p0 $0x0  }
0x50: {  	[sflag:s0] =	ssyncadd.s32 @!p0 s1  }
0x51: {  	[bflag:$0x3] =	sbarrier.arrive $0xFFFF  }
0x52: {  	_ =	shalt  }

</sc_bundles>
